<compile_context>
chip_gen: v7x
topology: tpu7x:2x2x1
jax: 0.10.2.dev20260603
libtpu: 0.0.44.dev20260713+nightly
codegen_flags: <defaults>
</compile_context>

<pallas_src>
import dataclasses

import jax
import jax.numpy as jnp
from jax import lax
from jax.experimental import pallas as pl
from jax.experimental.pallas import tpu as pltpu
from jax.experimental.pallas import tpu_sc as plsc

N = 320000
H = 128
G = 512
NC = 2
NS = 16
NW = NC * NS
ROWS_W = N // NW
CH = 80
NCHUNK = ROWS_W // CH
EPS = 1e-5
_SQRT2 = 1.4142135623730951


def _row0(wid, c):
    return wid * ROWS_W + c * CH


NBA = 8


def _seg_sum_body(x_hbm, b3_hbm, sums_hbm, cnts_hbm,
                  xb0, xb1, xb2, xb3, xb4, xb5, xb6, xb7,
                  idx_all, cnt_local, acc,
                  sx0, sx1, sx2, sx3, sx4, sx5, sx6, sx7,
                  sc0, sc1, sc2, sc3, sc4, sc5, sc6, sc7):
    cid = lax.axis_index("core")
    sid = lax.axis_index("subcore")
    wid = cid * NS + sid
    xb = (xb0, xb1, xb2, xb3, xb4, xb5, xb6, xb7)
    sx = (sx0, sx1, sx2, sx3, sx4, sx5, sx6, sx7)
    ssc = (sc0, sc1, sc2, sc3, sc4, sc5, sc6, sc7)

    z16 = jnp.zeros((16,), jnp.float32)

    @pl.loop(0, 32)
    def _(i):
        for k in range(H // 16):
            xb0[i, pl.ds(k * 16, 16)] = z16

    @pl.loop(0, G // 16)
    def _(i):
        cnt_local[pl.ds(i * 16, 16)] = z16

    pltpu.sync_copy(xb0.at[pl.ds(0, 32)], acc.at[pl.ds(sid * 32, 32)])
    pltpu.sync_copy(b3_hbm.at[wid], idx_all)

    for b in range(3):
        pltpu.async_copy(x_hbm.at[pl.ds(_row0(wid, b), CH)], xb[b], sx[b])

    plsc.subcore_barrier()
    o16 = jnp.ones((16,), jnp.float32)

    def chunk_step(c, b, bi, issue_next):
        pltpu.make_async_copy(x_hbm.at[pl.ds(0, CH)], xb[b], sx[b]).wait()
        for j in range(CH // 16):
            idv = idx_all[c, pl.ds(j * 16, 16)]
            plsc.addupdate_scatter(cnt_local, [idv], o16)
        pltpu.async_copy(xb[b], acc.at[idx_all.at[c]], ssc[b], add=True)
        if issue_next:
            @pl.when(c + 3 < NCHUNK)
            def _():
                @pl.when(c >= 5)
                def _():
                    pltpu.make_async_copy(xb[bi], acc.at[idx_all.at[0]],
                                          ssc[bi]).wait()
                pltpu.async_copy(x_hbm.at[pl.ds(_row0(wid, c) + 3 * CH, CH)],
                                 xb[bi], sx[bi])

    @pl.loop(0, NCHUNK - 5, step=NBA)
    def _(cc):
        for b in range(NBA):
            chunk_step(cc + b, b, (b + 3) % NBA, True)

    for c in range(NCHUNK - 5, NCHUNK):
        chunk_step(c, c % NBA, (c + 3) % NBA, c + 3 < NCHUNK)

    for b in range(NBA):
        pltpu.make_async_copy(xb[b], acc.at[idx_all.at[0]], ssc[b]).wait()

    pltpu.sync_copy(cnt_local, cnts_hbm.at[wid])
    plsc.subcore_barrier()
    pltpu.sync_copy(acc.at[pl.ds(sid * 32, 32)],
                    sums_hbm.at[cid, pl.ds(sid * 32, 32)])


def _mlp_body(sums_ref, cnts_ref, emb_ref, g_ref, b_ref, w1_ref, b1_ref,
              w2_ref, b2_ref, h_ref):
    sums = sums_ref[0] + sums_ref[1]
    cnt = jnp.sum(cnts_ref[...], axis=0)
    gx = sums / jnp.maximum(cnt, 1.0)[:, None]
    vn = emb_ref[...] + gx
    mu = jnp.mean(vn, axis=-1, keepdims=True)
    var = jnp.mean((vn - mu) * (vn - mu), axis=-1, keepdims=True)
    hn = (vn - mu) * lax.rsqrt(var + EPS) * g_ref[...] + b_ref[...]
    h1 = jnp.dot(hn, w1_ref[...], preferred_element_type=jnp.float32)
    h1 = h1 + b1_ref[...]
    h1 = 0.5 * h1 * (1.0 + lax.erf(h1 / _SQRT2))
    h2 = jnp.dot(h1, w2_ref[...], preferred_element_type=jnp.float32)
    h_ref[...] = h2 + b2_ref[...]


NBC = 3


def _apply_body(x_hbm, b3_hbm, h_hbm, out_hbm,
                xb0, xb1, xb2, hb0, hb1, hb2, ob0, ob1, ob2, idx_all, hs,
                sx0, sx1, sx2, sg0, sg1, sg2, so0, so1, so2):
    cid = lax.axis_index("core")
    sid = lax.axis_index("subcore")
    wid = cid * NS + sid
    xb = (xb0, xb1, xb2)
    hb = (hb0, hb1, hb2)
    ob = (ob0, ob1, ob2)
    sx = (sx0, sx1, sx2)
    sg = (sg0, sg1, sg2)
    so = (so0, so1, so2)

    pltpu.sync_copy(b3_hbm.at[wid], idx_all)
    pltpu.sync_copy(h_hbm.at[pl.ds(sid * 32, 32)], hs.at[pl.ds(sid * 32, 32)])
    for b in range(NBC):
        pltpu.async_copy(x_hbm.at[pl.ds(_row0(wid, b), CH)], xb[b], sx[b])
    plsc.subcore_barrier()
    for b in range(NBC):
        pltpu.async_copy(hs.at[idx_all.at[b]], hb[b], sg[b])

    def chunk_step(c, b, issue_next):
        pltpu.make_async_copy(x_hbm.at[pl.ds(0, CH)], xb[b], sx[b]).wait()
        pltpu.make_async_copy(hs.at[idx_all.at[0]], hb[b], sg[b]).wait()

        @pl.when(c >= NBC)
        def _():
            pltpu.make_async_copy(ob[b], out_hbm.at[pl.ds(0, CH)],
                                  so[b]).wait()

        @plsc.parallel_loop(0, CH, unroll=4)
        def _(i):
            for k in range(H // 16):
                s = pl.ds(k * 16, 16)
                ob[b][i, s] = xb[b][i, s] + hb[b][i, s]

        pltpu.async_copy(ob[b], out_hbm.at[pl.ds(_row0(wid, c), CH)], so[b])
        if issue_next:
            @pl.when(c + NBC < NCHUNK)
            def _():
                pltpu.async_copy(
                    x_hbm.at[pl.ds(_row0(wid, c) + NBC * CH, CH)],
                    xb[b], sx[b])
                pltpu.async_copy(hs.at[idx_all.at[c + NBC]], hb[b], sg[b])

    @pl.loop(0, NCHUNK - 2, step=NBC)
    def _(cc):
        for b in range(NBC):
            chunk_step(cc + b, b, True)

    for c in range(NCHUNK - 2, NCHUNK):
        chunk_step(c, c % NBC, False)

    for b in range(NBC):
        pltpu.make_async_copy(ob[b], out_hbm.at[pl.ds(0, CH)], so[b]).wait()


_sc_mesh = plsc.VectorSubcoreMesh(core_axis_name="core",
                                  subcore_axis_name="subcore")

_sc_cp = pltpu.CompilerParams()
if "needs_layout_passes" in pltpu.CompilerParams.__dataclass_fields__:
    _sc_cp = dataclasses.replace(_sc_cp, needs_layout_passes=False)

_seg_sum = pl.kernel(
    _seg_sum_body,
    out_type=(jax.ShapeDtypeStruct((NC, G, H), jnp.float32),
              jax.ShapeDtypeStruct((NW, G), jnp.float32)),
    mesh=_sc_mesh,
    compiler_params=_sc_cp,
    name="seg_sum_sc",
    scratch_types=(
        [pltpu.VMEM((CH, H), jnp.float32)] * NBA
        + [pltpu.VMEM((NCHUNK, CH), jnp.int32),
           pltpu.VMEM((G,), jnp.float32),
           pltpu.VMEM_SHARED((G, H), jnp.float32)]
        + [pltpu.SemaphoreType.DMA] * (2 * NBA)
    ),
)

_apply = pl.kernel(
    _apply_body,
    out_type=jax.ShapeDtypeStruct((N, H), jnp.float32),
    mesh=_sc_mesh,
    compiler_params=_sc_cp,
    name="apply_sc",
    scratch_types=(
        [pltpu.VMEM((CH, H), jnp.float32)] * (3 * NBC)
        + [pltpu.VMEM((NCHUNK, CH), jnp.int32),
           pltpu.VMEM_SHARED((G, H), jnp.float32)]
        + [pltpu.SemaphoreType.DMA] * (3 * NBC)
    ),
)

_mlp = pl.pallas_call(
    _mlp_body,
    out_shape=jax.ShapeDtypeStruct((G, H), jnp.float32),
)


def kernel(x, batch, vn_embedding, ln_g, ln_b, W1, b1, W2, b2):
    batch3 = batch.astype(jnp.int32).reshape(NW, NCHUNK, CH)
    sums_p, cnts_p = _seg_sum(x, batch3)
    h = _mlp(sums_p, cnts_p, vn_embedding,
             ln_g.reshape(1, H), ln_b.reshape(1, H),
             W1, b1.reshape(1, H), W2, b2.reshape(1, H))
    x_out = _apply(x, batch3, h)
    return (x_out, h)

# --- scband reference (transcript-rebuilt; emitter-appended) ---
"""Pipeline reference for scband-virtual-node-module-39676907880693 (READ-ONLY COPY).

The authoritative reference and input builder live on the scoring server;
editing this copy changes nothing except your own understanding.
"""

import jax, jax.numpy as jnp
import numpy as np

N = 320000
HIDDEN = 128
G = 512
EPS = 1e-5


def _layernorm(h, g, b):
    mu = jnp.mean(h, axis=-1, keepdims=True)
    var = jnp.var(h, axis=-1, keepdims=True)
    return (h - mu) / jnp.sqrt(var + EPS) * g + b


def setup_inputs(seed: int = 0) -> dict:
    key = jax.random.key(seed)
    ks = jax.random.split(key, 8)
    x = jax.random.normal(ks[0], (N, HIDDEN), dtype=jnp.float32)
    batch = jnp.sort(jax.random.randint(ks[1], (N,), 0, G, dtype=jnp.int64))
    vn_embedding = jax.random.normal(ks[2], (G, HIDDEN), dtype=jnp.float32)
    ln_g = jnp.ones((HIDDEN,), dtype=jnp.float32)
    ln_b = jnp.zeros((HIDDEN,), dtype=jnp.float32)
    s = 1.0 / np.sqrt(HIDDEN)
    W1 = jax.random.normal(ks[3], (HIDDEN, HIDDEN), dtype=jnp.float32) * s
    b1 = jnp.zeros((HIDDEN,), dtype=jnp.float32)
    W2 = jax.random.normal(ks[4], (HIDDEN, HIDDEN), dtype=jnp.float32) * s
    b2 = jnp.zeros((HIDDEN,), dtype=jnp.float32)
    return {"x": x, "batch": batch, "vn_embedding": vn_embedding,
            "ln_g": ln_g, "ln_b": ln_b, "W1": W1, "b1": b1, "W2": W2, "b2": b2}


def reference(x, batch, vn_embedding, ln_g, ln_b, W1, b1, W2, b2):
    num_segments = vn_embedding.shape[0]
    # global_mean_pool: segment sum / segment count
    sums = jax.ops.segment_sum(x, batch, num_segments=num_segments)
    counts = jnp.bincount(batch, length=num_segments).astype(x.dtype)
    gx = sums / jnp.maximum(counts, 1.0)[:, None]
    vn = vn_embedding + gx
    # MLP: LayerNorm -> Linear -> GELU(exact) -> (Dropout=identity in eval) -> Linear
    h = _layernorm(vn, ln_g, ln_b)
    h = h @ W1 + b1
    h = jax.nn.gelu(h, approximate=False)
    h = h @ W2 + b2
    x_out = x + h[batch]
    return (x_out, h)

if __name__ == "__main__":
    import jax
    _d = setup_inputs()
    print(jax.jit(kernel)(*tuple(_d.values())))

</pallas_src>

<mosaic_0001>
#map = affine_map<(d0, d1) -> (0, 0)>
#map1 = affine_map<(d0, d1) -> (0, 0, 0)>
module attributes {stable_mosaic.version = 14 : i64} {
  func.func @seg_sum_sc(%arg0: i32, %arg1: i32, %arg2: memref<320000x128xf32, #tpu.memory_space<hbm>>, %arg3: memref<32x125x80xi32, #tpu.memory_space<hbm>>, %arg4: memref<2x512x128xf32, #tpu.memory_space<hbm>>, %arg5: memref<32x512xf32, #tpu.memory_space<hbm>>, %arg6: memref<80x128xf32, #tpu.memory_space<vmem>>, %arg7: memref<80x128xf32, #tpu.memory_space<vmem>>, %arg8: memref<80x128xf32, #tpu.memory_space<vmem>>, %arg9: memref<80x128xf32, #tpu.memory_space<vmem>>, %arg10: memref<80x128xf32, #tpu.memory_space<vmem>>, %arg11: memref<80x128xf32, #tpu.memory_space<vmem>>, %arg12: memref<80x128xf32, #tpu.memory_space<vmem>>, %arg13: memref<80x128xf32, #tpu.memory_space<vmem>>, %arg14: memref<125x80xi32, #tpu.memory_space<vmem>>, %arg15: memref<512xf32, #tpu.memory_space<vmem>>, %arg16: memref<512x128xf32, #tpu.memory_space<vmem_shared>>, %arg17: memref<!tpu.dma_semaphore, #tpu.memory_space<semaphore_mem>>, %arg18: memref<!tpu.dma_semaphore, #tpu.memory_space<semaphore_mem>>, %arg19: memref<!tpu.dma_semaphore, #tpu.memory_space<semaphore_mem>>, %arg20: memref<!tpu.dma_semaphore, #tpu.memory_space<semaphore_mem>>, %arg21: memref<!tpu.dma_semaphore, #tpu.memory_space<semaphore_mem>>, %arg22: memref<!tpu.dma_semaphore, #tpu.memory_space<semaphore_mem>>, %arg23: memref<!tpu.dma_semaphore, #tpu.memory_space<semaphore_mem>>, %arg24: memref<!tpu.dma_semaphore, #tpu.memory_space<semaphore_mem>>, %arg25: memref<!tpu.dma_semaphore, #tpu.memory_space<semaphore_mem>>, %arg26: memref<!tpu.dma_semaphore, #tpu.memory_space<semaphore_mem>>, %arg27: memref<!tpu.dma_semaphore, #tpu.memory_space<semaphore_mem>>, %arg28: memref<!tpu.dma_semaphore, #tpu.memory_space<semaphore_mem>>, %arg29: memref<!tpu.dma_semaphore, #tpu.memory_space<semaphore_mem>>, %arg30: memref<!tpu.dma_semaphore, #tpu.memory_space<semaphore_mem>>, %arg31: memref<!tpu.dma_semaphore, #tpu.memory_space<semaphore_mem>>, %arg32: memref<!tpu.dma_semaphore, #tpu.memory_space<semaphore_mem>>) attributes {dimension_semantics = [#tpu.dimension_semantics<core_parallel>, #tpu.dimension_semantics<subcore_parallel>], iteration_bounds = array<i64: 2, 16>, scalar_prefetch = 0 : i64, scratch_operands = 27 : i64, tpu.core_type = #tpu.core_type<sc_vector_subcore>, window_params = [{transform_indices = #map}, {transform_indices = #map1}, {transform_indices = #map1}, {transform_indices = #map}]} {
    %mul3A = arith.constant 16 : i32
    %mul3A_0 = arith.muli %arg0, %mul3A : i32
    %add3A = arith.addi %mul3A_0, %arg1 : i32
    %broadcast_in_dim3A = arith.constant 0.000000e+00 : f32
    %broadcast_in_dim3A_1 = vector.broadcast %broadcast_in_dim3A : f32 to vector<16xf32>
    %scan3A = arith.constant 0 : i32
    %scan3A_2 = arith.constant 32 : i32
    %scan3A_3 = arith.addi %scan3A, %scan3A_2 : i32
    %scan3A_4 = arith.constant 1 : i32
    scf.for %scan3A_301 = %scan3A to %scan3A_3 step %scan3A_4  : i32 {
      %mul3A_302 = arith.constant 1 : i32
      %mul3A_303 = arith.muli %scan3A_301, %mul3A_302 : i32
      %add3A_304 = arith.constant 0 : i32
      %add3A_305 = arith.addi %add3A_304, %mul3A_303 : i32
      %swap3A = arith.index_cast %add3A_305 : i32 to index
      %swap3A_306 = arith.constant 0 : index
      %swap3A_307 = tpu.vector_load %arg6[%swap3A, %swap3A_306] {strides = array<i32>} : memref<80x128xf32, #tpu.memory_space<vmem>>, vector<16xf32>,
      tpu.vector_store %arg6[%swap3A, %swap3A_306], %broadcast_in_dim3A_1 {strides = array<i32>} : memref<80x128xf32, #tpu.memory_space<vmem>>, vector<16xf32>,
      %swap3A_308 = arith.index_cast %add3A_305 : i32 to index
      %swap3A_309 = arith.constant 16 : index
      %swap3A_310 = tpu.vector_load %arg6[%swap3A_308, %swap3A_309] {strides = array<i32>} : memref<80x128xf32, #tpu.memory_space<vmem>>, vector<16xf32>,
      tpu.vector_store %arg6[%swap3A_308, %swap3A_309], %broadcast_in_dim3A_1 {strides = array<i32>} : memref<80x128xf32, #tpu.memory_space<vmem>>, vector<16xf32>,
      %swap3A_311 = arith.index_cast %add3A_305 : i32 to index
      %swap3A_312 = arith.constant 32 : index
      %swap3A_313 = tpu.vector_load %arg6[%swap3A_311, %swap3A_312] {strides = array<i32>} : memref<80x128xf32, #tpu.memory_space<vmem>>, vector<16xf32>,
      tpu.vector_store %arg6[%swap3A_311, %swap3A_312], %broadcast_in_dim3A_1 {strides = array<i32>} : memref<80x128xf32, #tpu.memory_space<vmem>>, vector<16xf32>,
      %swap3A_314 = arith.index_cast %add3A_305 : i32 to index
      %swap3A_315 = arith.constant 48 : index
      %swap3A_316 = tpu.vector_load %arg6[%swap3A_314, %swap3A_315] {strides = array<i32>} : memref<80x128xf32, #tpu.memory_space<vmem>>, vector<16xf32>,
      tpu.vector_store %arg6[%swap3A_314, %swap3A_315], %broadcast_in_dim3A_1 {strides = array<i32>} : memref<80x128xf32, #tpu.memory_space<vmem>>, vector<16xf32>,
      %swap3A_317 = arith.index_cast %add3A_305 : i32 to index
      %swap3A_318 = arith.constant 64 : index
      %swap3A_319 = tpu.vector_load %arg6[%swap3A_317, %swap3A_318] {strides = array<i32>} : memref<80x128xf32, #tpu.memory_space<vmem>>, vector<16xf32>,
      tpu.vector_store %arg6[%swap3A_317, %swap3A_318], %broadcast_in_dim3A_1 {strides = array<i32>} : memref<80x128xf32, #tpu.memory_space<vmem>>, vector<16xf32>,
      %swap3A_320 = arith.index_cast %add3A_305 : i32 to index
      %swap3A_321 = arith.constant 80 : index
      %swap3A_322 = tpu.vector_load %arg6[%swap3A_320, %swap3A_321] {strides = array<i32>} : memref<80x128xf32, #tpu.memory_space<vmem>>, vector<16xf32>,
      tpu.vector_store %arg6[%swap3A_320, %swap3A_321], %broadcast_in_dim3A_1 {strides = array<i32>} : memref<80x128xf32, #tpu.memory_space<vmem>>, vector<16xf32>,
      %swap3A_323 = arith.index_cast %add3A_305 : i32 to index
      %swap3A_324 = arith.constant 96 : index
      %swap3A_325 = tpu.vector_load %arg6[%swap3A_323, %swap3A_324] {strides = array<i32>} : memref<80x128xf32, #tpu.memory_space<vmem>>, vector<16xf32>,
      tpu.vector_store %arg6[%swap3A_323, %swap3A_324], %broadcast_in_dim3A_1 {strides = array<i32>} : memref<80x128xf32, #tpu.memory_space<vmem>>, vector<16xf32>,
      %swap3A_326 = arith.index_cast %add3A_305 : i32 to index
      %swap3A_327 = arith.constant 112 : index
      %swap3A_328 = tpu.vector_load %arg6[%swap3A_326, %swap3A_327] {strides = array<i32>} : memref<80x128xf32, #tpu.memory_space<vmem>>, vector<16xf32>,
      tpu.vector_store %arg6[%swap3A_326, %swap3A_327], %broadcast_in_dim3A_1 {strides = array<i32>} : memref<80x128xf32, #tpu.memory_space<vmem>>, vector<16xf32>,
    }
    %scan3A_5 = arith.constant 32 : i32
    %scan3A_6 = arith.constant 0 : i32
    %scan3A_7 = arith.constant 32 : i32
    %scan3A_8 = arith.addi %scan3A_6, %scan3A_7 : i32
    %scan3A_9 = arith.constant 1 : i32
    scf.for %scan3A_301 = %scan3A_6 to %scan3A_8 step %scan3A_9  : i32 {
      %mul3A_302 = arith.constant 1 : i32
      %mul3A_303 = arith.muli %scan3A_301, %mul3A_302 : i32
      %add3A_304 = arith.constant 0 : i32
      %add3A_305 = arith.addi %add3A_304, %mul3A_303 : i32
      %mul3A_306 = arith.constant 16 : i32
      %mul3A_307 = arith.muli %add3A_305, %mul3A_306 : i32
      %swap3A = arith.index_cast %mul3A_307 : i32 to index
      %swap3A_308 = tpu.vector_load %arg15[%swap3A] {strides = array<i32>} : memref<512xf32, #tpu.memory_space<vmem>>, vector<16xf32>,
      tpu.vector_store %arg15[%swap3A], %broadcast_in_dim3A_1 {strides = array<i32>} : memref<512xf32, #tpu.memory_space<vmem>>, vector<16xf32>,
    }
    %scan3A_10 = arith.constant 32 : i32
    %mul3A_11 = arith.constant 32 : i32
    %mul3A_12 = arith.muli %arg1, %mul3A_11 : i32
    "tpu.region"() ({
      %run_scoped3A = tpu.sem_alloc : memref<!tpu.dma_semaphore, #tpu.memory_space<semaphore_mem>>
      %dma_start3A_301 = arith.constant 0 : i32
      %dma_start3A_302 = arith.constant 0 : i32
      %dma_start3A_303 = tpu.memref_slice %arg6[%dma_start3A_301, %dma_start3A_302] : memref<80x128xf32, #tpu.memory_space<vmem>> -> memref<32x128xf32, #tpu.memory_space<vmem>>
      %dma_start3A_304 = arith.constant 0 : i32
      %dma_start3A_305 = tpu.memref_slice %arg16[%mul3A_12, %dma_start3A_304] : memref<512x128xf32, #tpu.memory_space<vmem_shared>> -> memref<32x128xf32, #tpu.memory_space<vmem_shared>>
      %dma_start3A_306 = arith.constant 0 : i32
      %dma_start3A_307 = tpu.memref_slice %arg16[%mul3A_12, %dma_start3A_306] : memref<512x128xf32, #tpu.memory_space<vmem_shared>> -> memref<32x128xf32, #tpu.memory_space<vmem_shared>>
      %dma_start3A_308 = arith.constant 0 : i32
      %dma_start3A_309 = arith.constant 0 : i32
      %dma_start3A_310 = tpu.memref_slice %arg6[%dma_start3A_308, %dma_start3A_309] : memref<80x128xf32, #tpu.memory_space<vmem>> -> memref<32x128xf32, #tpu.memory_space<vmem>>
      tpu.enqueue_dma source(%dma_start3A_310 : memref<32x128xf32, #tpu.memory_space<vmem>>) target(%dma_start3A_307 : memref<32x128xf32, #tpu.memory_space<vmem_shared>>) target_semaphore(%run_scoped3A : memref<!tpu.dma_semaphore, #tpu.memory_space<semaphore_mem>>)
      %dma_wait3A_311 = arith.constant 0 : i32
      %dma_wait3A_312 = arith.constant 0 : i32
      %dma_wait3A_313 = tpu.memref_slice %arg6[%dma_wait3A_311, %dma_wait3A_312] : memref<80x128xf32, #tpu.memory_space<vmem>> -> memref<32x128xf32, #tpu.memory_space<vmem>>
      %dma_wait3A_314 = arith.constant 0 : i32
      %dma_wait3A_315 = tpu.memref_slice %arg16[%mul3A_12, %dma_wait3A_314] : memref<512x128xf32, #tpu.memory_space<vmem_shared>> -> memref<32x128xf32, #tpu.memory_space<vmem_shared>>
      %dma_wait3A_316 = arith.constant 0 : i32
      %dma_wait3A_317 = tpu.memref_slice %arg16[%mul3A_12, %dma_wait3A_316] : memref<512x128xf32, #tpu.memory_space<vmem_shared>> -> memref<32x128xf32, #tpu.memory_space<vmem_shared>>
      %dma_wait3A_318 = arith.constant 0 : i32
      %dma_wait3A_319 = arith.constant 0 : i32
      %dma_wait3A_320 = tpu.memref_slice %arg6[%dma_wait3A_318, %dma_wait3A_319] : memref<80x128xf32, #tpu.memory_space<vmem>> -> memref<32x128xf32, #tpu.memory_space<vmem>>
      tpu.wait_dma2 semaphore(%run_scoped3A : memref<!tpu.dma_semaphore, #tpu.memory_space<semaphore_mem>>) src(%dma_wait3A_320 : memref<32x128xf32, #tpu.memory_space<vmem>>) dst(%dma_wait3A_317 : memref<32x128xf32, #tpu.memory_space<vmem_shared>>)
      tpu.yield
    }) : () -> ()
    "tpu.region"() ({
      %run_scoped3A = tpu.sem_alloc : memref<!tpu.dma_semaphore, #tpu.memory_space<semaphore_mem>>
      %dma_start3A_301 = arith.constant 0 : i32
      %dma_start3A_302 = arith.constant 0 : i32
      %dma_start3A_303 = tpu.memref_slice %arg3[%add3A, %dma_start3A_301, %dma_start3A_302] : memref<32x125x80xi32, #tpu.memory_space<hbm>> -> memref<1x125x80xi32, #tpu.memory_space<hbm>>
      %dma_start3A_304 = tpu.memref_squeeze %dma_start3A_303 : memref<1x125x80xi32, #tpu.memory_space<hbm>> -> memref<125x80xi32, #tpu.memory_space<hbm>>
      %dma_start3A_305 = arith.constant 0 : i32
      %dma_start3A_306 = arith.constant 0 : i32
      %dma_start3A_307 = tpu.memref_slice %arg3[%add3A, %dma_start3A_305, %dma_start3A_306] : memref<32x125x80xi32, #tpu.memory_space<hbm>> -> memref<1x125x80xi32, #tpu.memory_space<hbm>>
      %dma_start3A_308 = tpu.memref_squeeze %dma_start3A_307 : memref<1x125x80xi32, #tpu.memory_space<hbm>> -> memref<125x80xi32, #tpu.memory_space<hbm>>
      tpu.enqueue_dma source(%dma_start3A_308 : memref<125x80xi32, #tpu.memory_space<hbm>>) target(%arg14 : memref<125x80xi32, #tpu.memory_space<vmem>>) target_semaphore(%run_scoped3A : memref<!tpu.dma_semaphore, #tpu.memory_space<semaphore_mem>>)
      %dma_wait3A_309 = arith.constant 0 : i32
      %dma_wait3A_310 = arith.constant 0 : i32
      %dma_wait3A_311 = tpu.memref_slice %arg3[%add3A, %dma_wait3A_309, %dma_wait3A_310] : memref<32x125x80xi32, #tpu.memory_space<hbm>> -> memref<1x125x80xi32, #tpu.memory_space<hbm>>
      %dma_wait3A_312 = tpu.memref_squeeze %dma_wait3A_311 : memref<1x125x80xi32, #tpu.memory_space<hbm>> -> memref<125x80xi32, #tpu.memory_space<hbm>>
      %dma_wait3A_313 = arith.constant 0 : i32
      %dma_wait3A_314 = arith.constant 0 : i32
      %dma_wait3A_315 = tpu.memref_slice %arg3[%add3A, %dma_wait3A_313, %dma_wait3A_314] : memref<32x125x80xi32, #tpu.memory_space<hbm>> -> memref<1x125x80xi32, #tpu.memory_space<hbm>>
      %dma_wait3A_316 = tpu.memref_squeeze %dma_wait3A_315 : memref<1x125x80xi32, #tpu.memory_space<hbm>> -> memref<125x80xi32, #tpu.memory_space<hbm>>
      tpu.wait_dma2 semaphore(%run_scoped3A : memref<!tpu.dma_semaphore, #tpu.memory_space<semaphore_mem>>) src(%dma_wait3A_316 : memref<125x80xi32, #tpu.memory_space<hbm>>) dst(%arg14 : memref<125x80xi32, #tpu.memory_space<vmem>>)
      tpu.yield
    }) : () -> ()
    %mul3A_13 = arith.constant 10000 : i32
    %mul3A_14 = arith.muli %add3A, %mul3A_13 : i32
    %add3A_15 = arith.constant 0 : i32
    %add3A_16 = arith.addi %mul3A_14, %add3A_15 : i32
    %dma_start3A = arith.constant 0 : i32
    %dma_start3A_17 = tpu.memref_slice %arg2[%add3A_16, %dma_start3A] : memref<320000x128xf32, #tpu.memory_space<hbm>> -> memref<80x128xf32, #tpu.memory_space<hbm>>
    %dma_start3A_18 = arith.constant 0 : i32
    %dma_start3A_19 = tpu.memref_slice %arg2[%add3A_16, %dma_start3A_18] : memref<320000x128xf32, #tpu.memory_space<hbm>> -> memref<80x128xf32, #tpu.memory_space<hbm>>
    tpu.enqueue_dma source(%dma_start3A_19 : memref<80x128xf32, #tpu.memory_space<hbm>>) target(%arg6 : memref<80x128xf32, #tpu.memory_space<vmem>>) target_semaphore(%arg17 : memref<!tpu.dma_semaphore, #tpu.memory_space<semaphore_mem>>)
    %mul3A_20 = arith.constant 10000 : i32
    %mul3A_21 = arith.muli %add3A, %mul3A_20 : i32
    %add3A_22 = arith.constant 80 : i32
    %add3A_23 = arith.addi %mul3A_21, %add3A_22 : i32
    %dma_start3A_24 = arith.constant 0 : i32
    %dma_start3A_25 = tpu.memref_slice %arg2[%add3A_23, %dma_start3A_24] : memref<320000x128xf32, #tpu.memory_space<hbm>> -> memref<80x128xf32, #tpu.memory_space<hbm>>
    %dma_start3A_26 = arith.constant 0 : i32
    %dma_start3A_27 = tpu.memref_slice %arg2[%add3A_23, %dma_start3A_26] : memref<320000x128xf32, #tpu.memory_space<hbm>> -> memref<80x128xf32, #tpu.memory_space<hbm>>
    tpu.enqueue_dma source(%dma_start3A_27 : memref<80x128xf32, #tpu.memory_space<hbm>>) target(%arg7 : memref<80x128xf32, #tpu.memory_space<vmem>>) target_semaphore(%arg18 : memref<!tpu.dma_semaphore, #tpu.memory_space<semaphore_mem>>)
    %mul3A_28 = arith.constant 10000 : i32
    %mul3A_29 = arith.muli %add3A, %mul3A_28 : i32
    %add3A_30 = arith.constant 160 : i32
    %add3A_31 = arith.addi %mul3A_29, %add3A_30 : i32
    %dma_start3A_32 = arith.constant 0 : i32
    %dma_start3A_33 = tpu.memref_slice %arg2[%add3A_31, %dma_start3A_32] : memref<320000x128xf32, #tpu.memory_space<hbm>> -> memref<80x128xf32, #tpu.memory_space<hbm>>
    %dma_start3A_34 = arith.constant 0 : i32
    %dma_start3A_35 = tpu.memref_slice %arg2[%add3A_31, %dma_start3A_34] : memref<320000x128xf32, #tpu.memory_space<hbm>> -> memref<80x128xf32, #tpu.memory_space<hbm>>
    tpu.enqueue_dma source(%dma_start3A_35 : memref<80x128xf32, #tpu.memory_space<hbm>>) target(%arg8 : memref<80x128xf32, #tpu.memory_space<vmem>>) target_semaphore(%arg19 : memref<!tpu.dma_semaphore, #tpu.memory_space<semaphore_mem>>)
    %barrier3A = arith.constant 0 : index
    tpu.barrier barrier_id(%barrier3A)
    %broadcast_in_dim3A_36 = arith.constant 1.000000e+00 : f32
    %broadcast_in_dim3A_37 = vector.broadcast %broadcast_in_dim3A_36 : f32 to vector<16xf32>
    %scan3A_38 = arith.constant 0 : i32
    %scan3A_39 = arith.constant 15 : i32
    %scan3A_40 = arith.addi %scan3A_38, %scan3A_39 : i32
    %scan3A_41 = arith.constant 1 : i32
    scf.for %scan3A_301 = %scan3A_38 to %scan3A_40 step %scan3A_41  : i32 {
      %mul3A_302 = arith.constant 8 : i32
      %mul3A_303 = arith.muli %scan3A_301, %mul3A_302 : i32
      %add3A_304 = arith.constant 0 : i32
      %add3A_305 = arith.addi %add3A_304, %mul3A_303 : i32
      %add3A_306 = arith.constant 0 : i32
      %add3A_307 = arith.addi %add3A_305, %add3A_306 : i32
      %dma_wait3A_308 = arith.constant 0 : i32
      %dma_wait3A_309 = arith.constant 0 : i32
      %dma_wait3A_310 = tpu.memref_slice %arg2[%dma_wait3A_308, %dma_wait3A_309] : memref<320000x128xf32, #tpu.memory_space<hbm>> -> memref<80x128xf32, #tpu.memory_space<hbm>>
      %dma_wait3A_311 = arith.constant 0 : i32
      %dma_wait3A_312 = arith.constant 0 : i32
      %dma_wait3A_313 = tpu.memref_slice %arg2[%dma_wait3A_311, %dma_wait3A_312] : memref<320000x128xf32, #tpu.memory_space<hbm>> -> memref<80x128xf32, #tpu.memory_space<hbm>>
      tpu.wait_dma2 semaphore(%arg17 : memref<!tpu.dma_semaphore, #tpu.memory_space<semaphore_mem>>) src(%dma_wait3A_313 : memref<80x128xf32, #tpu.memory_space<hbm>>) dst(%arg6 : memref<80x128xf32, #tpu.memory_space<vmem>>)
      %get3A_314 = arith.index_cast %add3A_307 : i32 to index
      %get3A_315 = arith.constant 0 : index
      %get3A_316 = tpu.vector_load %arg14[%get3A_314, %get3A_315] {strides = array<i32>} : memref<125x80xi32, #tpu.memory_space<vmem>>, vector<16xi32>,
      tpu.vector_store_idx %arg15[%get3A_316], %broadcast_in_dim3A_37 {add = true} : memref<512xf32, #tpu.memory_space<vmem>>[vector<16xi32>], vector<16xf32>,
      %get3A_317 = arith.index_cast %add3A_307 : i32 to index
      %get3A_318 = arith.constant 16 : index
      %get3A_319 = tpu.vector_load %arg14[%get3A_317, %get3A_318] {strides = array<i32>} : memref<125x80xi32, #tpu.memory_space<vmem>>, vector<16xi32>,
      tpu.vector_store_idx %arg15[%get3A_319], %broadcast_in_dim3A_37 {add = true} : memref<512xf32, #tpu.memory_space<vmem>>[vector<16xi32>], vector<16xf32>,
      %get3A_320 = arith.index_cast %add3A_307 : i32 to index
      %get3A_321 = arith.constant 32 : index
      %get3A_322 = tpu.vector_load %arg14[%get3A_320, %get3A_321] {strides = array<i32>} : memref<125x80xi32, #tpu.memory_space<vmem>>, vector<16xi32>,
      tpu.vector_store_idx %arg15[%get3A_322], %broadcast_in_dim3A_37 {add = true} : memref<512xf32, #tpu.memory_space<vmem>>[vector<16xi32>], vector<16xf32>,
      %get3A_323 = arith.index_cast %add3A_307 : i32 to index
      %get3A_324 = arith.constant 48 : index
      %get3A_325 = tpu.vector_load %arg14[%get3A_323, %get3A_324] {strides = array<i32>} : memref<125x80xi32, #tpu.memory_space<vmem>>, vector<16xi32>,
      tpu.vector_store_idx %arg15[%get3A_325], %broadcast_in_dim3A_37 {add = true} : memref<512xf32, #tpu.memory_space<vmem>>[vector<16xi32>], vector<16xf32>,
      %get3A_326 = arith.index_cast %add3A_307 : i32 to index
      %get3A_327 = arith.constant 64 : index
      %get3A_328 = tpu.vector_load %arg14[%get3A_326, %get3A_327] {strides = array<i32>} : memref<125x80xi32, #tpu.memory_space<vmem>>, vector<16xi32>,
      tpu.vector_store_idx %arg15[%get3A_328], %broadcast_in_dim3A_37 {add = true} : memref<512xf32, #tpu.memory_space<vmem>>[vector<16xi32>], vector<16xf32>,
      %dma_start3A_329 = arith.constant 0 : i32
      %dma_start3A_330 = tpu.memref_slice %arg14[%add3A_307, %dma_start3A_329] : memref<125x80xi32, #tpu.memory_space<vmem>> -> memref<1x80xi32, #tpu.memory_space<vmem>>
      %dma_start3A_331 = tpu.memref_squeeze %dma_start3A_330 : memref<1x80xi32, #tpu.memory_space<vmem>> -> memref<80xi32, #tpu.memory_space<vmem>>
      %dma_start3A_332 = arith.constant 0 : i32
      %dma_start3A_333 = arith.constant 0 : i32
      %dma_start3A_334 = tpu.memref_slice %arg16[%dma_start3A_332, %dma_start3A_333] : memref<512x128xf32, #tpu.memory_space<vmem_shared>> -> memref<512x128xf32, #tpu.memory_space<vmem_shared>>
      tpu.enqueue_indirect_dma source(%arg6 : memref<80x128xf32, #tpu.memory_space<vmem>>) target(%dma_start3A_334 : memref<512x128xf32, #tpu.memory_space<vmem_shared>>) offsets(%dma_start3A_331 : memref<80xi32, #tpu.memory_space<vmem>>) semaphore(%arg25 : memref<!tpu.dma_semaphore, #tpu.memory_space<semaphore_mem>>) {add = true}
      %add3A_335 = arith.constant 3 : i32
      %add3A_336 = arith.addi %add3A_307, %add3A_335 : i32
      %lt3A = arith.constant 125 : i32
      %lt3A_337 = arith.cmpi slt, %add3A_336, %lt3A : i32
      %convert_element_type3A = arith.extui %lt3A_337 : i1 to i32
      %cond3A = arith.constant 0 : i32
      %cond3A_338 = arith.cmpi ne, %convert_element_type3A, %cond3A : i32
      scf.if %cond3A_338 {
        %ge3A = arith.constant 5 : i32
        %ge3A_591 = arith.cmpi sge, %add3A_307, %ge3A : i32
        %convert_element_type3A_592 = arith.extui %ge3A_591 : i1 to i32
        %cond3A_593 = arith.constant 0 : i32
        %cond3A_594 = arith.cmpi ne, %convert_element_type3A_592, %cond3A_593 : i32
        scf.if %cond3A_594 {
          %dma_wait3A_606 = arith.constant 0 : i32
          %dma_wait3A_607 = arith.constant 0 : i32
          %dma_wait3A_608 = tpu.memref_slice %arg14[%dma_wait3A_606, %dma_wait3A_607] : memref<125x80xi32, #tpu.memory_space<vmem>> -> memref<1x80xi32, #tpu.memory_space<vmem>>
          %dma_wait3A_609 = tpu.memref_squeeze %dma_wait3A_608 : memref<1x80xi32, #tpu.memory_space<vmem>> -> memref<80xi32, #tpu.memory_space<vmem>>
          %dma_wait3A_610 = arith.constant 0 : i32
          %dma_wait3A_611 = arith.constant 0 : i32
          %dma_wait3A_612 = tpu.memref_slice %arg16[%dma_wait3A_610, %dma_wait3A_611] : memref<512x128xf32, #tpu.memory_space<vmem_shared>> -> memref<512x128xf32, #tpu.memory_space<vmem_shared>>
          tpu.wait_indirect_dma semaphore(%arg28 : memref<!tpu.dma_semaphore, #tpu.memory_space<semaphore_mem>>) src(%arg9 : memref<80x128xf32, #tpu.memory_space<vmem>>) dst(%dma_wait3A_612 : memref<512x128xf32, #tpu.memory_space<vmem_shared>>)
        } else {
        }
        %mul3A_595 = arith.constant 10000 : i32
        %mul3A_596 = arith.muli %add3A, %mul3A_595 : i32
        %mul3A_597 = arith.constant 80 : i32
        %mul3A_598 = arith.muli %add3A_307, %mul3A_597 : i32
        %add3A_599 = arith.addi %mul3A_596, %mul3A_598 : i32
        %add3A_600 = arith.constant 240 : i32
        %add3A_601 = arith.addi %add3A_599, %add3A_600 : i32
        %dma_start3A_602 = arith.constant 0 : i32
        %dma_start3A_603 = tpu.memref_slice %arg2[%add3A_601, %dma_start3A_602] : memref<320000x128xf32, #tpu.memory_space<hbm>> -> memref<80x128xf32, #tpu.memory_space<hbm>>
        %dma_start3A_604 = arith.constant 0 : i32
        %dma_start3A_605 = tpu.memref_slice %arg2[%add3A_601, %dma_start3A_604] : memref<320000x128xf32, #tpu.memory_space<hbm>> -> memref<80x128xf32, #tpu.memory_space<hbm>>
        tpu.enqueue_dma source(%dma_start3A_605 : memref<80x128xf32, #tpu.memory_space<hbm>>) target(%arg9 : memref<80x128xf32, #tpu.memory_space<vmem>>) target_semaphore(%arg20 : memref<!tpu.dma_semaphore, #tpu.memory_space<semaphore_mem>>)
      } else {
      }
      %add3A_339 = arith.constant 1 : i32
      %add3A_340 = arith.addi %add3A_305, %add3A_339 : i32
      %dma_wait3A_341 = arith.constant 0 : i32
      %dma_wait3A_342 = arith.constant 0 : i32
      %dma_wait3A_343 = tpu.memref_slice %arg2[%dma_wait3A_341, %dma_wait3A_342] : memref<320000x128xf32, #tpu.memory_space<hbm>> -> memref<80x128xf32, #tpu.memory_space<hbm>>
      %dma_wait3A_344 = arith.constant 0 : i32
      %dma_wait3A_345 = arith.constant 0 : i32
      %dma_wait3A_346 = tpu.memref_slice %arg2[%dma_wait3A_344, %dma_wait3A_345] : memref<320000x128xf32, #tpu.memory_space<hbm>> -> memref<80x128xf32, #tpu.memory_space<hbm>>
      tpu.wait_dma2 semaphore(%arg18 : memref<!tpu.dma_semaphore, #tpu.memory_space<semaphore_mem>>) src(%dma_wait3A_346 : memref<80x128xf32, #tpu.memory_space<hbm>>) dst(%arg7 : memref<80x128xf32, #tpu.memory_space<vmem>>)
      %get3A_347 = arith.index_cast %add3A_340 : i32 to index
      %get3A_348 = arith.constant 0 : index
      %get3A_349 = tpu.vector_load %arg14[%get3A_347, %get3A_348] {strides = array<i32>} : memref<125x80xi32, #tpu.memory_space<vmem>>, vector<16xi32>,
      tpu.vector_store_idx %arg15[%get3A_349], %broadcast_in_dim3A_37 {add = true} : memref<512xf32, #tpu.memory_space<vmem>>[vector<16xi32>], vector<16xf32>,
      %get3A_350 = arith.index_cast %add3A_340 : i32 to index
      %get3A_351 = arith.constant 16 : index
      %get3A_352 = tpu.vector_load %arg14[%get3A_350, %get3A_351] {strides = array<i32>} : memref<125x80xi32, #tpu.memory_space<vmem>>, vector<16xi32>,
      tpu.vector_store_idx %arg15[%get3A_352], %broadcast_in_dim3A_37 {add = true} : memref<512xf32, #tpu.memory_space<vmem>>[vector<16xi32>], vector<16xf32>,
      %get3A_353 = arith.index_cast %add3A_340 : i32 to index
      %get3A_354 = arith.constant 32 : index
      %get3A_355 = tpu.vector_load %arg14[%get3A_353, %get3A_354] {strides = array<i32>} : memref<125x80xi32, #tpu.memory_space<vmem>>, vector<16xi32>,
      tpu.vector_store_idx %arg15[%get3A_355], %broadcast_in_dim3A_37 {add = true} : memref<512xf32, #tpu.memory_space<vmem>>[vector<16xi32>], vector<16xf32>,
      %get3A_356 = arith.index_cast %add3A_340 : i32 to index
      %get3A_357 = arith.constant 48 : index
      %get3A_358 = tpu.vector_load %arg14[%get3A_356, %get3A_357] {strides = array<i32>} : memref<125x80xi32, #tpu.memory_space<vmem>>, vector<16xi32>,
      tpu.vector_store_idx %arg15[%get3A_358], %broadcast_in_dim3A_37 {add = true} : memref<512xf32, #tpu.memory_space<vmem>>[vector<16xi32>], vector<16xf32>,
      %get3A_359 = arith.index_cast %add3A_340 : i32 to index
      %get3A_360 = arith.constant 64 : index
      %get3A_361 = tpu.vector_load %arg14[%get3A_359, %get3A_360] {strides = array<i32>} : memref<125x80xi32, #tpu.memory_space<vmem>>, vector<16xi32>,
      tpu.vector_store_idx %arg15[%get3A_361], %broadcast_in_dim3A_37 {add = true} : memref<512xf32, #tpu.memory_space<vmem>>[vector<16xi32>], vector<16xf32>,
      %dma_start3A_362 = arith.constant 0 : i32
      %dma_start3A_363 = tpu.memref_slice %arg14[%add3A_340, %dma_start3A_362] : memref<125x80xi32, #tpu.memory_space<vmem>> -> memref<1x80xi32, #tpu.memory_space<vmem>>
      %dma_start3A_364 = tpu.memref_squeeze %dma_start3A_363 : memref<1x80xi32, #tpu.memory_space<vmem>> -> memref<80xi32, #tpu.memory_space<vmem>>
      %dma_start3A_365 = arith.constant 0 : i32
      %dma_start3A_366 = arith.constant 0 : i32
      %dma_start3A_367 = tpu.memref_slice %arg16[%dma_start3A_365, %dma_start3A_366] : memref<512x128xf32, #tpu.memory_space<vmem_shared>> -> memref<512x128xf32, #tpu.memory_space<vmem_shared>>
      tpu.enqueue_indirect_dma source(%arg7 : memref<80x128xf32, #tpu.memory_space<vmem>>) target(%dma_start3A_367 : memref<512x128xf32, #tpu.memory_space<vmem_shared>>) offsets(%dma_start3A_364 : memref<80xi32, #tpu.memory_space<vmem>>) semaphore(%arg26 : memref<!tpu.dma_semaphore, #tpu.memory_space<semaphore_mem>>) {add = true}
      %add3A_368 = arith.constant 3 : i32
      %add3A_369 = arith.addi %add3A_340, %add3A_368 : i32
      %lt3A_370 = arith.constant 125 : i32
      %lt3A_371 = arith.cmpi slt, %add3A_369, %lt3A_370 : i32
      %convert_element_type3A_372 = arith.extui %lt3A_371 : i1 to i32
      %cond3A_373 = arith.constant 0 : i32
      %cond3A_374 = arith.cmpi ne, %convert_element_type3A_372, %cond3A_373 : i32
      scf.if %cond3A_374 {
        %ge3A = arith.constant 5 : i32
        %ge3A_591 = arith.cmpi sge, %add3A_340, %ge3A : i32
        %convert_element_type3A_592 = arith.extui %ge3A_591 : i1 to i32
        %cond3A_593 = arith.constant 0 : i32
        %cond3A_594 = arith.cmpi ne, %convert_element_type3A_592, %cond3A_593 : i32
        scf.if %cond3A_594 {
          %dma_wait3A_606 = arith.constant 0 : i32
          %dma_wait3A_607 = arith.constant 0 : i32
          %dma_wait3A_608 = tpu.memref_slice %arg14[%dma_wait3A_606, %dma_wait3A_607] : memref<125x80xi32, #tpu.memory_space<vmem>> -> memref<1x80xi32, #tpu.memory_space<vmem>>
          %dma_wait3A_609 = tpu.memref_squeeze %dma_wait3A_608 : memref<1x80xi32, #tpu.memory_space<vmem>> -> memref<80xi32, #tpu.memory_space<vmem>>
          %dma_wait3A_610 = arith.constant 0 : i32
          %dma_wait3A_611 = arith.constant 0 : i32
          %dma_wait3A_612 = tpu.memref_slice %arg16[%dma_wait3A_610, %dma_wait3A_611] : memref<512x128xf32, #tpu.memory_space<vmem_shared>> -> memref<512x128xf32, #tpu.memory_space<vmem_shared>>
          tpu.wait_indirect_dma semaphore(%arg29 : memref<!tpu.dma_semaphore, #tpu.memory_space<semaphore_mem>>) src(%arg10 : memref<80x128xf32, #tpu.memory_space<vmem>>) dst(%dma_wait3A_612 : memref<512x128xf32, #tpu.memory_space<vmem_shared>>)
        } else {
        }
        %mul3A_595 = arith.constant 10000 : i32
        %mul3A_596 = arith.muli %add3A, %mul3A_595 : i32
        %mul3A_597 = arith.constant 80 : i32
        %mul3A_598 = arith.muli %add3A_340, %mul3A_597 : i32
        %add3A_599 = arith.addi %mul3A_596, %mul3A_598 : i32
        %add3A_600 = arith.constant 240 : i32
        %add3A_601 = arith.addi %add3A_599, %add3A_600 : i32
        %dma_start3A_602 = arith.constant 0 : i32
        %dma_start3A_603 = tpu.memref_slice %arg2[%add3A_601, %dma_start3A_602] : memref<320000x128xf32, #tpu.memory_space<hbm>> -> memref<80x128xf32, #tpu.memory_space<hbm>>
        %dma_start3A_604 = arith.constant 0 : i32
        %dma_start3A_605 = tpu.memref_slice %arg2[%add3A_601, %dma_start3A_604] : memref<320000x128xf32, #tpu.memory_space<hbm>> -> memref<80x128xf32, #tpu.memory_space<hbm>>
        tpu.enqueue_dma source(%dma_start3A_605 : memref<80x128xf32, #tpu.memory_space<hbm>>) target(%arg10 : memref<80x128xf32, #tpu.memory_space<vmem>>) target_semaphore(%arg21 : memref<!tpu.dma_semaphore, #tpu.memory_space<semaphore_mem>>)
      } else {
      }
      %add3A_375 = arith.constant 2 : i32
      %add3A_376 = arith.addi %add3A_305, %add3A_375 : i32
      %dma_wait3A_377 = arith.constant 0 : i32
      %dma_wait3A_378 = arith.constant 0 : i32
      %dma_wait3A_379 = tpu.memref_slice %arg2[%dma_wait3A_377, %dma_wait3A_378] : memref<320000x128xf32, #tpu.memory_space<hbm>> -> memref<80x128xf32, #tpu.memory_space<hbm>>
      %dma_wait3A_380 = arith.constant 0 : i32
      %dma_wait3A_381 = arith.constant 0 : i32
      %dma_wait3A_382 = tpu.memref_slice %arg2[%dma_wait3A_380, %dma_wait3A_381] : memref<320000x128xf32, #tpu.memory_space<hbm>> -> memref<80x128xf32, #tpu.memory_space<hbm>>
      tpu.wait_dma2 semaphore(%arg19 : memref<!tpu.dma_semaphore, #tpu.memory_space<semaphore_mem>>) src(%dma_wait3A_382 : memref<80x128xf32, #tpu.memory_space<hbm>>) dst(%arg8 : memref<80x128xf32, #tpu.memory_space<vmem>>)
      %get3A_383 = arith.index_cast %add3A_376 : i32 to index
      %get3A_384 = arith.constant 0 : index
      %get3A_385 = tpu.vector_load %arg14[%get3A_383, %get3A_384] {strides = array<i32>} : memref<125x80xi32, #tpu.memory_space<vmem>>, vector<16xi32>,
      tpu.vector_store_idx %arg15[%get3A_385], %broadcast_in_dim3A_37 {add = true} : memref<512xf32, #tpu.memory_space<vmem>>[vector<16xi32>], vector<16xf32>,
      %get3A_386 = arith.index_cast %add3A_376 : i32 to index
      %get3A_387 = arith.constant 16 : index
      %get3A_388 = tpu.vector_load %arg14[%get3A_386, %get3A_387] {strides = array<i32>} : memref<125x80xi32, #tpu.memory_space<vmem>>, vector<16xi32>,
      tpu.vector_store_idx %arg15[%get3A_388], %broadcast_in_dim3A_37 {add = true} : memref<512xf32, #tpu.memory_space<vmem>>[vector<16xi32>], vector<16xf32>,
      %get3A_389 = arith.index_cast %add3A_376 : i32 to index
      %get3A_390 = arith.constant 32 : index
      %get3A_391 = tpu.vector_load %arg14[%get3A_389, %get3A_390] {strides = array<i32>} : memref<125x80xi32, #tpu.memory_space<vmem>>, vector<16xi32>,
      tpu.vector_store_idx %arg15[%get3A_391], %broadcast_in_dim3A_37 {add = true} : memref<512xf32, #tpu.memory_space<vmem>>[vector<16xi32>], vector<16xf32>,
      %get3A_392 = arith.index_cast %add3A_376 : i32 to index
      %get3A_393 = arith.constant 48 : index
      %get3A_394 = tpu.vector_load %arg14[%get3A_392, %get3A_393] {strides = array<i32>} : memref<125x80xi32, #tpu.memory_space<vmem>>, vector<16xi32>,
      tpu.vector_store_idx %arg15[%get3A_394], %broadcast_in_dim3A_37 {add = true} : memref<512xf32, #tpu.memory_space<vmem>>[vector<16xi32>], vector<16xf32>,
      %get3A_395 = arith.index_cast %add3A_376 : i32 to index
      %get3A_396 = arith.constant 64 : index
      %get3A_397 = tpu.vector_load %arg14[%get3A_395, %get3A_396] {strides = array<i32>} : memref<125x80xi32, #tpu.memory_space<vmem>>, vector<16xi32>,
      tpu.vector_store_idx %arg15[%get3A_397], %broadcast_in_dim3A_37 {add = true} : memref<512xf32, #tpu.memory_space<vmem>>[vector<16xi32>], vector<16xf32>,
      %dma_start3A_398 = arith.constant 0 : i32
      %dma_start3A_399 = tpu.memref_slice %arg14[%add3A_376, %dma_start3A_398] : memref<125x80xi32, #tpu.memory_space<vmem>> -> memref<1x80xi32, #tpu.memory_space<vmem>>
      %dma_start3A_400 = tpu.memref_squeeze %dma_start3A_399 : memref<1x80xi32, #tpu.memory_space<vmem>> -> memref<80xi32, #tpu.memory_space<vmem>>
      %dma_start3A_401 = arith.constant 0 : i32
      %dma_start3A_402 = arith.constant 0 : i32
      %dma_start3A_403 = tpu.memref_slice %arg16[%dma_start3A_401, %dma_start3A_402] : memref<512x128xf32, #tpu.memory_space<vmem_shared>> -> memref<512x128xf32, #tpu.memory_space<vmem_shared>>
      tpu.enqueue_indirect_dma source(%arg8 : memref<80x128xf32, #tpu.memory_space<vmem>>) target(%dma_start3A_403 : memref<512x128xf32, #tpu.memory_space<vmem_shared>>) offsets(%dma_start3A_400 : memref<80xi32, #tpu.memory_space<vmem>>) semaphore(%arg27 : memref<!tpu.dma_semaphore, #tpu.memory_space<semaphore_mem>>) {add = true}
      %add3A_404 = arith.constant 3 : i32
      %add3A_405 = arith.addi %add3A_376, %add3A_404 : i32
      %lt3A_406 = arith.constant 125 : i32
      %lt3A_407 = arith.cmpi slt, %add3A_405, %lt3A_406 : i32
      %convert_element_type3A_408 = arith.extui %lt3A_407 : i1 to i32
      %cond3A_409 = arith.constant 0 : i32
      %cond3A_410 = arith.cmpi ne, %convert_element_type3A_408, %cond3A_409 : i32
      scf.if %cond3A_410 {
        %ge3A = arith.constant 5 : i32
        %ge3A_591 = arith.cmpi sge, %add3A_376, %ge3A : i32
        %convert_element_type3A_592 = arith.extui %ge3A_591 : i1 to i32
        %cond3A_593 = arith.constant 0 : i32
        %cond3A_594 = arith.cmpi ne, %convert_element_type3A_592, %cond3A_593 : i32
        scf.if %cond3A_594 {
          %dma_wait3A_606 = arith.constant 0 : i32
          %dma_wait3A_607 = arith.constant 0 : i32
          %dma_wait3A_608 = tpu.memref_slice %arg14[%dma_wait3A_606, %dma_wait3A_607] : memref<125x80xi32, #tpu.memory_space<vmem>> -> memref<1x80xi32, #tpu.memory_space<vmem>>
          %dma_wait3A_609 = tpu.memref_squeeze %dma_wait3A_608 : memref<1x80xi32, #tpu.memory_space<vmem>> -> memref<80xi32, #tpu.memory_space<vmem>>
          %dma_wait3A_610 = arith.constant 0 : i32
          %dma_wait3A_611 = arith.constant 0 : i32
          %dma_wait3A_612 = tpu.memref_slice %arg16[%dma_wait3A_610, %dma_wait3A_611] : memref<512x128xf32, #tpu.memory_space<vmem_shared>> -> memref<512x128xf32, #tpu.memory_space<vmem_shared>>
          tpu.wait_indirect_dma semaphore(%arg30 : memref<!tpu.dma_semaphore, #tpu.memory_space<semaphore_mem>>) src(%arg11 : memref<80x128xf32, #tpu.memory_space<vmem>>) dst(%dma_wait3A_612 : memref<512x128xf32, #tpu.memory_space<vmem_shared>>)
        } else {
        }
        %mul3A_595 = arith.constant 10000 : i32
        %mul3A_596 = arith.muli %add3A, %mul3A_595 : i32
        %mul3A_597 = arith.constant 80 : i32
        %mul3A_598 = arith.muli %add3A_376, %mul3A_597 : i32
        %add3A_599 = arith.addi %mul3A_596, %mul3A_598 : i32
        %add3A_600 = arith.constant 240 : i32
        %add3A_601 = arith.addi %add3A_599, %add3A_600 : i32
        %dma_start3A_602 = arith.constant 0 : i32
        %dma_start3A_603 = tpu.memref_slice %arg2[%add3A_601, %dma_start3A_602] : memref<320000x128xf32, #tpu.memory_space<hbm>> -> memref<80x128xf32, #tpu.memory_space<hbm>>
        %dma_start3A_604 = arith.constant 0 : i32
        %dma_start3A_605 = tpu.memref_slice %arg2[%add3A_601, %dma_start3A_604] : memref<320000x128xf32, #tpu.memory_space<hbm>> -> memref<80x128xf32, #tpu.memory_space<hbm>>
        tpu.enqueue_dma source(%dma_start3A_605 : memref<80x128xf32, #tpu.memory_space<hbm>>) target(%arg11 : memref<80x128xf32, #tpu.memory_space<vmem>>) target_semaphore(%arg22 : memref<!tpu.dma_semaphore, #tpu.memory_space<semaphore_mem>>)
      } else {
      }
      %add3A_411 = arith.constant 3 : i32
      %add3A_412 = arith.addi %add3A_305, %add3A_411 : i32
      %dma_wait3A_413 = arith.constant 0 : i32
      %dma_wait3A_414 = arith.constant 0 : i32
      %dma_wait3A_415 = tpu.memref_slice %arg2[%dma_wait3A_413, %dma_wait3A_414] : memref<320000x128xf32, #tpu.memory_space<hbm>> -> memref<80x128xf32, #tpu.memory_space<hbm>>
      %dma_wait3A_416 = arith.constant 0 : i32
      %dma_wait3A_417 = arith.constant 0 : i32
      %dma_wait3A_418 = tpu.memref_slice %arg2[%dma_wait3A_416, %dma_wait3A_417] : memref<320000x128xf32, #tpu.memory_space<hbm>> -> memref<80x128xf32, #tpu.memory_space<hbm>>
      tpu.wait_dma2 semaphore(%arg20 : memref<!tpu.dma_semaphore, #tpu.memory_space<semaphore_mem>>) src(%dma_wait3A_418 : memref<80x128xf32, #tpu.memory_space<hbm>>) dst(%arg9 : memref<80x128xf32, #tpu.memory_space<vmem>>)
      %get3A_419 = arith.index_cast %add3A_412 : i32 to index
      %get3A_420 = arith.constant 0 : index
      %get3A_421 = tpu.vector_load %arg14[%get3A_419, %get3A_420] {strides = array<i32>} : memref<125x80xi32, #tpu.memory_space<vmem>>, vector<16xi32>,
      tpu.vector_store_idx %arg15[%get3A_421], %broadcast_in_dim3A_37 {add = true} : memref<512xf32, #tpu.memory_space<vmem>>[vector<16xi32>], vector<16xf32>,
      %get3A_422 = arith.index_cast %add3A_412 : i32 to index
      %get3A_423 = arith.constant 16 : index
      %get3A_424 = tpu.vector_load %arg14[%get3A_422, %get3A_423] {strides = array<i32>} : memref<125x80xi32, #tpu.memory_space<vmem>>, vector<16xi32>,
      tpu.vector_store_idx %arg15[%get3A_424], %broadcast_in_dim3A_37 {add = true} : memref<512xf32, #tpu.memory_space<vmem>>[vector<16xi32>], vector<16xf32>,
      %get3A_425 = arith.index_cast %add3A_412 : i32 to index
      %get3A_426 = arith.constant 32 : index
      %get3A_427 = tpu.vector_load %arg14[%get3A_425, %get3A_426] {strides = array<i32>} : memref<125x80xi32, #tpu.memory_space<vmem>>, vector<16xi32>,
      tpu.vector_store_idx %arg15[%get3A_427], %broadcast_in_dim3A_37 {add = true} : memref<512xf32, #tpu.memory_space<vmem>>[vector<16xi32>], vector<16xf32>,
      %get3A_428 = arith.index_cast %add3A_412 : i32 to index
      %get3A_429 = arith.constant 48 : index
      %get3A_430 = tpu.vector_load %arg14[%get3A_428, %get3A_429] {strides = array<i32>} : memref<125x80xi32, #tpu.memory_space<vmem>>, vector<16xi32>,
      tpu.vector_store_idx %arg15[%get3A_430], %broadcast_in_dim3A_37 {add = true} : memref<512xf32, #tpu.memory_space<vmem>>[vector<16xi32>], vector<16xf32>,
      %get3A_431 = arith.index_cast %add3A_412 : i32 to index
      %get3A_432 = arith.constant 64 : index
      %get3A_433 = tpu.vector_load %arg14[%get3A_431, %get3A_432] {strides = array<i32>} : memref<125x80xi32, #tpu.memory_space<vmem>>, vector<16xi32>,
      tpu.vector_store_idx %arg15[%get3A_433], %broadcast_in_dim3A_37 {add = true} : memref<512xf32, #tpu.memory_space<vmem>>[vector<16xi32>], vector<16xf32>,
      %dma_start3A_434 = arith.constant 0 : i32
      %dma_start3A_435 = tpu.memref_slice %arg14[%add3A_412, %dma_start3A_434] : memref<125x80xi32, #tpu.memory_space<vmem>> -> memref<1x80xi32, #tpu.memory_space<vmem>>
      %dma_start3A_436 = tpu.memref_squeeze %dma_start3A_435 : memref<1x80xi32, #tpu.memory_space<vmem>> -> memref<80xi32, #tpu.memory_space<vmem>>
      %dma_start3A_437 = arith.constant 0 : i32
      %dma_start3A_438 = arith.constant 0 : i32
      %dma_start3A_439 = tpu.memref_slice %arg16[%dma_start3A_437, %dma_start3A_438] : memref<512x128xf32, #tpu.memory_space<vmem_shared>> -> memref<512x128xf32, #tpu.memory_space<vmem_shared>>
      tpu.enqueue_indirect_dma source(%arg9 : memref<80x128xf32, #tpu.memory_space<vmem>>) target(%dma_start3A_439 : memref<512x128xf32, #tpu.memory_space<vmem_shared>>) offsets(%dma_start3A_436 : memref<80xi32, #tpu.memory_space<vmem>>) semaphore(%arg28 : memref<!tpu.dma_semaphore, #tpu.memory_space<semaphore_mem>>) {add = true}
      %add3A_440 = arith.constant 3 : i32
      %add3A_441 = arith.addi %add3A_412, %add3A_440 : i32
      %lt3A_442 = arith.constant 125 : i32
      %lt3A_443 = arith.cmpi slt, %add3A_441, %lt3A_442 : i32
      %convert_element_type3A_444 = arith.extui %lt3A_443 : i1 to i32
      %cond3A_445 = arith.constant 0 : i32
      %cond3A_446 = arith.cmpi ne, %convert_element_type3A_444, %cond3A_445 : i32
      scf.if %cond3A_446 {
        %ge3A = arith.constant 5 : i32
        %ge3A_591 = arith.cmpi sge, %add3A_412, %ge3A : i32
        %convert_element_type3A_592 = arith.extui %ge3A_591 : i1 to i32
        %cond3A_593 = arith.constant 0 : i32
        %cond3A_594 = arith.cmpi ne, %convert_element_type3A_592, %cond3A_593 : i32
        scf.if %cond3A_594 {
          %dma_wait3A_606 = arith.constant 0 : i32
          %dma_wait3A_607 = arith.constant 0 : i32
          %dma_wait3A_608 = tpu.memref_slice %arg14[%dma_wait3A_606, %dma_wait3A_607] : memref<125x80xi32, #tpu.memory_space<vmem>> -> memref<1x80xi32, #tpu.memory_space<vmem>>
          %dma_wait3A_609 = tpu.memref_squeeze %dma_wait3A_608 : memref<1x80xi32, #tpu.memory_space<vmem>> -> memref<80xi32, #tpu.memory_space<vmem>>
          %dma_wait3A_610 = arith.constant 0 : i32
          %dma_wait3A_611 = arith.constant 0 : i32
          %dma_wait3A_612 = tpu.memref_slice %arg16[%dma_wait3A_610, %dma_wait3A_611] : memref<512x128xf32, #tpu.memory_space<vmem_shared>> -> memref<512x128xf32, #tpu.memory_space<vmem_shared>>
          tpu.wait_indirect_dma semaphore(%arg31 : memref<!tpu.dma_semaphore, #tpu.memory_space<semaphore_mem>>) src(%arg12 : memref<80x128xf32, #tpu.memory_space<vmem>>) dst(%dma_wait3A_612 : memref<512x128xf32, #tpu.memory_space<vmem_shared>>)
        } else {
        }
        %mul3A_595 = arith.constant 10000 : i32
        %mul3A_596 = arith.muli %add3A, %mul3A_595 : i32
        %mul3A_597 = arith.constant 80 : i32
        %mul3A_598 = arith.muli %add3A_412, %mul3A_597 : i32
        %add3A_599 = arith.addi %mul3A_596, %mul3A_598 : i32
        %add3A_600 = arith.constant 240 : i32
        %add3A_601 = arith.addi %add3A_599, %add3A_600 : i32
        %dma_start3A_602 = arith.constant 0 : i32
        %dma_start3A_603 = tpu.memref_slice %arg2[%add3A_601, %dma_start3A_602] : memref<320000x128xf32, #tpu.memory_space<hbm>> -> memref<80x128xf32, #tpu.memory_space<hbm>>
        %dma_start3A_604 = arith.constant 0 : i32
        %dma_start3A_605 = tpu.memref_slice %arg2[%add3A_601, %dma_start3A_604] : memref<320000x128xf32, #tpu.memory_space<hbm>> -> memref<80x128xf32, #tpu.memory_space<hbm>>
        tpu.enqueue_dma source(%dma_start3A_605 : memref<80x128xf32, #tpu.memory_space<hbm>>) target(%arg12 : memref<80x128xf32, #tpu.memory_space<vmem>>) target_semaphore(%arg23 : memref<!tpu.dma_semaphore, #tpu.memory_space<semaphore_mem>>)
      } else {
      }
      %add3A_447 = arith.constant 4 : i32
      %add3A_448 = arith.addi %add3A_305, %add3A_447 : i32
      %dma_wait3A_449 = arith.constant 0 : i32
      %dma_wait3A_450 = arith.constant 0 : i32
      %dma_wait3A_451 = tpu.memref_slice %arg2[%dma_wait3A_449, %dma_wait3A_450] : memref<320000x128xf32, #tpu.memory_space<hbm>> -> memref<80x128xf32, #tpu.memory_space<hbm>>
      %dma_wait3A_452 = arith.constant 0 : i32
      %dma_wait3A_453 = arith.constant 0 : i32
      %dma_wait3A_454 = tpu.memref_slice %arg2[%dma_wait3A_452, %dma_wait3A_453] : memref<320000x128xf32, #tpu.memory_space<hbm>> -> memref<80x128xf32, #tpu.memory_space<hbm>>
      tpu.wait_dma2 semaphore(%arg21 : memref<!tpu.dma_semaphore, #tpu.memory_space<semaphore_mem>>) src(%dma_wait3A_454 : memref<80x128xf32, #tpu.memory_space<hbm>>) dst(%arg10 : memref<80x128xf32, #tpu.memory_space<vmem>>)
      %get3A_455 = arith.index_cast %add3A_448 : i32 to index
      %get3A_456 = arith.constant 0 : index
      %get3A_457 = tpu.vector_load %arg14[%get3A_455, %get3A_456] {strides = array<i32>} : memref<125x80xi32, #tpu.memory_space<vmem>>, vector<16xi32>,
      tpu.vector_store_idx %arg15[%get3A_457], %broadcast_in_dim3A_37 {add = true} : memref<512xf32, #tpu.memory_space<vmem>>[vector<16xi32>], vector<16xf32>,
      %get3A_458 = arith.index_cast %add3A_448 : i32 to index
      %get3A_459 = arith.constant 16 : index
      %get3A_460 = tpu.vector_load %arg14[%get3A_458, %get3A_459] {strides = array<i32>} : memref<125x80xi32, #tpu.memory_space<vmem>>, vector<16xi32>,
      tpu.vector_store_idx %arg15[%get3A_460], %broadcast_in_dim3A_37 {add = true} : memref<512xf32, #tpu.memory_space<vmem>>[vector<16xi32>], vector<16xf32>,
      %get3A_461 = arith.index_cast %add3A_448 : i32 to index
      %get3A_462 = arith.constant 32 : index
      %get3A_463 = tpu.vector_load %arg14[%get3A_461, %get3A_462] {strides = array<i32>} : memref<125x80xi32, #tpu.memory_space<vmem>>, vector<16xi32>,
      tpu.vector_store_idx %arg15[%get3A_463], %broadcast_in_dim3A_37 {add = true} : memref<512xf32, #tpu.memory_space<vmem>>[vector<16xi32>], vector<16xf32>,
      %get3A_464 = arith.index_cast %add3A_448 : i32 to index
      %get3A_465 = arith.constant 48 : index
      %get3A_466 = tpu.vector_load %arg14[%get3A_464, %get3A_465] {strides = array<i32>} : memref<125x80xi32, #tpu.memory_space<vmem>>, vector<16xi32>,
      tpu.vector_store_idx %arg15[%get3A_466], %broadcast_in_dim3A_37 {add = true} : memref<512xf32, #tpu.memory_space<vmem>>[vector<16xi32>], vector<16xf32>,
      %get3A_467 = arith.index_cast %add3A_448 : i32 to index
      %get3A_468 = arith.constant 64 : index
      %get3A_469 = tpu.vector_load %arg14[%get3A_467, %get3A_468] {strides = array<i32>} : memref<125x80xi32, #tpu.memory_space<vmem>>, vector<16xi32>,
      tpu.vector_store_idx %arg15[%get3A_469], %broadcast_in_dim3A_37 {add = true} : memref<512xf32, #tpu.memory_space<vmem>>[vector<16xi32>], vector<16xf32>,
      %dma_start3A_470 = arith.constant 0 : i32
      %dma_start3A_471 = tpu.memref_slice %arg14[%add3A_448, %dma_start3A_470] : memref<125x80xi32, #tpu.memory_space<vmem>> -> memref<1x80xi32, #tpu.memory_space<vmem>>
      %dma_start3A_472 = tpu.memref_squeeze %dma_start3A_471 : memref<1x80xi32, #tpu.memory_space<vmem>> -> memref<80xi32, #tpu.memory_space<vmem>>
      %dma_start3A_473 = arith.constant 0 : i32
      %dma_start3A_474 = arith.constant 0 : i32
      %dma_start3A_475 = tpu.memref_slice %arg16[%dma_start3A_473, %dma_start3A_474] : memref<512x128xf32, #tpu.memory_space<vmem_shared>> -> memref<512x128xf32, #tpu.memory_space<vmem_shared>>
      tpu.enqueue_indirect_dma source(%arg10 : memref<80x128xf32, #tpu.memory_space<vmem>>) target(%dma_start3A_475 : memref<512x128xf32, #tpu.memory_space<vmem_shared>>) offsets(%dma_start3A_472 : memref<80xi32, #tpu.memory_space<vmem>>) semaphore(%arg29 : memref<!tpu.dma_semaphore, #tpu.memory_space<semaphore_mem>>) {add = true}
      %add3A_476 = arith.constant 3 : i32
      %add3A_477 = arith.addi %add3A_448, %add3A_476 : i32
      %lt3A_478 = arith.constant 125 : i32
      %lt3A_479 = arith.cmpi slt, %add3A_477, %lt3A_478 : i32
      %convert_element_type3A_480 = arith.extui %lt3A_479 : i1 to i32
      %cond3A_481 = arith.constant 0 : i32
      %cond3A_482 = arith.cmpi ne, %convert_element_type3A_480, %cond3A_481 : i32
      scf.if %cond3A_482 {
        %ge3A = arith.constant 5 : i32
        %ge3A_591 = arith.cmpi sge, %add3A_448, %ge3A : i32
        %convert_element_type3A_592 = arith.extui %ge3A_591 : i1 to i32
        %cond3A_593 = arith.constant 0 : i32
        %cond3A_594 = arith.cmpi ne, %convert_element_type3A_592, %cond3A_593 : i32
        scf.if %cond3A_594 {
          %dma_wait3A_606 = arith.constant 0 : i32
          %dma_wait3A_607 = arith.constant 0 : i32
          %dma_wait3A_608 = tpu.memref_slice %arg14[%dma_wait3A_606, %dma_wait3A_607] : memref<125x80xi32, #tpu.memory_space<vmem>> -> memref<1x80xi32, #tpu.memory_space<vmem>>
          %dma_wait3A_609 = tpu.memref_squeeze %dma_wait3A_608 : memref<1x80xi32, #tpu.memory_space<vmem>> -> memref<80xi32, #tpu.memory_space<vmem>>
          %dma_wait3A_610 = arith.constant 0 : i32
          %dma_wait3A_611 = arith.constant 0 : i32
          %dma_wait3A_612 = tpu.memref_slice %arg16[%dma_wait3A_610, %dma_wait3A_611] : memref<512x128xf32, #tpu.memory_space<vmem_shared>> -> memref<512x128xf32, #tpu.memory_space<vmem_shared>>
          tpu.wait_indirect_dma semaphore(%arg32 : memref<!tpu.dma_semaphore, #tpu.memory_space<semaphore_mem>>) src(%arg13 : memref<80x128xf32, #tpu.memory_space<vmem>>) dst(%dma_wait3A_612 : memref<512x128xf32, #tpu.memory_space<vmem_shared>>)
        } else {
        }
        %mul3A_595 = arith.constant 10000 : i32
        %mul3A_596 = arith.muli %add3A, %mul3A_595 : i32
        %mul3A_597 = arith.constant 80 : i32
        %mul3A_598 = arith.muli %add3A_448, %mul3A_597 : i32
        %add3A_599 = arith.addi %mul3A_596, %mul3A_598 : i32
        %add3A_600 = arith.constant 240 : i32
        %add3A_601 = arith.addi %add3A_599, %add3A_600 : i32
        %dma_start3A_602 = arith.constant 0 : i32
        %dma_start3A_603 = tpu.memref_slice %arg2[%add3A_601, %dma_start3A_602] : memref<320000x128xf32, #tpu.memory_space<hbm>> -> memref<80x128xf32, #tpu.memory_space<hbm>>
        %dma_start3A_604 = arith.constant 0 : i32
        %dma_start3A_605 = tpu.memref_slice %arg2[%add3A_601, %dma_start3A_604] : memref<320000x128xf32, #tpu.memory_space<hbm>> -> memref<80x128xf32, #tpu.memory_space<hbm>>
        tpu.enqueue_dma source(%dma_start3A_605 : memref<80x128xf32, #tpu.memory_space<hbm>>) target(%arg13 : memref<80x128xf32, #tpu.memory_space<vmem>>) target_semaphore(%arg24 : memref<!tpu.dma_semaphore, #tpu.memory_space<semaphore_mem>>)
      } else {
      }
      %add3A_483 = arith.constant 5 : i32
      %add3A_484 = arith.addi %add3A_305, %add3A_483 : i32
      %dma_wait3A_485 = arith.constant 0 : i32
      %dma_wait3A_486 = arith.constant 0 : i32
      %dma_wait3A_487 = tpu.memref_slice %arg2[%dma_wait3A_485, %dma_wait3A_486] : memref<320000x128xf32, #tpu.memory_space<hbm>> -> memref<80x128xf32, #tpu.memory_space<hbm>>
      %dma_wait3A_488 = arith.constant 0 : i32
      %dma_wait3A_489 = arith.constant 0 : i32
      %dma_wait3A_490 = tpu.memref_slice %arg2[%dma_wait3A_488, %dma_wait3A_489] : memref<320000x128xf32, #tpu.memory_space<hbm>> -> memref<80x128xf32, #tpu.memory_space<hbm>>
      tpu.wait_dma2 semaphore(%arg22 : memref<!tpu.dma_semaphore, #tpu.memory_space<semaphore_mem>>) src(%dma_wait3A_490 : memref<80x128xf32, #tpu.memory_space<hbm>>) dst(%arg11 : memref<80x128xf32, #tpu.memory_space<vmem>>)
      %get3A_491 = arith.index_cast %add3A_484 : i32 to index
      %get3A_492 = arith.constant 0 : index
      %get3A_493 = tpu.vector_load %arg14[%get3A_491, %get3A_492] {strides = array<i32>} : memref<125x80xi32, #tpu.memory_space<vmem>>, vector<16xi32>,
      tpu.vector_store_idx %arg15[%get3A_493], %broadcast_in_dim3A_37 {add = true} : memref<512xf32, #tpu.memory_space<vmem>>[vector<16xi32>], vector<16xf32>,
      %get3A_494 = arith.index_cast %add3A_484 : i32 to index
      %get3A_495 = arith.constant 16 : index
      %get3A_496 = tpu.vector_load %arg14[%get3A_494, %get3A_495] {strides = array<i32>} : memref<125x80xi32, #tpu.memory_space<vmem>>, vector<16xi32>,
      tpu.vector_store_idx %arg15[%get3A_496], %broadcast_in_dim3A_37 {add = true} : memref<512xf32, #tpu.memory_space<vmem>>[vector<16xi32>], vector<16xf32>,
      %get3A_497 = arith.index_cast %add3A_484 : i32 to index
      %get3A_498 = arith.constant 32 : index
      %get3A_499 = tpu.vector_load %arg14[%get3A_497, %get3A_498] {strides = array<i32>} : memref<125x80xi32, #tpu.memory_space<vmem>>, vector<16xi32>,
      tpu.vector_store_idx %arg15[%get3A_499], %broadcast_in_dim3A_37 {add = true} : memref<512xf32, #tpu.memory_space<vmem>>[vector<16xi32>], vector<16xf32>,
      %get3A_500 = arith.index_cast %add3A_484 : i32 to index
      %get3A_501 = arith.constant 48 : index
      %get3A_502 = tpu.vector_load %arg14[%get3A_500, %get3A_501] {strides = array<i32>} : memref<125x80xi32, #tpu.memory_space<vmem>>, vector<16xi32>,
      tpu.vector_store_idx %arg15[%get3A_502], %broadcast_in_dim3A_37 {add = true} : memref<512xf32, #tpu.memory_space<vmem>>[vector<16xi32>], vector<16xf32>,
      %get3A_503 = arith.index_cast %add3A_484 : i32 to index
      %get3A_504 = arith.constant 64 : index
      %get3A_505 = tpu.vector_load %arg14[%get3A_503, %get3A_504] {strides = array<i32>} : memref<125x80xi32, #tpu.memory_space<vmem>>, vector<16xi32>,
      tpu.vector_store_idx %arg15[%get3A_505], %broadcast_in_dim3A_37 {add = true} : memref<512xf32, #tpu.memory_space<vmem>>[vector<16xi32>], vector<16xf32>,
      %dma_start3A_506 = arith.constant 0 : i32
      %dma_start3A_507 = tpu.memref_slice %arg14[%add3A_484, %dma_start3A_506] : memref<125x80xi32, #tpu.memory_space<vmem>> -> memref<1x80xi32, #tpu.memory_space<vmem>>
      %dma_start3A_508 = tpu.memref_squeeze %dma_start3A_507 : memref<1x80xi32, #tpu.memory_space<vmem>> -> memref<80xi32, #tpu.memory_space<vmem>>
      %dma_start3A_509 = arith.constant 0 : i32
      %dma_start3A_510 = arith.constant 0 : i32
      %dma_start3A_511 = tpu.memref_slice %arg16[%dma_start3A_509, %dma_start3A_510] : memref<512x128xf32, #tpu.memory_space<vmem_shared>> -> memref<512x128xf32, #tpu.memory_space<vmem_shared>>
      tpu.enqueue_indirect_dma source(%arg11 : memref<80x128xf32, #tpu.memory_space<vmem>>) target(%dma_start3A_511 : memref<512x128xf32, #tpu.memory_space<vmem_shared>>) offsets(%dma_start3A_508 : memref<80xi32, #tpu.memory_space<vmem>>) semaphore(%arg30 : memref<!tpu.dma_semaphore, #tpu.memory_space<semaphore_mem>>) {add = true}
      %add3A_512 = arith.constant 3 : i32
      %add3A_513 = arith.addi %add3A_484, %add3A_512 : i32
      %lt3A_514 = arith.constant 125 : i32
      %lt3A_515 = arith.cmpi slt, %add3A_513, %lt3A_514 : i32
      %convert_element_type3A_516 = arith.extui %lt3A_515 : i1 to i32
      %cond3A_517 = arith.constant 0 : i32
      %cond3A_518 = arith.cmpi ne, %convert_element_type3A_516, %cond3A_517 : i32
      scf.if %cond3A_518 {
        %ge3A = arith.constant 5 : i32
        %ge3A_591 = arith.cmpi sge, %add3A_484, %ge3A : i32
        %convert_element_type3A_592 = arith.extui %ge3A_591 : i1 to i32
        %cond3A_593 = arith.constant 0 : i32
        %cond3A_594 = arith.cmpi ne, %convert_element_type3A_592, %cond3A_593 : i32
        scf.if %cond3A_594 {
          %dma_wait3A_606 = arith.constant 0 : i32
          %dma_wait3A_607 = arith.constant 0 : i32
          %dma_wait3A_608 = tpu.memref_slice %arg14[%dma_wait3A_606, %dma_wait3A_607] : memref<125x80xi32, #tpu.memory_space<vmem>> -> memref<1x80xi32, #tpu.memory_space<vmem>>
          %dma_wait3A_609 = tpu.memref_squeeze %dma_wait3A_608 : memref<1x80xi32, #tpu.memory_space<vmem>> -> memref<80xi32, #tpu.memory_space<vmem>>
          %dma_wait3A_610 = arith.constant 0 : i32
          %dma_wait3A_611 = arith.constant 0 : i32
          %dma_wait3A_612 = tpu.memref_slice %arg16[%dma_wait3A_610, %dma_wait3A_611] : memref<512x128xf32, #tpu.memory_space<vmem_shared>> -> memref<512x128xf32, #tpu.memory_space<vmem_shared>>
          tpu.wait_indirect_dma semaphore(%arg25 : memref<!tpu.dma_semaphore, #tpu.memory_space<semaphore_mem>>) src(%arg6 : memref<80x128xf32, #tpu.memory_space<vmem>>) dst(%dma_wait3A_612 : memref<512x128xf32, #tpu.memory_space<vmem_shared>>)
        } else {
        }
        %mul3A_595 = arith.constant 10000 : i32
        %mul3A_596 = arith.muli %add3A, %mul3A_595 : i32
        %mul3A_597 = arith.constant 80 : i32
        %mul3A_598 = arith.muli %add3A_484, %mul3A_597 : i32
        %add3A_599 = arith.addi %mul3A_596, %mul3A_598 : i32
        %add3A_600 = arith.constant 240 : i32
        %add3A_601 = arith.addi %add3A_599, %add3A_600 : i32
        %dma_start3A_602 = arith.constant 0 : i32
        %dma_start3A_603 = tpu.memref_slice %arg2[%add3A_601, %dma_start3A_602] : memref<320000x128xf32, #tpu.memory_space<hbm>> -> memref<80x128xf32, #tpu.memory_space<hbm>>
        %dma_start3A_604 = arith.constant 0 : i32
        %dma_start3A_605 = tpu.memref_slice %arg2[%add3A_601, %dma_start3A_604] : memref<320000x128xf32, #tpu.memory_space<hbm>> -> memref<80x128xf32, #tpu.memory_space<hbm>>
        tpu.enqueue_dma source(%dma_start3A_605 : memref<80x128xf32, #tpu.memory_space<hbm>>) target(%arg6 : memref<80x128xf32, #tpu.memory_space<vmem>>) target_semaphore(%arg17 : memref<!tpu.dma_semaphore, #tpu.memory_space<semaphore_mem>>)
      } else {
      }
      %add3A_519 = arith.constant 6 : i32
      %add3A_520 = arith.addi %add3A_305, %add3A_519 : i32
      %dma_wait3A_521 = arith.constant 0 : i32
      %dma_wait3A_522 = arith.constant 0 : i32
      %dma_wait3A_523 = tpu.memref_slice %arg2[%dma_wait3A_521, %dma_wait3A_522] : memref<320000x128xf32, #tpu.memory_space<hbm>> -> memref<80x128xf32, #tpu.memory_space<hbm>>
      %dma_wait3A_524 = arith.constant 0 : i32
      %dma_wait3A_525 = arith.constant 0 : i32
      %dma_wait3A_526 = tpu.memref_slice %arg2[%dma_wait3A_524, %dma_wait3A_525] : memref<320000x128xf32, #tpu.memory_space<hbm>> -> memref<80x128xf32, #tpu.memory_space<hbm>>
      tpu.wait_dma2 semaphore(%arg23 : memref<!tpu.dma_semaphore, #tpu.memory_space<semaphore_mem>>) src(%dma_wait3A_526 : memref<80x128xf32, #tpu.memory_space<hbm>>) dst(%arg12 : memref<80x128xf32, #tpu.memory_space<vmem>>)
      %get3A_527 = arith.index_cast %add3A_520 : i32 to index
      %get3A_528 = arith.constant 0 : index
      %get3A_529 = tpu.vector_load %arg14[%get3A_527, %get3A_528] {strides = array<i32>} : memref<125x80xi32, #tpu.memory_space<vmem>>, vector<16xi32>,
      tpu.vector_store_idx %arg15[%get3A_529], %broadcast_in_dim3A_37 {add = true} : memref<512xf32, #tpu.memory_space<vmem>>[vector<16xi32>], vector<16xf32>,
      %get3A_530 = arith.index_cast %add3A_520 : i32 to index
      %get3A_531 = arith.constant 16 : index
      %get3A_532 = tpu.vector_load %arg14[%get3A_530, %get3A_531] {strides = array<i32>} : memref<125x80xi32, #tpu.memory_space<vmem>>, vector<16xi32>,
      tpu.vector_store_idx %arg15[%get3A_532], %broadcast_in_dim3A_37 {add = true} : memref<512xf32, #tpu.memory_space<vmem>>[vector<16xi32>], vector<16xf32>,
      %get3A_533 = arith.index_cast %add3A_520 : i32 to index
      %get3A_534 = arith.constant 32 : index
      %get3A_535 = tpu.vector_load %arg14[%get3A_533, %get3A_534] {strides = array<i32>} : memref<125x80xi32, #tpu.memory_space<vmem>>, vector<16xi32>,
      tpu.vector_store_idx %arg15[%get3A_535], %broadcast_in_dim3A_37 {add = true} : memref<512xf32, #tpu.memory_space<vmem>>[vector<16xi32>], vector<16xf32>,
      %get3A_536 = arith.index_cast %add3A_520 : i32 to index
      %get3A_537 = arith.constant 48 : index
      %get3A_538 = tpu.vector_load %arg14[%get3A_536, %get3A_537] {strides = array<i32>} : memref<125x80xi32, #tpu.memory_space<vmem>>, vector<16xi32>,
      tpu.vector_store_idx %arg15[%get3A_538], %broadcast_in_dim3A_37 {add = true} : memref<512xf32, #tpu.memory_space<vmem>>[vector<16xi32>], vector<16xf32>,
      %get3A_539 = arith.index_cast %add3A_520 : i32 to index
      %get3A_540 = arith.constant 64 : index
      %get3A_541 = tpu.vector_load %arg14[%get3A_539, %get3A_540] {strides = array<i32>} : memref<125x80xi32, #tpu.memory_space<vmem>>, vector<16xi32>,
      tpu.vector_store_idx %arg15[%get3A_541], %broadcast_in_dim3A_37 {add = true} : memref<512xf32, #tpu.memory_space<vmem>>[vector<16xi32>], vector<16xf32>,
      %dma_start3A_542 = arith.constant 0 : i32
      %dma_start3A_543 = tpu.memref_slice %arg14[%add3A_520, %dma_start3A_542] : memref<125x80xi32, #tpu.memory_space<vmem>> -> memref<1x80xi32, #tpu.memory_space<vmem>>
      %dma_start3A_544 = tpu.memref_squeeze %dma_start3A_543 : memref<1x80xi32, #tpu.memory_space<vmem>> -> memref<80xi32, #tpu.memory_space<vmem>>
      %dma_start3A_545 = arith.constant 0 : i32
      %dma_start3A_546 = arith.constant 0 : i32
      %dma_start3A_547 = tpu.memref_slice %arg16[%dma_start3A_545, %dma_start3A_546] : memref<512x128xf32, #tpu.memory_space<vmem_shared>> -> memref<512x128xf32, #tpu.memory_space<vmem_shared>>
      tpu.enqueue_indirect_dma source(%arg12 : memref<80x128xf32, #tpu.memory_space<vmem>>) target(%dma_start3A_547 : memref<512x128xf32, #tpu.memory_space<vmem_shared>>) offsets(%dma_start3A_544 : memref<80xi32, #tpu.memory_space<vmem>>) semaphore(%arg31 : memref<!tpu.dma_semaphore, #tpu.memory_space<semaphore_mem>>) {add = true}
      %add3A_548 = arith.constant 3 : i32
      %add3A_549 = arith.addi %add3A_520, %add3A_548 : i32
      %lt3A_550 = arith.constant 125 : i32
      %lt3A_551 = arith.cmpi slt, %add3A_549, %lt3A_550 : i32
      %convert_element_type3A_552 = arith.extui %lt3A_551 : i1 to i32
      %cond3A_553 = arith.constant 0 : i32
      %cond3A_554 = arith.cmpi ne, %convert_element_type3A_552, %cond3A_553 : i32
      scf.if %cond3A_554 {
        %ge3A = arith.constant 5 : i32
        %ge3A_591 = arith.cmpi sge, %add3A_520, %ge3A : i32
        %convert_element_type3A_592 = arith.extui %ge3A_591 : i1 to i32
        %cond3A_593 = arith.constant 0 : i32
        %cond3A_594 = arith.cmpi ne, %convert_element_type3A_592, %cond3A_593 : i32
        scf.if %cond3A_594 {
          %dma_wait3A_606 = arith.constant 0 : i32
          %dma_wait3A_607 = arith.constant 0 : i32
          %dma_wait3A_608 = tpu.memref_slice %arg14[%dma_wait3A_606, %dma_wait3A_607] : memref<125x80xi32, #tpu.memory_space<vmem>> -> memref<1x80xi32, #tpu.memory_space<vmem>>
          %dma_wait3A_609 = tpu.memref_squeeze %dma_wait3A_608 : memref<1x80xi32, #tpu.memory_space<vmem>> -> memref<80xi32, #tpu.memory_space<vmem>>
          %dma_wait3A_610 = arith.constant 0 : i32
          %dma_wait3A_611 = arith.constant 0 : i32
          %dma_wait3A_612 = tpu.memref_slice %arg16[%dma_wait3A_610, %dma_wait3A_611] : memref<512x128xf32, #tpu.memory_space<vmem_shared>> -> memref<512x128xf32, #tpu.memory_space<vmem_shared>>
          tpu.wait_indirect_dma semaphore(%arg26 : memref<!tpu.dma_semaphore, #tpu.memory_space<semaphore_mem>>) src(%arg7 : memref<80x128xf32, #tpu.memory_space<vmem>>) dst(%dma_wait3A_612 : memref<512x128xf32, #tpu.memory_space<vmem_shared>>)
        } else {
        }
        %mul3A_595 = arith.constant 10000 : i32
        %mul3A_596 = arith.muli %add3A, %mul3A_595 : i32
        %mul3A_597 = arith.constant 80 : i32
        %mul3A_598 = arith.muli %add3A_520, %mul3A_597 : i32
        %add3A_599 = arith.addi %mul3A_596, %mul3A_598 : i32
        %add3A_600 = arith.constant 240 : i32
        %add3A_601 = arith.addi %add3A_599, %add3A_600 : i32
        %dma_start3A_602 = arith.constant 0 : i32
        %dma_start3A_603 = tpu.memref_slice %arg2[%add3A_601, %dma_start3A_602] : memref<320000x128xf32, #tpu.memory_space<hbm>> -> memref<80x128xf32, #tpu.memory_space<hbm>>
        %dma_start3A_604 = arith.constant 0 : i32
        %dma_start3A_605 = tpu.memref_slice %arg2[%add3A_601, %dma_start3A_604] : memref<320000x128xf32, #tpu.memory_space<hbm>> -> memref<80x128xf32, #tpu.memory_space<hbm>>
        tpu.enqueue_dma source(%dma_start3A_605 : memref<80x128xf32, #tpu.memory_space<hbm>>) target(%arg7 : memref<80x128xf32, #tpu.memory_space<vmem>>) target_semaphore(%arg18 : memref<!tpu.dma_semaphore, #tpu.memory_space<semaphore_mem>>)
      } else {
      }
      %add3A_555 = arith.constant 7 : i32
      %add3A_556 = arith.addi %add3A_305, %add3A_555 : i32
      %dma_wait3A_557 = arith.constant 0 : i32
      %dma_wait3A_558 = arith.constant 0 : i32
      %dma_wait3A_559 = tpu.memref_slice %arg2[%dma_wait3A_557, %dma_wait3A_558] : memref<320000x128xf32, #tpu.memory_space<hbm>> -> memref<80x128xf32, #tpu.memory_space<hbm>>
      %dma_wait3A_560 = arith.constant 0 : i32
      %dma_wait3A_561 = arith.constant 0 : i32
      %dma_wait3A_562 = tpu.memref_slice %arg2[%dma_wait3A_560, %dma_wait3A_561] : memref<320000x128xf32, #tpu.memory_space<hbm>> -> memref<80x128xf32, #tpu.memory_space<hbm>>
      tpu.wait_dma2 semaphore(%arg24 : memref<!tpu.dma_semaphore, #tpu.memory_space<semaphore_mem>>) src(%dma_wait3A_562 : memref<80x128xf32, #tpu.memory_space<hbm>>) dst(%arg13 : memref<80x128xf32, #tpu.memory_space<vmem>>)
      %get3A_563 = arith.index_cast %add3A_556 : i32 to index
      %get3A_564 = arith.constant 0 : index
      %get3A_565 = tpu.vector_load %arg14[%get3A_563, %get3A_564] {strides = array<i32>} : memref<125x80xi32, #tpu.memory_space<vmem>>, vector<16xi32>,
      tpu.vector_store_idx %arg15[%get3A_565], %broadcast_in_dim3A_37 {add = true} : memref<512xf32, #tpu.memory_space<vmem>>[vector<16xi32>], vector<16xf32>,
      %get3A_566 = arith.index_cast %add3A_556 : i32 to index
      %get3A_567 = arith.constant 16 : index
      %get3A_568 = tpu.vector_load %arg14[%get3A_566, %get3A_567] {strides = array<i32>} : memref<125x80xi32, #tpu.memory_space<vmem>>, vector<16xi32>,
      tpu.vector_store_idx %arg15[%get3A_568], %broadcast_in_dim3A_37 {add = true} : memref<512xf32, #tpu.memory_space<vmem>>[vector<16xi32>], vector<16xf32>,
      %get3A_569 = arith.index_cast %add3A_556 : i32 to index
      %get3A_570 = arith.constant 32 : index
      %get3A_571 = tpu.vector_load %arg14[%get3A_569, %get3A_570] {strides = array<i32>} : memref<125x80xi32, #tpu.memory_space<vmem>>, vector<16xi32>,
      tpu.vector_store_idx %arg15[%get3A_571], %broadcast_in_dim3A_37 {add = true} : memref<512xf32, #tpu.memory_space<vmem>>[vector<16xi32>], vector<16xf32>,
      %get3A_572 = arith.index_cast %add3A_556 : i32 to index
      %get3A_573 = arith.constant 48 : index
      %get3A_574 = tpu.vector_load %arg14[%get3A_572, %get3A_573] {strides = array<i32>} : memref<125x80xi32, #tpu.memory_space<vmem>>, vector<16xi32>,
      tpu.vector_store_idx %arg15[%get3A_574], %broadcast_in_dim3A_37 {add = true} : memref<512xf32, #tpu.memory_space<vmem>>[vector<16xi32>], vector<16xf32>,
      %get3A_575 = arith.index_cast %add3A_556 : i32 to index
      %get3A_576 = arith.constant 64 : index
      %get3A_577 = tpu.vector_load %arg14[%get3A_575, %get3A_576] {strides = array<i32>} : memref<125x80xi32, #tpu.memory_space<vmem>>, vector<16xi32>,
      tpu.vector_store_idx %arg15[%get3A_577], %broadcast_in_dim3A_37 {add = true} : memref<512xf32, #tpu.memory_space<vmem>>[vector<16xi32>], vector<16xf32>,
      %dma_start3A_578 = arith.constant 0 : i32
      %dma_start3A_579 = tpu.memref_slice %arg14[%add3A_556, %dma_start3A_578] : memref<125x80xi32, #tpu.memory_space<vmem>> -> memref<1x80xi32, #tpu.memory_space<vmem>>
      %dma_start3A_580 = tpu.memref_squeeze %dma_start3A_579 : memref<1x80xi32, #tpu.memory_space<vmem>> -> memref<80xi32, #tpu.memory_space<vmem>>
      %dma_start3A_581 = arith.constant 0 : i32
      %dma_start3A_582 = arith.constant 0 : i32
      %dma_start3A_583 = tpu.memref_slice %arg16[%dma_start3A_581, %dma_start3A_582] : memref<512x128xf32, #tpu.memory_space<vmem_shared>> -> memref<512x128xf32, #tpu.memory_space<vmem_shared>>
      tpu.enqueue_indirect_dma source(%arg13 : memref<80x128xf32, #tpu.memory_space<vmem>>) target(%dma_start3A_583 : memref<512x128xf32, #tpu.memory_space<vmem_shared>>) offsets(%dma_start3A_580 : memref<80xi32, #tpu.memory_space<vmem>>) semaphore(%arg32 : memref<!tpu.dma_semaphore, #tpu.memory_space<semaphore_mem>>) {add = true}
      %add3A_584 = arith.constant 3 : i32
      %add3A_585 = arith.addi %add3A_556, %add3A_584 : i32
      %lt3A_586 = arith.constant 125 : i32
      %lt3A_587 = arith.cmpi slt, %add3A_585, %lt3A_586 : i32
      %convert_element_type3A_588 = arith.extui %lt3A_587 : i1 to i32
      %cond3A_589 = arith.constant 0 : i32
      %cond3A_590 = arith.cmpi ne, %convert_element_type3A_588, %cond3A_589 : i32
      scf.if %cond3A_590 {
        %ge3A = arith.constant 5 : i32
        %ge3A_591 = arith.cmpi sge, %add3A_556, %ge3A : i32
        %convert_element_type3A_592 = arith.extui %ge3A_591 : i1 to i32
        %cond3A_593 = arith.constant 0 : i32
        %cond3A_594 = arith.cmpi ne, %convert_element_type3A_592, %cond3A_593 : i32
        scf.if %cond3A_594 {
          %dma_wait3A_606 = arith.constant 0 : i32
          %dma_wait3A_607 = arith.constant 0 : i32
          %dma_wait3A_608 = tpu.memref_slice %arg14[%dma_wait3A_606, %dma_wait3A_607] : memref<125x80xi32, #tpu.memory_space<vmem>> -> memref<1x80xi32, #tpu.memory_space<vmem>>
          %dma_wait3A_609 = tpu.memref_squeeze %dma_wait3A_608 : memref<1x80xi32, #tpu.memory_space<vmem>> -> memref<80xi32, #tpu.memory_space<vmem>>
          %dma_wait3A_610 = arith.constant 0 : i32
          %dma_wait3A_611 = arith.constant 0 : i32
          %dma_wait3A_612 = tpu.memref_slice %arg16[%dma_wait3A_610, %dma_wait3A_611] : memref<512x128xf32, #tpu.memory_space<vmem_shared>> -> memref<512x128xf32, #tpu.memory_space<vmem_shared>>
          tpu.wait_indirect_dma semaphore(%arg27 : memref<!tpu.dma_semaphore, #tpu.memory_space<semaphore_mem>>) src(%arg8 : memref<80x128xf32, #tpu.memory_space<vmem>>) dst(%dma_wait3A_612 : memref<512x128xf32, #tpu.memory_space<vmem_shared>>)
        } else {
        }
        %mul3A_595 = arith.constant 10000 : i32
        %mul3A_596 = arith.muli %add3A, %mul3A_595 : i32
        %mul3A_597 = arith.constant 80 : i32
        %mul3A_598 = arith.muli %add3A_556, %mul3A_597 : i32
        %add3A_599 = arith.addi %mul3A_596, %mul3A_598 : i32
        %add3A_600 = arith.constant 240 : i32
        %add3A_601 = arith.addi %add3A_599, %add3A_600 : i32
        %dma_start3A_602 = arith.constant 0 : i32
        %dma_start3A_603 = tpu.memref_slice %arg2[%add3A_601, %dma_start3A_602] : memref<320000x128xf32, #tpu.memory_space<hbm>> -> memref<80x128xf32, #tpu.memory_space<hbm>>
        %dma_start3A_604 = arith.constant 0 : i32
        %dma_start3A_605 = tpu.memref_slice %arg2[%add3A_601, %dma_start3A_604] : memref<320000x128xf32, #tpu.memory_space<hbm>> -> memref<80x128xf32, #tpu.memory_space<hbm>>
        tpu.enqueue_dma source(%dma_start3A_605 : memref<80x128xf32, #tpu.memory_space<hbm>>) target(%arg8 : memref<80x128xf32, #tpu.memory_space<vmem>>) target_semaphore(%arg19 : memref<!tpu.dma_semaphore, #tpu.memory_space<semaphore_mem>>)
      } else {
      }
    }
    %scan3A_42 = arith.constant 15 : i32
    %dma_wait3A = arith.constant 0 : i32
    %dma_wait3A_43 = arith.constant 0 : i32
    %dma_wait3A_44 = tpu.memref_slice %arg2[%dma_wait3A, %dma_wait3A_43] : memref<320000x128xf32, #tpu.memory_space<hbm>> -> memref<80x128xf32, #tpu.memory_space<hbm>>
    %dma_wait3A_45 = arith.constant 0 : i32
    %dma_wait3A_46 = arith.constant 0 : i32
    %dma_wait3A_47 = tpu.memref_slice %arg2[%dma_wait3A_45, %dma_wait3A_46] : memref<320000x128xf32, #tpu.memory_space<hbm>> -> memref<80x128xf32, #tpu.memory_space<hbm>>
    tpu.wait_dma2 semaphore(%arg17 : memref<!tpu.dma_semaphore, #tpu.memory_space<semaphore_mem>>) src(%dma_wait3A_47 : memref<80x128xf32, #tpu.memory_space<hbm>>) dst(%arg6 : memref<80x128xf32, #tpu.memory_space<vmem>>)
    %get3A = arith.constant 120 : i32
    %get3A_48 = arith.index_cast %get3A : i32 to index
    %get3A_49 = arith.constant 0 : index
    %get3A_50 = tpu.vector_load %arg14[%get3A_48, %get3A_49] {strides = array<i32>} : memref<125x80xi32, #tpu.memory_space<vmem>>, vector<16xi32>,
    tpu.vector_store_idx %arg15[%get3A_50], %broadcast_in_dim3A_37 {add = true} : memref<512xf32, #tpu.memory_space<vmem>>[vector<16xi32>], vector<16xf32>,
    %get3A_51 = arith.constant 120 : i32
    %get3A_52 = arith.index_cast %get3A_51 : i32 to index
    %get3A_53 = arith.constant 16 : index
    %get3A_54 = tpu.vector_load %arg14[%get3A_52, %get3A_53] {strides = array<i32>} : memref<125x80xi32, #tpu.memory_space<vmem>>, vector<16xi32>,
    tpu.vector_store_idx %arg15[%get3A_54], %broadcast_in_dim3A_37 {add = true} : memref<512xf32, #tpu.memory_space<vmem>>[vector<16xi32>], vector<16xf32>,
    %get3A_55 = arith.constant 120 : i32
    %get3A_56 = arith.index_cast %get3A_55 : i32 to index
    %get3A_57 = arith.constant 32 : index
    %get3A_58 = tpu.vector_load %arg14[%get3A_56, %get3A_57] {strides = array<i32>} : memref<125x80xi32, #tpu.memory_space<vmem>>, vector<16xi32>,
    tpu.vector_store_idx %arg15[%get3A_58], %broadcast_in_dim3A_37 {add = true} : memref<512xf32, #tpu.memory_space<vmem>>[vector<16xi32>], vector<16xf32>,
    %get3A_59 = arith.constant 120 : i32
    %get3A_60 = arith.index_cast %get3A_59 : i32 to index
    %get3A_61 = arith.constant 48 : index
    %get3A_62 = tpu.vector_load %arg14[%get3A_60, %get3A_61] {strides = array<i32>} : memref<125x80xi32, #tpu.memory_space<vmem>>, vector<16xi32>,
    tpu.vector_store_idx %arg15[%get3A_62], %broadcast_in_dim3A_37 {add = true} : memref<512xf32, #tpu.memory_space<vmem>>[vector<16xi32>], vector<16xf32>,
    %get3A_63 = arith.constant 120 : i32
    %get3A_64 = arith.index_cast %get3A_63 : i32 to index
    %get3A_65 = arith.constant 64 : index
    %get3A_66 = tpu.vector_load %arg14[%get3A_64, %get3A_65] {strides = array<i32>} : memref<125x80xi32, #tpu.memory_space<vmem>>, vector<16xi32>,
    tpu.vector_store_idx %arg15[%get3A_66], %broadcast_in_dim3A_37 {add = true} : memref<512xf32, #tpu.memory_space<vmem>>[vector<16xi32>], vector<16xf32>,
    %dma_start3A_67 = arith.constant 120 : i32
    %dma_start3A_68 = arith.constant 0 : i32
    %dma_start3A_69 = tpu.memref_slice %arg14[%dma_start3A_67, %dma_start3A_68] : memref<125x80xi32, #tpu.memory_space<vmem>> -> memref<1x80xi32, #tpu.memory_space<vmem>>
    %dma_start3A_70 = tpu.memref_squeeze %dma_start3A_69 : memref<1x80xi32, #tpu.memory_space<vmem>> -> memref<80xi32, #tpu.memory_space<vmem>>
    %dma_start3A_71 = arith.constant 0 : i32
    %dma_start3A_72 = arith.constant 0 : i32
    %dma_start3A_73 = tpu.memref_slice %arg16[%dma_start3A_71, %dma_start3A_72] : memref<512x128xf32, #tpu.memory_space<vmem_shared>> -> memref<512x128xf32, #tpu.memory_space<vmem_shared>>
    tpu.enqueue_indirect_dma source(%arg6 : memref<80x128xf32, #tpu.memory_space<vmem>>) target(%dma_start3A_73 : memref<512x128xf32, #tpu.memory_space<vmem_shared>>) offsets(%dma_start3A_70 : memref<80xi32, #tpu.memory_space<vmem>>) semaphore(%arg25 : memref<!tpu.dma_semaphore, #tpu.memory_space<semaphore_mem>>) {add = true}
    %dma_wait3A_74 = arith.constant 0 : i32
    %dma_wait3A_75 = arith.constant 0 : i32
    %dma_wait3A_76 = tpu.memref_slice %arg14[%dma_wait3A_74, %dma_wait3A_75] : memref<125x80xi32, #tpu.memory_space<vmem>> -> memref<1x80xi32, #tpu.memory_space<vmem>>
    %dma_wait3A_77 = tpu.memref_squeeze %dma_wait3A_76 : memref<1x80xi32, #tpu.memory_space<vmem>> -> memref<80xi32, #tpu.memory_space<vmem>>
    %dma_wait3A_78 = arith.constant 0 : i32
    %dma_wait3A_79 = arith.constant 0 : i32
    %dma_wait3A_80 = tpu.memref_slice %arg16[%dma_wait3A_78, %dma_wait3A_79] : memref<512x128xf32, #tpu.memory_space<vmem_shared>> -> memref<512x128xf32, #tpu.memory_space<vmem_shared>>
    tpu.wait_indirect_dma semaphore(%arg28 : memref<!tpu.dma_semaphore, #tpu.memory_space<semaphore_mem>>) src(%arg9 : memref<80x128xf32, #tpu.memory_space<vmem>>) dst(%dma_wait3A_80 : memref<512x128xf32, #tpu.memory_space<vmem_shared>>)
    %mul3A_81 = arith.constant 10000 : i32
    %mul3A_82 = arith.muli %add3A, %mul3A_81 : i32
    %add3A_83 = arith.constant 9600 : i32
    %add3A_84 = arith.addi %mul3A_82, %add3A_83 : i32
    %add3A_85 = arith.constant 240 : i32
    %add3A_86 = arith.addi %add3A_84, %add3A_85 : i32
    %dma_start3A_87 = arith.constant 0 : i32
    %dma_start3A_88 = tpu.memref_slice %arg2[%add3A_86, %dma_start3A_87] : memref<320000x128xf32, #tpu.memory_space<hbm>> -> memref<80x128xf32, #tpu.memory_space<hbm>>
    %dma_start3A_89 = arith.constant 0 : i32
    %dma_start3A_90 = tpu.memref_slice %arg2[%add3A_86, %dma_start3A_89] : memref<320000x128xf32, #tpu.memory_space<hbm>> -> memref<80x128xf32, #tpu.memory_space<hbm>>
    tpu.enqueue_dma source(%dma_start3A_90 : memref<80x128xf32, #tpu.memory_space<hbm>>) target(%arg9 : memref<80x128xf32, #tpu.memory_space<vmem>>) target_semaphore(%arg20 : memref<!tpu.dma_semaphore, #tpu.memory_space<semaphore_mem>>)
    %dma_wait3A_91 = arith.constant 0 : i32
    %dma_wait3A_92 = arith.constant 0 : i32
    %dma_wait3A_93 = tpu.memref_slice %arg2[%dma_wait3A_91, %dma_wait3A_92] : memref<320000x128xf32, #tpu.memory_space<hbm>> -> memref<80x128xf32, #tpu.memory_space<hbm>>
    %dma_wait3A_94 = arith.constant 0 : i32
    %dma_wait3A_95 = arith.constant 0 : i32
    %dma_wait3A_96 = tpu.memref_slice %arg2[%dma_wait3A_94, %dma_wait3A_95] : memref<320000x128xf32, #tpu.memory_space<hbm>> -> memref<80x128xf32, #tpu.memory_space<hbm>>
    tpu.wait_dma2 semaphore(%arg18 : memref<!tpu.dma_semaphore, #tpu.memory_space<semaphore_mem>>) src(%dma_wait3A_96 : memref<80x128xf32, #tpu.memory_space<hbm>>) dst(%arg7 : memref<80x128xf32, #tpu.memory_space<vmem>>)
    %get3A_97 = arith.constant 121 : i32
    %get3A_98 = arith.index_cast %get3A_97 : i32 to index
    %get3A_99 = arith.constant 0 : index
    %get3A_100 = tpu.vector_load %arg14[%get3A_98, %get3A_99] {strides = array<i32>} : memref<125x80xi32, #tpu.memory_space<vmem>>, vector<16xi32>,
    tpu.vector_store_idx %arg15[%get3A_100], %broadcast_in_dim3A_37 {add = true} : memref<512xf32, #tpu.memory_space<vmem>>[vector<16xi32>], vector<16xf32>,
    %get3A_101 = arith.constant 121 : i32
    %get3A_102 = arith.index_cast %get3A_101 : i32 to index
    %get3A_103 = arith.constant 16 : index
    %get3A_104 = tpu.vector_load %arg14[%get3A_102, %get3A_103] {strides = array<i32>} : memref<125x80xi32, #tpu.memory_space<vmem>>, vector<16xi32>,
    tpu.vector_store_idx %arg15[%get3A_104], %broadcast_in_dim3A_37 {add = true} : memref<512xf32, #tpu.memory_space<vmem>>[vector<16xi32>], vector<16xf32>,
    %get3A_105 = arith.constant 121 : i32
    %get3A_106 = arith.index_cast %get3A_105 : i32 to index
    %get3A_107 = arith.constant 32 : index
    %get3A_108 = tpu.vector_load %arg14[%get3A_106, %get3A_107] {strides = array<i32>} : memref<125x80xi32, #tpu.memory_space<vmem>>, vector<16xi32>,
    tpu.vector_store_idx %arg15[%get3A_108], %broadcast_in_dim3A_37 {add = true} : memref<512xf32, #tpu.memory_space<vmem>>[vector<16xi32>], vector<16xf32>,
    %get3A_109 = arith.constant 121 : i32
    %get3A_110 = arith.index_cast %get3A_109 : i32 to index
    %get3A_111 = arith.constant 48 : index
    %get3A_112 = tpu.vector_load %arg14[%get3A_110, %get3A_111] {strides = array<i32>} : memref<125x80xi32, #tpu.memory_space<vmem>>, vector<16xi32>,
    tpu.vector_store_idx %arg15[%get3A_112], %broadcast_in_dim3A_37 {add = true} : memref<512xf32, #tpu.memory_space<vmem>>[vector<16xi32>], vector<16xf32>,
    %get3A_113 = arith.constant 121 : i32
    %get3A_114 = arith.index_cast %get3A_113 : i32 to index
    %get3A_115 = arith.constant 64 : index
    %get3A_116 = tpu.vector_load %arg14[%get3A_114, %get3A_115] {strides = array<i32>} : memref<125x80xi32, #tpu.memory_space<vmem>>, vector<16xi32>,
    tpu.vector_store_idx %arg15[%get3A_116], %broadcast_in_dim3A_37 {add = true} : memref<512xf32, #tpu.memory_space<vmem>>[vector<16xi32>], vector<16xf32>,
    %dma_start3A_117 = arith.constant 121 : i32
    %dma_start3A_118 = arith.constant 0 : i32
    %dma_start3A_119 = tpu.memref_slice %arg14[%dma_start3A_117, %dma_start3A_118] : memref<125x80xi32, #tpu.memory_space<vmem>> -> memref<1x80xi32, #tpu.memory_space<vmem>>
    %dma_start3A_120 = tpu.memref_squeeze %dma_start3A_119 : memref<1x80xi32, #tpu.memory_space<vmem>> -> memref<80xi32, #tpu.memory_space<vmem>>
    %dma_start3A_121 = arith.constant 0 : i32
    %dma_start3A_122 = arith.constant 0 : i32
    %dma_start3A_123 = tpu.memref_slice %arg16[%dma_start3A_121, %dma_start3A_122] : memref<512x128xf32, #tpu.memory_space<vmem_shared>> -> memref<512x128xf32, #tpu.memory_space<vmem_shared>>
    tpu.enqueue_indirect_dma source(%arg7 : memref<80x128xf32, #tpu.memory_space<vmem>>) target(%dma_start3A_123 : memref<512x128xf32, #tpu.memory_space<vmem_shared>>) offsets(%dma_start3A_120 : memref<80xi32, #tpu.memory_space<vmem>>) semaphore(%arg26 : memref<!tpu.dma_semaphore, #tpu.memory_space<semaphore_mem>>) {add = true}
    %dma_wait3A_124 = arith.constant 0 : i32
    %dma_wait3A_125 = arith.constant 0 : i32
    %dma_wait3A_126 = tpu.memref_slice %arg14[%dma_wait3A_124, %dma_wait3A_125] : memref<125x80xi32, #tpu.memory_space<vmem>> -> memref<1x80xi32, #tpu.memory_space<vmem>>
    %dma_wait3A_127 = tpu.memref_squeeze %dma_wait3A_126 : memref<1x80xi32, #tpu.memory_space<vmem>> -> memref<80xi32, #tpu.memory_space<vmem>>
    %dma_wait3A_128 = arith.constant 0 : i32
    %dma_wait3A_129 = arith.constant 0 : i32
    %dma_wait3A_130 = tpu.memref_slice %arg16[%dma_wait3A_128, %dma_wait3A_129] : memref<512x128xf32, #tpu.memory_space<vmem_shared>> -> memref<512x128xf32, #tpu.memory_space<vmem_shared>>
    tpu.wait_indirect_dma semaphore(%arg29 : memref<!tpu.dma_semaphore, #tpu.memory_space<semaphore_mem>>) src(%arg10 : memref<80x128xf32, #tpu.memory_space<vmem>>) dst(%dma_wait3A_130 : memref<512x128xf32, #tpu.memory_space<vmem_shared>>)
    %mul3A_131 = arith.constant 10000 : i32
    %mul3A_132 = arith.muli %add3A, %mul3A_131 : i32
    %add3A_133 = arith.constant 9680 : i32
    %add3A_134 = arith.addi %mul3A_132, %add3A_133 : i32
    %add3A_135 = arith.constant 240 : i32
    %add3A_136 = arith.addi %add3A_134, %add3A_135 : i32
    %dma_start3A_137 = arith.constant 0 : i32
    %dma_start3A_138 = tpu.memref_slice %arg2[%add3A_136, %dma_start3A_137] : memref<320000x128xf32, #tpu.memory_space<hbm>> -> memref<80x128xf32, #tpu.memory_space<hbm>>
    %dma_start3A_139 = arith.constant 0 : i32
    %dma_start3A_140 = tpu.memref_slice %arg2[%add3A_136, %dma_start3A_139] : memref<320000x128xf32, #tpu.memory_space<hbm>> -> memref<80x128xf32, #tpu.memory_space<hbm>>
    tpu.enqueue_dma source(%dma_start3A_140 : memref<80x128xf32, #tpu.memory_space<hbm>>) target(%arg10 : memref<80x128xf32, #tpu.memory_space<vmem>>) target_semaphore(%arg21 : memref<!tpu.dma_semaphore, #tpu.memory_space<semaphore_mem>>)
    %dma_wait3A_141 = arith.constant 0 : i32
    %dma_wait3A_142 = arith.constant 0 : i32
    %dma_wait3A_143 = tpu.memref_slice %arg2[%dma_wait3A_141, %dma_wait3A_142] : memref<320000x128xf32, #tpu.memory_space<hbm>> -> memref<80x128xf32, #tpu.memory_space<hbm>>
    %dma_wait3A_144 = arith.constant 0 : i32
    %dma_wait3A_145 = arith.constant 0 : i32
    %dma_wait3A_146 = tpu.memref_slice %arg2[%dma_wait3A_144, %dma_wait3A_145] : memref<320000x128xf32, #tpu.memory_space<hbm>> -> memref<80x128xf32, #tpu.memory_space<hbm>>
    tpu.wait_dma2 semaphore(%arg19 : memref<!tpu.dma_semaphore, #tpu.memory_space<semaphore_mem>>) src(%dma_wait3A_146 : memref<80x128xf32, #tpu.memory_space<hbm>>) dst(%arg8 : memref<80x128xf32, #tpu.memory_space<vmem>>)
    %get3A_147 = arith.constant 122 : i32
    %get3A_148 = arith.index_cast %get3A_147 : i32 to index
    %get3A_149 = arith.constant 0 : index
    %get3A_150 = tpu.vector_load %arg14[%get3A_148, %get3A_149] {strides = array<i32>} : memref<125x80xi32, #tpu.memory_space<vmem>>, vector<16xi32>,
    tpu.vector_store_idx %arg15[%get3A_150], %broadcast_in_dim3A_37 {add = true} : memref<512xf32, #tpu.memory_space<vmem>>[vector<16xi32>], vector<16xf32>,
    %get3A_151 = arith.constant 122 : i32
    %get3A_152 = arith.index_cast %get3A_151 : i32 to index
    %get3A_153 = arith.constant 16 : index
    %get3A_154 = tpu.vector_load %arg14[%get3A_152, %get3A_153] {strides = array<i32>} : memref<125x80xi32, #tpu.memory_space<vmem>>, vector<16xi32>,
    tpu.vector_store_idx %arg15[%get3A_154], %broadcast_in_dim3A_37 {add = true} : memref<512xf32, #tpu.memory_space<vmem>>[vector<16xi32>], vector<16xf32>,
    %get3A_155 = arith.constant 122 : i32
    %get3A_156 = arith.index_cast %get3A_155 : i32 to index
    %get3A_157 = arith.constant 32 : index
    %get3A_158 = tpu.vector_load %arg14[%get3A_156, %get3A_157] {strides = array<i32>} : memref<125x80xi32, #tpu.memory_space<vmem>>, vector<16xi32>,
    tpu.vector_store_idx %arg15[%get3A_158], %broadcast_in_dim3A_37 {add = true} : memref<512xf32, #tpu.memory_space<vmem>>[vector<16xi32>], vector<16xf32>,
    %get3A_159 = arith.constant 122 : i32
    %get3A_160 = arith.index_cast %get3A_159 : i32 to index
    %get3A_161 = arith.constant 48 : index
    %get3A_162 = tpu.vector_load %arg14[%get3A_160, %get3A_161] {strides = array<i32>} : memref<125x80xi32, #tpu.memory_space<vmem>>, vector<16xi32>,
    tpu.vector_store_idx %arg15[%get3A_162], %broadcast_in_dim3A_37 {add = true} : memref<512xf32, #tpu.memory_space<vmem>>[vector<16xi32>], vector<16xf32>,
    %get3A_163 = arith.constant 122 : i32
    %get3A_164 = arith.index_cast %get3A_163 : i32 to index
    %get3A_165 = arith.constant 64 : index
    %get3A_166 = tpu.vector_load %arg14[%get3A_164, %get3A_165] {strides = array<i32>} : memref<125x80xi32, #tpu.memory_space<vmem>>, vector<16xi32>,
    tpu.vector_store_idx %arg15[%get3A_166], %broadcast_in_dim3A_37 {add = true} : memref<512xf32, #tpu.memory_space<vmem>>[vector<16xi32>], vector<16xf32>,
    %dma_start3A_167 = arith.constant 122 : i32
    %dma_start3A_168 = arith.constant 0 : i32
    %dma_start3A_169 = tpu.memref_slice %arg14[%dma_start3A_167, %dma_start3A_168] : memref<125x80xi32, #tpu.memory_space<vmem>> -> memref<1x80xi32, #tpu.memory_space<vmem>>
    %dma_start3A_170 = tpu.memref_squeeze %dma_start3A_169 : memref<1x80xi32, #tpu.memory_space<vmem>> -> memref<80xi32, #tpu.memory_space<vmem>>
    %dma_start3A_171 = arith.constant 0 : i32
    %dma_start3A_172 = arith.constant 0 : i32
    %dma_start3A_173 = tpu.memref_slice %arg16[%dma_start3A_171, %dma_start3A_172] : memref<512x128xf32, #tpu.memory_space<vmem_shared>> -> memref<512x128xf32, #tpu.memory_space<vmem_shared>>
    tpu.enqueue_indirect_dma source(%arg8 : memref<80x128xf32, #tpu.memory_space<vmem>>) target(%dma_start3A_173 : memref<512x128xf32, #tpu.memory_space<vmem_shared>>) offsets(%dma_start3A_170 : memref<80xi32, #tpu.memory_space<vmem>>) semaphore(%arg27 : memref<!tpu.dma_semaphore, #tpu.memory_space<semaphore_mem>>) {add = true}
    %dma_wait3A_174 = arith.constant 0 : i32
    %dma_wait3A_175 = arith.constant 0 : i32
    %dma_wait3A_176 = tpu.memref_slice %arg2[%dma_wait3A_174, %dma_wait3A_175] : memref<320000x128xf32, #tpu.memory_space<hbm>> -> memref<80x128xf32, #tpu.memory_space<hbm>>
    %dma_wait3A_177 = arith.constant 0 : i32
    %dma_wait3A_178 = arith.constant 0 : i32
    %dma_wait3A_179 = tpu.memref_slice %arg2[%dma_wait3A_177, %dma_wait3A_178] : memref<320000x128xf32, #tpu.memory_space<hbm>> -> memref<80x128xf32, #tpu.memory_space<hbm>>
    tpu.wait_dma2 semaphore(%arg20 : memref<!tpu.dma_semaphore, #tpu.memory_space<semaphore_mem>>) src(%dma_wait3A_179 : memref<80x128xf32, #tpu.memory_space<hbm>>) dst(%arg9 : memref<80x128xf32, #tpu.memory_space<vmem>>)
    %get3A_180 = arith.constant 123 : i32
    %get3A_181 = arith.index_cast %get3A_180 : i32 to index
    %get3A_182 = arith.constant 0 : index
    %get3A_183 = tpu.vector_load %arg14[%get3A_181, %get3A_182] {strides = array<i32>} : memref<125x80xi32, #tpu.memory_space<vmem>>, vector<16xi32>,
    tpu.vector_store_idx %arg15[%get3A_183], %broadcast_in_dim3A_37 {add = true} : memref<512xf32, #tpu.memory_space<vmem>>[vector<16xi32>], vector<16xf32>,
    %get3A_184 = arith.constant 123 : i32
    %get3A_185 = arith.index_cast %get3A_184 : i32 to index
    %get3A_186 = arith.constant 16 : index
    %get3A_187 = tpu.vector_load %arg14[%get3A_185, %get3A_186] {strides = array<i32>} : memref<125x80xi32, #tpu.memory_space<vmem>>, vector<16xi32>,
    tpu.vector_store_idx %arg15[%get3A_187], %broadcast_in_dim3A_37 {add = true} : memref<512xf32, #tpu.memory_space<vmem>>[vector<16xi32>], vector<16xf32>,
    %get3A_188 = arith.constant 123 : i32
    %get3A_189 = arith.index_cast %get3A_188 : i32 to index
    %get3A_190 = arith.constant 32 : index
    %get3A_191 = tpu.vector_load %arg14[%get3A_189, %get3A_190] {strides = array<i32>} : memref<125x80xi32, #tpu.memory_space<vmem>>, vector<16xi32>,
    tpu.vector_store_idx %arg15[%get3A_191], %broadcast_in_dim3A_37 {add = true} : memref<512xf32, #tpu.memory_space<vmem>>[vector<16xi32>], vector<16xf32>,
    %get3A_192 = arith.constant 123 : i32
    %get3A_193 = arith.index_cast %get3A_192 : i32 to index
    %get3A_194 = arith.constant 48 : index
    %get3A_195 = tpu.vector_load %arg14[%get3A_193, %get3A_194] {strides = array<i32>} : memref<125x80xi32, #tpu.memory_space<vmem>>, vector<16xi32>,
    tpu.vector_store_idx %arg15[%get3A_195], %broadcast_in_dim3A_37 {add = true} : memref<512xf32, #tpu.memory_space<vmem>>[vector<16xi32>], vector<16xf32>,
    %get3A_196 = arith.constant 123 : i32
    %get3A_197 = arith.index_cast %get3A_196 : i32 to index
    %get3A_198 = arith.constant 64 : index
    %get3A_199 = tpu.vector_load %arg14[%get3A_197, %get3A_198] {strides = array<i32>} : memref<125x80xi32, #tpu.memory_space<vmem>>, vector<16xi32>,
    tpu.vector_store_idx %arg15[%get3A_199], %broadcast_in_dim3A_37 {add = true} : memref<512xf32, #tpu.memory_space<vmem>>[vector<16xi32>], vector<16xf32>,
    %dma_start3A_200 = arith.constant 123 : i32
    %dma_start3A_201 = arith.constant 0 : i32
    %dma_start3A_202 = tpu.memref_slice %arg14[%dma_start3A_200, %dma_start3A_201] : memref<125x80xi32, #tpu.memory_space<vmem>> -> memref<1x80xi32, #tpu.memory_space<vmem>>
    %dma_start3A_203 = tpu.memref_squeeze %dma_start3A_202 : memref<1x80xi32, #tpu.memory_space<vmem>> -> memref<80xi32, #tpu.memory_space<vmem>>
    %dma_start3A_204 = arith.constant 0 : i32
    %dma_start3A_205 = arith.constant 0 : i32
    %dma_start3A_206 = tpu.memref_slice %arg16[%dma_start3A_204, %dma_start3A_205] : memref<512x128xf32, #tpu.memory_space<vmem_shared>> -> memref<512x128xf32, #tpu.memory_space<vmem_shared>>
    tpu.enqueue_indirect_dma source(%arg9 : memref<80x128xf32, #tpu.memory_space<vmem>>) target(%dma_start3A_206 : memref<512x128xf32, #tpu.memory_space<vmem_shared>>) offsets(%dma_start3A_203 : memref<80xi32, #tpu.memory_space<vmem>>) semaphore(%arg28 : memref<!tpu.dma_semaphore, #tpu.memory_space<semaphore_mem>>) {add = true}
    %dma_wait3A_207 = arith.constant 0 : i32
    %dma_wait3A_208 = arith.constant 0 : i32
    %dma_wait3A_209 = tpu.memref_slice %arg2[%dma_wait3A_207, %dma_wait3A_208] : memref<320000x128xf32, #tpu.memory_space<hbm>> -> memref<80x128xf32, #tpu.memory_space<hbm>>
    %dma_wait3A_210 = arith.constant 0 : i32
    %dma_wait3A_211 = arith.constant 0 : i32
    %dma_wait3A_212 = tpu.memref_slice %arg2[%dma_wait3A_210, %dma_wait3A_211] : memref<320000x128xf32, #tpu.memory_space<hbm>> -> memref<80x128xf32, #tpu.memory_space<hbm>>
    tpu.wait_dma2 semaphore(%arg21 : memref<!tpu.dma_semaphore, #tpu.memory_space<semaphore_mem>>) src(%dma_wait3A_212 : memref<80x128xf32, #tpu.memory_space<hbm>>) dst(%arg10 : memref<80x128xf32, #tpu.memory_space<vmem>>)
    %get3A_213 = arith.constant 124 : i32
    %get3A_214 = arith.index_cast %get3A_213 : i32 to index
    %get3A_215 = arith.constant 0 : index
    %get3A_216 = tpu.vector_load %arg14[%get3A_214, %get3A_215] {strides = array<i32>} : memref<125x80xi32, #tpu.memory_space<vmem>>, vector<16xi32>,
    tpu.vector_store_idx %arg15[%get3A_216], %broadcast_in_dim3A_37 {add = true} : memref<512xf32, #tpu.memory_space<vmem>>[vector<16xi32>], vector<16xf32>,
    %get3A_217 = arith.constant 124 : i32
    %get3A_218 = arith.index_cast %get3A_217 : i32 to index
    %get3A_219 = arith.constant 16 : index
    %get3A_220 = tpu.vector_load %arg14[%get3A_218, %get3A_219] {strides = array<i32>} : memref<125x80xi32, #tpu.memory_space<vmem>>, vector<16xi32>,
    tpu.vector_store_idx %arg15[%get3A_220], %broadcast_in_dim3A_37 {add = true} : memref<512xf32, #tpu.memory_space<vmem>>[vector<16xi32>], vector<16xf32>,
    %get3A_221 = arith.constant 124 : i32
    %get3A_222 = arith.index_cast %get3A_221 : i32 to index
    %get3A_223 = arith.constant 32 : index
    %get3A_224 = tpu.vector_load %arg14[%get3A_222, %get3A_223] {strides = array<i32>} : memref<125x80xi32, #tpu.memory_space<vmem>>, vector<16xi32>,
    tpu.vector_store_idx %arg15[%get3A_224], %broadcast_in_dim3A_37 {add = true} : memref<512xf32, #tpu.memory_space<vmem>>[vector<16xi32>], vector<16xf32>,
    %get3A_225 = arith.constant 124 : i32
    %get3A_226 = arith.index_cast %get3A_225 : i32 to index
    %get3A_227 = arith.constant 48 : index
    %get3A_228 = tpu.vector_load %arg14[%get3A_226, %get3A_227] {strides = array<i32>} : memref<125x80xi32, #tpu.memory_space<vmem>>, vector<16xi32>,
    tpu.vector_store_idx %arg15[%get3A_228], %broadcast_in_dim3A_37 {add = true} : memref<512xf32, #tpu.memory_space<vmem>>[vector<16xi32>], vector<16xf32>,
    %get3A_229 = arith.constant 124 : i32
    %get3A_230 = arith.index_cast %get3A_229 : i32 to index
    %get3A_231 = arith.constant 64 : index
    %get3A_232 = tpu.vector_load %arg14[%get3A_230, %get3A_231] {strides = array<i32>} : memref<125x80xi32, #tpu.memory_space<vmem>>, vector<16xi32>,
    tpu.vector_store_idx %arg15[%get3A_232], %broadcast_in_dim3A_37 {add = true} : memref<512xf32, #tpu.memory_space<vmem>>[vector<16xi32>], vector<16xf32>,
    %dma_start3A_233 = arith.constant 124 : i32
    %dma_start3A_234 = arith.constant 0 : i32
    %dma_start3A_235 = tpu.memref_slice %arg14[%dma_start3A_233, %dma_start3A_234] : memref<125x80xi32, #tpu.memory_space<vmem>> -> memref<1x80xi32, #tpu.memory_space<vmem>>
    %dma_start3A_236 = tpu.memref_squeeze %dma_start3A_235 : memref<1x80xi32, #tpu.memory_space<vmem>> -> memref<80xi32, #tpu.memory_space<vmem>>
    %dma_start3A_237 = arith.constant 0 : i32
    %dma_start3A_238 = arith.constant 0 : i32
    %dma_start3A_239 = tpu.memref_slice %arg16[%dma_start3A_237, %dma_start3A_238] : memref<512x128xf32, #tpu.memory_space<vmem_shared>> -> memref<512x128xf32, #tpu.memory_space<vmem_shared>>
    tpu.enqueue_indirect_dma source(%arg10 : memref<80x128xf32, #tpu.memory_space<vmem>>) target(%dma_start3A_239 : memref<512x128xf32, #tpu.memory_space<vmem_shared>>) offsets(%dma_start3A_236 : memref<80xi32, #tpu.memory_space<vmem>>) semaphore(%arg29 : memref<!tpu.dma_semaphore, #tpu.memory_space<semaphore_mem>>) {add = true}
    %dma_wait3A_240 = arith.constant 0 : i32
    %dma_wait3A_241 = arith.constant 0 : i32
    %dma_wait3A_242 = tpu.memref_slice %arg14[%dma_wait3A_240, %dma_wait3A_241] : memref<125x80xi32, #tpu.memory_space<vmem>> -> memref<1x80xi32, #tpu.memory_space<vmem>>
    %dma_wait3A_243 = tpu.memref_squeeze %dma_wait3A_242 : memref<1x80xi32, #tpu.memory_space<vmem>> -> memref<80xi32, #tpu.memory_space<vmem>>
    %dma_wait3A_244 = arith.constant 0 : i32
    %dma_wait3A_245 = arith.constant 0 : i32
    %dma_wait3A_246 = tpu.memref_slice %arg16[%dma_wait3A_244, %dma_wait3A_245] : memref<512x128xf32, #tpu.memory_space<vmem_shared>> -> memref<512x128xf32, #tpu.memory_space<vmem_shared>>
    tpu.wait_indirect_dma semaphore(%arg25 : memref<!tpu.dma_semaphore, #tpu.memory_space<semaphore_mem>>) src(%arg6 : memref<80x128xf32, #tpu.memory_space<vmem>>) dst(%dma_wait3A_246 : memref<512x128xf32, #tpu.memory_space<vmem_shared>>)
    %dma_wait3A_247 = arith.constant 0 : i32
    %dma_wait3A_248 = arith.constant 0 : i32
    %dma_wait3A_249 = tpu.memref_slice %arg14[%dma_wait3A_247, %dma_wait3A_248] : memref<125x80xi32, #tpu.memory_space<vmem>> -> memref<1x80xi32, #tpu.memory_space<vmem>>
    %dma_wait3A_250 = tpu.memref_squeeze %dma_wait3A_249 : memref<1x80xi32, #tpu.memory_space<vmem>> -> memref<80xi32, #tpu.memory_space<vmem>>
    %dma_wait3A_251 = arith.constant 0 : i32
    %dma_wait3A_252 = arith.constant 0 : i32
    %dma_wait3A_253 = tpu.memref_slice %arg16[%dma_wait3A_251, %dma_wait3A_252] : memref<512x128xf32, #tpu.memory_space<vmem_shared>> -> memref<512x128xf32, #tpu.memory_space<vmem_shared>>
    tpu.wait_indirect_dma semaphore(%arg26 : memref<!tpu.dma_semaphore, #tpu.memory_space<semaphore_mem>>) src(%arg7 : memref<80x128xf32, #tpu.memory_space<vmem>>) dst(%dma_wait3A_253 : memref<512x128xf32, #tpu.memory_space<vmem_shared>>)
    %dma_wait3A_254 = arith.constant 0 : i32
    %dma_wait3A_255 = arith.constant 0 : i32
    %dma_wait3A_256 = tpu.memref_slice %arg14[%dma_wait3A_254, %dma_wait3A_255] : memref<125x80xi32, #tpu.memory_space<vmem>> -> memref<1x80xi32, #tpu.memory_space<vmem>>
    %dma_wait3A_257 = tpu.memref_squeeze %dma_wait3A_256 : memref<1x80xi32, #tpu.memory_space<vmem>> -> memref<80xi32, #tpu.memory_space<vmem>>
    %dma_wait3A_258 = arith.constant 0 : i32
    %dma_wait3A_259 = arith.constant 0 : i32
    %dma_wait3A_260 = tpu.memref_slice %arg16[%dma_wait3A_258, %dma_wait3A_259] : memref<512x128xf32, #tpu.memory_space<vmem_shared>> -> memref<512x128xf32, #tpu.memory_space<vmem_shared>>
    tpu.wait_indirect_dma semaphore(%arg27 : memref<!tpu.dma_semaphore, #tpu.memory_space<semaphore_mem>>) src(%arg8 : memref<80x128xf32, #tpu.memory_space<vmem>>) dst(%dma_wait3A_260 : memref<512x128xf32, #tpu.memory_space<vmem_shared>>)
    %dma_wait3A_261 = arith.constant 0 : i32
    %dma_wait3A_262 = arith.constant 0 : i32
    %dma_wait3A_263 = tpu.memref_slice %arg14[%dma_wait3A_261, %dma_wait3A_262] : memref<125x80xi32, #tpu.memory_space<vmem>> -> memref<1x80xi32, #tpu.memory_space<vmem>>
    %dma_wait3A_264 = tpu.memref_squeeze %dma_wait3A_263 : memref<1x80xi32, #tpu.memory_space<vmem>> -> memref<80xi32, #tpu.memory_space<vmem>>
    %dma_wait3A_265 = arith.constant 0 : i32
    %dma_wait3A_266 = arith.constant 0 : i32
    %dma_wait3A_267 = tpu.memref_slice %arg16[%dma_wait3A_265, %dma_wait3A_266] : memref<512x128xf32, #tpu.memory_space<vmem_shared>> -> memref<512x128xf32, #tpu.memory_space<vmem_shared>>
    tpu.wait_indirect_dma semaphore(%arg28 : memref<!tpu.dma_semaphore, #tpu.memory_space<semaphore_mem>>) src(%arg9 : memref<80x128xf32, #tpu.memory_space<vmem>>) dst(%dma_wait3A_267 : memref<512x128xf32, #tpu.memory_space<vmem_shared>>)
    %dma_wait3A_268 = arith.constant 0 : i32
    %dma_wait3A_269 = arith.constant 0 : i32
    %dma_wait3A_270 = tpu.memref_slice %arg14[%dma_wait3A_268, %dma_wait3A_269] : memref<125x80xi32, #tpu.memory_space<vmem>> -> memref<1x80xi32, #tpu.memory_space<vmem>>
    %dma_wait3A_271 = tpu.memref_squeeze %dma_wait3A_270 : memref<1x80xi32, #tpu.memory_space<vmem>> -> memref<80xi32, #tpu.memory_space<vmem>>
    %dma_wait3A_272 = arith.constant 0 : i32
    %dma_wait3A_273 = arith.constant 0 : i32
    %dma_wait3A_274 = tpu.memref_slice %arg16[%dma_wait3A_272, %dma_wait3A_273] : memref<512x128xf32, #tpu.memory_space<vmem_shared>> -> memref<512x128xf32, #tpu.memory_space<vmem_shared>>
    tpu.wait_indirect_dma semaphore(%arg29 : memref<!tpu.dma_semaphore, #tpu.memory_space<semaphore_mem>>) src(%arg10 : memref<80x128xf32, #tpu.memory_space<vmem>>) dst(%dma_wait3A_274 : memref<512x128xf32, #tpu.memory_space<vmem_shared>>)
    %dma_wait3A_275 = arith.constant 0 : i32
    %dma_wait3A_276 = arith.constant 0 : i32
    %dma_wait3A_277 = tpu.memref_slice %arg14[%dma_wait3A_275, %dma_wait3A_276] : memref<125x80xi32, #tpu.memory_space<vmem>> -> memref<1x80xi32, #tpu.memory_space<vmem>>
    %dma_wait3A_278 = tpu.memref_squeeze %dma_wait3A_277 : memref<1x80xi32, #tpu.memory_space<vmem>> -> memref<80xi32, #tpu.memory_space<vmem>>
    %dma_wait3A_279 = arith.constant 0 : i32
    %dma_wait3A_280 = arith.constant 0 : i32
    %dma_wait3A_281 = tpu.memref_slice %arg16[%dma_wait3A_279, %dma_wait3A_280] : memref<512x128xf32, #tpu.memory_space<vmem_shared>> -> memref<512x128xf32, #tpu.memory_space<vmem_shared>>
    tpu.wait_indirect_dma semaphore(%arg30 : memref<!tpu.dma_semaphore, #tpu.memory_space<semaphore_mem>>) src(%arg11 : memref<80x128xf32, #tpu.memory_space<vmem>>) dst(%dma_wait3A_281 : memref<512x128xf32, #tpu.memory_space<vmem_shared>>)
    %dma_wait3A_282 = arith.constant 0 : i32
    %dma_wait3A_283 = arith.constant 0 : i32
    %dma_wait3A_284 = tpu.memref_slice %arg14[%dma_wait3A_282, %dma_wait3A_283] : memref<125x80xi32, #tpu.memory_space<vmem>> -> memref<1x80xi32, #tpu.memory_space<vmem>>
    %dma_wait3A_285 = tpu.memref_squeeze %dma_wait3A_284 : memref<1x80xi32, #tpu.memory_space<vmem>> -> memref<80xi32, #tpu.memory_space<vmem>>
    %dma_wait3A_286 = arith.constant 0 : i32
    %dma_wait3A_287 = arith.constant 0 : i32
    %dma_wait3A_288 = tpu.memref_slice %arg16[%dma_wait3A_286, %dma_wait3A_287] : memref<512x128xf32, #tpu.memory_space<vmem_shared>> -> memref<512x128xf32, #tpu.memory_space<vmem_shared>>
    tpu.wait_indirect_dma semaphore(%arg31 : memref<!tpu.dma_semaphore, #tpu.memory_space<semaphore_mem>>) src(%arg12 : memref<80x128xf32, #tpu.memory_space<vmem>>) dst(%dma_wait3A_288 : memref<512x128xf32, #tpu.memory_space<vmem_shared>>)
    %dma_wait3A_289 = arith.constant 0 : i32
    %dma_wait3A_290 = arith.constant 0 : i32
    %dma_wait3A_291 = tpu.memref_slice %arg14[%dma_wait3A_289, %dma_wait3A_290] : memref<125x80xi32, #tpu.memory_space<vmem>> -> memref<1x80xi32, #tpu.memory_space<vmem>>
    %dma_wait3A_292 = tpu.memref_squeeze %dma_wait3A_291 : memref<1x80xi32, #tpu.memory_space<vmem>> -> memref<80xi32, #tpu.memory_space<vmem>>
    %dma_wait3A_293 = arith.constant 0 : i32
    %dma_wait3A_294 = arith.constant 0 : i32
    %dma_wait3A_295 = tpu.memref_slice %arg16[%dma_wait3A_293, %dma_wait3A_294] : memref<512x128xf32, #tpu.memory_space<vmem_shared>> -> memref<512x128xf32, #tpu.memory_space<vmem_shared>>
    tpu.wait_indirect_dma semaphore(%arg32 : memref<!tpu.dma_semaphore, #tpu.memory_space<semaphore_mem>>) src(%arg13 : memref<80x128xf32, #tpu.memory_space<vmem>>) dst(%dma_wait3A_295 : memref<512x128xf32, #tpu.memory_space<vmem_shared>>)
    "tpu.region"() ({
      %run_scoped3A = tpu.sem_alloc : memref<!tpu.dma_semaphore, #tpu.memory_space<semaphore_mem>>
      %dma_start3A_301 = arith.constant 0 : i32
      %dma_start3A_302 = tpu.memref_slice %arg5[%add3A, %dma_start3A_301] : memref<32x512xf32, #tpu.memory_space<hbm>> -> memref<1x512xf32, #tpu.memory_space<hbm>>
      %dma_start3A_303 = tpu.memref_squeeze %dma_start3A_302 : memref<1x512xf32, #tpu.memory_space<hbm>> -> memref<512xf32, #tpu.memory_space<hbm>>
      %dma_start3A_304 = arith.constant 0 : i32
      %dma_start3A_305 = tpu.memref_slice %arg5[%add3A, %dma_start3A_304] : memref<32x512xf32, #tpu.memory_space<hbm>> -> memref<1x512xf32, #tpu.memory_space<hbm>>
      %dma_start3A_306 = tpu.memref_squeeze %dma_start3A_305 : memref<1x512xf32, #tpu.memory_space<hbm>> -> memref<512xf32, #tpu.memory_space<hbm>>
      tpu.enqueue_dma source(%arg15 : memref<512xf32, #tpu.memory_space<vmem>>) target(%dma_start3A_306 : memref<512xf32, #tpu.memory_space<hbm>>) target_semaphore(%run_scoped3A : memref<!tpu.dma_semaphore, #tpu.memory_space<semaphore_mem>>)
      %dma_wait3A_307 = arith.constant 0 : i32
      %dma_wait3A_308 = tpu.memref_slice %arg5[%add3A, %dma_wait3A_307] : memref<32x512xf32, #tpu.memory_space<hbm>> -> memref<1x512xf32, #tpu.memory_space<hbm>>
      %dma_wait3A_309 = tpu.memref_squeeze %dma_wait3A_308 : memref<1x512xf32, #tpu.memory_space<hbm>> -> memref<512xf32, #tpu.memory_space<hbm>>
      %dma_wait3A_310 = arith.constant 0 : i32
      %dma_wait3A_311 = tpu.memref_slice %arg5[%add3A, %dma_wait3A_310] : memref<32x512xf32, #tpu.memory_space<hbm>> -> memref<1x512xf32, #tpu.memory_space<hbm>>
      %dma_wait3A_312 = tpu.memref_squeeze %dma_wait3A_311 : memref<1x512xf32, #tpu.memory_space<hbm>> -> memref<512xf32, #tpu.memory_space<hbm>>
      tpu.wait_dma2 semaphore(%run_scoped3A : memref<!tpu.dma_semaphore, #tpu.memory_space<semaphore_mem>>) src(%arg15 : memref<512xf32, #tpu.memory_space<vmem>>) dst(%dma_wait3A_312 : memref<512xf32, #tpu.memory_space<hbm>>)
      tpu.yield
    }) : () -> ()
    %barrier3A_296 = arith.constant 0 : index
    tpu.barrier barrier_id(%barrier3A_296)
    %mul3A_297 = arith.constant 32 : i32
    %mul3A_298 = arith.muli %arg1, %mul3A_297 : i32
    %mul3A_299 = arith.constant 32 : i32
    %mul3A_300 = arith.muli %arg1, %mul3A_299 : i32
    "tpu.region"() ({
      %run_scoped3A = tpu.sem_alloc : memref<!tpu.dma_semaphore, #tpu.memory_space<semaphore_mem>>
      %dma_start3A_301 = arith.constant 0 : i32
      %dma_start3A_302 = tpu.memref_slice %arg4[%arg0, %mul3A_300, %dma_start3A_301] : memref<2x512x128xf32, #tpu.memory_space<hbm>> -> memref<1x32x128xf32, #tpu.memory_space<hbm>>
      %dma_start3A_303 = tpu.memref_squeeze %dma_start3A_302 : memref<1x32x128xf32, #tpu.memory_space<hbm>> -> memref<32x128xf32, #tpu.memory_space<hbm>>
      %dma_start3A_304 = arith.constant 0 : i32
      %dma_start3A_305 = tpu.memref_slice %arg16[%mul3A_298, %dma_start3A_304] : memref<512x128xf32, #tpu.memory_space<vmem_shared>> -> memref<32x128xf32, #tpu.memory_space<vmem_shared>>
      tpu.enqueue_dma source(%dma_start3A_305 : memref<32x128xf32, #tpu.memory_space<vmem_shared>>) target(%dma_start3A_303 : memref<32x128xf32, #tpu.memory_space<hbm>>) target_semaphore(%run_scoped3A : memref<!tpu.dma_semaphore, #tpu.memory_space<semaphore_mem>>)
      %dma_wait3A_306 = arith.constant 0 : i32
      %dma_wait3A_307 = tpu.memref_slice %arg4[%arg0, %mul3A_300, %dma_wait3A_306] : memref<2x512x128xf32, #tpu.memory_space<hbm>> -> memref<1x32x128xf32, #tpu.memory_space<hbm>>
      %dma_wait3A_308 = tpu.memref_squeeze %dma_wait3A_307 : memref<1x32x128xf32, #tpu.memory_space<hbm>> -> memref<32x128xf32, #tpu.memory_space<hbm>>
      %dma_wait3A_309 = arith.constant 0 : i32
      %dma_wait3A_310 = tpu.memref_slice %arg16[%mul3A_298, %dma_wait3A_309] : memref<512x128xf32, #tpu.memory_space<vmem_shared>> -> memref<32x128xf32, #tpu.memory_space<vmem_shared>>
      tpu.wait_dma2 semaphore(%run_scoped3A : memref<!tpu.dma_semaphore, #tpu.memory_space<semaphore_mem>>) src(%dma_wait3A_310 : memref<32x128xf32, #tpu.memory_space<vmem_shared>>) dst(%dma_wait3A_308 : memref<32x128xf32, #tpu.memory_space<hbm>>)
      tpu.yield
    }) : () -> ()
    return
  }
}

#map = affine_map<(d0, d1) -> (0, 0)>
#map1 = affine_map<(d0, d1) -> (0, 0, 0)>
module attributes {stable_mosaic.version = 14 : i64} {
  func.func @apply_sc(%arg0: i32, %arg1: i32, %arg2: memref<320000x128xf32, #tpu.memory_space<hbm>>, %arg3: memref<32x125x80xi32, #tpu.memory_space<hbm>>, %arg4: memref<512x128xf32, #tpu.memory_space<hbm>>, %arg5: memref<320000x128xf32, #tpu.memory_space<hbm>>, %arg6: memref<80x128xf32, #tpu.memory_space<vmem>>, %arg7: memref<80x128xf32, #tpu.memory_space<vmem>>, %arg8: memref<80x128xf32, #tpu.memory_space<vmem>>, %arg9: memref<80x128xf32, #tpu.memory_space<vmem>>, %arg10: memref<80x128xf32, #tpu.memory_space<vmem>>, %arg11: memref<80x128xf32, #tpu.memory_space<vmem>>, %arg12: memref<80x128xf32, #tpu.memory_space<vmem>>, %arg13: memref<80x128xf32, #tpu.memory_space<vmem>>, %arg14: memref<80x128xf32, #tpu.memory_space<vmem>>, %arg15: memref<125x80xi32, #tpu.memory_space<vmem>>, %arg16: memref<512x128xf32, #tpu.memory_space<vmem_shared>>, %arg17: memref<!tpu.dma_semaphore, #tpu.memory_space<semaphore_mem>>, %arg18: memref<!tpu.dma_semaphore, #tpu.memory_space<semaphore_mem>>, %arg19: memref<!tpu.dma_semaphore, #tpu.memory_space<semaphore_mem>>, %arg20: memref<!tpu.dma_semaphore, #tpu.memory_space<semaphore_mem>>, %arg21: memref<!tpu.dma_semaphore, #tpu.memory_space<semaphore_mem>>, %arg22: memref<!tpu.dma_semaphore, #tpu.memory_space<semaphore_mem>>, %arg23: memref<!tpu.dma_semaphore, #tpu.memory_space<semaphore_mem>>, %arg24: memref<!tpu.dma_semaphore, #tpu.memory_space<semaphore_mem>>, %arg25: memref<!tpu.dma_semaphore, #tpu.memory_space<semaphore_mem>>) attributes {dimension_semantics = [#tpu.dimension_semantics<core_parallel>, #tpu.dimension_semantics<subcore_parallel>], iteration_bounds = array<i64: 2, 16>, scalar_prefetch = 0 : i64, scratch_operands = 20 : i64, tpu.core_type = #tpu.core_type<sc_vector_subcore>, window_params = [{transform_indices = #map}, {transform_indices = #map1}, {transform_indices = #map}, {transform_indices = #map}]} {
    %mul3A = arith.constant 16 : i32
    %mul3A_0 = arith.muli %arg0, %mul3A : i32
    %add3A = arith.addi %mul3A_0, %arg1 : i32
    "tpu.region"() ({
      %run_scoped3A = tpu.sem_alloc : memref<!tpu.dma_semaphore, #tpu.memory_space<semaphore_mem>>
      %dma_start3A_129 = arith.constant 0 : i32
      %dma_start3A_130 = arith.constant 0 : i32
      %dma_start3A_131 = tpu.memref_slice %arg3[%add3A, %dma_start3A_129, %dma_start3A_130] : memref<32x125x80xi32, #tpu.memory_space<hbm>> -> memref<1x125x80xi32, #tpu.memory_space<hbm>>
      %dma_start3A_132 = tpu.memref_squeeze %dma_start3A_131 : memref<1x125x80xi32, #tpu.memory_space<hbm>> -> memref<125x80xi32, #tpu.memory_space<hbm>>
      %dma_start3A_133 = arith.constant 0 : i32
      %dma_start3A_134 = arith.constant 0 : i32
      %dma_start3A_135 = tpu.memref_slice %arg3[%add3A, %dma_start3A_133, %dma_start3A_134] : memref<32x125x80xi32, #tpu.memory_space<hbm>> -> memref<1x125x80xi32, #tpu.memory_space<hbm>>
      %dma_start3A_136 = tpu.memref_squeeze %dma_start3A_135 : memref<1x125x80xi32, #tpu.memory_space<hbm>> -> memref<125x80xi32, #tpu.memory_space<hbm>>
      tpu.enqueue_dma source(%dma_start3A_136 : memref<125x80xi32, #tpu.memory_space<hbm>>) target(%arg15 : memref<125x80xi32, #tpu.memory_space<vmem>>) target_semaphore(%run_scoped3A : memref<!tpu.dma_semaphore, #tpu.memory_space<semaphore_mem>>)
      %dma_wait3A_137 = arith.constant 0 : i32
      %dma_wait3A_138 = arith.constant 0 : i32
      %dma_wait3A_139 = tpu.memref_slice %arg3[%add3A, %dma_wait3A_137, %dma_wait3A_138] : memref<32x125x80xi32, #tpu.memory_space<hbm>> -> memref<1x125x80xi32, #tpu.memory_space<hbm>>
      %dma_wait3A_140 = tpu.memref_squeeze %dma_wait3A_139 : memref<1x125x80xi32, #tpu.memory_space<hbm>> -> memref<125x80xi32, #tpu.memory_space<hbm>>
      %dma_wait3A_141 = arith.constant 0 : i32
      %dma_wait3A_142 = arith.constant 0 : i32
      %dma_wait3A_143 = tpu.memref_slice %arg3[%add3A, %dma_wait3A_141, %dma_wait3A_142] : memref<32x125x80xi32, #tpu.memory_space<hbm>> -> memref<1x125x80xi32, #tpu.memory_space<hbm>>
      %dma_wait3A_144 = tpu.memref_squeeze %dma_wait3A_143 : memref<1x125x80xi32, #tpu.memory_space<hbm>> -> memref<125x80xi32, #tpu.memory_space<hbm>>
      tpu.wait_dma2 semaphore(%run_scoped3A : memref<!tpu.dma_semaphore, #tpu.memory_space<semaphore_mem>>) src(%dma_wait3A_144 : memref<125x80xi32, #tpu.memory_space<hbm>>) dst(%arg15 : memref<125x80xi32, #tpu.memory_space<vmem>>)
      tpu.yield
    }) : () -> ()
    %mul3A_1 = arith.constant 32 : i32
    %mul3A_2 = arith.muli %arg1, %mul3A_1 : i32
    %mul3A_3 = arith.constant 32 : i32
    %mul3A_4 = arith.muli %arg1, %mul3A_3 : i32
    "tpu.region"() ({
      %run_scoped3A = tpu.sem_alloc : memref<!tpu.dma_semaphore, #tpu.memory_space<semaphore_mem>>
      %dma_start3A_129 = arith.constant 0 : i32
      %dma_start3A_130 = tpu.memref_slice %arg16[%mul3A_4, %dma_start3A_129] : memref<512x128xf32, #tpu.memory_space<vmem_shared>> -> memref<32x128xf32, #tpu.memory_space<vmem_shared>>
      %dma_start3A_131 = arith.constant 0 : i32
      %dma_start3A_132 = tpu.memref_slice %arg4[%mul3A_2, %dma_start3A_131] : memref<512x128xf32, #tpu.memory_space<hbm>> -> memref<32x128xf32, #tpu.memory_space<hbm>>
      tpu.enqueue_dma source(%dma_start3A_132 : memref<32x128xf32, #tpu.memory_space<hbm>>) target(%dma_start3A_130 : memref<32x128xf32, #tpu.memory_space<vmem_shared>>) target_semaphore(%run_scoped3A : memref<!tpu.dma_semaphore, #tpu.memory_space<semaphore_mem>>)
      %dma_wait3A_133 = arith.constant 0 : i32
      %dma_wait3A_134 = tpu.memref_slice %arg16[%mul3A_4, %dma_wait3A_133] : memref<512x128xf32, #tpu.memory_space<vmem_shared>> -> memref<32x128xf32, #tpu.memory_space<vmem_shared>>
      %dma_wait3A_135 = arith.constant 0 : i32
      %dma_wait3A_136 = tpu.memref_slice %arg4[%mul3A_2, %dma_wait3A_135] : memref<512x128xf32, #tpu.memory_space<hbm>> -> memref<32x128xf32, #tpu.memory_space<hbm>>
      tpu.wait_dma2 semaphore(%run_scoped3A : memref<!tpu.dma_semaphore, #tpu.memory_space<semaphore_mem>>) src(%dma_wait3A_136 : memref<32x128xf32, #tpu.memory_space<hbm>>) dst(%dma_wait3A_134 : memref<32x128xf32, #tpu.memory_space<vmem_shared>>)
      tpu.yield
    }) : () -> ()
    %mul3A_5 = arith.constant 10000 : i32
    %mul3A_6 = arith.muli %add3A, %mul3A_5 : i32
    %add3A_7 = arith.constant 0 : i32
    %add3A_8 = arith.addi %mul3A_6, %add3A_7 : i32
    %dma_start3A = arith.constant 0 : i32
    %dma_start3A_9 = tpu.memref_slice %arg2[%add3A_8, %dma_start3A] : memref<320000x128xf32, #tpu.memory_space<hbm>> -> memref<80x128xf32, #tpu.memory_space<hbm>>
    %dma_start3A_10 = arith.constant 0 : i32
    %dma_start3A_11 = tpu.memref_slice %arg2[%add3A_8, %dma_start3A_10] : memref<320000x128xf32, #tpu.memory_space<hbm>> -> memref<80x128xf32, #tpu.memory_space<hbm>>
    tpu.enqueue_dma source(%dma_start3A_11 : memref<80x128xf32, #tpu.memory_space<hbm>>) target(%arg6 : memref<80x128xf32, #tpu.memory_space<vmem>>) target_semaphore(%arg17 : memref<!tpu.dma_semaphore, #tpu.memory_space<semaphore_mem>>)
    %mul3A_12 = arith.constant 10000 : i32
    %mul3A_13 = arith.muli %add3A, %mul3A_12 : i32
    %add3A_14 = arith.constant 80 : i32
    %add3A_15 = arith.addi %mul3A_13, %add3A_14 : i32
    %dma_start3A_16 = arith.constant 0 : i32
    %dma_start3A_17 = tpu.memref_slice %arg2[%add3A_15, %dma_start3A_16] : memref<320000x128xf32, #tpu.memory_space<hbm>> -> memref<80x128xf32, #tpu.memory_space<hbm>>
    %dma_start3A_18 = arith.constant 0 : i32
    %dma_start3A_19 = tpu.memref_slice %arg2[%add3A_15, %dma_start3A_18] : memref<320000x128xf32, #tpu.memory_space<hbm>> -> memref<80x128xf32, #tpu.memory_space<hbm>>
    tpu.enqueue_dma source(%dma_start3A_19 : memref<80x128xf32, #tpu.memory_space<hbm>>) target(%arg7 : memref<80x128xf32, #tpu.memory_space<vmem>>) target_semaphore(%arg18 : memref<!tpu.dma_semaphore, #tpu.memory_space<semaphore_mem>>)
    %mul3A_20 = arith.constant 10000 : i32
    %mul3A_21 = arith.muli %add3A, %mul3A_20 : i32
    %add3A_22 = arith.constant 160 : i32
    %add3A_23 = arith.addi %mul3A_21, %add3A_22 : i32
    %dma_start3A_24 = arith.constant 0 : i32
    %dma_start3A_25 = tpu.memref_slice %arg2[%add3A_23, %dma_start3A_24] : memref<320000x128xf32, #tpu.memory_space<hbm>> -> memref<80x128xf32, #tpu.memory_space<hbm>>
    %dma_start3A_26 = arith.constant 0 : i32
    %dma_start3A_27 = tpu.memref_slice %arg2[%add3A_23, %dma_start3A_26] : memref<320000x128xf32, #tpu.memory_space<hbm>> -> memref<80x128xf32, #tpu.memory_space<hbm>>
    tpu.enqueue_dma source(%dma_start3A_27 : memref<80x128xf32, #tpu.memory_space<hbm>>) target(%arg8 : memref<80x128xf32, #tpu.memory_space<vmem>>) target_semaphore(%arg19 : memref<!tpu.dma_semaphore, #tpu.memory_space<semaphore_mem>>)
    %barrier3A = arith.constant 0 : index
    tpu.barrier barrier_id(%barrier3A)
    %dma_start3A_28 = arith.constant 0 : i32
    %dma_start3A_29 = arith.constant 0 : i32
    %dma_start3A_30 = tpu.memref_slice %arg15[%dma_start3A_28, %dma_start3A_29] : memref<125x80xi32, #tpu.memory_space<vmem>> -> memref<1x80xi32, #tpu.memory_space<vmem>>
    %dma_start3A_31 = tpu.memref_squeeze %dma_start3A_30 : memref<1x80xi32, #tpu.memory_space<vmem>> -> memref<80xi32, #tpu.memory_space<vmem>>
    %dma_start3A_32 = arith.constant 0 : i32
    %dma_start3A_33 = arith.constant 0 : i32
    %dma_start3A_34 = tpu.memref_slice %arg16[%dma_start3A_32, %dma_start3A_33] : memref<512x128xf32, #tpu.memory_space<vmem_shared>> -> memref<512x128xf32, #tpu.memory_space<vmem_shared>>
    tpu.enqueue_indirect_dma source(%dma_start3A_34 : memref<512x128xf32, #tpu.memory_space<vmem_shared>>) target(%arg9 : memref<80x128xf32, #tpu.memory_space<vmem>>) offsets(%dma_start3A_31 : memref<80xi32, #tpu.memory_space<vmem>>) semaphore(%arg20 : memref<!tpu.dma_semaphore, #tpu.memory_space<semaphore_mem>>)
    %dma_start3A_35 = arith.constant 1 : i32
    %dma_start3A_36 = arith.constant 0 : i32
    %dma_start3A_37 = tpu.memref_slice %arg15[%dma_start3A_35, %dma_start3A_36] : memref<125x80xi32, #tpu.memory_space<vmem>> -> memref<1x80xi32, #tpu.memory_space<vmem>>
    %dma_start3A_38 = tpu.memref_squeeze %dma_start3A_37 : memref<1x80xi32, #tpu.memory_space<vmem>> -> memref<80xi32, #tpu.memory_space<vmem>>
    %dma_start3A_39 = arith.constant 0 : i32
    %dma_start3A_40 = arith.constant 0 : i32
    %dma_start3A_41 = tpu.memref_slice %arg16[%dma_start3A_39, %dma_start3A_40] : memref<512x128xf32, #tpu.memory_space<vmem_shared>> -> memref<512x128xf32, #tpu.memory_space<vmem_shared>>
    tpu.enqueue_indirect_dma source(%dma_start3A_41 : memref<512x128xf32, #tpu.memory_space<vmem_shared>>) target(%arg10 : memref<80x128xf32, #tpu.memory_space<vmem>>) offsets(%dma_start3A_38 : memref<80xi32, #tpu.memory_space<vmem>>) semaphore(%arg21 : memref<!tpu.dma_semaphore, #tpu.memory_space<semaphore_mem>>)
    %dma_start3A_42 = arith.constant 2 : i32
    %dma_start3A_43 = arith.constant 0 : i32
    %dma_start3A_44 = tpu.memref_slice %arg15[%dma_start3A_42, %dma_start3A_43] : memref<125x80xi32, #tpu.memory_space<vmem>> -> memref<1x80xi32, #tpu.memory_space<vmem>>
    %dma_start3A_45 = tpu.memref_squeeze %dma_start3A_44 : memref<1x80xi32, #tpu.memory_space<vmem>> -> memref<80xi32, #tpu.memory_space<vmem>>
    %dma_start3A_46 = arith.constant 0 : i32
    %dma_start3A_47 = arith.constant 0 : i32
    %dma_start3A_48 = tpu.memref_slice %arg16[%dma_start3A_46, %dma_start3A_47] : memref<512x128xf32, #tpu.memory_space<vmem_shared>> -> memref<512x128xf32, #tpu.memory_space<vmem_shared>>
    tpu.enqueue_indirect_dma source(%dma_start3A_48 : memref<512x128xf32, #tpu.memory_space<vmem_shared>>) target(%arg11 : memref<80x128xf32, #tpu.memory_space<vmem>>) offsets(%dma_start3A_45 : memref<80xi32, #tpu.memory_space<vmem>>) semaphore(%arg22 : memref<!tpu.dma_semaphore, #tpu.memory_space<semaphore_mem>>)
    %scan3A = arith.constant 0 : i32
    %scan3A_49 = arith.constant 41 : i32
    %scan3A_50 = arith.addi %scan3A, %scan3A_49 : i32
    %scan3A_51 = arith.constant 1 : i32
    scf.for %scan3A_129 = %scan3A to %scan3A_50 step %scan3A_51  : i32 {
      %mul3A_130 = arith.constant 3 : i32
      %mul3A_131 = arith.muli %scan3A_129, %mul3A_130 : i32
      %add3A_132 = arith.constant 0 : i32
      %add3A_133 = arith.addi %add3A_132, %mul3A_131 : i32
      %add3A_134 = arith.constant 0 : i32
      %add3A_135 = arith.addi %add3A_133, %add3A_134 : i32
      %dma_wait3A_136 = arith.constant 0 : i32
      %dma_wait3A_137 = arith.constant 0 : i32
      %dma_wait3A_138 = tpu.memref_slice %arg2[%dma_wait3A_136, %dma_wait3A_137] : memref<320000x128xf32, #tpu.memory_space<hbm>> -> memref<80x128xf32, #tpu.memory_space<hbm>>
      %dma_wait3A_139 = arith.constant 0 : i32
      %dma_wait3A_140 = arith.constant 0 : i32
      %dma_wait3A_141 = tpu.memref_slice %arg2[%dma_wait3A_139, %dma_wait3A_140] : memref<320000x128xf32, #tpu.memory_space<hbm>> -> memref<80x128xf32, #tpu.memory_space<hbm>>
      tpu.wait_dma2 semaphore(%arg17 : memref<!tpu.dma_semaphore, #tpu.memory_space<semaphore_mem>>) src(%dma_wait3A_141 : memref<80x128xf32, #tpu.memory_space<hbm>>) dst(%arg6 : memref<80x128xf32, #tpu.memory_space<vmem>>)
      %dma_wait3A_142 = arith.constant 0 : i32
      %dma_wait3A_143 = arith.constant 0 : i32
      %dma_wait3A_144 = tpu.memref_slice %arg15[%dma_wait3A_142, %dma_wait3A_143] : memref<125x80xi32, #tpu.memory_space<vmem>> -> memref<1x80xi32, #tpu.memory_space<vmem>>
      %dma_wait3A_145 = tpu.memref_squeeze %dma_wait3A_144 : memref<1x80xi32, #tpu.memory_space<vmem>> -> memref<80xi32, #tpu.memory_space<vmem>>
      %dma_wait3A_146 = arith.constant 0 : i32
      %dma_wait3A_147 = arith.constant 0 : i32
      %dma_wait3A_148 = tpu.memref_slice %arg16[%dma_wait3A_146, %dma_wait3A_147] : memref<512x128xf32, #tpu.memory_space<vmem_shared>> -> memref<512x128xf32, #tpu.memory_space<vmem_shared>>
      tpu.wait_indirect_dma semaphore(%arg20 : memref<!tpu.dma_semaphore, #tpu.memory_space<semaphore_mem>>) src(%dma_wait3A_148 : memref<512x128xf32, #tpu.memory_space<vmem_shared>>) dst(%arg9 : memref<80x128xf32, #tpu.memory_space<vmem>>)
      %ge3A = arith.constant 3 : i32
      %ge3A_149 = arith.cmpi sge, %add3A_135, %ge3A : i32
      %convert_element_type3A = arith.extui %ge3A_149 : i1 to i32
      %cond3A = arith.constant 0 : i32
      %cond3A_150 = arith.cmpi ne, %convert_element_type3A, %cond3A : i32
      scf.if %cond3A_150 {
        %dma_wait3A_247 = arith.constant 0 : i32
        %dma_wait3A_248 = arith.constant 0 : i32
        %dma_wait3A_249 = tpu.memref_slice %arg5[%dma_wait3A_247, %dma_wait3A_248] : memref<320000x128xf32, #tpu.memory_space<hbm>> -> memref<80x128xf32, #tpu.memory_space<hbm>>
        %dma_wait3A_250 = arith.constant 0 : i32
        %dma_wait3A_251 = arith.constant 0 : i32
        %dma_wait3A_252 = tpu.memref_slice %arg5[%dma_wait3A_250, %dma_wait3A_251] : memref<320000x128xf32, #tpu.memory_space<hbm>> -> memref<80x128xf32, #tpu.memory_space<hbm>>
        tpu.wait_dma2 semaphore(%arg23 : memref<!tpu.dma_semaphore, #tpu.memory_space<semaphore_mem>>) src(%arg12 : memref<80x128xf32, #tpu.memory_space<vmem>>) dst(%dma_wait3A_252 : memref<80x128xf32, #tpu.memory_space<hbm>>)
      } else {
      }
      %parallel_loop3A_151 = arith.constant 0 : i32
      %parallel_loop3A_152 = arith.constant 80 : i32
      %parallel_loop3A_153 = arith.constant 1 : i32
      scf.for %parallel_loop3A_247 = %parallel_loop3A_151 to %parallel_loop3A_152 step %parallel_loop3A_153  : i32 {
        %parallel_loop3A_248 = arith.index_cast %parallel_loop3A_247 : i32 to index
        %parallel_loop3A_249 = arith.constant 0 : index
        %parallel_loop3A_250 = tpu.vector_load %arg6[%parallel_loop3A_248, %parallel_loop3A_249] {strides = array<i32>} : memref<80x128xf32, #tpu.memory_space<vmem>>, vector<16xf32>,
        %parallel_loop3A_251 = arith.index_cast %parallel_loop3A_247 : i32 to index
        %parallel_loop3A_252 = arith.constant 0 : index
        %parallel_loop3A_253 = tpu.vector_load %arg9[%parallel_loop3A_251, %parallel_loop3A_252] {strides = array<i32>} : memref<80x128xf32, #tpu.memory_space<vmem>>, vector<16xf32>,
        %parallel_loop3A_254 = arith.addf %parallel_loop3A_250, %parallel_loop3A_253 : vector<16xf32>
        %parallel_loop3A_255 = arith.index_cast %parallel_loop3A_247 : i32 to index
        %parallel_loop3A_256 = arith.constant 0 : index
        %parallel_loop3A_257 = tpu.vector_load %arg12[%parallel_loop3A_255, %parallel_loop3A_256] {strides = array<i32>} : memref<80x128xf32, #tpu.memory_space<vmem>>, vector<16xf32>,
        tpu.vector_store %arg12[%parallel_loop3A_255, %parallel_loop3A_256], %parallel_loop3A_254 {strides = array<i32>} : memref<80x128xf32, #tpu.memory_space<vmem>>, vector<16xf32>,
        %parallel_loop3A_258 = arith.index_cast %parallel_loop3A_247 : i32 to index
        %parallel_loop3A_259 = arith.constant 16 : index
        %parallel_loop3A_260 = tpu.vector_load %arg6[%parallel_loop3A_258, %parallel_loop3A_259] {strides = array<i32>} : memref<80x128xf32, #tpu.memory_space<vmem>>, vector<16xf32>,
        %parallel_loop3A_261 = arith.index_cast %parallel_loop3A_247 : i32 to index
        %parallel_loop3A_262 = arith.constant 16 : index
        %parallel_loop3A_263 = tpu.vector_load %arg9[%parallel_loop3A_261, %parallel_loop3A_262] {strides = array<i32>} : memref<80x128xf32, #tpu.memory_space<vmem>>, vector<16xf32>,
        %parallel_loop3A_264 = arith.addf %parallel_loop3A_260, %parallel_loop3A_263 : vector<16xf32>
        %parallel_loop3A_265 = arith.index_cast %parallel_loop3A_247 : i32 to index
        %parallel_loop3A_266 = arith.constant 16 : index
        %parallel_loop3A_267 = tpu.vector_load %arg12[%parallel_loop3A_265, %parallel_loop3A_266] {strides = array<i32>} : memref<80x128xf32, #tpu.memory_space<vmem>>, vector<16xf32>,
        tpu.vector_store %arg12[%parallel_loop3A_265, %parallel_loop3A_266], %parallel_loop3A_264 {strides = array<i32>} : memref<80x128xf32, #tpu.memory_space<vmem>>, vector<16xf32>,
        %parallel_loop3A_268 = arith.index_cast %parallel_loop3A_247 : i32 to index
        %parallel_loop3A_269 = arith.constant 32 : index
        %parallel_loop3A_270 = tpu.vector_load %arg6[%parallel_loop3A_268, %parallel_loop3A_269] {strides = array<i32>} : memref<80x128xf32, #tpu.memory_space<vmem>>, vector<16xf32>,
        %parallel_loop3A_271 = arith.index_cast %parallel_loop3A_247 : i32 to index
        %parallel_loop3A_272 = arith.constant 32 : index
        %parallel_loop3A_273 = tpu.vector_load %arg9[%parallel_loop3A_271, %parallel_loop3A_272] {strides = array<i32>} : memref<80x128xf32, #tpu.memory_space<vmem>>, vector<16xf32>,
        %parallel_loop3A_274 = arith.addf %parallel_loop3A_270, %parallel_loop3A_273 : vector<16xf32>
        %parallel_loop3A_275 = arith.index_cast %parallel_loop3A_247 : i32 to index
        %parallel_loop3A_276 = arith.constant 32 : index
        %parallel_loop3A_277 = tpu.vector_load %arg12[%parallel_loop3A_275, %parallel_loop3A_276] {strides = array<i32>} : memref<80x128xf32, #tpu.memory_space<vmem>>, vector<16xf32>,
        tpu.vector_store %arg12[%parallel_loop3A_275, %parallel_loop3A_276], %parallel_loop3A_274 {strides = array<i32>} : memref<80x128xf32, #tpu.memory_space<vmem>>, vector<16xf32>,
        %parallel_loop3A_278 = arith.index_cast %parallel_loop3A_247 : i32 to index
        %parallel_loop3A_279 = arith.constant 48 : index
        %parallel_loop3A_280 = tpu.vector_load %arg6[%parallel_loop3A_278, %parallel_loop3A_279] {strides = array<i32>} : memref<80x128xf32, #tpu.memory_space<vmem>>, vector<16xf32>,
        %parallel_loop3A_281 = arith.index_cast %parallel_loop3A_247 : i32 to index
        %parallel_loop3A_282 = arith.constant 48 : index
        %parallel_loop3A_283 = tpu.vector_load %arg9[%parallel_loop3A_281, %parallel_loop3A_282] {strides = array<i32>} : memref<80x128xf32, #tpu.memory_space<vmem>>, vector<16xf32>,
        %parallel_loop3A_284 = arith.addf %parallel_loop3A_280, %parallel_loop3A_283 : vector<16xf32>
        %parallel_loop3A_285 = arith.index_cast %parallel_loop3A_247 : i32 to index
        %parallel_loop3A_286 = arith.constant 48 : index
        %parallel_loop3A_287 = tpu.vector_load %arg12[%parallel_loop3A_285, %parallel_loop3A_286] {strides = array<i32>} : memref<80x128xf32, #tpu.memory_space<vmem>>, vector<16xf32>,
        tpu.vector_store %arg12[%parallel_loop3A_285, %parallel_loop3A_286], %parallel_loop3A_284 {strides = array<i32>} : memref<80x128xf32, #tpu.memory_space<vmem>>, vector<16xf32>,
        %parallel_loop3A_288 = arith.index_cast %parallel_loop3A_247 : i32 to index
        %parallel_loop3A_289 = arith.constant 64 : index
        %parallel_loop3A_290 = tpu.vector_load %arg6[%parallel_loop3A_288, %parallel_loop3A_289] {strides = array<i32>} : memref<80x128xf32, #tpu.memory_space<vmem>>, vector<16xf32>,
        %parallel_loop3A_291 = arith.index_cast %parallel_loop3A_247 : i32 to index
        %parallel_loop3A_292 = arith.constant 64 : index
        %parallel_loop3A_293 = tpu.vector_load %arg9[%parallel_loop3A_291, %parallel_loop3A_292] {strides = array<i32>} : memref<80x128xf32, #tpu.memory_space<vmem>>, vector<16xf32>,
        %parallel_loop3A_294 = arith.addf %parallel_loop3A_290, %parallel_loop3A_293 : vector<16xf32>
        %parallel_loop3A_295 = arith.index_cast %parallel_loop3A_247 : i32 to index
        %parallel_loop3A_296 = arith.constant 64 : index
        %parallel_loop3A_297 = tpu.vector_load %arg12[%parallel_loop3A_295, %parallel_loop3A_296] {strides = array<i32>} : memref<80x128xf32, #tpu.memory_space<vmem>>, vector<16xf32>,
        tpu.vector_store %arg12[%parallel_loop3A_295, %parallel_loop3A_296], %parallel_loop3A_294 {strides = array<i32>} : memref<80x128xf32, #tpu.memory_space<vmem>>, vector<16xf32>,
        %parallel_loop3A_298 = arith.index_cast %parallel_loop3A_247 : i32 to index
        %parallel_loop3A_299 = arith.constant 80 : index
        %parallel_loop3A_300 = tpu.vector_load %arg6[%parallel_loop3A_298, %parallel_loop3A_299] {strides = array<i32>} : memref<80x128xf32, #tpu.memory_space<vmem>>, vector<16xf32>,
        %parallel_loop3A_301 = arith.index_cast %parallel_loop3A_247 : i32 to index
        %parallel_loop3A_302 = arith.constant 80 : index
        %parallel_loop3A_303 = tpu.vector_load %arg9[%parallel_loop3A_301, %parallel_loop3A_302] {strides = array<i32>} : memref<80x128xf32, #tpu.memory_space<vmem>>, vector<16xf32>,
        %parallel_loop3A_304 = arith.addf %parallel_loop3A_300, %parallel_loop3A_303 : vector<16xf32>
        %parallel_loop3A_305 = arith.index_cast %parallel_loop3A_247 : i32 to index
        %parallel_loop3A_306 = arith.constant 80 : index
        %parallel_loop3A_307 = tpu.vector_load %arg12[%parallel_loop3A_305, %parallel_loop3A_306] {strides = array<i32>} : memref<80x128xf32, #tpu.memory_space<vmem>>, vector<16xf32>,
        tpu.vector_store %arg12[%parallel_loop3A_305, %parallel_loop3A_306], %parallel_loop3A_304 {strides = array<i32>} : memref<80x128xf32, #tpu.memory_space<vmem>>, vector<16xf32>,
        %parallel_loop3A_308 = arith.index_cast %parallel_loop3A_247 : i32 to index
        %parallel_loop3A_309 = arith.constant 96 : index
        %parallel_loop3A_310 = tpu.vector_load %arg6[%parallel_loop3A_308, %parallel_loop3A_309] {strides = array<i32>} : memref<80x128xf32, #tpu.memory_space<vmem>>, vector<16xf32>,
        %parallel_loop3A_311 = arith.index_cast %parallel_loop3A_247 : i32 to index
        %parallel_loop3A_312 = arith.constant 96 : index
        %parallel_loop3A_313 = tpu.vector_load %arg9[%parallel_loop3A_311, %parallel_loop3A_312] {strides = array<i32>} : memref<80x128xf32, #tpu.memory_space<vmem>>, vector<16xf32>,
        %parallel_loop3A_314 = arith.addf %parallel_loop3A_310, %parallel_loop3A_313 : vector<16xf32>
        %parallel_loop3A_315 = arith.index_cast %parallel_loop3A_247 : i32 to index
        %parallel_loop3A_316 = arith.constant 96 : index
        %parallel_loop3A_317 = tpu.vector_load %arg12[%parallel_loop3A_315, %parallel_loop3A_316] {strides = array<i32>} : memref<80x128xf32, #tpu.memory_space<vmem>>, vector<16xf32>,
        tpu.vector_store %arg12[%parallel_loop3A_315, %parallel_loop3A_316], %parallel_loop3A_314 {strides = array<i32>} : memref<80x128xf32, #tpu.memory_space<vmem>>, vector<16xf32>,
        %parallel_loop3A_318 = arith.index_cast %parallel_loop3A_247 : i32 to index
        %parallel_loop3A_319 = arith.constant 112 : index
        %parallel_loop3A_320 = tpu.vector_load %arg6[%parallel_loop3A_318, %parallel_loop3A_319] {strides = array<i32>} : memref<80x128xf32, #tpu.memory_space<vmem>>, vector<16xf32>,
        %parallel_loop3A_321 = arith.index_cast %parallel_loop3A_247 : i32 to index
        %parallel_loop3A_322 = arith.constant 112 : index
        %parallel_loop3A_323 = tpu.vector_load %arg9[%parallel_loop3A_321, %parallel_loop3A_322] {strides = array<i32>} : memref<80x128xf32, #tpu.memory_space<vmem>>, vector<16xf32>,
        %parallel_loop3A_324 = arith.addf %parallel_loop3A_320, %parallel_loop3A_323 : vector<16xf32>
        %parallel_loop3A_325 = arith.index_cast %parallel_loop3A_247 : i32 to index
        %parallel_loop3A_326 = arith.constant 112 : index
        %parallel_loop3A_327 = tpu.vector_load %arg12[%parallel_loop3A_325, %parallel_loop3A_326] {strides = array<i32>} : memref<80x128xf32, #tpu.memory_space<vmem>>, vector<16xf32>,
        tpu.vector_store %arg12[%parallel_loop3A_325, %parallel_loop3A_326], %parallel_loop3A_324 {strides = array<i32>} : memref<80x128xf32, #tpu.memory_space<vmem>>, vector<16xf32>,
      } {sc.loop_unroll_factor = 4 : i64, sc.parallel_access}
      %mul3A_154 = arith.constant 10000 : i32
      %mul3A_155 = arith.muli %add3A, %mul3A_154 : i32
      %mul3A_156 = arith.constant 80 : i32
      %mul3A_157 = arith.muli %add3A_135, %mul3A_156 : i32
      %add3A_158 = arith.addi %mul3A_155, %mul3A_157 : i32
      %dma_start3A_159 = arith.constant 0 : i32
      %dma_start3A_160 = tpu.memref_slice %arg5[%add3A_158, %dma_start3A_159] : memref<320000x128xf32, #tpu.memory_space<hbm>> -> memref<80x128xf32, #tpu.memory_space<hbm>>
      %dma_start3A_161 = arith.constant 0 : i32
      %dma_start3A_162 = tpu.memref_slice %arg5[%add3A_158, %dma_start3A_161] : memref<320000x128xf32, #tpu.memory_space<hbm>> -> memref<80x128xf32, #tpu.memory_space<hbm>>
      tpu.enqueue_dma source(%arg12 : memref<80x128xf32, #tpu.memory_space<vmem>>) target(%dma_start3A_162 : memref<80x128xf32, #tpu.memory_space<hbm>>) target_semaphore(%arg23 : memref<!tpu.dma_semaphore, #tpu.memory_space<semaphore_mem>>)
      %add3A_163 = arith.constant 3 : i32
      %add3A_164 = arith.addi %add3A_135, %add3A_163 : i32
      %lt3A = arith.constant 125 : i32
      %lt3A_165 = arith.cmpi slt, %add3A_164, %lt3A : i32
      %convert_element_type3A_166 = arith.extui %lt3A_165 : i1 to i32
      %cond3A_167 = arith.constant 0 : i32
      %cond3A_168 = arith.cmpi ne, %convert_element_type3A_166, %cond3A_167 : i32
      scf.if %cond3A_168 {
        %mul3A_247 = arith.constant 10000 : i32
        %mul3A_248 = arith.muli %add3A, %mul3A_247 : i32
        %mul3A_249 = arith.constant 80 : i32
        %mul3A_250 = arith.muli %add3A_135, %mul3A_249 : i32
        %add3A_251 = arith.addi %mul3A_248, %mul3A_250 : i32
        %add3A_252 = arith.constant 240 : i32
        %add3A_253 = arith.addi %add3A_251, %add3A_252 : i32
        %dma_start3A_254 = arith.constant 0 : i32
        %dma_start3A_255 = tpu.memref_slice %arg2[%add3A_253, %dma_start3A_254] : memref<320000x128xf32, #tpu.memory_space<hbm>> -> memref<80x128xf32, #tpu.memory_space<hbm>>
        %dma_start3A_256 = arith.constant 0 : i32
        %dma_start3A_257 = tpu.memref_slice %arg2[%add3A_253, %dma_start3A_256] : memref<320000x128xf32, #tpu.memory_space<hbm>> -> memref<80x128xf32, #tpu.memory_space<hbm>>
        tpu.enqueue_dma source(%dma_start3A_257 : memref<80x128xf32, #tpu.memory_space<hbm>>) target(%arg6 : memref<80x128xf32, #tpu.memory_space<vmem>>) target_semaphore(%arg17 : memref<!tpu.dma_semaphore, #tpu.memory_space<semaphore_mem>>)
        %add3A_258 = arith.constant 3 : i32
        %add3A_259 = arith.addi %add3A_135, %add3A_258 : i32
        %dma_start3A_260 = arith.constant 0 : i32
        %dma_start3A_261 = tpu.memref_slice %arg15[%add3A_259, %dma_start3A_260] : memref<125x80xi32, #tpu.memory_space<vmem>> -> memref<1x80xi32, #tpu.memory_space<vmem>>
        %dma_start3A_262 = tpu.memref_squeeze %dma_start3A_261 : memref<1x80xi32, #tpu.memory_space<vmem>> -> memref<80xi32, #tpu.memory_space<vmem>>
        %dma_start3A_263 = arith.constant 0 : i32
        %dma_start3A_264 = arith.constant 0 : i32
        %dma_start3A_265 = tpu.memref_slice %arg16[%dma_start3A_263, %dma_start3A_264] : memref<512x128xf32, #tpu.memory_space<vmem_shared>> -> memref<512x128xf32, #tpu.memory_space<vmem_shared>>
        tpu.enqueue_indirect_dma source(%dma_start3A_265 : memref<512x128xf32, #tpu.memory_space<vmem_shared>>) target(%arg9 : memref<80x128xf32, #tpu.memory_space<vmem>>) offsets(%dma_start3A_262 : memref<80xi32, #tpu.memory_space<vmem>>) semaphore(%arg20 : memref<!tpu.dma_semaphore, #tpu.memory_space<semaphore_mem>>)
      } else {
      }
      %add3A_169 = arith.constant 1 : i32
      %add3A_170 = arith.addi %add3A_133, %add3A_169 : i32
      %dma_wait3A_171 = arith.constant 0 : i32
      %dma_wait3A_172 = arith.constant 0 : i32
      %dma_wait3A_173 = tpu.memref_slice %arg2[%dma_wait3A_171, %dma_wait3A_172] : memref<320000x128xf32, #tpu.memory_space<hbm>> -> memref<80x128xf32, #tpu.memory_space<hbm>>
      %dma_wait3A_174 = arith.constant 0 : i32
      %dma_wait3A_175 = arith.constant 0 : i32
      %dma_wait3A_176 = tpu.memref_slice %arg2[%dma_wait3A_174, %dma_wait3A_175] : memref<320000x128xf32, #tpu.memory_space<hbm>> -> memref<80x128xf32, #tpu.memory_space<hbm>>
      tpu.wait_dma2 semaphore(%arg18 : memref<!tpu.dma_semaphore, #tpu.memory_space<semaphore_mem>>) src(%dma_wait3A_176 : memref<80x128xf32, #tpu.memory_space<hbm>>) dst(%arg7 : memref<80x128xf32, #tpu.memory_space<vmem>>)
      %dma_wait3A_177 = arith.constant 0 : i32
      %dma_wait3A_178 = arith.constant 0 : i32
      %dma_wait3A_179 = tpu.memref_slice %arg15[%dma_wait3A_177, %dma_wait3A_178] : memref<125x80xi32, #tpu.memory_space<vmem>> -> memref<1x80xi32, #tpu.memory_space<vmem>>
      %dma_wait3A_180 = tpu.memref_squeeze %dma_wait3A_179 : memref<1x80xi32, #tpu.memory_space<vmem>> -> memref<80xi32, #tpu.memory_space<vmem>>
      %dma_wait3A_181 = arith.constant 0 : i32
      %dma_wait3A_182 = arith.constant 0 : i32
      %dma_wait3A_183 = tpu.memref_slice %arg16[%dma_wait3A_181, %dma_wait3A_182] : memref<512x128xf32, #tpu.memory_space<vmem_shared>> -> memref<512x128xf32, #tpu.memory_space<vmem_shared>>
      tpu.wait_indirect_dma semaphore(%arg21 : memref<!tpu.dma_semaphore, #tpu.memory_space<semaphore_mem>>) src(%dma_wait3A_183 : memref<512x128xf32, #tpu.memory_space<vmem_shared>>) dst(%arg10 : memref<80x128xf32, #tpu.memory_space<vmem>>)
      %ge3A_184 = arith.constant 3 : i32
      %ge3A_185 = arith.cmpi sge, %add3A_170, %ge3A_184 : i32
      %convert_element_type3A_186 = arith.extui %ge3A_185 : i1 to i32
      %cond3A_187 = arith.constant 0 : i32
      %cond3A_188 = arith.cmpi ne, %convert_element_type3A_186, %cond3A_187 : i32
      scf.if %cond3A_188 {
        %dma_wait3A_247 = arith.constant 0 : i32
        %dma_wait3A_248 = arith.constant 0 : i32
        %dma_wait3A_249 = tpu.memref_slice %arg5[%dma_wait3A_247, %dma_wait3A_248] : memref<320000x128xf32, #tpu.memory_space<hbm>> -> memref<80x128xf32, #tpu.memory_space<hbm>>
        %dma_wait3A_250 = arith.constant 0 : i32
        %dma_wait3A_251 = arith.constant 0 : i32
        %dma_wait3A_252 = tpu.memref_slice %arg5[%dma_wait3A_250, %dma_wait3A_251] : memref<320000x128xf32, #tpu.memory_space<hbm>> -> memref<80x128xf32, #tpu.memory_space<hbm>>
        tpu.wait_dma2 semaphore(%arg24 : memref<!tpu.dma_semaphore, #tpu.memory_space<semaphore_mem>>) src(%arg13 : memref<80x128xf32, #tpu.memory_space<vmem>>) dst(%dma_wait3A_252 : memref<80x128xf32, #tpu.memory_space<hbm>>)
      } else {
      }
      %parallel_loop3A_189 = arith.constant 0 : i32
      %parallel_loop3A_190 = arith.constant 80 : i32
      %parallel_loop3A_191 = arith.constant 1 : i32
      scf.for %parallel_loop3A_247 = %parallel_loop3A_189 to %parallel_loop3A_190 step %parallel_loop3A_191  : i32 {
        %parallel_loop3A_248 = arith.index_cast %parallel_loop3A_247 : i32 to index
        %parallel_loop3A_249 = arith.constant 0 : index
        %parallel_loop3A_250 = tpu.vector_load %arg7[%parallel_loop3A_248, %parallel_loop3A_249] {strides = array<i32>} : memref<80x128xf32, #tpu.memory_space<vmem>>, vector<16xf32>,
        %parallel_loop3A_251 = arith.index_cast %parallel_loop3A_247 : i32 to index
        %parallel_loop3A_252 = arith.constant 0 : index
        %parallel_loop3A_253 = tpu.vector_load %arg10[%parallel_loop3A_251, %parallel_loop3A_252] {strides = array<i32>} : memref<80x128xf32, #tpu.memory_space<vmem>>, vector<16xf32>,
        %parallel_loop3A_254 = arith.addf %parallel_loop3A_250, %parallel_loop3A_253 : vector<16xf32>
        %parallel_loop3A_255 = arith.index_cast %parallel_loop3A_247 : i32 to index
        %parallel_loop3A_256 = arith.constant 0 : index
        %parallel_loop3A_257 = tpu.vector_load %arg13[%parallel_loop3A_255, %parallel_loop3A_256] {strides = array<i32>} : memref<80x128xf32, #tpu.memory_space<vmem>>, vector<16xf32>,
        tpu.vector_store %arg13[%parallel_loop3A_255, %parallel_loop3A_256], %parallel_loop3A_254 {strides = array<i32>} : memref<80x128xf32, #tpu.memory_space<vmem>>, vector<16xf32>,
        %parallel_loop3A_258 = arith.index_cast %parallel_loop3A_247 : i32 to index
        %parallel_loop3A_259 = arith.constant 16 : index
        %parallel_loop3A_260 = tpu.vector_load %arg7[%parallel_loop3A_258, %parallel_loop3A_259] {strides = array<i32>} : memref<80x128xf32, #tpu.memory_space<vmem>>, vector<16xf32>,
        %parallel_loop3A_261 = arith.index_cast %parallel_loop3A_247 : i32 to index
        %parallel_loop3A_262 = arith.constant 16 : index
        %parallel_loop3A_263 = tpu.vector_load %arg10[%parallel_loop3A_261, %parallel_loop3A_262] {strides = array<i32>} : memref<80x128xf32, #tpu.memory_space<vmem>>, vector<16xf32>,
        %parallel_loop3A_264 = arith.addf %parallel_loop3A_260, %parallel_loop3A_263 : vector<16xf32>
        %parallel_loop3A_265 = arith.index_cast %parallel_loop3A_247 : i32 to index
        %parallel_loop3A_266 = arith.constant 16 : index
        %parallel_loop3A_267 = tpu.vector_load %arg13[%parallel_loop3A_265, %parallel_loop3A_266] {strides = array<i32>} : memref<80x128xf32, #tpu.memory_space<vmem>>, vector<16xf32>,
        tpu.vector_store %arg13[%parallel_loop3A_265, %parallel_loop3A_266], %parallel_loop3A_264 {strides = array<i32>} : memref<80x128xf32, #tpu.memory_space<vmem>>, vector<16xf32>,
        %parallel_loop3A_268 = arith.index_cast %parallel_loop3A_247 : i32 to index
        %parallel_loop3A_269 = arith.constant 32 : index
        %parallel_loop3A_270 = tpu.vector_load %arg7[%parallel_loop3A_268, %parallel_loop3A_269] {strides = array<i32>} : memref<80x128xf32, #tpu.memory_space<vmem>>, vector<16xf32>,
        %parallel_loop3A_271 = arith.index_cast %parallel_loop3A_247 : i32 to index
        %parallel_loop3A_272 = arith.constant 32 : index
        %parallel_loop3A_273 = tpu.vector_load %arg10[%parallel_loop3A_271, %parallel_loop3A_272] {strides = array<i32>} : memref<80x128xf32, #tpu.memory_space<vmem>>, vector<16xf32>,
        %parallel_loop3A_274 = arith.addf %parallel_loop3A_270, %parallel_loop3A_273 : vector<16xf32>
        %parallel_loop3A_275 = arith.index_cast %parallel_loop3A_247 : i32 to index
        %parallel_loop3A_276 = arith.constant 32 : index
        %parallel_loop3A_277 = tpu.vector_load %arg13[%parallel_loop3A_275, %parallel_loop3A_276] {strides = array<i32>} : memref<80x128xf32, #tpu.memory_space<vmem>>, vector<16xf32>,
        tpu.vector_store %arg13[%parallel_loop3A_275, %parallel_loop3A_276], %parallel_loop3A_274 {strides = array<i32>} : memref<80x128xf32, #tpu.memory_space<vmem>>, vector<16xf32>,
        %parallel_loop3A_278 = arith.index_cast %parallel_loop3A_247 : i32 to index
        %parallel_loop3A_279 = arith.constant 48 : index
        %parallel_loop3A_280 = tpu.vector_load %arg7[%parallel_loop3A_278, %parallel_loop3A_279] {strides = array<i32>} : memref<80x128xf32, #tpu.memory_space<vmem>>, vector<16xf32>,
        %parallel_loop3A_281 = arith.index_cast %parallel_loop3A_247 : i32 to index
        %parallel_loop3A_282 = arith.constant 48 : index
        %parallel_loop3A_283 = tpu.vector_load %arg10[%parallel_loop3A_281, %parallel_loop3A_282] {strides = array<i32>} : memref<80x128xf32, #tpu.memory_space<vmem>>, vector<16xf32>,
        %parallel_loop3A_284 = arith.addf %parallel_loop3A_280, %parallel_loop3A_283 : vector<16xf32>
        %parallel_loop3A_285 = arith.index_cast %parallel_loop3A_247 : i32 to index
        %parallel_loop3A_286 = arith.constant 48 : index
        %parallel_loop3A_287 = tpu.vector_load %arg13[%parallel_loop3A_285, %parallel_loop3A_286] {strides = array<i32>} : memref<80x128xf32, #tpu.memory_space<vmem>>, vector<16xf32>,
        tpu.vector_store %arg13[%parallel_loop3A_285, %parallel_loop3A_286], %parallel_loop3A_284 {strides = array<i32>} : memref<80x128xf32, #tpu.memory_space<vmem>>, vector<16xf32>,
        %parallel_loop3A_288 = arith.index_cast %parallel_loop3A_247 : i32 to index
        %parallel_loop3A_289 = arith.constant 64 : index
        %parallel_loop3A_290 = tpu.vector_load %arg7[%parallel_loop3A_288, %parallel_loop3A_289] {strides = array<i32>} : memref<80x128xf32, #tpu.memory_space<vmem>>, vector<16xf32>,
        %parallel_loop3A_291 = arith.index_cast %parallel_loop3A_247 : i32 to index
        %parallel_loop3A_292 = arith.constant 64 : index
        %parallel_loop3A_293 = tpu.vector_load %arg10[%parallel_loop3A_291, %parallel_loop3A_292] {strides = array<i32>} : memref<80x128xf32, #tpu.memory_space<vmem>>, vector<16xf32>,
        %parallel_loop3A_294 = arith.addf %parallel_loop3A_290, %parallel_loop3A_293 : vector<16xf32>
        %parallel_loop3A_295 = arith.index_cast %parallel_loop3A_247 : i32 to index
        %parallel_loop3A_296 = arith.constant 64 : index
        %parallel_loop3A_297 = tpu.vector_load %arg13[%parallel_loop3A_295, %parallel_loop3A_296] {strides = array<i32>} : memref<80x128xf32, #tpu.memory_space<vmem>>, vector<16xf32>,
        tpu.vector_store %arg13[%parallel_loop3A_295, %parallel_loop3A_296], %parallel_loop3A_294 {strides = array<i32>} : memref<80x128xf32, #tpu.memory_space<vmem>>, vector<16xf32>,
        %parallel_loop3A_298 = arith.index_cast %parallel_loop3A_247 : i32 to index
        %parallel_loop3A_299 = arith.constant 80 : index
        %parallel_loop3A_300 = tpu.vector_load %arg7[%parallel_loop3A_298, %parallel_loop3A_299] {strides = array<i32>} : memref<80x128xf32, #tpu.memory_space<vmem>>, vector<16xf32>,
        %parallel_loop3A_301 = arith.index_cast %parallel_loop3A_247 : i32 to index
        %parallel_loop3A_302 = arith.constant 80 : index
        %parallel_loop3A_303 = tpu.vector_load %arg10[%parallel_loop3A_301, %parallel_loop3A_302] {strides = array<i32>} : memref<80x128xf32, #tpu.memory_space<vmem>>, vector<16xf32>,
        %parallel_loop3A_304 = arith.addf %parallel_loop3A_300, %parallel_loop3A_303 : vector<16xf32>
        %parallel_loop3A_305 = arith.index_cast %parallel_loop3A_247 : i32 to index
        %parallel_loop3A_306 = arith.constant 80 : index
        %parallel_loop3A_307 = tpu.vector_load %arg13[%parallel_loop3A_305, %parallel_loop3A_306] {strides = array<i32>} : memref<80x128xf32, #tpu.memory_space<vmem>>, vector<16xf32>,
        tpu.vector_store %arg13[%parallel_loop3A_305, %parallel_loop3A_306], %parallel_loop3A_304 {strides = array<i32>} : memref<80x128xf32, #tpu.memory_space<vmem>>, vector<16xf32>,
        %parallel_loop3A_308 = arith.index_cast %parallel_loop3A_247 : i32 to index
        %parallel_loop3A_309 = arith.constant 96 : index
        %parallel_loop3A_310 = tpu.vector_load %arg7[%parallel_loop3A_308, %parallel_loop3A_309] {strides = array<i32>} : memref<80x128xf32, #tpu.memory_space<vmem>>, vector<16xf32>,
        %parallel_loop3A_311 = arith.index_cast %parallel_loop3A_247 : i32 to index
        %parallel_loop3A_312 = arith.constant 96 : index
        %parallel_loop3A_313 = tpu.vector_load %arg10[%parallel_loop3A_311, %parallel_loop3A_312] {strides = array<i32>} : memref<80x128xf32, #tpu.memory_space<vmem>>, vector<16xf32>,
        %parallel_loop3A_314 = arith.addf %parallel_loop3A_310, %parallel_loop3A_313 : vector<16xf32>
        %parallel_loop3A_315 = arith.index_cast %parallel_loop3A_247 : i32 to index
        %parallel_loop3A_316 = arith.constant 96 : index
        %parallel_loop3A_317 = tpu.vector_load %arg13[%parallel_loop3A_315, %parallel_loop3A_316] {strides = array<i32>} : memref<80x128xf32, #tpu.memory_space<vmem>>, vector<16xf32>,
        tpu.vector_store %arg13[%parallel_loop3A_315, %parallel_loop3A_316], %parallel_loop3A_314 {strides = array<i32>} : memref<80x128xf32, #tpu.memory_space<vmem>>, vector<16xf32>,
        %parallel_loop3A_318 = arith.index_cast %parallel_loop3A_247 : i32 to index
        %parallel_loop3A_319 = arith.constant 112 : index
        %parallel_loop3A_320 = tpu.vector_load %arg7[%parallel_loop3A_318, %parallel_loop3A_319] {strides = array<i32>} : memref<80x128xf32, #tpu.memory_space<vmem>>, vector<16xf32>,
        %parallel_loop3A_321 = arith.index_cast %parallel_loop3A_247 : i32 to index
        %parallel_loop3A_322 = arith.constant 112 : index
        %parallel_loop3A_323 = tpu.vector_load %arg10[%parallel_loop3A_321, %parallel_loop3A_322] {strides = array<i32>} : memref<80x128xf32, #tpu.memory_space<vmem>>, vector<16xf32>,
        %parallel_loop3A_324 = arith.addf %parallel_loop3A_320, %parallel_loop3A_323 : vector<16xf32>
        %parallel_loop3A_325 = arith.index_cast %parallel_loop3A_247 : i32 to index
        %parallel_loop3A_326 = arith.constant 112 : index
        %parallel_loop3A_327 = tpu.vector_load %arg13[%parallel_loop3A_325, %parallel_loop3A_326] {strides = array<i32>} : memref<80x128xf32, #tpu.memory_space<vmem>>, vector<16xf32>,
        tpu.vector_store %arg13[%parallel_loop3A_325, %parallel_loop3A_326], %parallel_loop3A_324 {strides = array<i32>} : memref<80x128xf32, #tpu.memory_space<vmem>>, vector<16xf32>,
      } {sc.loop_unroll_factor = 4 : i64, sc.parallel_access}
      %mul3A_192 = arith.constant 10000 : i32
      %mul3A_193 = arith.muli %add3A, %mul3A_192 : i32
      %mul3A_194 = arith.constant 80 : i32
      %mul3A_195 = arith.muli %add3A_170, %mul3A_194 : i32
      %add3A_196 = arith.addi %mul3A_193, %mul3A_195 : i32
      %dma_start3A_197 = arith.constant 0 : i32
      %dma_start3A_198 = tpu.memref_slice %arg5[%add3A_196, %dma_start3A_197] : memref<320000x128xf32, #tpu.memory_space<hbm>> -> memref<80x128xf32, #tpu.memory_space<hbm>>
      %dma_start3A_199 = arith.constant 0 : i32
      %dma_start3A_200 = tpu.memref_slice %arg5[%add3A_196, %dma_start3A_199] : memref<320000x128xf32, #tpu.memory_space<hbm>> -> memref<80x128xf32, #tpu.memory_space<hbm>>
      tpu.enqueue_dma source(%arg13 : memref<80x128xf32, #tpu.memory_space<vmem>>) target(%dma_start3A_200 : memref<80x128xf32, #tpu.memory_space<hbm>>) target_semaphore(%arg24 : memref<!tpu.dma_semaphore, #tpu.memory_space<semaphore_mem>>)
      %add3A_201 = arith.constant 3 : i32
      %add3A_202 = arith.addi %add3A_170, %add3A_201 : i32
      %lt3A_203 = arith.constant 125 : i32
      %lt3A_204 = arith.cmpi slt, %add3A_202, %lt3A_203 : i32
      %convert_element_type3A_205 = arith.extui %lt3A_204 : i1 to i32
      %cond3A_206 = arith.constant 0 : i32
      %cond3A_207 = arith.cmpi ne, %convert_element_type3A_205, %cond3A_206 : i32
      scf.if %cond3A_207 {
        %mul3A_247 = arith.constant 10000 : i32
        %mul3A_248 = arith.muli %add3A, %mul3A_247 : i32
        %mul3A_249 = arith.constant 80 : i32
        %mul3A_250 = arith.muli %add3A_170, %mul3A_249 : i32
        %add3A_251 = arith.addi %mul3A_248, %mul3A_250 : i32
        %add3A_252 = arith.constant 240 : i32
        %add3A_253 = arith.addi %add3A_251, %add3A_252 : i32
        %dma_start3A_254 = arith.constant 0 : i32
        %dma_start3A_255 = tpu.memref_slice %arg2[%add3A_253, %dma_start3A_254] : memref<320000x128xf32, #tpu.memory_space<hbm>> -> memref<80x128xf32, #tpu.memory_space<hbm>>
        %dma_start3A_256 = arith.constant 0 : i32
        %dma_start3A_257 = tpu.memref_slice %arg2[%add3A_253, %dma_start3A_256] : memref<320000x128xf32, #tpu.memory_space<hbm>> -> memref<80x128xf32, #tpu.memory_space<hbm>>
        tpu.enqueue_dma source(%dma_start3A_257 : memref<80x128xf32, #tpu.memory_space<hbm>>) target(%arg7 : memref<80x128xf32, #tpu.memory_space<vmem>>) target_semaphore(%arg18 : memref<!tpu.dma_semaphore, #tpu.memory_space<semaphore_mem>>)
        %add3A_258 = arith.constant 3 : i32
        %add3A_259 = arith.addi %add3A_170, %add3A_258 : i32
        %dma_start3A_260 = arith.constant 0 : i32
        %dma_start3A_261 = tpu.memref_slice %arg15[%add3A_259, %dma_start3A_260] : memref<125x80xi32, #tpu.memory_space<vmem>> -> memref<1x80xi32, #tpu.memory_space<vmem>>
        %dma_start3A_262 = tpu.memref_squeeze %dma_start3A_261 : memref<1x80xi32, #tpu.memory_space<vmem>> -> memref<80xi32, #tpu.memory_space<vmem>>
        %dma_start3A_263 = arith.constant 0 : i32
        %dma_start3A_264 = arith.constant 0 : i32
        %dma_start3A_265 = tpu.memref_slice %arg16[%dma_start3A_263, %dma_start3A_264] : memref<512x128xf32, #tpu.memory_space<vmem_shared>> -> memref<512x128xf32, #tpu.memory_space<vmem_shared>>
        tpu.enqueue_indirect_dma source(%dma_start3A_265 : memref<512x128xf32, #tpu.memory_space<vmem_shared>>) target(%arg10 : memref<80x128xf32, #tpu.memory_space<vmem>>) offsets(%dma_start3A_262 : memref<80xi32, #tpu.memory_space<vmem>>) semaphore(%arg21 : memref<!tpu.dma_semaphore, #tpu.memory_space<semaphore_mem>>)
      } else {
      }
      %add3A_208 = arith.constant 2 : i32
      %add3A_209 = arith.addi %add3A_133, %add3A_208 : i32
      %dma_wait3A_210 = arith.constant 0 : i32
      %dma_wait3A_211 = arith.constant 0 : i32
      %dma_wait3A_212 = tpu.memref_slice %arg2[%dma_wait3A_210, %dma_wait3A_211] : memref<320000x128xf32, #tpu.memory_space<hbm>> -> memref<80x128xf32, #tpu.memory_space<hbm>>
      %dma_wait3A_213 = arith.constant 0 : i32
      %dma_wait3A_214 = arith.constant 0 : i32
      %dma_wait3A_215 = tpu.memref_slice %arg2[%dma_wait3A_213, %dma_wait3A_214] : memref<320000x128xf32, #tpu.memory_space<hbm>> -> memref<80x128xf32, #tpu.memory_space<hbm>>
      tpu.wait_dma2 semaphore(%arg19 : memref<!tpu.dma_semaphore, #tpu.memory_space<semaphore_mem>>) src(%dma_wait3A_215 : memref<80x128xf32, #tpu.memory_space<hbm>>) dst(%arg8 : memref<80x128xf32, #tpu.memory_space<vmem>>)
      %dma_wait3A_216 = arith.constant 0 : i32
      %dma_wait3A_217 = arith.constant 0 : i32
      %dma_wait3A_218 = tpu.memref_slice %arg15[%dma_wait3A_216, %dma_wait3A_217] : memref<125x80xi32, #tpu.memory_space<vmem>> -> memref<1x80xi32, #tpu.memory_space<vmem>>
      %dma_wait3A_219 = tpu.memref_squeeze %dma_wait3A_218 : memref<1x80xi32, #tpu.memory_space<vmem>> -> memref<80xi32, #tpu.memory_space<vmem>>
      %dma_wait3A_220 = arith.constant 0 : i32
      %dma_wait3A_221 = arith.constant 0 : i32
      %dma_wait3A_222 = tpu.memref_slice %arg16[%dma_wait3A_220, %dma_wait3A_221] : memref<512x128xf32, #tpu.memory_space<vmem_shared>> -> memref<512x128xf32, #tpu.memory_space<vmem_shared>>
      tpu.wait_indirect_dma semaphore(%arg22 : memref<!tpu.dma_semaphore, #tpu.memory_space<semaphore_mem>>) src(%dma_wait3A_222 : memref<512x128xf32, #tpu.memory_space<vmem_shared>>) dst(%arg11 : memref<80x128xf32, #tpu.memory_space<vmem>>)
      %ge3A_223 = arith.constant 3 : i32
      %ge3A_224 = arith.cmpi sge, %add3A_209, %ge3A_223 : i32
      %convert_element_type3A_225 = arith.extui %ge3A_224 : i1 to i32
      %cond3A_226 = arith.constant 0 : i32
      %cond3A_227 = arith.cmpi ne, %convert_element_type3A_225, %cond3A_226 : i32
      scf.if %cond3A_227 {
        %dma_wait3A_247 = arith.constant 0 : i32
        %dma_wait3A_248 = arith.constant 0 : i32
        %dma_wait3A_249 = tpu.memref_slice %arg5[%dma_wait3A_247, %dma_wait3A_248] : memref<320000x128xf32, #tpu.memory_space<hbm>> -> memref<80x128xf32, #tpu.memory_space<hbm>>
        %dma_wait3A_250 = arith.constant 0 : i32
        %dma_wait3A_251 = arith.constant 0 : i32
        %dma_wait3A_252 = tpu.memref_slice %arg5[%dma_wait3A_250, %dma_wait3A_251] : memref<320000x128xf32, #tpu.memory_space<hbm>> -> memref<80x128xf32, #tpu.memory_space<hbm>>
        tpu.wait_dma2 semaphore(%arg25 : memref<!tpu.dma_semaphore, #tpu.memory_space<semaphore_mem>>) src(%arg14 : memref<80x128xf32, #tpu.memory_space<vmem>>) dst(%dma_wait3A_252 : memref<80x128xf32, #tpu.memory_space<hbm>>)
      } else {
      }
      %parallel_loop3A_228 = arith.constant 0 : i32
      %parallel_loop3A_229 = arith.constant 80 : i32
      %parallel_loop3A_230 = arith.constant 1 : i32
      scf.for %parallel_loop3A_247 = %parallel_loop3A_228 to %parallel_loop3A_229 step %parallel_loop3A_230  : i32 {
        %parallel_loop3A_248 = arith.index_cast %parallel_loop3A_247 : i32 to index
        %parallel_loop3A_249 = arith.constant 0 : index
        %parallel_loop3A_250 = tpu.vector_load %arg8[%parallel_loop3A_248, %parallel_loop3A_249] {strides = array<i32>} : memref<80x128xf32, #tpu.memory_space<vmem>>, vector<16xf32>,
        %parallel_loop3A_251 = arith.index_cast %parallel_loop3A_247 : i32 to index
        %parallel_loop3A_252 = arith.constant 0 : index
        %parallel_loop3A_253 = tpu.vector_load %arg11[%parallel_loop3A_251, %parallel_loop3A_252] {strides = array<i32>} : memref<80x128xf32, #tpu.memory_space<vmem>>, vector<16xf32>,
        %parallel_loop3A_254 = arith.addf %parallel_loop3A_250, %parallel_loop3A_253 : vector<16xf32>
        %parallel_loop3A_255 = arith.index_cast %parallel_loop3A_247 : i32 to index
        %parallel_loop3A_256 = arith.constant 0 : index
        %parallel_loop3A_257 = tpu.vector_load %arg14[%parallel_loop3A_255, %parallel_loop3A_256] {strides = array<i32>} : memref<80x128xf32, #tpu.memory_space<vmem>>, vector<16xf32>,
        tpu.vector_store %arg14[%parallel_loop3A_255, %parallel_loop3A_256], %parallel_loop3A_254 {strides = array<i32>} : memref<80x128xf32, #tpu.memory_space<vmem>>, vector<16xf32>,
        %parallel_loop3A_258 = arith.index_cast %parallel_loop3A_247 : i32 to index
        %parallel_loop3A_259 = arith.constant 16 : index
        %parallel_loop3A_260 = tpu.vector_load %arg8[%parallel_loop3A_258, %parallel_loop3A_259] {strides = array<i32>} : memref<80x128xf32, #tpu.memory_space<vmem>>, vector<16xf32>,
        %parallel_loop3A_261 = arith.index_cast %parallel_loop3A_247 : i32 to index
        %parallel_loop3A_262 = arith.constant 16 : index
        %parallel_loop3A_263 = tpu.vector_load %arg11[%parallel_loop3A_261, %parallel_loop3A_262] {strides = array<i32>} : memref<80x128xf32, #tpu.memory_space<vmem>>, vector<16xf32>,
        %parallel_loop3A_264 = arith.addf %parallel_loop3A_260, %parallel_loop3A_263 : vector<16xf32>
        %parallel_loop3A_265 = arith.index_cast %parallel_loop3A_247 : i32 to index
        %parallel_loop3A_266 = arith.constant 16 : index
        %parallel_loop3A_267 = tpu.vector_load %arg14[%parallel_loop3A_265, %parallel_loop3A_266] {strides = array<i32>} : memref<80x128xf32, #tpu.memory_space<vmem>>, vector<16xf32>,
        tpu.vector_store %arg14[%parallel_loop3A_265, %parallel_loop3A_266], %parallel_loop3A_264 {strides = array<i32>} : memref<80x128xf32, #tpu.memory_space<vmem>>, vector<16xf32>,
        %parallel_loop3A_268 = arith.index_cast %parallel_loop3A_247 : i32 to index
        %parallel_loop3A_269 = arith.constant 32 : index
        %parallel_loop3A_270 = tpu.vector_load %arg8[%parallel_loop3A_268, %parallel_loop3A_269] {strides = array<i32>} : memref<80x128xf32, #tpu.memory_space<vmem>>, vector<16xf32>,
        %parallel_loop3A_271 = arith.index_cast %parallel_loop3A_247 : i32 to index
        %parallel_loop3A_272 = arith.constant 32 : index
        %parallel_loop3A_273 = tpu.vector_load %arg11[%parallel_loop3A_271, %parallel_loop3A_272] {strides = array<i32>} : memref<80x128xf32, #tpu.memory_space<vmem>>, vector<16xf32>,
        %parallel_loop3A_274 = arith.addf %parallel_loop3A_270, %parallel_loop3A_273 : vector<16xf32>
        %parallel_loop3A_275 = arith.index_cast %parallel_loop3A_247 : i32 to index
        %parallel_loop3A_276 = arith.constant 32 : index
        %parallel_loop3A_277 = tpu.vector_load %arg14[%parallel_loop3A_275, %parallel_loop3A_276] {strides = array<i32>} : memref<80x128xf32, #tpu.memory_space<vmem>>, vector<16xf32>,
        tpu.vector_store %arg14[%parallel_loop3A_275, %parallel_loop3A_276], %parallel_loop3A_274 {strides = array<i32>} : memref<80x128xf32, #tpu.memory_space<vmem>>, vector<16xf32>,
        %parallel_loop3A_278 = arith.index_cast %parallel_loop3A_247 : i32 to index
        %parallel_loop3A_279 = arith.constant 48 : index
        %parallel_loop3A_280 = tpu.vector_load %arg8[%parallel_loop3A_278, %parallel_loop3A_279] {strides = array<i32>} : memref<80x128xf32, #tpu.memory_space<vmem>>, vector<16xf32>,
        %parallel_loop3A_281 = arith.index_cast %parallel_loop3A_247 : i32 to index
        %parallel_loop3A_282 = arith.constant 48 : index
        %parallel_loop3A_283 = tpu.vector_load %arg11[%parallel_loop3A_281, %parallel_loop3A_282] {strides = array<i32>} : memref<80x128xf32, #tpu.memory_space<vmem>>, vector<16xf32>,
        %parallel_loop3A_284 = arith.addf %parallel_loop3A_280, %parallel_loop3A_283 : vector<16xf32>
        %parallel_loop3A_285 = arith.index_cast %parallel_loop3A_247 : i32 to index
        %parallel_loop3A_286 = arith.constant 48 : index
        %parallel_loop3A_287 = tpu.vector_load %arg14[%parallel_loop3A_285, %parallel_loop3A_286] {strides = array<i32>} : memref<80x128xf32, #tpu.memory_space<vmem>>, vector<16xf32>,
        tpu.vector_store %arg14[%parallel_loop3A_285, %parallel_loop3A_286], %parallel_loop3A_284 {strides = array<i32>} : memref<80x128xf32, #tpu.memory_space<vmem>>, vector<16xf32>,
        %parallel_loop3A_288 = arith.index_cast %parallel_loop3A_247 : i32 to index
        %parallel_loop3A_289 = arith.constant 64 : index
        %parallel_loop3A_290 = tpu.vector_load %arg8[%parallel_loop3A_288, %parallel_loop3A_289] {strides = array<i32>} : memref<80x128xf32, #tpu.memory_space<vmem>>, vector<16xf32>,
        %parallel_loop3A_291 = arith.index_cast %parallel_loop3A_247 : i32 to index
        %parallel_loop3A_292 = arith.constant 64 : index
        %parallel_loop3A_293 = tpu.vector_load %arg11[%parallel_loop3A_291, %parallel_loop3A_292] {strides = array<i32>} : memref<80x128xf32, #tpu.memory_space<vmem>>, vector<16xf32>,
        %parallel_loop3A_294 = arith.addf %parallel_loop3A_290, %parallel_loop3A_293 : vector<16xf32>
        %parallel_loop3A_295 = arith.index_cast %parallel_loop3A_247 : i32 to index
        %parallel_loop3A_296 = arith.constant 64 : index
        %parallel_loop3A_297 = tpu.vector_load %arg14[%parallel_loop3A_295, %parallel_loop3A_296] {strides = array<i32>} : memref<80x128xf32, #tpu.memory_space<vmem>>, vector<16xf32>,
        tpu.vector_store %arg14[%parallel_loop3A_295, %parallel_loop3A_296], %parallel_loop3A_294 {strides = array<i32>} : memref<80x128xf32, #tpu.memory_space<vmem>>, vector<16xf32>,
        %parallel_loop3A_298 = arith.index_cast %parallel_loop3A_247 : i32 to index
        %parallel_loop3A_299 = arith.constant 80 : index
        %parallel_loop3A_300 = tpu.vector_load %arg8[%parallel_loop3A_298, %parallel_loop3A_299] {strides = array<i32>} : memref<80x128xf32, #tpu.memory_space<vmem>>, vector<16xf32>,
        %parallel_loop3A_301 = arith.index_cast %parallel_loop3A_247 : i32 to index
        %parallel_loop3A_302 = arith.constant 80 : index
        %parallel_loop3A_303 = tpu.vector_load %arg11[%parallel_loop3A_301, %parallel_loop3A_302] {strides = array<i32>} : memref<80x128xf32, #tpu.memory_space<vmem>>, vector<16xf32>,
        %parallel_loop3A_304 = arith.addf %parallel_loop3A_300, %parallel_loop3A_303 : vector<16xf32>
        %parallel_loop3A_305 = arith.index_cast %parallel_loop3A_247 : i32 to index
        %parallel_loop3A_306 = arith.constant 80 : index
        %parallel_loop3A_307 = tpu.vector_load %arg14[%parallel_loop3A_305, %parallel_loop3A_306] {strides = array<i32>} : memref<80x128xf32, #tpu.memory_space<vmem>>, vector<16xf32>,
        tpu.vector_store %arg14[%parallel_loop3A_305, %parallel_loop3A_306], %parallel_loop3A_304 {strides = array<i32>} : memref<80x128xf32, #tpu.memory_space<vmem>>, vector<16xf32>,
        %parallel_loop3A_308 = arith.index_cast %parallel_loop3A_247 : i32 to index
        %parallel_loop3A_309 = arith.constant 96 : index
        %parallel_loop3A_310 = tpu.vector_load %arg8[%parallel_loop3A_308, %parallel_loop3A_309] {strides = array<i32>} : memref<80x128xf32, #tpu.memory_space<vmem>>, vector<16xf32>,
        %parallel_loop3A_311 = arith.index_cast %parallel_loop3A_247 : i32 to index
        %parallel_loop3A_312 = arith.constant 96 : index
        %parallel_loop3A_313 = tpu.vector_load %arg11[%parallel_loop3A_311, %parallel_loop3A_312] {strides = array<i32>} : memref<80x128xf32, #tpu.memory_space<vmem>>, vector<16xf32>,
        %parallel_loop3A_314 = arith.addf %parallel_loop3A_310, %parallel_loop3A_313 : vector<16xf32>
        %parallel_loop3A_315 = arith.index_cast %parallel_loop3A_247 : i32 to index
        %parallel_loop3A_316 = arith.constant 96 : index
        %parallel_loop3A_317 = tpu.vector_load %arg14[%parallel_loop3A_315, %parallel_loop3A_316] {strides = array<i32>} : memref<80x128xf32, #tpu.memory_space<vmem>>, vector<16xf32>,
        tpu.vector_store %arg14[%parallel_loop3A_315, %parallel_loop3A_316], %parallel_loop3A_314 {strides = array<i32>} : memref<80x128xf32, #tpu.memory_space<vmem>>, vector<16xf32>,
        %parallel_loop3A_318 = arith.index_cast %parallel_loop3A_247 : i32 to index
        %parallel_loop3A_319 = arith.constant 112 : index
        %parallel_loop3A_320 = tpu.vector_load %arg8[%parallel_loop3A_318, %parallel_loop3A_319] {strides = array<i32>} : memref<80x128xf32, #tpu.memory_space<vmem>>, vector<16xf32>,
        %parallel_loop3A_321 = arith.index_cast %parallel_loop3A_247 : i32 to index
        %parallel_loop3A_322 = arith.constant 112 : index
        %parallel_loop3A_323 = tpu.vector_load %arg11[%parallel_loop3A_321, %parallel_loop3A_322] {strides = array<i32>} : memref<80x128xf32, #tpu.memory_space<vmem>>, vector<16xf32>,
        %parallel_loop3A_324 = arith.addf %parallel_loop3A_320, %parallel_loop3A_323 : vector<16xf32>
        %parallel_loop3A_325 = arith.index_cast %parallel_loop3A_247 : i32 to index
        %parallel_loop3A_326 = arith.constant 112 : index
        %parallel_loop3A_327 = tpu.vector_load %arg14[%parallel_loop3A_325, %parallel_loop3A_326] {strides = array<i32>} : memref<80x128xf32, #tpu.memory_space<vmem>>, vector<16xf32>,
        tpu.vector_store %arg14[%parallel_loop3A_325, %parallel_loop3A_326], %parallel_loop3A_324 {strides = array<i32>} : memref<80x128xf32, #tpu.memory_space<vmem>>, vector<16xf32>,
      } {sc.loop_unroll_factor = 4 : i64, sc.parallel_access}
      %mul3A_231 = arith.constant 10000 : i32
      %mul3A_232 = arith.muli %add3A, %mul3A_231 : i32
      %mul3A_233 = arith.constant 80 : i32
      %mul3A_234 = arith.muli %add3A_209, %mul3A_233 : i32
      %add3A_235 = arith.addi %mul3A_232, %mul3A_234 : i32
      %dma_start3A_236 = arith.constant 0 : i32
      %dma_start3A_237 = tpu.memref_slice %arg5[%add3A_235, %dma_start3A_236] : memref<320000x128xf32, #tpu.memory_space<hbm>> -> memref<80x128xf32, #tpu.memory_space<hbm>>
      %dma_start3A_238 = arith.constant 0 : i32
      %dma_start3A_239 = tpu.memref_slice %arg5[%add3A_235, %dma_start3A_238] : memref<320000x128xf32, #tpu.memory_space<hbm>> -> memref<80x128xf32, #tpu.memory_space<hbm>>
      tpu.enqueue_dma source(%arg14 : memref<80x128xf32, #tpu.memory_space<vmem>>) target(%dma_start3A_239 : memref<80x128xf32, #tpu.memory_space<hbm>>) target_semaphore(%arg25 : memref<!tpu.dma_semaphore, #tpu.memory_space<semaphore_mem>>)
      %add3A_240 = arith.constant 3 : i32
      %add3A_241 = arith.addi %add3A_209, %add3A_240 : i32
      %lt3A_242 = arith.constant 125 : i32
      %lt3A_243 = arith.cmpi slt, %add3A_241, %lt3A_242 : i32
      %convert_element_type3A_244 = arith.extui %lt3A_243 : i1 to i32
      %cond3A_245 = arith.constant 0 : i32
      %cond3A_246 = arith.cmpi ne, %convert_element_type3A_244, %cond3A_245 : i32
      scf.if %cond3A_246 {
        %mul3A_247 = arith.constant 10000 : i32
        %mul3A_248 = arith.muli %add3A, %mul3A_247 : i32
        %mul3A_249 = arith.constant 80 : i32
        %mul3A_250 = arith.muli %add3A_209, %mul3A_249 : i32
        %add3A_251 = arith.addi %mul3A_248, %mul3A_250 : i32
        %add3A_252 = arith.constant 240 : i32
        %add3A_253 = arith.addi %add3A_251, %add3A_252 : i32
        %dma_start3A_254 = arith.constant 0 : i32
        %dma_start3A_255 = tpu.memref_slice %arg2[%add3A_253, %dma_start3A_254] : memref<320000x128xf32, #tpu.memory_space<hbm>> -> memref<80x128xf32, #tpu.memory_space<hbm>>
        %dma_start3A_256 = arith.constant 0 : i32
        %dma_start3A_257 = tpu.memref_slice %arg2[%add3A_253, %dma_start3A_256] : memref<320000x128xf32, #tpu.memory_space<hbm>> -> memref<80x128xf32, #tpu.memory_space<hbm>>
        tpu.enqueue_dma source(%dma_start3A_257 : memref<80x128xf32, #tpu.memory_space<hbm>>) target(%arg8 : memref<80x128xf32, #tpu.memory_space<vmem>>) target_semaphore(%arg19 : memref<!tpu.dma_semaphore, #tpu.memory_space<semaphore_mem>>)
        %add3A_258 = arith.constant 3 : i32
        %add3A_259 = arith.addi %add3A_209, %add3A_258 : i32
        %dma_start3A_260 = arith.constant 0 : i32
        %dma_start3A_261 = tpu.memref_slice %arg15[%add3A_259, %dma_start3A_260] : memref<125x80xi32, #tpu.memory_space<vmem>> -> memref<1x80xi32, #tpu.memory_space<vmem>>
        %dma_start3A_262 = tpu.memref_squeeze %dma_start3A_261 : memref<1x80xi32, #tpu.memory_space<vmem>> -> memref<80xi32, #tpu.memory_space<vmem>>
        %dma_start3A_263 = arith.constant 0 : i32
        %dma_start3A_264 = arith.constant 0 : i32
        %dma_start3A_265 = tpu.memref_slice %arg16[%dma_start3A_263, %dma_start3A_264] : memref<512x128xf32, #tpu.memory_space<vmem_shared>> -> memref<512x128xf32, #tpu.memory_space<vmem_shared>>
        tpu.enqueue_indirect_dma source(%dma_start3A_265 : memref<512x128xf32, #tpu.memory_space<vmem_shared>>) target(%arg11 : memref<80x128xf32, #tpu.memory_space<vmem>>) offsets(%dma_start3A_262 : memref<80xi32, #tpu.memory_space<vmem>>) semaphore(%arg22 : memref<!tpu.dma_semaphore, #tpu.memory_space<semaphore_mem>>)
      } else {
      }
    }
    %scan3A_52 = arith.constant 41 : i32
    %dma_wait3A = arith.constant 0 : i32
    %dma_wait3A_53 = arith.constant 0 : i32
    %dma_wait3A_54 = tpu.memref_slice %arg2[%dma_wait3A, %dma_wait3A_53] : memref<320000x128xf32, #tpu.memory_space<hbm>> -> memref<80x128xf32, #tpu.memory_space<hbm>>
    %dma_wait3A_55 = arith.constant 0 : i32
    %dma_wait3A_56 = arith.constant 0 : i32
    %dma_wait3A_57 = tpu.memref_slice %arg2[%dma_wait3A_55, %dma_wait3A_56] : memref<320000x128xf32, #tpu.memory_space<hbm>> -> memref<80x128xf32, #tpu.memory_space<hbm>>
    tpu.wait_dma2 semaphore(%arg17 : memref<!tpu.dma_semaphore, #tpu.memory_space<semaphore_mem>>) src(%dma_wait3A_57 : memref<80x128xf32, #tpu.memory_space<hbm>>) dst(%arg6 : memref<80x128xf32, #tpu.memory_space<vmem>>)
    %dma_wait3A_58 = arith.constant 0 : i32
    %dma_wait3A_59 = arith.constant 0 : i32
    %dma_wait3A_60 = tpu.memref_slice %arg15[%dma_wait3A_58, %dma_wait3A_59] : memref<125x80xi32, #tpu.memory_space<vmem>> -> memref<1x80xi32, #tpu.memory_space<vmem>>
    %dma_wait3A_61 = tpu.memref_squeeze %dma_wait3A_60 : memref<1x80xi32, #tpu.memory_space<vmem>> -> memref<80xi32, #tpu.memory_space<vmem>>
    %dma_wait3A_62 = arith.constant 0 : i32
    %dma_wait3A_63 = arith.constant 0 : i32
    %dma_wait3A_64 = tpu.memref_slice %arg16[%dma_wait3A_62, %dma_wait3A_63] : memref<512x128xf32, #tpu.memory_space<vmem_shared>> -> memref<512x128xf32, #tpu.memory_space<vmem_shared>>
    tpu.wait_indirect_dma semaphore(%arg20 : memref<!tpu.dma_semaphore, #tpu.memory_space<semaphore_mem>>) src(%dma_wait3A_64 : memref<512x128xf32, #tpu.memory_space<vmem_shared>>) dst(%arg9 : memref<80x128xf32, #tpu.memory_space<vmem>>)
    %dma_wait3A_65 = arith.constant 0 : i32
    %dma_wait3A_66 = arith.constant 0 : i32
    %dma_wait3A_67 = tpu.memref_slice %arg5[%dma_wait3A_65, %dma_wait3A_66] : memref<320000x128xf32, #tpu.memory_space<hbm>> -> memref<80x128xf32, #tpu.memory_space<hbm>>
    %dma_wait3A_68 = arith.constant 0 : i32
    %dma_wait3A_69 = arith.constant 0 : i32
    %dma_wait3A_70 = tpu.memref_slice %arg5[%dma_wait3A_68, %dma_wait3A_69] : memref<320000x128xf32, #tpu.memory_space<hbm>> -> memref<80x128xf32, #tpu.memory_space<hbm>>
    tpu.wait_dma2 semaphore(%arg23 : memref<!tpu.dma_semaphore, #tpu.memory_space<semaphore_mem>>) src(%arg12 : memref<80x128xf32, #tpu.memory_space<vmem>>) dst(%dma_wait3A_70 : memref<80x128xf32, #tpu.memory_space<hbm>>)
    %parallel_loop3A = arith.constant 0 : i32
    %parallel_loop3A_71 = arith.constant 80 : i32
    %parallel_loop3A_72 = arith.constant 1 : i32
    scf.for %parallel_loop3A_129 = %parallel_loop3A to %parallel_loop3A_71 step %parallel_loop3A_72  : i32 {
      %parallel_loop3A_130 = arith.index_cast %parallel_loop3A_129 : i32 to index
      %parallel_loop3A_131 = arith.constant 0 : index
      %parallel_loop3A_132 = tpu.vector_load %arg6[%parallel_loop3A_130, %parallel_loop3A_131] {strides = array<i32>} : memref<80x128xf32, #tpu.memory_space<vmem>>, vector<16xf32>,
      %parallel_loop3A_133 = arith.index_cast %parallel_loop3A_129 : i32 to index
      %parallel_loop3A_134 = arith.constant 0 : index
      %parallel_loop3A_135 = tpu.vector_load %arg9[%parallel_loop3A_133, %parallel_loop3A_134] {strides = array<i32>} : memref<80x128xf32, #tpu.memory_space<vmem>>, vector<16xf32>,
      %parallel_loop3A_136 = arith.addf %parallel_loop3A_132, %parallel_loop3A_135 : vector<16xf32>
      %parallel_loop3A_137 = arith.index_cast %parallel_loop3A_129 : i32 to index
      %parallel_loop3A_138 = arith.constant 0 : index
      %parallel_loop3A_139 = tpu.vector_load %arg12[%parallel_loop3A_137, %parallel_loop3A_138] {strides = array<i32>} : memref<80x128xf32, #tpu.memory_space<vmem>>, vector<16xf32>,
      tpu.vector_store %arg12[%parallel_loop3A_137, %parallel_loop3A_138], %parallel_loop3A_136 {strides = array<i32>} : memref<80x128xf32, #tpu.memory_space<vmem>>, vector<16xf32>,
      %parallel_loop3A_140 = arith.index_cast %parallel_loop3A_129 : i32 to index
      %parallel_loop3A_141 = arith.constant 16 : index
      %parallel_loop3A_142 = tpu.vector_load %arg6[%parallel_loop3A_140, %parallel_loop3A_141] {strides = array<i32>} : memref<80x128xf32, #tpu.memory_space<vmem>>, vector<16xf32>,
      %parallel_loop3A_143 = arith.index_cast %parallel_loop3A_129 : i32 to index
      %parallel_loop3A_144 = arith.constant 16 : index
      %parallel_loop3A_145 = tpu.vector_load %arg9[%parallel_loop3A_143, %parallel_loop3A_144] {strides = array<i32>} : memref<80x128xf32, #tpu.memory_space<vmem>>, vector<16xf32>,
      %parallel_loop3A_146 = arith.addf %parallel_loop3A_142, %parallel_loop3A_145 : vector<16xf32>
      %parallel_loop3A_147 = arith.index_cast %parallel_loop3A_129 : i32 to index
      %parallel_loop3A_148 = arith.constant 16 : index
      %parallel_loop3A_149 = tpu.vector_load %arg12[%parallel_loop3A_147, %parallel_loop3A_148] {strides = array<i32>} : memref<80x128xf32, #tpu.memory_space<vmem>>, vector<16xf32>,
      tpu.vector_store %arg12[%parallel_loop3A_147, %parallel_loop3A_148], %parallel_loop3A_146 {strides = array<i32>} : memref<80x128xf32, #tpu.memory_space<vmem>>, vector<16xf32>,
      %parallel_loop3A_150 = arith.index_cast %parallel_loop3A_129 : i32 to index
      %parallel_loop3A_151 = arith.constant 32 : index
      %parallel_loop3A_152 = tpu.vector_load %arg6[%parallel_loop3A_150, %parallel_loop3A_151] {strides = array<i32>} : memref<80x128xf32, #tpu.memory_space<vmem>>, vector<16xf32>,
      %parallel_loop3A_153 = arith.index_cast %parallel_loop3A_129 : i32 to index
      %parallel_loop3A_154 = arith.constant 32 : index
      %parallel_loop3A_155 = tpu.vector_load %arg9[%parallel_loop3A_153, %parallel_loop3A_154] {strides = array<i32>} : memref<80x128xf32, #tpu.memory_space<vmem>>, vector<16xf32>,
      %parallel_loop3A_156 = arith.addf %parallel_loop3A_152, %parallel_loop3A_155 : vector<16xf32>
      %parallel_loop3A_157 = arith.index_cast %parallel_loop3A_129 : i32 to index
      %parallel_loop3A_158 = arith.constant 32 : index
      %parallel_loop3A_159 = tpu.vector_load %arg12[%parallel_loop3A_157, %parallel_loop3A_158] {strides = array<i32>} : memref<80x128xf32, #tpu.memory_space<vmem>>, vector<16xf32>,
      tpu.vector_store %arg12[%parallel_loop3A_157, %parallel_loop3A_158], %parallel_loop3A_156 {strides = array<i32>} : memref<80x128xf32, #tpu.memory_space<vmem>>, vector<16xf32>,
      %parallel_loop3A_160 = arith.index_cast %parallel_loop3A_129 : i32 to index
      %parallel_loop3A_161 = arith.constant 48 : index
      %parallel_loop3A_162 = tpu.vector_load %arg6[%parallel_loop3A_160, %parallel_loop3A_161] {strides = array<i32>} : memref<80x128xf32, #tpu.memory_space<vmem>>, vector<16xf32>,
      %parallel_loop3A_163 = arith.index_cast %parallel_loop3A_129 : i32 to index
      %parallel_loop3A_164 = arith.constant 48 : index
      %parallel_loop3A_165 = tpu.vector_load %arg9[%parallel_loop3A_163, %parallel_loop3A_164] {strides = array<i32>} : memref<80x128xf32, #tpu.memory_space<vmem>>, vector<16xf32>,
      %parallel_loop3A_166 = arith.addf %parallel_loop3A_162, %parallel_loop3A_165 : vector<16xf32>
      %parallel_loop3A_167 = arith.index_cast %parallel_loop3A_129 : i32 to index
      %parallel_loop3A_168 = arith.constant 48 : index
      %parallel_loop3A_169 = tpu.vector_load %arg12[%parallel_loop3A_167, %parallel_loop3A_168] {strides = array<i32>} : memref<80x128xf32, #tpu.memory_space<vmem>>, vector<16xf32>,
      tpu.vector_store %arg12[%parallel_loop3A_167, %parallel_loop3A_168], %parallel_loop3A_166 {strides = array<i32>} : memref<80x128xf32, #tpu.memory_space<vmem>>, vector<16xf32>,
      %parallel_loop3A_170 = arith.index_cast %parallel_loop3A_129 : i32 to index
      %parallel_loop3A_171 = arith.constant 64 : index
      %parallel_loop3A_172 = tpu.vector_load %arg6[%parallel_loop3A_170, %parallel_loop3A_171] {strides = array<i32>} : memref<80x128xf32, #tpu.memory_space<vmem>>, vector<16xf32>,
      %parallel_loop3A_173 = arith.index_cast %parallel_loop3A_129 : i32 to index
      %parallel_loop3A_174 = arith.constant 64 : index
      %parallel_loop3A_175 = tpu.vector_load %arg9[%parallel_loop3A_173, %parallel_loop3A_174] {strides = array<i32>} : memref<80x128xf32, #tpu.memory_space<vmem>>, vector<16xf32>,
      %parallel_loop3A_176 = arith.addf %parallel_loop3A_172, %parallel_loop3A_175 : vector<16xf32>
      %parallel_loop3A_177 = arith.index_cast %parallel_loop3A_129 : i32 to index
      %parallel_loop3A_178 = arith.constant 64 : index
      %parallel_loop3A_179 = tpu.vector_load %arg12[%parallel_loop3A_177, %parallel_loop3A_178] {strides = array<i32>} : memref<80x128xf32, #tpu.memory_space<vmem>>, vector<16xf32>,
      tpu.vector_store %arg12[%parallel_loop3A_177, %parallel_loop3A_178], %parallel_loop3A_176 {strides = array<i32>} : memref<80x128xf32, #tpu.memory_space<vmem>>, vector<16xf32>,
      %parallel_loop3A_180 = arith.index_cast %parallel_loop3A_129 : i32 to index
      %parallel_loop3A_181 = arith.constant 80 : index
      %parallel_loop3A_182 = tpu.vector_load %arg6[%parallel_loop3A_180, %parallel_loop3A_181] {strides = array<i32>} : memref<80x128xf32, #tpu.memory_space<vmem>>, vector<16xf32>,
      %parallel_loop3A_183 = arith.index_cast %parallel_loop3A_129 : i32 to index
      %parallel_loop3A_184 = arith.constant 80 : index
      %parallel_loop3A_185 = tpu.vector_load %arg9[%parallel_loop3A_183, %parallel_loop3A_184] {strides = array<i32>} : memref<80x128xf32, #tpu.memory_space<vmem>>, vector<16xf32>,
      %parallel_loop3A_186 = arith.addf %parallel_loop3A_182, %parallel_loop3A_185 : vector<16xf32>
      %parallel_loop3A_187 = arith.index_cast %parallel_loop3A_129 : i32 to index
      %parallel_loop3A_188 = arith.constant 80 : index
      %parallel_loop3A_189 = tpu.vector_load %arg12[%parallel_loop3A_187, %parallel_loop3A_188] {strides = array<i32>} : memref<80x128xf32, #tpu.memory_space<vmem>>, vector<16xf32>,
      tpu.vector_store %arg12[%parallel_loop3A_187, %parallel_loop3A_188], %parallel_loop3A_186 {strides = array<i32>} : memref<80x128xf32, #tpu.memory_space<vmem>>, vector<16xf32>,
      %parallel_loop3A_190 = arith.index_cast %parallel_loop3A_129 : i32 to index
      %parallel_loop3A_191 = arith.constant 96 : index
      %parallel_loop3A_192 = tpu.vector_load %arg6[%parallel_loop3A_190, %parallel_loop3A_191] {strides = array<i32>} : memref<80x128xf32, #tpu.memory_space<vmem>>, vector<16xf32>,
      %parallel_loop3A_193 = arith.index_cast %parallel_loop3A_129 : i32 to index
      %parallel_loop3A_194 = arith.constant 96 : index
      %parallel_loop3A_195 = tpu.vector_load %arg9[%parallel_loop3A_193, %parallel_loop3A_194] {strides = array<i32>} : memref<80x128xf32, #tpu.memory_space<vmem>>, vector<16xf32>,
      %parallel_loop3A_196 = arith.addf %parallel_loop3A_192, %parallel_loop3A_195 : vector<16xf32>
      %parallel_loop3A_197 = arith.index_cast %parallel_loop3A_129 : i32 to index
      %parallel_loop3A_198 = arith.constant 96 : index
      %parallel_loop3A_199 = tpu.vector_load %arg12[%parallel_loop3A_197, %parallel_loop3A_198] {strides = array<i32>} : memref<80x128xf32, #tpu.memory_space<vmem>>, vector<16xf32>,
      tpu.vector_store %arg12[%parallel_loop3A_197, %parallel_loop3A_198], %parallel_loop3A_196 {strides = array<i32>} : memref<80x128xf32, #tpu.memory_space<vmem>>, vector<16xf32>,
      %parallel_loop3A_200 = arith.index_cast %parallel_loop3A_129 : i32 to index
      %parallel_loop3A_201 = arith.constant 112 : index
      %parallel_loop3A_202 = tpu.vector_load %arg6[%parallel_loop3A_200, %parallel_loop3A_201] {strides = array<i32>} : memref<80x128xf32, #tpu.memory_space<vmem>>, vector<16xf32>,
      %parallel_loop3A_203 = arith.index_cast %parallel_loop3A_129 : i32 to index
      %parallel_loop3A_204 = arith.constant 112 : index
      %parallel_loop3A_205 = tpu.vector_load %arg9[%parallel_loop3A_203, %parallel_loop3A_204] {strides = array<i32>} : memref<80x128xf32, #tpu.memory_space<vmem>>, vector<16xf32>,
      %parallel_loop3A_206 = arith.addf %parallel_loop3A_202, %parallel_loop3A_205 : vector<16xf32>
      %parallel_loop3A_207 = arith.index_cast %parallel_loop3A_129 : i32 to index
      %parallel_loop3A_208 = arith.constant 112 : index
      %parallel_loop3A_209 = tpu.vector_load %arg12[%parallel_loop3A_207, %parallel_loop3A_208] {strides = array<i32>} : memref<80x128xf32, #tpu.memory_space<vmem>>, vector<16xf32>,
      tpu.vector_store %arg12[%parallel_loop3A_207, %parallel_loop3A_208], %parallel_loop3A_206 {strides = array<i32>} : memref<80x128xf32, #tpu.memory_space<vmem>>, vector<16xf32>,
    } {sc.loop_unroll_factor = 4 : i64, sc.parallel_access}
    %mul3A_73 = arith.constant 10000 : i32
    %mul3A_74 = arith.muli %add3A, %mul3A_73 : i32
    %add3A_75 = arith.constant 9840 : i32
    %add3A_76 = arith.addi %mul3A_74, %add3A_75 : i32
    %dma_start3A_77 = arith.constant 0 : i32
    %dma_start3A_78 = tpu.memref_slice %arg5[%add3A_76, %dma_start3A_77] : memref<320000x128xf32, #tpu.memory_space<hbm>> -> memref<80x128xf32, #tpu.memory_space<hbm>>
    %dma_start3A_79 = arith.constant 0 : i32
    %dma_start3A_80 = tpu.memref_slice %arg5[%add3A_76, %dma_start3A_79] : memref<320000x128xf32, #tpu.memory_space<hbm>> -> memref<80x128xf32, #tpu.memory_space<hbm>>
    tpu.enqueue_dma source(%arg12 : memref<80x128xf32, #tpu.memory_space<vmem>>) target(%dma_start3A_80 : memref<80x128xf32, #tpu.memory_space<hbm>>) target_semaphore(%arg23 : memref<!tpu.dma_semaphore, #tpu.memory_space<semaphore_mem>>)
    %dma_wait3A_81 = arith.constant 0 : i32
    %dma_wait3A_82 = arith.constant 0 : i32
    %dma_wait3A_83 = tpu.memref_slice %arg2[%dma_wait3A_81, %dma_wait3A_82] : memref<320000x128xf32, #tpu.memory_space<hbm>> -> memref<80x128xf32, #tpu.memory_space<hbm>>
    %dma_wait3A_84 = arith.constant 0 : i32
    %dma_wait3A_85 = arith.constant 0 : i32
    %dma_wait3A_86 = tpu.memref_slice %arg2[%dma_wait3A_84, %dma_wait3A_85] : memref<320000x128xf32, #tpu.memory_space<hbm>> -> memref<80x128xf32, #tpu.memory_space<hbm>>
    tpu.wait_dma2 semaphore(%arg18 : memref<!tpu.dma_semaphore, #tpu.memory_space<semaphore_mem>>) src(%dma_wait3A_86 : memref<80x128xf32, #tpu.memory_space<hbm>>) dst(%arg7 : memref<80x128xf32, #tpu.memory_space<vmem>>)
    %dma_wait3A_87 = arith.constant 0 : i32
    %dma_wait3A_88 = arith.constant 0 : i32
    %dma_wait3A_89 = tpu.memref_slice %arg15[%dma_wait3A_87, %dma_wait3A_88] : memref<125x80xi32, #tpu.memory_space<vmem>> -> memref<1x80xi32, #tpu.memory_space<vmem>>
    %dma_wait3A_90 = tpu.memref_squeeze %dma_wait3A_89 : memref<1x80xi32, #tpu.memory_space<vmem>> -> memref<80xi32, #tpu.memory_space<vmem>>
    %dma_wait3A_91 = arith.constant 0 : i32
    %dma_wait3A_92 = arith.constant 0 : i32
    %dma_wait3A_93 = tpu.memref_slice %arg16[%dma_wait3A_91, %dma_wait3A_92] : memref<512x128xf32, #tpu.memory_space<vmem_shared>> -> memref<512x128xf32, #tpu.memory_space<vmem_shared>>
    tpu.wait_indirect_dma semaphore(%arg21 : memref<!tpu.dma_semaphore, #tpu.memory_space<semaphore_mem>>) src(%dma_wait3A_93 : memref<512x128xf32, #tpu.memory_space<vmem_shared>>) dst(%arg10 : memref<80x128xf32, #tpu.memory_space<vmem>>)
    %dma_wait3A_94 = arith.constant 0 : i32
    %dma_wait3A_95 = arith.constant 0 : i32
    %dma_wait3A_96 = tpu.memref_slice %arg5[%dma_wait3A_94, %dma_wait3A_95] : memref<320000x128xf32, #tpu.memory_space<hbm>> -> memref<80x128xf32, #tpu.memory_space<hbm>>
    %dma_wait3A_97 = arith.constant 0 : i32
    %dma_wait3A_98 = arith.constant 0 : i32
    %dma_wait3A_99 = tpu.memref_slice %arg5[%dma_wait3A_97, %dma_wait3A_98] : memref<320000x128xf32, #tpu.memory_space<hbm>> -> memref<80x128xf32, #tpu.memory_space<hbm>>
    tpu.wait_dma2 semaphore(%arg24 : memref<!tpu.dma_semaphore, #tpu.memory_space<semaphore_mem>>) src(%arg13 : memref<80x128xf32, #tpu.memory_space<vmem>>) dst(%dma_wait3A_99 : memref<80x128xf32, #tpu.memory_space<hbm>>)
    %parallel_loop3A_100 = arith.constant 0 : i32
    %parallel_loop3A_101 = arith.constant 80 : i32
    %parallel_loop3A_102 = arith.constant 1 : i32
    scf.for %parallel_loop3A_129 = %parallel_loop3A_100 to %parallel_loop3A_101 step %parallel_loop3A_102  : i32 {
      %parallel_loop3A_130 = arith.index_cast %parallel_loop3A_129 : i32 to index
      %parallel_loop3A_131 = arith.constant 0 : index
      %parallel_loop3A_132 = tpu.vector_load %arg7[%parallel_loop3A_130, %parallel_loop3A_131] {strides = array<i32>} : memref<80x128xf32, #tpu.memory_space<vmem>>, vector<16xf32>,
      %parallel_loop3A_133 = arith.index_cast %parallel_loop3A_129 : i32 to index
      %parallel_loop3A_134 = arith.constant 0 : index
      %parallel_loop3A_135 = tpu.vector_load %arg10[%parallel_loop3A_133, %parallel_loop3A_134] {strides = array<i32>} : memref<80x128xf32, #tpu.memory_space<vmem>>, vector<16xf32>,
      %parallel_loop3A_136 = arith.addf %parallel_loop3A_132, %parallel_loop3A_135 : vector<16xf32>
      %parallel_loop3A_137 = arith.index_cast %parallel_loop3A_129 : i32 to index
      %parallel_loop3A_138 = arith.constant 0 : index
      %parallel_loop3A_139 = tpu.vector_load %arg13[%parallel_loop3A_137, %parallel_loop3A_138] {strides = array<i32>} : memref<80x128xf32, #tpu.memory_space<vmem>>, vector<16xf32>,
      tpu.vector_store %arg13[%parallel_loop3A_137, %parallel_loop3A_138], %parallel_loop3A_136 {strides = array<i32>} : memref<80x128xf32, #tpu.memory_space<vmem>>, vector<16xf32>,
      %parallel_loop3A_140 = arith.index_cast %parallel_loop3A_129 : i32 to index
      %parallel_loop3A_141 = arith.constant 16 : index
      %parallel_loop3A_142 = tpu.vector_load %arg7[%parallel_loop3A_140, %parallel_loop3A_141] {strides = array<i32>} : memref<80x128xf32, #tpu.memory_space<vmem>>, vector<16xf32>,
      %parallel_loop3A_143 = arith.index_cast %parallel_loop3A_129 : i32 to index
      %parallel_loop3A_144 = arith.constant 16 : index
      %parallel_loop3A_145 = tpu.vector_load %arg10[%parallel_loop3A_143, %parallel_loop3A_144] {strides = array<i32>} : memref<80x128xf32, #tpu.memory_space<vmem>>, vector<16xf32>,
      %parallel_loop3A_146 = arith.addf %parallel_loop3A_142, %parallel_loop3A_145 : vector<16xf32>
      %parallel_loop3A_147 = arith.index_cast %parallel_loop3A_129 : i32 to index
      %parallel_loop3A_148 = arith.constant 16 : index
      %parallel_loop3A_149 = tpu.vector_load %arg13[%parallel_loop3A_147, %parallel_loop3A_148] {strides = array<i32>} : memref<80x128xf32, #tpu.memory_space<vmem>>, vector<16xf32>,
      tpu.vector_store %arg13[%parallel_loop3A_147, %parallel_loop3A_148], %parallel_loop3A_146 {strides = array<i32>} : memref<80x128xf32, #tpu.memory_space<vmem>>, vector<16xf32>,
      %parallel_loop3A_150 = arith.index_cast %parallel_loop3A_129 : i32 to index
      %parallel_loop3A_151 = arith.constant 32 : index
      %parallel_loop3A_152 = tpu.vector_load %arg7[%parallel_loop3A_150, %parallel_loop3A_151] {strides = array<i32>} : memref<80x128xf32, #tpu.memory_space<vmem>>, vector<16xf32>,
      %parallel_loop3A_153 = arith.index_cast %parallel_loop3A_129 : i32 to index
      %parallel_loop3A_154 = arith.constant 32 : index
      %parallel_loop3A_155 = tpu.vector_load %arg10[%parallel_loop3A_153, %parallel_loop3A_154] {strides = array<i32>} : memref<80x128xf32, #tpu.memory_space<vmem>>, vector<16xf32>,
      %parallel_loop3A_156 = arith.addf %parallel_loop3A_152, %parallel_loop3A_155 : vector<16xf32>
      %parallel_loop3A_157 = arith.index_cast %parallel_loop3A_129 : i32 to index
      %parallel_loop3A_158 = arith.constant 32 : index
      %parallel_loop3A_159 = tpu.vector_load %arg13[%parallel_loop3A_157, %parallel_loop3A_158] {strides = array<i32>} : memref<80x128xf32, #tpu.memory_space<vmem>>, vector<16xf32>,
      tpu.vector_store %arg13[%parallel_loop3A_157, %parallel_loop3A_158], %parallel_loop3A_156 {strides = array<i32>} : memref<80x128xf32, #tpu.memory_space<vmem>>, vector<16xf32>,
      %parallel_loop3A_160 = arith.index_cast %parallel_loop3A_129 : i32 to index
      %parallel_loop3A_161 = arith.constant 48 : index
      %parallel_loop3A_162 = tpu.vector_load %arg7[%parallel_loop3A_160, %parallel_loop3A_161] {strides = array<i32>} : memref<80x128xf32, #tpu.memory_space<vmem>>, vector<16xf32>,
      %parallel_loop3A_163 = arith.index_cast %parallel_loop3A_129 : i32 to index
      %parallel_loop3A_164 = arith.constant 48 : index
      %parallel_loop3A_165 = tpu.vector_load %arg10[%parallel_loop3A_163, %parallel_loop3A_164] {strides = array<i32>} : memref<80x128xf32, #tpu.memory_space<vmem>>, vector<16xf32>,
      %parallel_loop3A_166 = arith.addf %parallel_loop3A_162, %parallel_loop3A_165 : vector<16xf32>
      %parallel_loop3A_167 = arith.index_cast %parallel_loop3A_129 : i32 to index
      %parallel_loop3A_168 = arith.constant 48 : index
      %parallel_loop3A_169 = tpu.vector_load %arg13[%parallel_loop3A_167, %parallel_loop3A_168] {strides = array<i32>} : memref<80x128xf32, #tpu.memory_space<vmem>>, vector<16xf32>,
      tpu.vector_store %arg13[%parallel_loop3A_167, %parallel_loop3A_168], %parallel_loop3A_166 {strides = array<i32>} : memref<80x128xf32, #tpu.memory_space<vmem>>, vector<16xf32>,
      %parallel_loop3A_170 = arith.index_cast %parallel_loop3A_129 : i32 to index
      %parallel_loop3A_171 = arith.constant 64 : index
      %parallel_loop3A_172 = tpu.vector_load %arg7[%parallel_loop3A_170, %parallel_loop3A_171] {strides = array<i32>} : memref<80x128xf32, #tpu.memory_space<vmem>>, vector<16xf32>,
      %parallel_loop3A_173 = arith.index_cast %parallel_loop3A_129 : i32 to index
      %parallel_loop3A_174 = arith.constant 64 : index
      %parallel_loop3A_175 = tpu.vector_load %arg10[%parallel_loop3A_173, %parallel_loop3A_174] {strides = array<i32>} : memref<80x128xf32, #tpu.memory_space<vmem>>, vector<16xf32>,
      %parallel_loop3A_176 = arith.addf %parallel_loop3A_172, %parallel_loop3A_175 : vector<16xf32>
      %parallel_loop3A_177 = arith.index_cast %parallel_loop3A_129 : i32 to index
      %parallel_loop3A_178 = arith.constant 64 : index
      %parallel_loop3A_179 = tpu.vector_load %arg13[%parallel_loop3A_177, %parallel_loop3A_178] {strides = array<i32>} : memref<80x128xf32, #tpu.memory_space<vmem>>, vector<16xf32>,
      tpu.vector_store %arg13[%parallel_loop3A_177, %parallel_loop3A_178], %parallel_loop3A_176 {strides = array<i32>} : memref<80x128xf32, #tpu.memory_space<vmem>>, vector<16xf32>,
      %parallel_loop3A_180 = arith.index_cast %parallel_loop3A_129 : i32 to index
      %parallel_loop3A_181 = arith.constant 80 : index
      %parallel_loop3A_182 = tpu.vector_load %arg7[%parallel_loop3A_180, %parallel_loop3A_181] {strides = array<i32>} : memref<80x128xf32, #tpu.memory_space<vmem>>, vector<16xf32>,
      %parallel_loop3A_183 = arith.index_cast %parallel_loop3A_129 : i32 to index
      %parallel_loop3A_184 = arith.constant 80 : index
      %parallel_loop3A_185 = tpu.vector_load %arg10[%parallel_loop3A_183, %parallel_loop3A_184] {strides = array<i32>} : memref<80x128xf32, #tpu.memory_space<vmem>>, vector<16xf32>,
      %parallel_loop3A_186 = arith.addf %parallel_loop3A_182, %parallel_loop3A_185 : vector<16xf32>
      %parallel_loop3A_187 = arith.index_cast %parallel_loop3A_129 : i32 to index
      %parallel_loop3A_188 = arith.constant 80 : index
      %parallel_loop3A_189 = tpu.vector_load %arg13[%parallel_loop3A_187, %parallel_loop3A_188] {strides = array<i32>} : memref<80x128xf32, #tpu.memory_space<vmem>>, vector<16xf32>,
      tpu.vector_store %arg13[%parallel_loop3A_187, %parallel_loop3A_188], %parallel_loop3A_186 {strides = array<i32>} : memref<80x128xf32, #tpu.memory_space<vmem>>, vector<16xf32>,
      %parallel_loop3A_190 = arith.index_cast %parallel_loop3A_129 : i32 to index
      %parallel_loop3A_191 = arith.constant 96 : index
      %parallel_loop3A_192 = tpu.vector_load %arg7[%parallel_loop3A_190, %parallel_loop3A_191] {strides = array<i32>} : memref<80x128xf32, #tpu.memory_space<vmem>>, vector<16xf32>,
      %parallel_loop3A_193 = arith.index_cast %parallel_loop3A_129 : i32 to index
      %parallel_loop3A_194 = arith.constant 96 : index
      %parallel_loop3A_195 = tpu.vector_load %arg10[%parallel_loop3A_193, %parallel_loop3A_194] {strides = array<i32>} : memref<80x128xf32, #tpu.memory_space<vmem>>, vector<16xf32>,
      %parallel_loop3A_196 = arith.addf %parallel_loop3A_192, %parallel_loop3A_195 : vector<16xf32>
      %parallel_loop3A_197 = arith.index_cast %parallel_loop3A_129 : i32 to index
      %parallel_loop3A_198 = arith.constant 96 : index
      %parallel_loop3A_199 = tpu.vector_load %arg13[%parallel_loop3A_197, %parallel_loop3A_198] {strides = array<i32>} : memref<80x128xf32, #tpu.memory_space<vmem>>, vector<16xf32>,
      tpu.vector_store %arg13[%parallel_loop3A_197, %parallel_loop3A_198], %parallel_loop3A_196 {strides = array<i32>} : memref<80x128xf32, #tpu.memory_space<vmem>>, vector<16xf32>,
      %parallel_loop3A_200 = arith.index_cast %parallel_loop3A_129 : i32 to index
      %parallel_loop3A_201 = arith.constant 112 : index
      %parallel_loop3A_202 = tpu.vector_load %arg7[%parallel_loop3A_200, %parallel_loop3A_201] {strides = array<i32>} : memref<80x128xf32, #tpu.memory_space<vmem>>, vector<16xf32>,
      %parallel_loop3A_203 = arith.index_cast %parallel_loop3A_129 : i32 to index
      %parallel_loop3A_204 = arith.constant 112 : index
      %parallel_loop3A_205 = tpu.vector_load %arg10[%parallel_loop3A_203, %parallel_loop3A_204] {strides = array<i32>} : memref<80x128xf32, #tpu.memory_space<vmem>>, vector<16xf32>,
      %parallel_loop3A_206 = arith.addf %parallel_loop3A_202, %parallel_loop3A_205 : vector<16xf32>
      %parallel_loop3A_207 = arith.index_cast %parallel_loop3A_129 : i32 to index
      %parallel_loop3A_208 = arith.constant 112 : index
      %parallel_loop3A_209 = tpu.vector_load %arg13[%parallel_loop3A_207, %parallel_loop3A_208] {strides = array<i32>} : memref<80x128xf32, #tpu.memory_space<vmem>>, vector<16xf32>,
      tpu.vector_store %arg13[%parallel_loop3A_207, %parallel_loop3A_208], %parallel_loop3A_206 {strides = array<i32>} : memref<80x128xf32, #tpu.memory_space<vmem>>, vector<16xf32>,
    } {sc.loop_unroll_factor = 4 : i64, sc.parallel_access}
    %mul3A_103 = arith.constant 10000 : i32
    %mul3A_104 = arith.muli %add3A, %mul3A_103 : i32
    %add3A_105 = arith.constant 9920 : i32
    %add3A_106 = arith.addi %mul3A_104, %add3A_105 : i32
    %dma_start3A_107 = arith.constant 0 : i32
    %dma_start3A_108 = tpu.memref_slice %arg5[%add3A_106, %dma_start3A_107] : memref<320000x128xf32, #tpu.memory_space<hbm>> -> memref<80x128xf32, #tpu.memory_space<hbm>>
    %dma_start3A_109 = arith.constant 0 : i32
    %dma_start3A_110 = tpu.memref_slice %arg5[%add3A_106, %dma_start3A_109] : memref<320000x128xf32, #tpu.memory_space<hbm>> -> memref<80x128xf32, #tpu.memory_space<hbm>>
    tpu.enqueue_dma source(%arg13 : memref<80x128xf32, #tpu.memory_space<vmem>>) target(%dma_start3A_110 : memref<80x128xf32, #tpu.memory_space<hbm>>) target_semaphore(%arg24 : memref<!tpu.dma_semaphore, #tpu.memory_space<semaphore_mem>>)
    %dma_wait3A_111 = arith.constant 0 : i32
    %dma_wait3A_112 = arith.constant 0 : i32
    %dma_wait3A_113 = tpu.memref_slice %arg5[%dma_wait3A_111, %dma_wait3A_112] : memref<320000x128xf32, #tpu.memory_space<hbm>> -> memref<80x128xf32, #tpu.memory_space<hbm>>
    %dma_wait3A_114 = arith.constant 0 : i32
    %dma_wait3A_115 = arith.constant 0 : i32
    %dma_wait3A_116 = tpu.memref_slice %arg5[%dma_wait3A_114, %dma_wait3A_115] : memref<320000x128xf32, #tpu.memory_space<hbm>> -> memref<80x128xf32, #tpu.memory_space<hbm>>
    tpu.wait_dma2 semaphore(%arg23 : memref<!tpu.dma_semaphore, #tpu.memory_space<semaphore_mem>>) src(%arg12 : memref<80x128xf32, #tpu.memory_space<vmem>>) dst(%dma_wait3A_116 : memref<80x128xf32, #tpu.memory_space<hbm>>)
    %dma_wait3A_117 = arith.constant 0 : i32
    %dma_wait3A_118 = arith.constant 0 : i32
    %dma_wait3A_119 = tpu.memref_slice %arg5[%dma_wait3A_117, %dma_wait3A_118] : memref<320000x128xf32, #tpu.memory_space<hbm>> -> memref<80x128xf32, #tpu.memory_space<hbm>>
    %dma_wait3A_120 = arith.constant 0 : i32
    %dma_wait3A_121 = arith.constant 0 : i32
    %dma_wait3A_122 = tpu.memref_slice %arg5[%dma_wait3A_120, %dma_wait3A_121] : memref<320000x128xf32, #tpu.memory_space<hbm>> -> memref<80x128xf32, #tpu.memory_space<hbm>>
    tpu.wait_dma2 semaphore(%arg24 : memref<!tpu.dma_semaphore, #tpu.memory_space<semaphore_mem>>) src(%arg13 : memref<80x128xf32, #tpu.memory_space<vmem>>) dst(%dma_wait3A_122 : memref<80x128xf32, #tpu.memory_space<hbm>>)
    %dma_wait3A_123 = arith.constant 0 : i32
    %dma_wait3A_124 = arith.constant 0 : i32
    %dma_wait3A_125 = tpu.memref_slice %arg5[%dma_wait3A_123, %dma_wait3A_124] : memref<320000x128xf32, #tpu.memory_space<hbm>> -> memref<80x128xf32, #tpu.memory_space<hbm>>
    %dma_wait3A_126 = arith.constant 0 : i32
    %dma_wait3A_127 = arith.constant 0 : i32
    %dma_wait3A_128 = tpu.memref_slice %arg5[%dma_wait3A_126, %dma_wait3A_127] : memref<320000x128xf32, #tpu.memory_space<hbm>> -> memref<80x128xf32, #tpu.memory_space<hbm>>
    tpu.wait_dma2 semaphore(%arg25 : memref<!tpu.dma_semaphore, #tpu.memory_space<semaphore_mem>>) src(%arg14 : memref<80x128xf32, #tpu.memory_space<vmem>>) dst(%dma_wait3A_128 : memref<80x128xf32, #tpu.memory_space<hbm>>)
    return
  }
}

module attributes {stable_mosaic.version = 14 : i64} {
  func.func @_mlp_body(%arg0: memref<2x512x128xf32, #tpu.memory_space<vmem>>, %arg1: memref<32x512xf32, #tpu.memory_space<vmem>>, %arg2: memref<512x128xf32, #tpu.memory_space<vmem>>, %arg3: memref<1x128xf32, #tpu.memory_space<vmem>>, %arg4: memref<1x128xf32, #tpu.memory_space<vmem>>, %arg5: memref<128x128xf32, #tpu.memory_space<vmem>>, %arg6: memref<1x128xf32, #tpu.memory_space<vmem>>, %arg7: memref<128x128xf32, #tpu.memory_space<vmem>>, %arg8: memref<1x128xf32, #tpu.memory_space<vmem>>, %arg9: memref<512x128xf32, #tpu.memory_space<vmem>>) attributes {dimension_semantics = [], scalar_prefetch = 0 : i64, scratch_operands = 0 : i64, tpu.core_type = #tpu.core_type<tc>} {
    %get3A = arith.constant 0 : index
    %get3A_0 = arith.constant 0 : index
    %get3A_1 = arith.constant 0 : index
    %get3A_2 = vector.load %arg0[%get3A, %get3A_0, %get3A_1] : memref<2x512x128xf32, #tpu.memory_space<vmem>>, vector<1x512x128xf32>
    %get3A_3 = vector.shape_cast %get3A_2 : vector<1x512x128xf32> to vector<512x128xf32>
    %get3A_4 = arith.constant 1 : index
    %get3A_5 = arith.constant 0 : index
    %get3A_6 = arith.constant 0 : index
    %get3A_7 = vector.load %arg0[%get3A_4, %get3A_5, %get3A_6] : memref<2x512x128xf32, #tpu.memory_space<vmem>>, vector<1x512x128xf32>
    %get3A_8 = vector.shape_cast %get3A_7 : vector<1x512x128xf32> to vector<512x128xf32>
    %add3A = arith.addf %get3A_3, %get3A_8 : vector<512x128xf32>
    %get3A_9 = arith.constant 0 : index
    %get3A_10 = arith.constant 0 : index
    %get3A_11 = vector.load %arg1[%get3A_9, %get3A_10] : memref<32x512xf32, #tpu.memory_space<vmem>>, vector<32x512xf32>
    %reduce_sum3A = arith.constant dense<0.000000e+00> : vector<512xf32>
    %reduce_sum3A_12 = vector.multi_reduction <add>, %get3A_11, %reduce_sum3A [0] : vector<32x512xf32> to vector<512xf32>
    %max3A = arith.constant 1.000000e+00 : f32
    %max3A_13 = vector.broadcast %max3A : f32 to vector<512xf32>
    %max3A_14 = arith.maximumf %reduce_sum3A_12, %max3A_13 : vector<512xf32>
    %broadcast_in_dim3A = vector.shape_cast %max3A_14 : vector<512xf32> to vector<512x1xf32>
    %div3A = vector.broadcast %broadcast_in_dim3A : vector<512x1xf32> to vector<512x128xf32>
    %div3A_15 = arith.divf %add3A, %div3A : vector<512x128xf32>
    %get3A_16 = arith.constant 0 : index
    %get3A_17 = arith.constant 0 : index
    %get3A_18 = vector.load %arg2[%get3A_16, %get3A_17] : memref<512x128xf32, #tpu.memory_space<vmem>>, vector<512x128xf32>
    %add3A_19 = arith.addf %get3A_18, %div3A_15 : vector<512x128xf32>
    %reduce_sum3A_20 = arith.constant dense<0.000000e+00> : vector<512xf32>
    %reduce_sum3A_21 = vector.multi_reduction <add>, %add3A_19, %reduce_sum3A_20 [1] : vector<512x128xf32> to vector<512xf32>
    %broadcast_in_dim3A_22 = vector.shape_cast %reduce_sum3A_21 : vector<512xf32> to vector<512x1xf32>
    %div3A_23 = arith.constant 1.280000e+02 : f32
    %div3A_24 = vector.broadcast %div3A_23 : f32 to vector<512x1xf32>
    %div3A_25 = arith.divf %broadcast_in_dim3A_22, %div3A_24 : vector<512x1xf32>
    %sub3A = vector.broadcast %div3A_25 : vector<512x1xf32> to vector<512x128xf32>
    %sub3A_26 = arith.subf %add3A_19, %sub3A : vector<512x128xf32>
    %sub3A_27 = vector.broadcast %div3A_25 : vector<512x1xf32> to vector<512x128xf32>
    %sub3A_28 = arith.subf %add3A_19, %sub3A_27 : vector<512x128xf32>
    %mul3A = arith.mulf %sub3A_26, %sub3A_28 : vector<512x128xf32>
    %reduce_sum3A_29 = arith.constant dense<0.000000e+00> : vector<512xf32>
    %reduce_sum3A_30 = vector.multi_reduction <add>, %mul3A, %reduce_sum3A_29 [1] : vector<512x128xf32> to vector<512xf32>
    %broadcast_in_dim3A_31 = vector.shape_cast %reduce_sum3A_30 : vector<512xf32> to vector<512x1xf32>
    %div3A_32 = arith.constant 1.280000e+02 : f32
    %div3A_33 = vector.broadcast %div3A_32 : f32 to vector<512x1xf32>
    %div3A_34 = arith.divf %broadcast_in_dim3A_31, %div3A_33 : vector<512x1xf32>
    %sub3A_35 = vector.broadcast %div3A_25 : vector<512x1xf32> to vector<512x128xf32>
    %sub3A_36 = arith.subf %add3A_19, %sub3A_35 : vector<512x128xf32>
    %add3A_37 = arith.constant 9.99999974E-6 : f32
    %add3A_38 = vector.broadcast %add3A_37 : f32 to vector<512x1xf32>
    %add3A_39 = arith.addf %div3A_34, %add3A_38 : vector<512x1xf32>
    %rsqrt3A = math.rsqrt %add3A_39 : vector<512x1xf32>
    %mul3A_40 = vector.broadcast %rsqrt3A : vector<512x1xf32> to vector<512x128xf32>
    %mul3A_41 = arith.mulf %sub3A_36, %mul3A_40 : vector<512x128xf32>
    %get3A_42 = arith.constant 0 : index
    %get3A_43 = arith.constant 0 : index
    %get3A_44 = vector.load %arg3[%get3A_42, %get3A_43] : memref<1x128xf32, #tpu.memory_space<vmem>>, vector<1x128xf32>
    %mul3A_45 = vector.broadcast %get3A_44 : vector<1x128xf32> to vector<512x128xf32>
    %mul3A_46 = arith.mulf %mul3A_41, %mul3A_45 : vector<512x128xf32>
    %get3A_47 = arith.constant 0 : index
    %get3A_48 = arith.constant 0 : index
    %get3A_49 = vector.load %arg4[%get3A_47, %get3A_48] : memref<1x128xf32, #tpu.memory_space<vmem>>, vector<1x128xf32>
    %add3A_50 = vector.broadcast %get3A_49 : vector<1x128xf32> to vector<512x128xf32>
    %add3A_51 = arith.addf %mul3A_46, %add3A_50 : vector<512x128xf32>
    %get3A_52 = arith.constant 0 : index
    %get3A_53 = arith.constant 0 : index
    %get3A_54 = vector.load %arg5[%get3A_52, %get3A_53] : memref<128x128xf32, #tpu.memory_space<vmem>>, vector<128x128xf32>
    %dot_general3A = arith.constant dense<0.000000e+00> : vector<512x128xf32>
    %dot_general3A_55 = tpu.matmul %add3A_51, %get3A_54, %dot_general3A {dimension_numbers = #tpu.dot_dimension_numbers<[1], [0], [0], [1], [0, 0, 1, 1], [], []>, transpose_lhs_hint = false} : vector<512x128xf32>, vector<128x128xf32>, vector<512x128xf32> -> vector<512x128xf32>
    %get3A_56 = arith.constant 0 : index
    %get3A_57 = arith.constant 0 : index
    %get3A_58 = vector.load %arg6[%get3A_56, %get3A_57] : memref<1x128xf32, #tpu.memory_space<vmem>>, vector<1x128xf32>
    %add3A_59 = vector.broadcast %get3A_58 : vector<1x128xf32> to vector<512x128xf32>
    %add3A_60 = arith.addf %dot_general3A_55, %add3A_59 : vector<512x128xf32>
    %mul3A_61 = arith.constant 5.000000e-01 : f32
    %mul3A_62 = vector.broadcast %mul3A_61 : f32 to vector<512x128xf32>
    %mul3A_63 = arith.mulf %mul3A_62, %add3A_60 : vector<512x128xf32>
    %div3A_64 = arith.constant 1.41421354 : f32
    %div3A_65 = vector.broadcast %div3A_64 : f32 to vector<512x128xf32>
    %div3A_66 = arith.divf %add3A_60, %div3A_65 : vector<512x128xf32>
    %erf3A = math.erf %div3A_66 : vector<512x128xf32>
    %add3A_67 = arith.constant 1.000000e+00 : f32
    %add3A_68 = vector.broadcast %add3A_67 : f32 to vector<512x128xf32>
    %add3A_69 = arith.addf %add3A_68, %erf3A : vector<512x128xf32>
    %mul3A_70 = arith.mulf %mul3A_63, %add3A_69 : vector<512x128xf32>
    %get3A_71 = arith.constant 0 : index
    %get3A_72 = arith.constant 0 : index
    %get3A_73 = vector.load %arg7[%get3A_71, %get3A_72] : memref<128x128xf32, #tpu.memory_space<vmem>>, vector<128x128xf32>
    %dot_general3A_74 = arith.constant dense<0.000000e+00> : vector<512x128xf32>
    %dot_general3A_75 = tpu.matmul %mul3A_70, %get3A_73, %dot_general3A_74 {dimension_numbers = #tpu.dot_dimension_numbers<[1], [0], [0], [1], [0, 0, 1, 1], [], []>, transpose_lhs_hint = false} : vector<512x128xf32>, vector<128x128xf32>, vector<512x128xf32> -> vector<512x128xf32>
    %get3A_76 = arith.constant 0 : index
    %get3A_77 = arith.constant 0 : index
    %get3A_78 = vector.load %arg8[%get3A_76, %get3A_77] : memref<1x128xf32, #tpu.memory_space<vmem>>, vector<1x128xf32>
    %add3A_79 = vector.broadcast %get3A_78 : vector<1x128xf32> to vector<512x128xf32>
    %add3A_80 = arith.addf %dot_general3A_75, %add3A_79 : vector<512x128xf32>
    %swap3A = arith.constant 0 : index
    %swap3A_81 = arith.constant 0 : index
    %swap3A_82 = vector.load %arg9[%swap3A, %swap3A_81] : memref<512x128xf32, #tpu.memory_space<vmem>>, vector<512x128xf32>
    tpu.vector_store %arg9[%swap3A, %swap3A_81], %add3A_80 {strides = array<i32>} : memref<512x128xf32, #tpu.memory_space<vmem>>, vector<512x128xf32>,
    return
  }
}

</mosaic_0001>

<sc_bundles>
// kernel: apply_sc.3.cloned.1.call-start
scs
__scs_entry_jumppad:
0x0: {  	(pc) =	sbr.rel $0x88, $3  }
0x1: {  	(tag) =	ssettag $0x0;
	lr =	simm.s32 $0x1  }
0x2: {  	[smem:$0x3F98] =	sst lr;
	_ =	strace $0xD0000000  }
0x3: {  	_ = 	snop  }
0x4: {  	_ = 	snop  }
0x5: {  	_ = 	snop  }
0x6: {  	_ = 	snop  }
0x7: {  	_ = 	snop  }
__scs_overlays_trampoline_lowered:
0x8: {  	[smem:$0x3FA7] =	sst s0  }
0x9: {  	[smem:$0x3FA8] =	sst s1  }
0xa: {  	[smem:$0x3FA9] =	sst s2  }
0xb: {  	[smem:$0x3FAA] =	sst s3  }
0xc: {  	[smem:$0x3FAB] =	sst s4  }
0xd: {  	[smem:$0x3FAC] =	sst s5  }
0xe: {  	[smem:$0x3FAD] =	sst s6  }
0xf: {  	[smem:$0x3FAE] =	sst s7  }
0x10: {  	[smem:$0x3FAF] =	sst s8  }
0x11: {  	[smem:$0x3FB0] =	sst s9;
	s0 =	simm.s32 @!p0 $0x0  }
0x12: {  	s1 =	sld [smem:$0x3F96];
	s0 =	simm.s32 @p0 $0x1  }
0x13: {  	[smem:$0x3FB1] =	sst s0;
	s0 =	simm.s32 @!p1 $0x0  }
0x14: {  	s2 =	sld [smem:$0x3F95];
	s0 =	simm.s32 @p1 $0x1  }
0x15: {  	[smem:$0x3FB2] =	sst s0;
	s0 =	simm.s32 @!p2 $0x0  }
0x16: {  	s3 =	sld [smem:$0x3FDB];
	s0 =	simm.s32 @p2 $0x1  }
0x17: {  	s4 =	simm.s32 $0x1BF5;
	[smem:$0x3FB4] =	sst s0  }
0x18: {  	s0 =	sld [smem:$0x3F97];
	_ =	swait.ge [sflag:s4], $0x0  }
0x19: {  	s7 =	sld [smem:$0x3F98]  }
0x1a: {  	s8 =	sadd.s32 $0xFFFFE003, lr  }
0x1b: {  	s9 =	sadd.s32 $0xFFFFFEF7, lr;
	s5 =	simm.s32 $0xFFFFFFFF;
	p2 =	slt.u32 s8, $0xFFFFF086  }
0x1c: {  	p1 =	slt.u32 s9, $0xF7A;
	s5 =	simm.s32 @!p2 $0x0  }
0x1d: {  	s5 =	simm.s32 @p1 $0x1;
	p0 =	seq.s32 s7, s2  }
0x1e: {  	s7 =	smul.u32 @!p0 $0xF7A, s2;
	p2 =	seq.s32 @!p0 s5, $0x0  }
0x1f: {  	s9 =	smul.u32 $0xF7A, s1;
	s8 =	simm.s32 @!p0 $0x1BF5;
	p2 =	por !p2, p0  }
0x20: {  	[sflag:s8] =	ssyncset.s32 @!p0 $0xFFFFF086;
	s6 =	sadd.s32 @!p0 s3, s7;
	s7 =	simm.s32 @!p0 $0x108  }
0x21: {  	s3 =	sadd.s32 s3, s9;
	s6 =	sadd.s32 @!p0 $0x88, s6;
	s7 =	simm.s32 @p2 $0x1082  }
0x22: {  	[simem:s7], [sflag:s8] =	dma.local @!p0 [hbm:s6], $0xF7A  }
0x23: {  	s9 =	sor.u32 $0xD0000000, s2;
	s6 =	simm.s32 $0x108;
	_ =	swait.ge @!p0 [sflag:s8], $0x0  }
0x24: {  	s3 =	sadd.s32 $0x88, s3;
	s6 =	simm.s32 @!p1 $0x1082;
	[sflag:s4] =	ssyncset.s32 $0xFFFFF086  }
0x25: {  	[simem:s6], [sflag:s4] =	dma.local [hbm:s3], $0xF7A  }
0x26: {  	[smem:$0x3F98] =	sst s1;
	(tag) =	ssettag s2;
	_ =	strace s9  }
0x27: {  	s1 =	sld [smem:$0x3FA8]  }
0x28: {  	s2 =	sld [smem:$0x3FA9]  }
0x29: {  	s4 =	sld [smem:$0x3FAB]  }
0x2a: {  	p0 =	seq.s32 s5, $0x0;
	s5 =	sld [smem:$0x3FAC]  }
0x2b: {  	s6 =	sld [smem:$0x3FAD]  }
0x2c: {  	s7 =	sld [smem:$0x3FAE]  }
0x2d: {  	s3 =	simm.s32 $0x108;
	s8 =	sld [smem:$0x3FAF]  }
0x2e: {  	s3 =	simm.s32 @!p0 $0x1082;
	s9 =	sld [smem:$0x3FB0]  }
0x2f: {  	lr =	sadd.s32 s0, s3;
	s0 =	sld [smem:$0x3FA7]  }
0x30: {  	s3 =	sld [smem:$0x3FAA]  }
0x31: {  	[smem:$0x3FB3] =	sst s10  }
0x32: {  	s10 =	sld [smem:$0x3FB1];
	_ =	sdelay $0x3  }
0x33: {  	p0 =	seq.s32 s10, $0x1;
	s10 =	sld [smem:$0x3FB3];
	_ =	sdelay $0x3  }
0x34: {  	[smem:$0x3FB3] =	sst s10  }
0x35: {  	s10 =	sld [smem:$0x3FB2];
	_ =	sdelay $0x3  }
0x36: {  	p1 =	seq.s32 s10, $0x1;
	s10 =	sld [smem:$0x3FB3];
	_ =	sdelay $0x3  }
0x37: {  	[smem:$0x3FB3] =	sst s10  }
0x38: {  	s10 =	sld [smem:$0x3FB4]  }
0x39: {  	_ = 	snop;
	(pc) =	sbr.ind lr, $3  }
0x3a: {  	_ = 	snop  }
0x3b: {  	_ = 	snop  }
0x3c: {  	p2 =	seq.s32 s10, $0x1;
	s10 =	sld [smem:$0x3FB3]  }
0x3d: {  	_ =	shalt  }
0x3e: {  	_ =	shalt  }
0x3f: {  	_ =	shalt  }
0x40: {  	_ =	shalt  }
0x41: {  	_ =	shalt  }
0x42: {  	_ =	shalt  }
0x43: {  	_ =	shalt  }
0x44: {  	_ =	shalt  }
0x45: {  	_ =	shalt  }
0x46: {  	_ =	shalt  }
0x47: {  	_ =	shalt  }
0x48: {  	_ =	shalt  }
0x49: {  	_ =	shalt  }
0x4a: {  	_ =	shalt  }
0x4b: {  	_ =	shalt  }
0x4c: {  	_ =	shalt  }
0x4d: {  	_ =	shalt  }
0x4e: {  	_ =	shalt  }
0x4f: {  	_ =	shalt  }
0x50: {  	_ =	shalt  }
0x51: {  	_ =	shalt  }
0x52: {  	_ =	shalt  }
0x53: {  	_ =	shalt  }
0x54: {  	_ =	shalt  }
0x55: {  	_ =	shalt  }
0x56: {  	_ =	shalt  }
0x57: {  	_ =	shalt  }
0x58: {  	_ =	shalt  }
0x59: {  	_ =	shalt  }
0x5a: {  	_ =	shalt  }
0x5b: {  	_ =	shalt  }
0x5c: {  	_ =	shalt  }
0x5d: {  	_ =	shalt  }
0x5e: {  	_ =	shalt  }
0x5f: {  	_ =	shalt  }
0x60: {  	_ =	shalt  }
0x61: {  	_ =	shalt  }
0x62: {  	_ =	shalt  }
0x63: {  	_ =	shalt  }
0x64: {  	_ =	shalt  }
0x65: {  	_ =	shalt  }
0x66: {  	_ =	shalt  }
0x67: {  	_ =	shalt  }
0x68: {  	_ =	shalt  }
0x69: {  	_ =	shalt  }
0x6a: {  	_ =	shalt  }
0x6b: {  	_ =	shalt  }
0x6c: {  	_ =	shalt  }
0x6d: {  	_ =	shalt  }
0x6e: {  	_ =	shalt  }
0x6f: {  	_ =	shalt  }
0x70: {  	_ =	shalt  }
0x71: {  	_ =	shalt  }
0x72: {  	_ =	shalt  }
0x73: {  	_ =	shalt  }
0x74: {  	_ =	shalt  }
0x75: {  	_ =	shalt  }
0x76: {  	_ =	shalt  }
0x77: {  	_ =	shalt  }
0x78: {  	_ =	shalt  }
0x79: {  	_ =	shalt  }
0x7a: {  	_ =	shalt  }
0x7b: {  	_ =	shalt  }
0x7c: {  	_ =	shalt  }
0x7d: {  	_ =	shalt  }
0x7e: {  	_ =	shalt  }
0x7f: {  	_ =	shalt  }
0x80: {  	_ =	shalt  }
0x81: {  	_ =	shalt  }
0x82: {  	_ =	shalt  }
0x83: {  	_ =	shalt  }
0x84: {  	_ =	shalt  }
0x85: {  	_ =	shalt  }
0x86: {  	_ =	shalt  }
0x87: {  	_ =	shalt  }
.Lfunc_end0:
.L_simem_size_0:
called_computation.1_lowered:
.L_overlay_start_0:
0x88: {  	s2 =	sld [smem:$0x3FD9]  }
0x89: {  	s3 =	sld [smem:$0x3FFE];
	_ =	sdelay $0x1  }
0x8a: {  	s1 =	srdreg.scid  }
0x8b: {  	s0 =	sand.u32 $0x1, s1  }
0x8c: {  	s14 =	sshll.u32 s0, $0xA;
	s2 =	sadd.s32 s3, s2  }
0x8d: {  	s2 =	sadd.s32 s2, s14  }
0x8e: {  	[smem:$0x3FBF] =	sst s2  }
0x8f: {  	_ = 	snop  }
0x90: {  	s2 =	sld [smem:$0x3FD0];
	_ =	sdelay $0x2  }
0x91: {  	s4 =	simm.s32 $0xA;
	s5 =	simm.s32 $0x10;
	s15 =	sld [smem:$0x3FC9]  }
0x92: {  	[smem:s5], [sflag:s4] =	dma.local [hbm:s2], $0x1  }
0x93: {  	_ =	swait.eq [sflag:s4], $0x1  }
0x94: {  	[sflag:s4] =	ssyncset.done $0x0  }
0x95: {  	s16 =	sld [smem:$0x10];
	[sflag:s4] =	ssyncadd.s32 $0xFFFFFFFF  }
0x96: {  	s17 =	sld [smem:$0x11];
	(tm) =	ssettm $0x1  }
0x97: {  	s18 =	sld [smem:$0x3FFB];
	_ =	sdelay $0x3  }
0x98: {  	_ =	strace s18  }
0x99: {  	s5 =	sld [smem:$0x3FFC];
	_ =	sdelay $0x3  }
0x9a: {  	_ =	strace s5  }
0x9b: {  	s5 =	sld [smem:$0x3FFD];
	_ =	sdelay $0x3  }
0x9c: {  	_ =	strace s5  }
0x9d: {  	_ =	strace $0x8FFFFFFF  }
0x9e: {  	s19 =	sld [smem:$0x3FDB];
	_ =	sdelay $0x1  }
0x9f: {  	s6 =	simm.s32 $_scs_section_size  }
0xa0: {  	s7 =	simm.s32 $_size__tile_overlayer_lowered;
	s8 =	simm.s32 $_tile_overlayer_lowered  }
0xa1: {  	s22 =	simm.s32 $0x1BFF;
	s21 =	sshll.u32 s8, $0x1;
	s5 =	sadd.s32 s6, s19  }
0xa2: {  	s9 =	simm.s32 $0x0;
	s20 =	sshll.u32 s7, $0x1;
	s7 =	sadd.s32 s21, s5  }
0xa3: {  	[timem:s9], [sflag:s22] =	dma.local [hbm:s7], s20  }
0xa4: {  	_ =	swait.ge [sflag:s22], s20  }
0xa5: {  	s6 =	ssub.s32 $0x0, s20;
	[sflag:s22] =	ssyncset.done $0x0  }
0xa6: {  	[sflag:s22] =	ssyncadd.s32 s6;
	_ =	sdelay $0x1  }
0xa7: {  	s23 =	simm.s32 $0x1B8B  }
0xa8: {  	_ =	swait.ge [sflag:s23], $0x1  }
0xa9: {  	[sflag:s23] =	ssyncset.done $0x0  }
0xaa: {  	s25 =	simm.s32 $0x1B8E;
	s24 =	sld [smem:$0x3FFE];
	[sflag:s23] =	ssyncadd.s32 $0xFFFFFFFF  }
0xab: {  	s26 =	simm.s32 $execute0_lowered;
	[smem:$0x3FD2] =	sst s25  }
0xac: {  	s7 =	sshll.u32 s26, $0x1;
	_ =	strace $0x80000049;
	[dreg:$0x1] =	wrdreg $0xFFFFFFFF  }
0xad: {  	s28 =	simm.s32 $_size_execute0_lowered;
	s5 =	sadd.s32 s5, s7;
	[dreg:$0x0] =	wrdreg $0x0  }
0xae: {  	s7 =	sshll.u32 s28, $0x1;
	[dreg:$0x2] =	wrdreg s5  }
0xaf: {  	[dreg:$0x3] =	wrdreg s7  }
0xb0: {  	[dreg:$0x4] =	wrdreg $0xC0  }
0xb1: {  	_ =	task [dreg:s9], $0x5FFFF  }
0xb2: {  	[dreg:$0x1] =	wrdreg $0xFFFFFFFF  }
0xb3: {  	[dreg:$0x0] =	wrdreg $0x60  }
0xb4: {  	[dreg:$0x2] =	wrdreg s15  }
0xb5: {  	[dreg:$0x3] =	wrdreg s24  }
0xb6: {  	[dreg:$0x4] =	wrdreg s17  }
0xb7: {  	[dreg:$0x5] =	wrdreg s16  }
0xb8: {  	[dreg:$0x6] =	wrdreg $0x1A8000  }
0xb9: {  	[dreg:$0x7] =	wrdreg $0x9  }
0xba: {  	_ =	task.clear_ibuf [dreg:s9], $0x8FFFF;
	_ =	strace $0x90000049  }
0xbb: {  	s29 =	simm.s32 $0x9;
	_ =	strace $0x8000004B  }
0xbc: {  	_ =	swait.ge [sflag:s29], $0x1  }
0xbd: {  	[sflag:s29] =	ssyncadd.s32 $0xFFFFFFFF  }
0xbe: {  	_ =	strace $0x9000004B  }
0xbf: {  	_ =	sfence  }
0xc0: {  	s30 =	sld [smem:$0x0];
	_ =	sdelay $0x2  }
0xc1: {  	s31 =	sshll.u32 s1, $0xD;
	s1 =	sshrl.u32 s1, $0x2  }
0xc2: {  	s3 =	sand.u32 $0x4000, s31;
	s1 =	sadd.s32 s1, s30  }
0xc3: {  	s0 =	sor.u32 s3, s0;
	s1 =	sshll.u32 s1, $0x11  }
0xc4: {  	s0 =	sor.u32 s1, s0  }
0xc5: {  	s0 =	sadd.s32 $0x8F2B, s0  }
0xc6: {  	[sflag:s0] =	ssyncadd.remote.s32 $0x1  }
0xc7: {  	_ =	sfence.sel $0xFFFF  }
0xc8: {  	[dreg:$0x0] =	wrdreg $0xFFFFFFFF;
	(pc) =	sbr.abs _section_cstart, $3  }
0xc9: {  	[dreg:$0x1] =	wrdreg $0xFFFFFFFF  }
0xca: {  	_ =	task.clear_ibuf [dreg:s9], $0x2FFFF;
	_ =	strace $0x9FFFFFFF  }
0xcb: {  	(tm) =	ssettm $0x7FFFFFFF  }
tec
execute0_lowered:
.L_overlay_start_1:
0x0: {  	(tag) =	ssettag $0x1  }
0x1: {  	s0 =	rddreg [dreg:$0x0]  }
0x2: {  	s1 =	rddreg [dreg:$0x1]  }
0x3: {  	s5 =	rddreg [dreg:$0x2];
	s3 =	srdreg.scid  }
0x4: {  	s2 =	rddreg [dreg:$0x3];
	s14 =	stileid.u32  }
0x5: {  	s4 =	simm.s32 $0x0;
	s29 =	simm.s32 $0xC800;
	s30 =	simm.s32 $0x1  }
0x6: {  	s31 =	simm.s32 $0x4;
	s6 =	sand.u32 $0x1, s3;
	s3 =	rddreg [dreg:$0x4]  }
0x7: {  	s28 =	simm.s32 $0x11800;
	[smem:$0x7FF] =	sst s4;
	s9 =	sshll.u32 s14, $0xC  }
0x8: {  	s17 =	sshll.u32 s14, $0x9;
	s11 =	sadd.s32 $0xF00, s0;
	s25 =	sshll.u32 s14, $0x6  }
0x9: {  	s7 =	sshll.u32 s6, $0x4;
	_ =	strace $0x8000004A;
	s6 =	ssub.s32 $0x2, s6  }
0xa: {  	s16 =	sadd.s32 s9, s3;
	s5 =	sadd.s32 s5, s17;
	s7 =	sor.u32 s14, s7  }
0xb: {  	s17 =	simm.s32 $0x3;
	s15 =	sshrl.u32 s6, $0x1;
	s10 =	smul.u32 $0x138800, s7  }
0xc: {  	[dreg:$0x7] =	wrdreg s5;
	s26 =	sshrl.u32 s16, $0x3;
	s18 =	smul.u32 $0x27100, s7  }
0xd: {  	s8 =	sshll.u32 s7, $0xB;
	s6 =	ssub.s32 s6, s15;
	s7 =	smul.u32 $0x2710, s7  }
0xe: {  	[dreg:$0xf] =	wrdreg s26;
	s26 =	simm.s32 $0xA000;
	s1 =	sadd.s32 s8, s1  }
0xf: {  	s24 =	smax.u32 s6, $0x1;
	s6 =	simm.s32 $0x14000;
	s1 =	sadd.s32 $0x1E00, s1  }
0x10: {  	s10 =	sshrl.u32 s10, $0x3;
	s20 =	sadd.s32 s0, s18;
	[dreg:$0xd] =	wrdreg s24  }
0x11: {  	s12 =	sadd.s32 $0x50, s7;
	[dreg:$0x6] =	wrdreg s1;
	s19 =	sadd.s32 s0, s10  }
0x12: {  	s13 =	sadd.s32 $0xA0, s7;
	[dreg:$0x8] =	wrdreg s20;
	s21 =	sadd.s32 $0x500, s19  }
0x13: {  	s22 =	sadd.s32 s2, s10;
	s5 =	sadd.s32 $0xA00, s19;
	[dreg:$0x9] =	wrdreg s21  }
0x14: {  	s24 =	simm.s32 $0x7800;
	s23 =	sadd.s32 $0x26700, s22;
	[dreg:$0xa] =	wrdreg s5  }
0x15: {  	s1 =	simm.s32 $0x2;
	s0 =	sadd.s32 $0x26C00, s22;
	[dreg:$0xb] =	wrdreg s23  }
0x16: {  	s10 =	simm.s32 $0x0;
	[dreg:$0xc] =	wrdreg s0;
	s0 =	sor.u32 $0x1C0A, s25  }
0x17: {  	s21 =	simm.s32 $0x2800;
	s23 =	simm.s32 $0x50;
	s25 =	simm.s32 $0x5  }
0x18: {  	s5 =	simm.s32 $0x6;
	[dreg:$0xe] =	wrdreg s0;
	s0 =	simm.s32 $0xF000  }
.LBB2_1:
0x19: {  	[dreg:$0x10] =	wrdreg s10  }
0x1a: {  	s8 =	rddreg [dreg:$0x6];
	s9 =	simm.s32 $0x16800;
	s20 =	simm.s32 $0xA  }
0x1b: {  	[tilespmem:s9], [sflag:$0xA] =	stream.linear.gather [hbm4b:s8+s4], $0x3E80, $0x38;
	[tilespmem:$0x1B800] =	vst v63  }
0x1c: {  	_ =	swait.ge [sflag:s20], $0x3E80  }
0x1d: {  	s22 =	rddreg [dreg:$0x7]  }
0x1e: {  	[sflag:s20] =	ssyncset.done $0x0;
	s14 =	rddreg [dreg:$0xe]  }
0x1f: {  	s15 =	rddreg [dreg:$0xf];
	[sflag:s20] =	ssyncadd.s32 $0xFFFFC180  }
0x20: {  	[spmem:s15], [sflag:s14] =	dma.local [hbm:s22], $0x200  }
0x21: {  	_ =	swait.ge [sflag:s20], $0x200  }
0x22: {  	[sflag:s20] =	ssyncset.done $0x0  }
0x23: {  	s15 =	rddreg [dreg:$0x8];
	[sflag:s20] =	ssyncadd.s32 $0xFFFFFE00  }
0x24: {  	[tilespmem:s4], [sflag:$0x1] =	stream.linear.gather [hbm4b:s15+s4], $0x2800, $0x38;
	[tilespmem:$0x1B800] =	vst v63  }
0x25: {  	s16 =	rddreg [dreg:$0x9]  }
0x26: {  	[tilespmem:s21], [sflag:$0x2] =	stream.linear.gather [hbm4b:s16+s4], $0x2800, $0x38;
	[tilespmem:$0x1B800] =	vst v63  }
0x27: {  	s19 =	simm.s32 $0x5000;
	s18 =	rddreg [dreg:$0xa]  }
0x28: {  	[tilespmem:s19], [sflag:$0x3] =	stream.linear.gather [hbm4b:s18+s4], $0x2800, $0x38;
	[tilespmem:$0x1B800] =	vst v63  }
0x29: {  	[bflag:$0x0] =	sbarrier.arrive $0xFFFF  }
0x2a: {  	[tilespmem:s24], [sflag:$0x4] =	stream.indirect.gather [spmem:s3], $0x80, s9, s23, $0xb8;
	[tilespmem:$0x1B800] =	vst v63  }
0x2b: {  	s20 =	simm.s32 $0x16880  }
0x2c: {  	[tilespmem:s26], [sflag:$0x5] =	stream.indirect.gather [spmem:s3], $0x80, s20, s23, $0xb8;
	[tilespmem:$0x1B800] =	vst v63  }
0x2d: {  	s22 =	simm.s32 $0x16900;
	s15 =	simm.s32 $0x0  }
0x2e: {  	[tilespmem:s29], [sflag:$0x6] =	stream.indirect.gather [spmem:s3], $0x80, s22, s23, $0xb8;
	[tilespmem:$0x1B800] =	vst v63  }
.LBB2_2:
0x2f: {  	_ =	swait.ge [sflag:s30], $0x2800  }
0x30: {  	[sflag:s30] =	ssyncset.done $0x0  }
0x31: {  	[sflag:s30] =	ssyncadd.s32 $0xFFFFD800  }
0x32: {  	_ =	swait.ge [sflag:s31], $0x2800  }
0x33: {  	p0 =	seq.s32 s15, $0x0;
	[sflag:s31] =	ssyncset.done $0x0  }
0x34: {  	s8 =	simm.s32 @!p0 $0x7;
	[sflag:s31] =	ssyncadd.s32 $0xFFFFD800  }
0x35: {  	_ =	swait.ge @!p0 [sflag:s8], $0x2800  }
0x36: {  	[sflag:s8] =	ssyncset.done @!p0 $0x0  }
0x37: {  	s16 =	simm.s32 $0x100;
	[sflag:s8] =	ssyncadd.s32 @!p0 $0xFFFFD800  }
0x38: {  	s19 =	simm.s32 $0x7900;
	v0 =	vld [tilespmem:s16+$0x80]  }
0x39: {  	v1 =	vld [tilespmem:s19+$0x80];
	_ =	sdelay $0x2  }
0x3a: {  	v2 =	vld [tilespmem:s16+$0xFFFFFF80]  }
0x3b: {  	v3 =	vld [tilespmem:s19+$0xFFFFFF80]  }
0x3c: {  	v4 =	vld [tilespmem:s19+$0xFFFFFF00];
	v0 =	vadd.f32 v1, v0  }
0x3d: {  	s10 =	simm.s32 $0xF100;
	v1 =	vld [tilespmem:s16+$0xFFFFFF00]  }
0x3e: {  	[tilespmem:s10+$0x80] =	vst v0  }
0x3f: {  	v0 =	vld [tilespmem:s16+$0x90]  }
0x40: {  	v2 =	vadd.f32 v3, v2;
	v3 =	vld [tilespmem:s19+$0x90]  }
0x41: {  	v5 =	vld [tilespmem:s16+$0x0]  }
0x42: {  	v6 =	vld [tilespmem:s19+$0x0];
	[tilespmem:s10+$0xFFFFFF80] =	vst v2;
	v1 =	vadd.f32 v4, v1  }
0x43: {  	v2 =	vld [tilespmem:s16+$0xFFFFFF90]  }
0x44: {  	v4 =	vld [tilespmem:s19+$0xFFFFFF90];
	[tilespmem:s10+$0xFFFFFF00] =	vst v1  }
0x45: {  	v1 =	vld [tilespmem:s16+$0xFFFFFF10];
	v0 =	vadd.f32 v3, v0  }
0x46: {  	v3 =	vld [tilespmem:s19+$0xFFFFFF10]  }
0x47: {  	v5 =	vadd.f32 v6, v5;
	[tilespmem:s10+$0x90] =	vst v0  }
0x48: {  	v0 =	vld [tilespmem:s16+$0xA0]  }
0x49: {  	[tilespmem:s10+$0x0] =	vst v5;
	v2 =	vadd.f32 v4, v2;
	v4 =	vld [tilespmem:s19+$0xA0]  }
0x4a: {  	v5 =	vld [tilespmem:s16+$0x10]  }
0x4b: {  	v6 =	vld [tilespmem:s19+$0x10];
	[tilespmem:s10+$0xFFFFFF90] =	vst v2;
	v1 =	vadd.f32 v3, v1  }
0x4c: {  	v2 =	vld [tilespmem:s16+$0xFFFFFFA0]  }
0x4d: {  	v3 =	vld [tilespmem:s19+$0xFFFFFFA0];
	[tilespmem:s10+$0xFFFFFF10] =	vst v1  }
0x4e: {  	v1 =	vld [tilespmem:s16+$0xFFFFFF20];
	v0 =	vadd.f32 v4, v0  }
0x4f: {  	v4 =	vld [tilespmem:s19+$0xFFFFFF20]  }
0x50: {  	v5 =	vadd.f32 v6, v5;
	[tilespmem:s10+$0xA0] =	vst v0  }
0x51: {  	v0 =	vld [tilespmem:s16+$0xB0]  }
0x52: {  	[tilespmem:s10+$0x10] =	vst v5;
	v2 =	vadd.f32 v3, v2;
	v3 =	vld [tilespmem:s19+$0xB0]  }
0x53: {  	v5 =	vld [tilespmem:s16+$0x20]  }
0x54: {  	[tilespmem:s10+$0xFFFFFFA0] =	vst v2;
	v2 =	vld [tilespmem:s19+$0x20];
	v1 =	vadd.f32 v4, v1  }
0x55: {  	v4 =	vld [tilespmem:s16+$0xFFFFFFB0]  }
0x56: {  	v6 =	vld [tilespmem:s19+$0xFFFFFFB0];
	[tilespmem:s10+$0xFFFFFF20] =	vst v1  }
0x57: {  	v1 =	vld [tilespmem:s16+$0xFFFFFF30];
	v0 =	vadd.f32 v3, v0  }
0x58: {  	v3 =	vld [tilespmem:s19+$0xFFFFFF30]  }
0x59: {  	v2 =	vadd.f32 v2, v5;
	[tilespmem:s10+$0xB0] =	vst v0  }
0x5a: {  	v0 =	vld [tilespmem:s16+$0xC0]  }
0x5b: {  	v4 =	vadd.f32 v6, v4;
	[tilespmem:s10+$0x20] =	vst v2;
	v2 =	vld [tilespmem:s19+$0xC0]  }
0x5c: {  	v5 =	vld [tilespmem:s16+$0x30]  }
0x5d: {  	[tilespmem:s10+$0xFFFFFFB0] =	vst v4;
	v1 =	vadd.f32 v3, v1;
	v3 =	vld [tilespmem:s19+$0x30]  }
0x5e: {  	v4 =	vld [tilespmem:s16+$0xFFFFFFC0]  }
0x5f: {  	[tilespmem:s10+$0xFFFFFF30] =	vst v1;
	v1 =	vld [tilespmem:s19+$0xFFFFFFC0]  }
0x60: {  	v6 =	vld [tilespmem:s16+$0xFFFFFF40];
	v0 =	vadd.f32 v2, v0  }
0x61: {  	v2 =	vld [tilespmem:s19+$0xFFFFFF40]  }
0x62: {  	v3 =	vadd.f32 v3, v5;
	[tilespmem:s10+$0xC0] =	vst v0  }
0x63: {  	v0 =	vld [tilespmem:s16+$0xD0]  }
0x64: {  	v1 =	vadd.f32 v1, v4;
	[tilespmem:s10+$0x30] =	vst v3;
	v3 =	vld [tilespmem:s19+$0xD0]  }
0x65: {  	v4 =	vld [tilespmem:s16+$0x40]  }
0x66: {  	v2 =	vadd.f32 v2, v6;
	[tilespmem:s10+$0xFFFFFFC0] =	vst v1;
	v1 =	vld [tilespmem:s19+$0x40]  }
0x67: {  	v5 =	vld [tilespmem:s16+$0xFFFFFFD0]  }
0x68: {  	[tilespmem:s10+$0xFFFFFF40] =	vst v2;
	v2 =	vld [tilespmem:s19+$0xFFFFFFD0]  }
0x69: {  	v6 =	vld [tilespmem:s16+$0xFFFFFF50];
	v0 =	vadd.f32 v3, v0  }
0x6a: {  	v3 =	vld [tilespmem:s19+$0xFFFFFF50]  }
0x6b: {  	v1 =	vadd.f32 v1, v4;
	[tilespmem:s10+$0xD0] =	vst v0  }
0x6c: {  	v7 =	vld [tilespmem:s16+$0xE0]  }
0x6d: {  	v0 =	vadd.f32 v2, v5;
	v5 =	vld [tilespmem:s19+$0xE0];
	[tilespmem:s10+$0x40] =	vst v1  }
0x6e: {  	v1 =	vld [tilespmem:s16+$0x50]  }
0x6f: {  	v2 =	vadd.f32 v3, v6;
	[tilespmem:s10+$0xFFFFFFD0] =	vst v0;
	v4 =	vld [tilespmem:s19+$0x50]  }
0x70: {  	v0 =	vld [tilespmem:s16+$0xFFFFFFE0]  }
0x71: {  	v3 =	vld [tilespmem:s19+$0xFFFFFFE0];
	[tilespmem:s10+$0xFFFFFF50] =	vst v2  }
0x72: {  	s9 =	simm.s32 $0x300;
	v2 =	vld [tilespmem:s16+$0xFFFFFF60];
	v6 =	vadd.f32 v5, v7  }
0x73: {  	s14 =	simm.s32 $0x7900;
	s18 =	simm.s32 $0xF100;
	s8 =	simm.s32 $0x0;
	v5 =	vld [tilespmem:s19+$0xFFFFFF60]  }
.LBB2_3:
0x74: {  	v7 =	vld [tilespmem:s9+$0x80];
	v1 =	vadd.f32 v4, v1;
	[tilespmem:s10+$0xE0] =	vst v6  }
0x75: {  	v4 =	vld [tilespmem:s16+$0xF0]  }
0x76: {  	s14 =	sadd.s32 $0x200, s14;
	v0 =	vadd.f32 v3, v0;
	[tilespmem:s10+$0x50] =	vst v1;
	v1 =	vld [tilespmem:s19+$0xF0]  }
0x77: {  	v3 =	vld [tilespmem:s14+$0x80]  }
0x78: {  	v6 =	vld [tilespmem:s14+$0xFFFFFF00];
	v2 =	vadd.f32 v5, v2;
	[tilespmem:s10+$0xFFFFFFE0] =	vst v0  }
0x79: {  	v0 =	vld [tilespmem:s9+$0xFFFFFF80]  }
0x7a: {  	v5 =	vld [tilespmem:s14+$0xFFFFFF80];
	[tilespmem:s10+$0xFFFFFF60] =	vst v2  }
0x7b: {  	v2 =	vld [tilespmem:s9+$0x0];
	v1 =	vadd.f32 v1, v4  }
0x7c: {  	v4 =	vld [tilespmem:s14+$0x0];
	v3 =	vadd.f32 v3, v7  }
0x7d: {  	s10 =	sadd.s32 $0x200, s10;
	v7 =	vld [tilespmem:s9+$0xFFFFFF00];
	[tilespmem:s18+$0xF0] =	vst v1  }
0x7e: {  	s8 =	sadd.s32 $0x4, s8;
	[tilespmem:s10+$0x80] =	vst v3;
	v1 =	vld [tilespmem:s16+$0x60]  }
0x7f: {  	p1 =	slt.u32 s8, $0x4C;
	v0 =	vadd.f32 v5, v0;
	v3 =	vld [tilespmem:s9+$0x90]  }
0x80: {  	v5 =	vld [tilespmem:s14+$0x90]  }
0x81: {  	[tilespmem:s10+$0xFFFFFF80] =	vst v0;
	v0 =	vadd.f32 v4, v2;
	v2 =	vld [tilespmem:s19+$0x60]  }
0x82: {  	v4 =	vadd.f32 v6, v7;
	v6 =	vld [tilespmem:s9+$0xFFFFFF90]  }
0x83: {  	v7 =	vld [tilespmem:s14+$0xFFFFFF90];
	[tilespmem:s10+$0x0] =	vst v0  }
0x84: {  	[tilespmem:s10+$0xFFFFFF00] =	vst v4;
	v0 =	vld [tilespmem:s9+$0x10]  }
0x85: {  	v4 =	vld [tilespmem:s9+$0xFFFFFF10];
	v3 =	vadd.f32 v5, v3  }
0x86: {  	v5 =	vld [tilespmem:s14+$0xFFFFFF10];
	v1 =	vadd.f32 v2, v1  }
0x87: {  	v2 =	vld [tilespmem:s14+$0x10];
	[tilespmem:s10+$0x90] =	vst v3  }
0x88: {  	v3 =	vadd.f32 v7, v6;
	v6 =	vld [tilespmem:s9+$0xA0];
	[tilespmem:s18+$0x60] =	vst v1  }
0x89: {  	v1 =	vld [tilespmem:s14+$0xA0]  }
0x8a: {  	[tilespmem:s10+$0xFFFFFF90] =	vst v3;
	v3 =	vld [tilespmem:s16+$0xFFFFFF70]  }
0x8b: {  	v4 =	vadd.f32 v5, v4;
	v5 =	vld [tilespmem:s9+$0xFFFFFFA0]  }
0x8c: {  	v7 =	vld [tilespmem:s14+$0xFFFFFFA0];
	v0 =	vadd.f32 v2, v0  }
0x8d: {  	[tilespmem:s10+$0xFFFFFF10] =	vst v4;
	v2 =	vld [tilespmem:s19+$0xFFFFFF70]  }
0x8e: {  	v4 =	vld [tilespmem:s9+$0xFFFFFF20];
	[tilespmem:s10+$0x10] =	vst v0;
	v0 =	vadd.f32 v1, v6  }
0x8f: {  	v1 =	vld [tilespmem:s14+$0xFFFFFF20]  }
0x90: {  	v6 =	vld [tilespmem:s9+$0x20];
	[tilespmem:s10+$0xA0] =	vst v0  }
0x91: {  	v0 =	vadd.f32 v7, v5;
	v5 =	vld [tilespmem:s9+$0xB0]  }
0x92: {  	v7 =	vld [tilespmem:s14+$0xB0];
	v2 =	vadd.f32 v2, v3  }
0x93: {  	[tilespmem:s10+$0xFFFFFFA0] =	vst v0;
	v0 =	vld [tilespmem:s14+$0x20]  }
0x94: {  	v1 =	vadd.f32 v1, v4;
	v3 =	vld [tilespmem:s9+$0xFFFFFFB0];
	[tilespmem:s18+$0xFFFFFF70] =	vst v2  }
0x95: {  	v2 =	vld [tilespmem:s14+$0xFFFFFFB0]  }
0x96: {  	[tilespmem:s10+$0xFFFFFF20] =	vst v1;
	v1 =	vld [tilespmem:s16+$0xFFFFFFF0]  }
0x97: {  	v4 =	vld [tilespmem:s9+$0xFFFFFF30];
	v5 =	vadd.f32 v7, v5  }
0x98: {  	v7 =	vld [tilespmem:s14+$0xFFFFFF30];
	v0 =	vadd.f32 v0, v6  }
0x99: {  	[tilespmem:s10+$0xB0] =	vst v5;
	v5 =	vld [tilespmem:s19+$0xFFFFFFF0]  }
0x9a: {  	v2 =	vadd.f32 v2, v3;
	[tilespmem:s10+$0x20] =	vst v0;
	v0 =	vld [tilespmem:s9+$0xC0]  }
0x9b: {  	v3 =	vld [tilespmem:s14+$0xC0]  }
0x9c: {  	[tilespmem:s10+$0xFFFFFFB0] =	vst v2;
	v2 =	vld [tilespmem:s9+$0x30]  }
0x9d: {  	v4 =	vadd.f32 v7, v4;
	v6 =	vld [tilespmem:s14+$0x30]  }
0x9e: {  	v7 =	vld [tilespmem:s9+$0xFFFFFFC0];
	v1 =	vadd.f32 v5, v1  }
0x9f: {  	[tilespmem:s10+$0xFFFFFF30] =	vst v4;
	v4 =	vld [tilespmem:s14+$0xFFFFFFC0]  }
0xa0: {  	v5 =	vld [tilespmem:s9+$0xFFFFFF40];
	v0 =	vadd.f32 v3, v0;
	[tilespmem:s18+$0xFFFFFFF0] =	vst v1  }
0xa1: {  	v1 =	vld [tilespmem:s14+$0xFFFFFF40]  }
0xa2: {  	v2 =	vadd.f32 v6, v2;
	[tilespmem:s10+$0xC0] =	vst v0;
	v3 =	vld [tilespmem:s16+$0x70];
	s16 =	smov.u32 s9  }
0xa3: {  	v0 =	vld [tilespmem:s9+$0xD0]  }
0xa4: {  	v4 =	vadd.f32 v4, v7;
	[tilespmem:s10+$0x30] =	vst v2;
	v2 =	vld [tilespmem:s14+$0xD0]  }
0xa5: {  	v6 =	vld [tilespmem:s9+$0x40]  }
0xa6: {  	v1 =	vadd.f32 v1, v5;
	[tilespmem:s10+$0xFFFFFFC0] =	vst v4;
	v4 =	vld [tilespmem:s14+$0x40]  }
0xa7: {  	v5 =	vld [tilespmem:s9+$0xFFFFFFD0]  }
0xa8: {  	[tilespmem:s10+$0xFFFFFF40] =	vst v1;
	v1 =	vld [tilespmem:s14+$0xFFFFFFD0]  }
0xa9: {  	v7 =	vld [tilespmem:s9+$0xFFFFFF50];
	v0 =	vadd.f32 v2, v0  }
0xaa: {  	v2 =	vld [tilespmem:s14+$0xFFFFFF50]  }
0xab: {  	v4 =	vadd.f32 v4, v6;
	[tilespmem:s10+$0xD0] =	vst v0;
	v6 =	vld [tilespmem:s19+$0x70];
	s19 =	smov.u32 s14  }
0xac: {  	v8 =	vld [tilespmem:s9+$0xE0]  }
0xad: {  	v0 =	vadd.f32 v1, v5;
	[tilespmem:s10+$0x40] =	vst v4;
	v5 =	vld [tilespmem:s14+$0xE0]  }
0xae: {  	v1 =	vld [tilespmem:s9+$0x50]  }
.Ltmp0:
0xaf: {  	v2 =	vadd.f32 v2, v7;
	[tilespmem:s10+$0xFFFFFFD0] =	vst v0;
	v4 =	vld [tilespmem:s14+$0x50];
	(pc) =	sbr.rel @p1 .LBB2_3-.Ltmp0, $4  }
0xb0: {  	v0 =	vld [tilespmem:s9+$0xFFFFFFE0];
	v7 =	vadd.f32 v6, v3  }
0xb1: {  	[tilespmem:s10+$0xFFFFFF50] =	vst v2;
	v3 =	vld [tilespmem:s14+$0xFFFFFFE0]  }
0xb2: {  	v2 =	vld [tilespmem:s9+$0xFFFFFF60];
	v6 =	vadd.f32 v5, v8;
	[tilespmem:s18+$0x70] =	vst v7;
	s18 =	smov.u32 s10  }
0xb3: {  	s9 =	sadd.s32 $0x200, s9;
	v5 =	vld [tilespmem:s14+$0xFFFFFF60]  }
0xb4: {  	v1 =	vadd.f32 v4, v1;
	_ =	sdelay $0x1  }
0xb5: {  	[tilespmem:s10+$0x50] =	vst v1  }
0xb6: {  	v1 =	vld [tilespmem:s16+$0x60]  }
0xb7: {  	v4 =	vld [tilespmem:s19+$0x60]  }
0xb8: {  	[tilespmem:s10+$0xE0] =	vst v6;
	v2 =	vadd.f32 v5, v2  }
0xb9: {  	v0 =	vadd.f32 v3, v0;
	v3 =	vld [tilespmem:s19+$0xF0]  }
0xba: {  	v5 =	vld [tilespmem:s16+$0xF0];
	[tilespmem:s10+$0xFFFFFF60] =	vst v2  }
0xbb: {  	v2 =	vld [tilespmem:s16+$0xFFFFFF70]  }
0xbc: {  	[tilespmem:s10+$0xFFFFFFE0] =	vst v0;
	v0 =	vadd.f32 v4, v1;
	v1 =	vld [tilespmem:s19+$0xFFFFFF70]  }
0xbd: {  	v4 =	vld [tilespmem:s16+$0xFFFFFFF0]  }
0xbe: {  	[tilespmem:s18+$0x60] =	vst v0;
	v0 =	vld [tilespmem:s19+$0xFFFFFFF0]  }
0xbf: {  	v6 =	vld [tilespmem:s16+$0x70]  }
0xc0: {  	v7 =	vld [tilespmem:s19+$0x70];
	_ =	sdelay $0x1  }
0xc1: {  	v3 =	vadd.f32 v3, v5  }
0xc2: {  	s16 =	smul.u32 $0xF0, s15;
	v1 =	vadd.f32 v1, v2  }
0xc3: {  	[tilespmem:s18+$0xF0] =	vst v3;
	v0 =	vadd.f32 v0, v4  }
0xc4: {  	s8 =	sadd.s32 s7, s16;
	[tilespmem:s18+$0xFFFFFF70] =	vst v1;
	v1 =	vadd.f32 v7, v6  }
0xc5: {  	s8 =	sshll.u32 s8, $0x4;
	[tilespmem:s18+$0xFFFFFFF0] =	vst v0  }
0xc6: {  	s20 =	smul.u32 $0x600, s15;
	s9 =	sadd.s32 s2, s8;
	[tilespmem:s18+$0x70] =	vst v1  }
0xc7: {  	[hbm4b:s9+s4] =	stream.linear.scatter [tilespmem:s0], [sflag:$0x7], $0x2800, $0x38;
	[tilespmem:$0x1B800] =	vst v63  }
0xc8: {  	s19 =	sshra.s32 s20, $0x2;
	s8 =	sadd.s32 s8, s11  }
0xc9: {  	[tilespmem:s4], [sflag:$0x1] =	stream.linear.gather [hbm4b:s8+s4], $0x2800, $0x38;
	[tilespmem:$0x1B800] =	vst v63  }
0xca: {  	s22 =	sadd.s32 $0x16980, s19  }
0xcb: {  	[tilespmem:s24], [sflag:$0x4] =	stream.indirect.gather [spmem:s3], $0x80, s22, s23, $0xb8;
	[tilespmem:$0x1B800] =	vst v63  }
0xcc: {  	_ =	swait.ge [sflag:s1], $0x2800  }
0xcd: {  	[sflag:s1] =	ssyncset.done $0x0  }
0xce: {  	[sflag:s1] =	ssyncadd.s32 $0xFFFFD800  }
0xcf: {  	_ =	swait.ge [sflag:s25], $0x2800  }
0xd0: {  	[sflag:s25] =	ssyncset.done $0x0  }
0xd1: {  	s8 =	simm.s32 @!p0 $0x8;
	[sflag:s25] =	ssyncadd.s32 $0xFFFFD800  }
0xd2: {  	_ =	swait.ge @!p0 [sflag:s8], $0x2800  }
0xd3: {  	[sflag:s8] =	ssyncset.done @!p0 $0x0  }
0xd4: {  	s20 =	simm.s32 $0x2900;
	[sflag:s8] =	ssyncadd.s32 @!p0 $0xFFFFD800  }
0xd5: {  	s10 =	simm.s32 $0xA100;
	v0 =	vld [tilespmem:s20+$0x80]  }
0xd6: {  	v1 =	vld [tilespmem:s10+$0x80];
	_ =	sdelay $0x2  }
0xd7: {  	v2 =	vld [tilespmem:s20+$0xFFFFFF80]  }
0xd8: {  	v3 =	vld [tilespmem:s10+$0xFFFFFF80]  }
0xd9: {  	v4 =	vld [tilespmem:s10+$0xFFFFFF00];
	v0 =	vadd.f32 v1, v0  }
0xda: {  	s18 =	simm.s32 $0x11900;
	v1 =	vld [tilespmem:s20+$0xFFFFFF00]  }
0xdb: {  	[tilespmem:s18+$0x80] =	vst v0  }
0xdc: {  	v0 =	vld [tilespmem:s20+$0x90]  }
0xdd: {  	v2 =	vadd.f32 v3, v2;
	v3 =	vld [tilespmem:s10+$0x90]  }
0xde: {  	v5 =	vld [tilespmem:s20+$0x0]  }
0xdf: {  	v6 =	vld [tilespmem:s10+$0x0];
	[tilespmem:s18+$0xFFFFFF80] =	vst v2;
	v1 =	vadd.f32 v4, v1  }
0xe0: {  	v2 =	vld [tilespmem:s20+$0xFFFFFF90]  }
0xe1: {  	v4 =	vld [tilespmem:s10+$0xFFFFFF90];
	[tilespmem:s18+$0xFFFFFF00] =	vst v1  }
0xe2: {  	v1 =	vld [tilespmem:s20+$0xFFFFFF10];
	v0 =	vadd.f32 v3, v0  }
0xe3: {  	v3 =	vld [tilespmem:s10+$0xFFFFFF10]  }
0xe4: {  	v5 =	vadd.f32 v6, v5;
	[tilespmem:s18+$0x90] =	vst v0  }
0xe5: {  	v0 =	vld [tilespmem:s20+$0xA0]  }
0xe6: {  	[tilespmem:s18+$0x0] =	vst v5;
	v2 =	vadd.f32 v4, v2;
	v4 =	vld [tilespmem:s10+$0xA0]  }
0xe7: {  	v5 =	vld [tilespmem:s20+$0x10]  }
0xe8: {  	v6 =	vld [tilespmem:s10+$0x10];
	[tilespmem:s18+$0xFFFFFF90] =	vst v2;
	v1 =	vadd.f32 v3, v1  }
0xe9: {  	v2 =	vld [tilespmem:s20+$0xFFFFFFA0]  }
0xea: {  	v3 =	vld [tilespmem:s10+$0xFFFFFFA0];
	[tilespmem:s18+$0xFFFFFF10] =	vst v1  }
0xeb: {  	v1 =	vld [tilespmem:s20+$0xFFFFFF20];
	v0 =	vadd.f32 v4, v0  }
0xec: {  	v4 =	vld [tilespmem:s10+$0xFFFFFF20]  }
0xed: {  	v5 =	vadd.f32 v6, v5;
	[tilespmem:s18+$0xA0] =	vst v0  }
0xee: {  	v0 =	vld [tilespmem:s20+$0xB0]  }
0xef: {  	[tilespmem:s18+$0x10] =	vst v5;
	v2 =	vadd.f32 v3, v2;
	v3 =	vld [tilespmem:s10+$0xB0]  }
0xf0: {  	v5 =	vld [tilespmem:s20+$0x20]  }
0xf1: {  	[tilespmem:s18+$0xFFFFFFA0] =	vst v2;
	v2 =	vld [tilespmem:s10+$0x20];
	v1 =	vadd.f32 v4, v1  }
0xf2: {  	v4 =	vld [tilespmem:s20+$0xFFFFFFB0]  }
0xf3: {  	v6 =	vld [tilespmem:s10+$0xFFFFFFB0];
	[tilespmem:s18+$0xFFFFFF20] =	vst v1  }
0xf4: {  	v1 =	vld [tilespmem:s20+$0xFFFFFF30];
	v0 =	vadd.f32 v3, v0  }
0xf5: {  	v3 =	vld [tilespmem:s10+$0xFFFFFF30]  }
0xf6: {  	v2 =	vadd.f32 v2, v5;
	[tilespmem:s18+$0xB0] =	vst v0  }
0xf7: {  	v0 =	vld [tilespmem:s20+$0xC0]  }
0xf8: {  	v4 =	vadd.f32 v6, v4;
	[tilespmem:s18+$0x20] =	vst v2;
	v2 =	vld [tilespmem:s10+$0xC0]  }
0xf9: {  	v5 =	vld [tilespmem:s20+$0x30]  }
0xfa: {  	[tilespmem:s18+$0xFFFFFFB0] =	vst v4;
	v1 =	vadd.f32 v3, v1;
	v3 =	vld [tilespmem:s10+$0x30]  }
0xfb: {  	v4 =	vld [tilespmem:s20+$0xFFFFFFC0]  }
0xfc: {  	[tilespmem:s18+$0xFFFFFF30] =	vst v1;
	v1 =	vld [tilespmem:s10+$0xFFFFFFC0]  }
0xfd: {  	v6 =	vld [tilespmem:s20+$0xFFFFFF40];
	v0 =	vadd.f32 v2, v0  }
0xfe: {  	v2 =	vld [tilespmem:s10+$0xFFFFFF40]  }
0xff: {  	v3 =	vadd.f32 v3, v5;
	[tilespmem:s18+$0xC0] =	vst v0  }
0x100: {  	v0 =	vld [tilespmem:s20+$0xD0]  }
0x101: {  	v1 =	vadd.f32 v1, v4;
	[tilespmem:s18+$0x30] =	vst v3;
	v3 =	vld [tilespmem:s10+$0xD0]  }
0x102: {  	v4 =	vld [tilespmem:s20+$0x40]  }
0x103: {  	v2 =	vadd.f32 v2, v6;
	[tilespmem:s18+$0xFFFFFFC0] =	vst v1;
	v1 =	vld [tilespmem:s10+$0x40]  }
0x104: {  	v5 =	vld [tilespmem:s20+$0xFFFFFFD0]  }
0x105: {  	[tilespmem:s18+$0xFFFFFF40] =	vst v2;
	v2 =	vld [tilespmem:s10+$0xFFFFFFD0]  }
0x106: {  	v6 =	vld [tilespmem:s20+$0xFFFFFF50];
	v0 =	vadd.f32 v3, v0  }
0x107: {  	v3 =	vld [tilespmem:s10+$0xFFFFFF50]  }
0x108: {  	v1 =	vadd.f32 v1, v4;
	[tilespmem:s18+$0xD0] =	vst v0  }
0x109: {  	v7 =	vld [tilespmem:s20+$0xE0]  }
0x10a: {  	v0 =	vadd.f32 v2, v5;
	v5 =	vld [tilespmem:s10+$0xE0];
	[tilespmem:s18+$0x40] =	vst v1  }
0x10b: {  	v1 =	vld [tilespmem:s20+$0x50]  }
0x10c: {  	v2 =	vadd.f32 v3, v6;
	[tilespmem:s18+$0xFFFFFFD0] =	vst v0;
	v4 =	vld [tilespmem:s10+$0x50]  }
0x10d: {  	v0 =	vld [tilespmem:s20+$0xFFFFFFE0]  }
0x10e: {  	v3 =	vld [tilespmem:s10+$0xFFFFFFE0];
	[tilespmem:s18+$0xFFFFFF50] =	vst v2  }
0x10f: {  	s14 =	simm.s32 $0x2B00;
	v2 =	vld [tilespmem:s20+$0xFFFFFF60];
	v6 =	vadd.f32 v5, v7  }
0x110: {  	s9 =	simm.s32 $0x0;
	s22 =	simm.s32 $0xA100;
	s8 =	simm.s32 $0x11900;
	v5 =	vld [tilespmem:s10+$0xFFFFFF60]  }
.LBB2_5:
0x111: {  	v7 =	vld [tilespmem:s14+$0x80];
	v1 =	vadd.f32 v4, v1;
	[tilespmem:s18+$0xE0] =	vst v6  }
0x112: {  	v4 =	vld [tilespmem:s20+$0xF0]  }
0x113: {  	s22 =	sadd.s32 $0x200, s22;
	v0 =	vadd.f32 v3, v0;
	[tilespmem:s18+$0x50] =	vst v1;
	v1 =	vld [tilespmem:s10+$0xF0]  }
0x114: {  	v3 =	vld [tilespmem:s22+$0x80]  }
0x115: {  	v6 =	vld [tilespmem:s22+$0xFFFFFF00];
	v2 =	vadd.f32 v5, v2;
	[tilespmem:s18+$0xFFFFFFE0] =	vst v0  }
0x116: {  	v0 =	vld [tilespmem:s14+$0xFFFFFF80]  }
0x117: {  	v5 =	vld [tilespmem:s22+$0xFFFFFF80];
	[tilespmem:s18+$0xFFFFFF60] =	vst v2  }
0x118: {  	v2 =	vld [tilespmem:s14+$0x0];
	v1 =	vadd.f32 v1, v4  }
0x119: {  	v4 =	vld [tilespmem:s22+$0x0];
	v3 =	vadd.f32 v3, v7  }
0x11a: {  	s18 =	sadd.s32 $0x200, s18;
	v7 =	vld [tilespmem:s14+$0xFFFFFF00];
	[tilespmem:s8+$0xF0] =	vst v1  }
0x11b: {  	s9 =	sadd.s32 $0x4, s9;
	[tilespmem:s18+$0x80] =	vst v3;
	v1 =	vld [tilespmem:s20+$0x60]  }
0x11c: {  	p1 =	slt.u32 s9, $0x4C;
	v0 =	vadd.f32 v5, v0;
	v3 =	vld [tilespmem:s14+$0x90]  }
0x11d: {  	v5 =	vld [tilespmem:s22+$0x90]  }
0x11e: {  	[tilespmem:s18+$0xFFFFFF80] =	vst v0;
	v0 =	vadd.f32 v4, v2;
	v2 =	vld [tilespmem:s10+$0x60]  }
0x11f: {  	v4 =	vadd.f32 v6, v7;
	v6 =	vld [tilespmem:s14+$0xFFFFFF90]  }
0x120: {  	v7 =	vld [tilespmem:s22+$0xFFFFFF90];
	[tilespmem:s18+$0x0] =	vst v0  }
0x121: {  	[tilespmem:s18+$0xFFFFFF00] =	vst v4;
	v0 =	vld [tilespmem:s14+$0x10]  }
0x122: {  	v4 =	vld [tilespmem:s14+$0xFFFFFF10];
	v3 =	vadd.f32 v5, v3  }
0x123: {  	v5 =	vld [tilespmem:s22+$0xFFFFFF10];
	v1 =	vadd.f32 v2, v1  }
0x124: {  	v2 =	vld [tilespmem:s22+$0x10];
	[tilespmem:s18+$0x90] =	vst v3  }
0x125: {  	v3 =	vadd.f32 v7, v6;
	v6 =	vld [tilespmem:s14+$0xA0];
	[tilespmem:s8+$0x60] =	vst v1  }
0x126: {  	v1 =	vld [tilespmem:s22+$0xA0]  }
0x127: {  	[tilespmem:s18+$0xFFFFFF90] =	vst v3;
	v3 =	vld [tilespmem:s20+$0xFFFFFF70]  }
0x128: {  	v4 =	vadd.f32 v5, v4;
	v5 =	vld [tilespmem:s14+$0xFFFFFFA0]  }
0x129: {  	v7 =	vld [tilespmem:s22+$0xFFFFFFA0];
	v0 =	vadd.f32 v2, v0  }
0x12a: {  	[tilespmem:s18+$0xFFFFFF10] =	vst v4;
	v2 =	vld [tilespmem:s10+$0xFFFFFF70]  }
0x12b: {  	v4 =	vld [tilespmem:s14+$0xFFFFFF20];
	[tilespmem:s18+$0x10] =	vst v0;
	v0 =	vadd.f32 v1, v6  }
0x12c: {  	v1 =	vld [tilespmem:s22+$0xFFFFFF20]  }
0x12d: {  	v6 =	vld [tilespmem:s14+$0x20];
	[tilespmem:s18+$0xA0] =	vst v0  }
0x12e: {  	v0 =	vadd.f32 v7, v5;
	v5 =	vld [tilespmem:s14+$0xB0]  }
0x12f: {  	v7 =	vld [tilespmem:s22+$0xB0];
	v2 =	vadd.f32 v2, v3  }
0x130: {  	[tilespmem:s18+$0xFFFFFFA0] =	vst v0;
	v0 =	vld [tilespmem:s22+$0x20]  }
0x131: {  	v1 =	vadd.f32 v1, v4;
	v3 =	vld [tilespmem:s14+$0xFFFFFFB0];
	[tilespmem:s8+$0xFFFFFF70] =	vst v2  }
0x132: {  	v2 =	vld [tilespmem:s22+$0xFFFFFFB0]  }
0x133: {  	[tilespmem:s18+$0xFFFFFF20] =	vst v1;
	v1 =	vld [tilespmem:s20+$0xFFFFFFF0]  }
0x134: {  	v4 =	vld [tilespmem:s14+$0xFFFFFF30];
	v5 =	vadd.f32 v7, v5  }
0x135: {  	v7 =	vld [tilespmem:s22+$0xFFFFFF30];
	v0 =	vadd.f32 v0, v6  }
0x136: {  	[tilespmem:s18+$0xB0] =	vst v5;
	v5 =	vld [tilespmem:s10+$0xFFFFFFF0]  }
0x137: {  	v2 =	vadd.f32 v2, v3;
	[tilespmem:s18+$0x20] =	vst v0;
	v0 =	vld [tilespmem:s14+$0xC0]  }
0x138: {  	v3 =	vld [tilespmem:s22+$0xC0]  }
0x139: {  	[tilespmem:s18+$0xFFFFFFB0] =	vst v2;
	v2 =	vld [tilespmem:s14+$0x30]  }
0x13a: {  	v4 =	vadd.f32 v7, v4;
	v6 =	vld [tilespmem:s22+$0x30]  }
0x13b: {  	v7 =	vld [tilespmem:s14+$0xFFFFFFC0];
	v1 =	vadd.f32 v5, v1  }
0x13c: {  	[tilespmem:s18+$0xFFFFFF30] =	vst v4;
	v4 =	vld [tilespmem:s22+$0xFFFFFFC0]  }
0x13d: {  	v5 =	vld [tilespmem:s14+$0xFFFFFF40];
	v0 =	vadd.f32 v3, v0;
	[tilespmem:s8+$0xFFFFFFF0] =	vst v1  }
0x13e: {  	v1 =	vld [tilespmem:s22+$0xFFFFFF40]  }
0x13f: {  	v2 =	vadd.f32 v6, v2;
	[tilespmem:s18+$0xC0] =	vst v0;
	v3 =	vld [tilespmem:s20+$0x70];
	s20 =	smov.u32 s14  }
0x140: {  	v0 =	vld [tilespmem:s14+$0xD0]  }
0x141: {  	v4 =	vadd.f32 v4, v7;
	[tilespmem:s18+$0x30] =	vst v2;
	v2 =	vld [tilespmem:s22+$0xD0]  }
0x142: {  	v6 =	vld [tilespmem:s14+$0x40]  }
0x143: {  	v1 =	vadd.f32 v1, v5;
	[tilespmem:s18+$0xFFFFFFC0] =	vst v4;
	v4 =	vld [tilespmem:s22+$0x40]  }
0x144: {  	v5 =	vld [tilespmem:s14+$0xFFFFFFD0]  }
0x145: {  	[tilespmem:s18+$0xFFFFFF40] =	vst v1;
	v1 =	vld [tilespmem:s22+$0xFFFFFFD0]  }
0x146: {  	v7 =	vld [tilespmem:s14+$0xFFFFFF50];
	v0 =	vadd.f32 v2, v0  }
0x147: {  	v2 =	vld [tilespmem:s22+$0xFFFFFF50]  }
0x148: {  	v4 =	vadd.f32 v4, v6;
	[tilespmem:s18+$0xD0] =	vst v0;
	v6 =	vld [tilespmem:s10+$0x70];
	s10 =	smov.u32 s22  }
0x149: {  	v8 =	vld [tilespmem:s14+$0xE0]  }
0x14a: {  	v0 =	vadd.f32 v1, v5;
	[tilespmem:s18+$0x40] =	vst v4;
	v5 =	vld [tilespmem:s22+$0xE0]  }
0x14b: {  	v1 =	vld [tilespmem:s14+$0x50]  }
.Ltmp1:
0x14c: {  	v2 =	vadd.f32 v2, v7;
	[tilespmem:s18+$0xFFFFFFD0] =	vst v0;
	v4 =	vld [tilespmem:s22+$0x50];
	(pc) =	sbr.rel @p1 .LBB2_5-.Ltmp1, $4  }
0x14d: {  	v0 =	vld [tilespmem:s14+$0xFFFFFFE0];
	v7 =	vadd.f32 v6, v3  }
0x14e: {  	[tilespmem:s18+$0xFFFFFF50] =	vst v2;
	v3 =	vld [tilespmem:s22+$0xFFFFFFE0]  }
0x14f: {  	v2 =	vld [tilespmem:s14+$0xFFFFFF60];
	v6 =	vadd.f32 v5, v8;
	[tilespmem:s8+$0x70] =	vst v7;
	s8 =	smov.u32 s18  }
0x150: {  	s14 =	sadd.s32 $0x200, s14;
	v5 =	vld [tilespmem:s22+$0xFFFFFF60]  }
0x151: {  	v1 =	vadd.f32 v4, v1;
	_ =	sdelay $0x1  }
0x152: {  	[tilespmem:s18+$0x50] =	vst v1  }
0x153: {  	v1 =	vld [tilespmem:s20+$0x60]  }
0x154: {  	v4 =	vld [tilespmem:s10+$0x60]  }
0x155: {  	[tilespmem:s18+$0xE0] =	vst v6;
	v2 =	vadd.f32 v5, v2  }
0x156: {  	v0 =	vadd.f32 v3, v0;
	v3 =	vld [tilespmem:s10+$0xF0]  }
0x157: {  	v5 =	vld [tilespmem:s20+$0xF0];
	[tilespmem:s18+$0xFFFFFF60] =	vst v2  }
0x158: {  	v2 =	vld [tilespmem:s20+$0xFFFFFF70]  }
0x159: {  	[tilespmem:s18+$0xFFFFFFE0] =	vst v0;
	v0 =	vadd.f32 v4, v1;
	v1 =	vld [tilespmem:s10+$0xFFFFFF70]  }
0x15a: {  	v4 =	vld [tilespmem:s20+$0xFFFFFFF0]  }
0x15b: {  	[tilespmem:s8+$0x60] =	vst v0;
	v0 =	vld [tilespmem:s10+$0xFFFFFFF0]  }
0x15c: {  	v6 =	vld [tilespmem:s20+$0x70]  }
0x15d: {  	v7 =	vld [tilespmem:s10+$0x70];
	_ =	sdelay $0x1  }
0x15e: {  	v3 =	vadd.f32 v3, v5  }
0x15f: {  	v1 =	vadd.f32 v1, v2  }
0x160: {  	[tilespmem:s8+$0xF0] =	vst v3;
	v0 =	vadd.f32 v0, v4  }
0x161: {  	s9 =	sadd.s32 s16, s12;
	[tilespmem:s8+$0xFFFFFF70] =	vst v1;
	v1 =	vadd.f32 v7, v6  }
0x162: {  	s9 =	sshll.u32 s9, $0x4;
	[tilespmem:s8+$0xFFFFFFF0] =	vst v0  }
0x163: {  	s18 =	sadd.s32 s2, s9;
	[tilespmem:s8+$0x70] =	vst v1  }
0x164: {  	[hbm4b:s18+s4] =	stream.linear.scatter [tilespmem:s28], [sflag:$0x8], $0x2800, $0x38;
	[tilespmem:$0x1B800] =	vst v63  }
0x165: {  	s20 =	sadd.s32 s9, s11  }
0x166: {  	[tilespmem:s21], [sflag:$0x2] =	stream.linear.gather [hbm4b:s20+s4], $0x2800, $0x38;
	[tilespmem:$0x1B800] =	vst v63  }
0x167: {  	s22 =	sadd.s32 $0x16A00, s19  }
0x168: {  	[tilespmem:s26], [sflag:$0x5] =	stream.indirect.gather [spmem:s3], $0x80, s22, s23, $0xb8;
	[tilespmem:$0x1B800] =	vst v63  }
0x169: {  	_ =	swait.ge [sflag:s17], $0x2800  }
0x16a: {  	[sflag:s17] =	ssyncset.done $0x0  }
0x16b: {  	[sflag:s17] =	ssyncadd.s32 $0xFFFFD800  }
0x16c: {  	_ =	swait.ge [sflag:s5], $0x2800  }
0x16d: {  	[sflag:s5] =	ssyncset.done $0x0  }
0x16e: {  	s8 =	simm.s32 @!p0 $0x9;
	[sflag:s5] =	ssyncadd.s32 $0xFFFFD800  }
0x16f: {  	_ =	swait.ge @!p0 [sflag:s8], $0x2800  }
0x170: {  	[sflag:s8] =	ssyncset.done @!p0 $0x0  }
0x171: {  	s10 =	simm.s32 $0x5100;
	[sflag:s8] =	ssyncadd.s32 @!p0 $0xFFFFD800  }
0x172: {  	s20 =	simm.s32 $0xC900;
	v0 =	vld [tilespmem:s10+$0x80]  }
0x173: {  	v1 =	vld [tilespmem:s20+$0x80];
	_ =	sdelay $0x2  }
0x174: {  	v2 =	vld [tilespmem:s10+$0xFFFFFF80]  }
0x175: {  	v3 =	vld [tilespmem:s20+$0xFFFFFF80]  }
0x176: {  	v4 =	vld [tilespmem:s20+$0xFFFFFF00];
	v0 =	vadd.f32 v1, v0  }
0x177: {  	s18 =	simm.s32 $0x14100;
	v1 =	vld [tilespmem:s10+$0xFFFFFF00]  }
0x178: {  	[tilespmem:s18+$0x80] =	vst v0  }
0x179: {  	v0 =	vld [tilespmem:s10+$0x90]  }
0x17a: {  	v2 =	vadd.f32 v3, v2;
	v3 =	vld [tilespmem:s20+$0x90]  }
0x17b: {  	v5 =	vld [tilespmem:s10+$0x0]  }
0x17c: {  	v6 =	vld [tilespmem:s20+$0x0];
	[tilespmem:s18+$0xFFFFFF80] =	vst v2;
	v1 =	vadd.f32 v4, v1  }
0x17d: {  	v2 =	vld [tilespmem:s10+$0xFFFFFF90]  }
0x17e: {  	v4 =	vld [tilespmem:s20+$0xFFFFFF90];
	[tilespmem:s18+$0xFFFFFF00] =	vst v1  }
0x17f: {  	v1 =	vld [tilespmem:s10+$0xFFFFFF10];
	v0 =	vadd.f32 v3, v0  }
0x180: {  	v3 =	vld [tilespmem:s20+$0xFFFFFF10]  }
0x181: {  	v5 =	vadd.f32 v6, v5;
	[tilespmem:s18+$0x90] =	vst v0  }
0x182: {  	v0 =	vld [tilespmem:s10+$0xA0]  }
0x183: {  	[tilespmem:s18+$0x0] =	vst v5;
	v2 =	vadd.f32 v4, v2;
	v4 =	vld [tilespmem:s20+$0xA0]  }
0x184: {  	v5 =	vld [tilespmem:s10+$0x10]  }
0x185: {  	v6 =	vld [tilespmem:s20+$0x10];
	[tilespmem:s18+$0xFFFFFF90] =	vst v2;
	v1 =	vadd.f32 v3, v1  }
0x186: {  	v2 =	vld [tilespmem:s10+$0xFFFFFFA0]  }
0x187: {  	v3 =	vld [tilespmem:s20+$0xFFFFFFA0];
	[tilespmem:s18+$0xFFFFFF10] =	vst v1  }
0x188: {  	v1 =	vld [tilespmem:s10+$0xFFFFFF20];
	v0 =	vadd.f32 v4, v0  }
0x189: {  	v4 =	vld [tilespmem:s20+$0xFFFFFF20]  }
0x18a: {  	v5 =	vadd.f32 v6, v5;
	[tilespmem:s18+$0xA0] =	vst v0  }
0x18b: {  	v0 =	vld [tilespmem:s10+$0xB0]  }
0x18c: {  	[tilespmem:s18+$0x10] =	vst v5;
	v2 =	vadd.f32 v3, v2;
	v3 =	vld [tilespmem:s20+$0xB0]  }
0x18d: {  	v5 =	vld [tilespmem:s10+$0x20]  }
0x18e: {  	[tilespmem:s18+$0xFFFFFFA0] =	vst v2;
	v2 =	vld [tilespmem:s20+$0x20];
	v1 =	vadd.f32 v4, v1  }
0x18f: {  	v4 =	vld [tilespmem:s10+$0xFFFFFFB0]  }
0x190: {  	v6 =	vld [tilespmem:s20+$0xFFFFFFB0];
	[tilespmem:s18+$0xFFFFFF20] =	vst v1  }
0x191: {  	v1 =	vld [tilespmem:s10+$0xFFFFFF30];
	v0 =	vadd.f32 v3, v0  }
0x192: {  	v3 =	vld [tilespmem:s20+$0xFFFFFF30]  }
0x193: {  	v2 =	vadd.f32 v2, v5;
	[tilespmem:s18+$0xB0] =	vst v0  }
0x194: {  	v0 =	vld [tilespmem:s10+$0xC0]  }
0x195: {  	v4 =	vadd.f32 v6, v4;
	[tilespmem:s18+$0x20] =	vst v2;
	v2 =	vld [tilespmem:s20+$0xC0]  }
0x196: {  	v5 =	vld [tilespmem:s10+$0x30]  }
0x197: {  	[tilespmem:s18+$0xFFFFFFB0] =	vst v4;
	v1 =	vadd.f32 v3, v1;
	v3 =	vld [tilespmem:s20+$0x30]  }
0x198: {  	v4 =	vld [tilespmem:s10+$0xFFFFFFC0]  }
0x199: {  	[tilespmem:s18+$0xFFFFFF30] =	vst v1;
	v1 =	vld [tilespmem:s20+$0xFFFFFFC0]  }
0x19a: {  	v6 =	vld [tilespmem:s10+$0xFFFFFF40];
	v0 =	vadd.f32 v2, v0  }
0x19b: {  	v2 =	vld [tilespmem:s20+$0xFFFFFF40]  }
0x19c: {  	v3 =	vadd.f32 v3, v5;
	[tilespmem:s18+$0xC0] =	vst v0  }
0x19d: {  	v0 =	vld [tilespmem:s10+$0xD0]  }
0x19e: {  	v1 =	vadd.f32 v1, v4;
	[tilespmem:s18+$0x30] =	vst v3;
	v3 =	vld [tilespmem:s20+$0xD0]  }
0x19f: {  	v4 =	vld [tilespmem:s10+$0x40]  }
0x1a0: {  	v2 =	vadd.f32 v2, v6;
	[tilespmem:s18+$0xFFFFFFC0] =	vst v1;
	v1 =	vld [tilespmem:s20+$0x40]  }
0x1a1: {  	v5 =	vld [tilespmem:s10+$0xFFFFFFD0]  }
0x1a2: {  	[tilespmem:s18+$0xFFFFFF40] =	vst v2;
	v2 =	vld [tilespmem:s20+$0xFFFFFFD0]  }
0x1a3: {  	v6 =	vld [tilespmem:s10+$0xFFFFFF50];
	v0 =	vadd.f32 v3, v0  }
0x1a4: {  	v3 =	vld [tilespmem:s20+$0xFFFFFF50]  }
0x1a5: {  	v1 =	vadd.f32 v1, v4;
	[tilespmem:s18+$0xD0] =	vst v0  }
0x1a6: {  	v7 =	vld [tilespmem:s10+$0xE0]  }
0x1a7: {  	v0 =	vadd.f32 v2, v5;
	v5 =	vld [tilespmem:s20+$0xE0];
	[tilespmem:s18+$0x40] =	vst v1  }
0x1a8: {  	v1 =	vld [tilespmem:s10+$0x50]  }
0x1a9: {  	v2 =	vadd.f32 v3, v6;
	[tilespmem:s18+$0xFFFFFFD0] =	vst v0;
	v4 =	vld [tilespmem:s20+$0x50]  }
0x1aa: {  	v0 =	vld [tilespmem:s10+$0xFFFFFFE0]  }
0x1ab: {  	v3 =	vld [tilespmem:s20+$0xFFFFFFE0];
	[tilespmem:s18+$0xFFFFFF50] =	vst v2  }
0x1ac: {  	s14 =	simm.s32 $0x5300;
	v2 =	vld [tilespmem:s10+$0xFFFFFF60];
	v6 =	vadd.f32 v5, v7  }
0x1ad: {  	s9 =	simm.s32 $0x0;
	s22 =	simm.s32 $0xC900;
	s8 =	simm.s32 $0x14100;
	v5 =	vld [tilespmem:s20+$0xFFFFFF60]  }
.LBB2_7:
0x1ae: {  	v7 =	vld [tilespmem:s14+$0x80];
	v1 =	vadd.f32 v4, v1;
	[tilespmem:s18+$0xE0] =	vst v6  }
0x1af: {  	v4 =	vld [tilespmem:s10+$0xF0]  }
0x1b0: {  	s22 =	sadd.s32 $0x200, s22;
	v0 =	vadd.f32 v3, v0;
	[tilespmem:s18+$0x50] =	vst v1;
	v1 =	vld [tilespmem:s20+$0xF0]  }
0x1b1: {  	v3 =	vld [tilespmem:s22+$0x80]  }
0x1b2: {  	v6 =	vld [tilespmem:s22+$0xFFFFFF00];
	v2 =	vadd.f32 v5, v2;
	[tilespmem:s18+$0xFFFFFFE0] =	vst v0  }
0x1b3: {  	v0 =	vld [tilespmem:s14+$0xFFFFFF80]  }
0x1b4: {  	v5 =	vld [tilespmem:s22+$0xFFFFFF80];
	[tilespmem:s18+$0xFFFFFF60] =	vst v2  }
0x1b5: {  	v2 =	vld [tilespmem:s14+$0x0];
	v1 =	vadd.f32 v1, v4  }
0x1b6: {  	v4 =	vld [tilespmem:s22+$0x0];
	v3 =	vadd.f32 v3, v7  }
0x1b7: {  	s18 =	sadd.s32 $0x200, s18;
	v7 =	vld [tilespmem:s14+$0xFFFFFF00];
	[tilespmem:s8+$0xF0] =	vst v1  }
0x1b8: {  	s9 =	sadd.s32 $0x4, s9;
	[tilespmem:s18+$0x80] =	vst v3;
	v1 =	vld [tilespmem:s10+$0x60]  }
0x1b9: {  	p0 =	slt.u32 s9, $0x4C;
	v0 =	vadd.f32 v5, v0;
	v3 =	vld [tilespmem:s14+$0x90]  }
0x1ba: {  	v5 =	vld [tilespmem:s22+$0x90]  }
0x1bb: {  	[tilespmem:s18+$0xFFFFFF80] =	vst v0;
	v0 =	vadd.f32 v4, v2;
	v2 =	vld [tilespmem:s20+$0x60]  }
0x1bc: {  	v4 =	vadd.f32 v6, v7;
	v6 =	vld [tilespmem:s14+$0xFFFFFF90]  }
0x1bd: {  	v7 =	vld [tilespmem:s22+$0xFFFFFF90];
	[tilespmem:s18+$0x0] =	vst v0  }
0x1be: {  	[tilespmem:s18+$0xFFFFFF00] =	vst v4;
	v0 =	vld [tilespmem:s14+$0x10]  }
0x1bf: {  	v4 =	vld [tilespmem:s14+$0xFFFFFF10];
	v3 =	vadd.f32 v5, v3  }
0x1c0: {  	v5 =	vld [tilespmem:s22+$0xFFFFFF10];
	v1 =	vadd.f32 v2, v1  }
0x1c1: {  	v2 =	vld [tilespmem:s22+$0x10];
	[tilespmem:s18+$0x90] =	vst v3  }
0x1c2: {  	v3 =	vadd.f32 v7, v6;
	v6 =	vld [tilespmem:s14+$0xA0];
	[tilespmem:s8+$0x60] =	vst v1  }
0x1c3: {  	v1 =	vld [tilespmem:s22+$0xA0]  }
0x1c4: {  	[tilespmem:s18+$0xFFFFFF90] =	vst v3;
	v3 =	vld [tilespmem:s10+$0xFFFFFF70]  }
0x1c5: {  	v4 =	vadd.f32 v5, v4;
	v5 =	vld [tilespmem:s14+$0xFFFFFFA0]  }
0x1c6: {  	v7 =	vld [tilespmem:s22+$0xFFFFFFA0];
	v0 =	vadd.f32 v2, v0  }
0x1c7: {  	[tilespmem:s18+$0xFFFFFF10] =	vst v4;
	v2 =	vld [tilespmem:s20+$0xFFFFFF70]  }
0x1c8: {  	v4 =	vld [tilespmem:s14+$0xFFFFFF20];
	[tilespmem:s18+$0x10] =	vst v0;
	v0 =	vadd.f32 v1, v6  }
0x1c9: {  	v1 =	vld [tilespmem:s22+$0xFFFFFF20]  }
0x1ca: {  	v6 =	vld [tilespmem:s14+$0x20];
	[tilespmem:s18+$0xA0] =	vst v0  }
0x1cb: {  	v0 =	vadd.f32 v7, v5;
	v5 =	vld [tilespmem:s14+$0xB0]  }
0x1cc: {  	v7 =	vld [tilespmem:s22+$0xB0];
	v2 =	vadd.f32 v2, v3  }
0x1cd: {  	[tilespmem:s18+$0xFFFFFFA0] =	vst v0;
	v0 =	vld [tilespmem:s22+$0x20]  }
0x1ce: {  	v1 =	vadd.f32 v1, v4;
	v3 =	vld [tilespmem:s14+$0xFFFFFFB0];
	[tilespmem:s8+$0xFFFFFF70] =	vst v2  }
0x1cf: {  	v2 =	vld [tilespmem:s22+$0xFFFFFFB0]  }
0x1d0: {  	[tilespmem:s18+$0xFFFFFF20] =	vst v1;
	v1 =	vld [tilespmem:s10+$0xFFFFFFF0]  }
0x1d1: {  	v4 =	vld [tilespmem:s14+$0xFFFFFF30];
	v5 =	vadd.f32 v7, v5  }
0x1d2: {  	v7 =	vld [tilespmem:s22+$0xFFFFFF30];
	v0 =	vadd.f32 v0, v6  }
0x1d3: {  	[tilespmem:s18+$0xB0] =	vst v5;
	v5 =	vld [tilespmem:s20+$0xFFFFFFF0]  }
0x1d4: {  	v2 =	vadd.f32 v2, v3;
	[tilespmem:s18+$0x20] =	vst v0;
	v0 =	vld [tilespmem:s14+$0xC0]  }
0x1d5: {  	v3 =	vld [tilespmem:s22+$0xC0]  }
0x1d6: {  	[tilespmem:s18+$0xFFFFFFB0] =	vst v2;
	v2 =	vld [tilespmem:s14+$0x30]  }
0x1d7: {  	v4 =	vadd.f32 v7, v4;
	v6 =	vld [tilespmem:s22+$0x30]  }
0x1d8: {  	v7 =	vld [tilespmem:s14+$0xFFFFFFC0];
	v1 =	vadd.f32 v5, v1  }
0x1d9: {  	[tilespmem:s18+$0xFFFFFF30] =	vst v4;
	v4 =	vld [tilespmem:s22+$0xFFFFFFC0]  }
0x1da: {  	v5 =	vld [tilespmem:s14+$0xFFFFFF40];
	v0 =	vadd.f32 v3, v0;
	[tilespmem:s8+$0xFFFFFFF0] =	vst v1  }
0x1db: {  	v1 =	vld [tilespmem:s22+$0xFFFFFF40]  }
0x1dc: {  	v2 =	vadd.f32 v6, v2;
	[tilespmem:s18+$0xC0] =	vst v0;
	v3 =	vld [tilespmem:s10+$0x70];
	s10 =	smov.u32 s14  }
0x1dd: {  	v0 =	vld [tilespmem:s14+$0xD0]  }
0x1de: {  	v4 =	vadd.f32 v4, v7;
	[tilespmem:s18+$0x30] =	vst v2;
	v2 =	vld [tilespmem:s22+$0xD0]  }
0x1df: {  	v6 =	vld [tilespmem:s14+$0x40]  }
0x1e0: {  	v1 =	vadd.f32 v1, v5;
	[tilespmem:s18+$0xFFFFFFC0] =	vst v4;
	v4 =	vld [tilespmem:s22+$0x40]  }
0x1e1: {  	v5 =	vld [tilespmem:s14+$0xFFFFFFD0]  }
0x1e2: {  	[tilespmem:s18+$0xFFFFFF40] =	vst v1;
	v1 =	vld [tilespmem:s22+$0xFFFFFFD0]  }
0x1e3: {  	v7 =	vld [tilespmem:s14+$0xFFFFFF50];
	v0 =	vadd.f32 v2, v0  }
0x1e4: {  	v2 =	vld [tilespmem:s22+$0xFFFFFF50]  }
0x1e5: {  	v4 =	vadd.f32 v4, v6;
	[tilespmem:s18+$0xD0] =	vst v0;
	v6 =	vld [tilespmem:s20+$0x70];
	s20 =	smov.u32 s22  }
0x1e6: {  	v8 =	vld [tilespmem:s14+$0xE0]  }
0x1e7: {  	v0 =	vadd.f32 v1, v5;
	[tilespmem:s18+$0x40] =	vst v4;
	v5 =	vld [tilespmem:s22+$0xE0]  }
0x1e8: {  	v1 =	vld [tilespmem:s14+$0x50]  }
.Ltmp2:
0x1e9: {  	v2 =	vadd.f32 v2, v7;
	[tilespmem:s18+$0xFFFFFFD0] =	vst v0;
	v4 =	vld [tilespmem:s22+$0x50];
	(pc) =	sbr.rel @p0 .LBB2_7-.Ltmp2, $4  }
0x1ea: {  	v0 =	vld [tilespmem:s14+$0xFFFFFFE0];
	v7 =	vadd.f32 v6, v3  }
0x1eb: {  	[tilespmem:s18+$0xFFFFFF50] =	vst v2;
	v3 =	vld [tilespmem:s22+$0xFFFFFFE0]  }
0x1ec: {  	v2 =	vld [tilespmem:s14+$0xFFFFFF60];
	v6 =	vadd.f32 v5, v8;
	[tilespmem:s8+$0x70] =	vst v7;
	s8 =	smov.u32 s18  }
0x1ed: {  	s14 =	sadd.s32 $0x200, s14;
	v5 =	vld [tilespmem:s22+$0xFFFFFF60]  }
0x1ee: {  	v1 =	vadd.f32 v4, v1;
	_ =	sdelay $0x1  }
0x1ef: {  	[tilespmem:s18+$0x50] =	vst v1  }
0x1f0: {  	v1 =	vld [tilespmem:s10+$0x60]  }
0x1f1: {  	v55 =	vld [tilespmem:s20+$0x60]  }
0x1f2: {  	[tilespmem:s18+$0xE0] =	vst v6;
	v0 =	vadd.f32 v3, v0  }
0x1f3: {  	v56 =	vld [tilespmem:s10+$0xF0]  }
0x1f4: {  	v57 =	vld [tilespmem:s20+$0xF0];
	v2 =	vadd.f32 v5, v2;
	[tilespmem:s18+$0xFFFFFFE0] =	vst v0  }
0x1f5: {  	v60 =	vld [tilespmem:s10+$0xFFFFFFF0]  }
0x1f6: {  	v61 =	vld [tilespmem:s20+$0xFFFFFFF0];
	[tilespmem:s18+$0xFFFFFF60] =	vst v2;
	v58 =	vadd.f32 v55, v1  }
0x1f7: {  	v2 =	vld [tilespmem:s10+$0xFFFFFF70]  }
0x1f8: {  	v59 =	vld [tilespmem:s20+$0xFFFFFF70];
	[tilespmem:s8+$0x60] =	vst v58  }
0x1f9: {  	v62 =	vld [tilespmem:s10+$0x70]  }
0x1fa: {  	v7 =	vld [tilespmem:s20+$0x70];
	_ =	sdelay $0x1  }
0x1fb: {  	v3 =	vadd.f32 v57, v56  }
0x1fc: {  	p0 =	seq.s32 s15, $0x28;
	v0 =	vadd.f32 v61, v60  }
.Ltmp3:
0x1fd: {  	[tilespmem:s8+$0xF0] =	vst v3;
	v1 =	vadd.f32 v59, v2;
	(pc) =	sbr.rel @p0 .LBB2_10-.Ltmp3, $4  }
0x1fe: {  	s9 =	sadd.s32 s16, s13;
	[tilespmem:s8+$0xFFFFFFF0] =	vst v0;
	v63 =	vadd.f32 v7, v62  }
0x1ff: {  	s9 =	sshll.u32 s9, $0x4;
	[tilespmem:s8+$0xFFFFFF70] =	vst v1  }
0x200: {  	s22 =	sadd.s32 s2, s9;
	[tilespmem:s8+$0x70] =	vst v63  }
0x201: {  	[hbm4b:s22+s4] =	stream.linear.scatter [tilespmem:s6], [sflag:$0x9], $0x2800, $0x38;
	[tilespmem:$0x1B800] =	vst v63  }
.Ltmp4:
0x202: {  	(pc) =	sbr.rel .LBB2_2-.Ltmp4, $4  }
0x203: {  	s8 =	sadd.s32 s9, s11;
	s20 =	simm.s32 $0x5000  }
0x204: {  	[tilespmem:s20], [sflag:$0x3] =	stream.linear.gather [hbm4b:s8+s4], $0x2800, $0x38;
	[tilespmem:$0x1B800] =	vst v63  }
0x205: {  	s22 =	sadd.s32 $0x16A80, s19;
	s15 =	sadd.s32 $0x1, s15  }
0x206: {  	[tilespmem:s29], [sflag:$0x6] =	stream.indirect.gather [spmem:s3], $0x80, s22, s23, $0xb8;
	[tilespmem:$0x1B800] =	vst v63  }
.LBB2_10:
0x207: {  	_ =	swait.ge [sflag:s30], $0x2800  }
0x208: {  	[sflag:s30] =	ssyncset.done $0x0  }
0x209: {  	[sflag:s30] =	ssyncadd.s32 $0xFFFFD800  }
0x20a: {  	_ =	swait.ge [sflag:s31], $0x2800  }
0x20b: {  	[sflag:s31] =	ssyncset.done $0x0  }
0x20c: {  	s19 =	simm.s32 $0x7;
	[sflag:s31] =	ssyncadd.s32 $0xFFFFD800  }
0x20d: {  	_ =	swait.ge [sflag:s19], $0x2800  }
0x20e: {  	[sflag:s19] =	ssyncset.done $0x0  }
0x20f: {  	s10 =	simm.s32 $0x100;
	[sflag:s19] =	ssyncadd.s32 $0xFFFFD800  }
0x210: {  	s15 =	simm.s32 $0x7900;
	v0 =	vld [tilespmem:s10+$0x80]  }
0x211: {  	v1 =	vld [tilespmem:s15+$0x80];
	_ =	sdelay $0x2  }
0x212: {  	v2 =	vld [tilespmem:s10+$0xFFFFFF80]  }
0x213: {  	v3 =	vld [tilespmem:s15+$0xFFFFFF80]  }
0x214: {  	v4 =	vld [tilespmem:s15+$0xFFFFFF00];
	v0 =	vadd.f32 v1, v0  }
0x215: {  	s16 =	simm.s32 $0xF100;
	v1 =	vld [tilespmem:s10+$0xFFFFFF00]  }
0x216: {  	[tilespmem:s16+$0x80] =	vst v0  }
0x217: {  	v0 =	vld [tilespmem:s10+$0x90]  }
0x218: {  	v2 =	vadd.f32 v3, v2;
	v3 =	vld [tilespmem:s15+$0x90]  }
0x219: {  	v5 =	vld [tilespmem:s10+$0x0]  }
0x21a: {  	v6 =	vld [tilespmem:s15+$0x0];
	[tilespmem:s16+$0xFFFFFF80] =	vst v2;
	v1 =	vadd.f32 v4, v1  }
0x21b: {  	v2 =	vld [tilespmem:s10+$0xFFFFFF90]  }
0x21c: {  	v4 =	vld [tilespmem:s15+$0xFFFFFF90];
	[tilespmem:s16+$0xFFFFFF00] =	vst v1  }
0x21d: {  	v1 =	vld [tilespmem:s10+$0xFFFFFF10];
	v0 =	vadd.f32 v3, v0  }
0x21e: {  	v3 =	vld [tilespmem:s15+$0xFFFFFF10]  }
0x21f: {  	v5 =	vadd.f32 v6, v5;
	[tilespmem:s16+$0x90] =	vst v0  }
0x220: {  	v0 =	vld [tilespmem:s10+$0xA0]  }
0x221: {  	[tilespmem:s16+$0x0] =	vst v5;
	v2 =	vadd.f32 v4, v2;
	v4 =	vld [tilespmem:s15+$0xA0]  }
0x222: {  	v5 =	vld [tilespmem:s10+$0x10]  }
0x223: {  	v6 =	vld [tilespmem:s15+$0x10];
	[tilespmem:s16+$0xFFFFFF90] =	vst v2;
	v1 =	vadd.f32 v3, v1  }
0x224: {  	v2 =	vld [tilespmem:s10+$0xFFFFFFA0]  }
0x225: {  	v3 =	vld [tilespmem:s15+$0xFFFFFFA0];
	[tilespmem:s16+$0xFFFFFF10] =	vst v1  }
0x226: {  	v1 =	vld [tilespmem:s10+$0xFFFFFF20];
	v0 =	vadd.f32 v4, v0  }
0x227: {  	v4 =	vld [tilespmem:s15+$0xFFFFFF20]  }
0x228: {  	v5 =	vadd.f32 v6, v5;
	[tilespmem:s16+$0xA0] =	vst v0  }
0x229: {  	v0 =	vld [tilespmem:s10+$0xB0]  }
0x22a: {  	[tilespmem:s16+$0x10] =	vst v5;
	v2 =	vadd.f32 v3, v2;
	v3 =	vld [tilespmem:s15+$0xB0]  }
0x22b: {  	v5 =	vld [tilespmem:s10+$0x20]  }
0x22c: {  	[tilespmem:s16+$0xFFFFFFA0] =	vst v2;
	v2 =	vld [tilespmem:s15+$0x20];
	v1 =	vadd.f32 v4, v1  }
0x22d: {  	v4 =	vld [tilespmem:s10+$0xFFFFFFB0]  }
0x22e: {  	v6 =	vld [tilespmem:s15+$0xFFFFFFB0];
	[tilespmem:s16+$0xFFFFFF20] =	vst v1  }
0x22f: {  	v1 =	vld [tilespmem:s10+$0xFFFFFF30];
	v0 =	vadd.f32 v3, v0  }
0x230: {  	v3 =	vld [tilespmem:s15+$0xFFFFFF30]  }
0x231: {  	v2 =	vadd.f32 v2, v5;
	[tilespmem:s16+$0xB0] =	vst v0  }
0x232: {  	v0 =	vld [tilespmem:s10+$0xC0]  }
0x233: {  	v4 =	vadd.f32 v6, v4;
	[tilespmem:s16+$0x20] =	vst v2;
	v2 =	vld [tilespmem:s15+$0xC0]  }
0x234: {  	v5 =	vld [tilespmem:s10+$0x30]  }
0x235: {  	[tilespmem:s16+$0xFFFFFFB0] =	vst v4;
	v1 =	vadd.f32 v3, v1;
	v3 =	vld [tilespmem:s15+$0x30]  }
0x236: {  	v4 =	vld [tilespmem:s10+$0xFFFFFFC0]  }
0x237: {  	[tilespmem:s16+$0xFFFFFF30] =	vst v1;
	v1 =	vld [tilespmem:s15+$0xFFFFFFC0]  }
0x238: {  	v6 =	vld [tilespmem:s10+$0xFFFFFF40];
	v0 =	vadd.f32 v2, v0  }
0x239: {  	v2 =	vld [tilespmem:s15+$0xFFFFFF40]  }
0x23a: {  	v3 =	vadd.f32 v3, v5;
	[tilespmem:s16+$0xC0] =	vst v0  }
0x23b: {  	v0 =	vld [tilespmem:s10+$0xD0]  }
0x23c: {  	v1 =	vadd.f32 v1, v4;
	[tilespmem:s16+$0x30] =	vst v3;
	v3 =	vld [tilespmem:s15+$0xD0]  }
0x23d: {  	v4 =	vld [tilespmem:s10+$0x40]  }
0x23e: {  	v2 =	vadd.f32 v2, v6;
	[tilespmem:s16+$0xFFFFFFC0] =	vst v1;
	v1 =	vld [tilespmem:s15+$0x40]  }
0x23f: {  	v5 =	vld [tilespmem:s10+$0xFFFFFFD0]  }
0x240: {  	[tilespmem:s16+$0xFFFFFF40] =	vst v2;
	v2 =	vld [tilespmem:s15+$0xFFFFFFD0]  }
0x241: {  	v6 =	vld [tilespmem:s10+$0xFFFFFF50];
	v0 =	vadd.f32 v3, v0  }
0x242: {  	v3 =	vld [tilespmem:s15+$0xFFFFFF50]  }
0x243: {  	v1 =	vadd.f32 v1, v4;
	[tilespmem:s16+$0xD0] =	vst v0  }
0x244: {  	v7 =	vld [tilespmem:s10+$0xE0]  }
0x245: {  	v0 =	vadd.f32 v2, v5;
	v5 =	vld [tilespmem:s15+$0xE0];
	[tilespmem:s16+$0x40] =	vst v1  }
0x246: {  	v1 =	vld [tilespmem:s10+$0x50]  }
0x247: {  	v2 =	vadd.f32 v3, v6;
	[tilespmem:s16+$0xFFFFFFD0] =	vst v0;
	v4 =	vld [tilespmem:s15+$0x50]  }
0x248: {  	v0 =	vld [tilespmem:s10+$0xFFFFFFE0]  }
0x249: {  	v3 =	vld [tilespmem:s15+$0xFFFFFFE0];
	[tilespmem:s16+$0xFFFFFF50] =	vst v2  }
0x24a: {  	s9 =	simm.s32 $0x0;
	v2 =	vld [tilespmem:s10+$0xFFFFFF60];
	v6 =	vadd.f32 v5, v7  }
0x24b: {  	s14 =	simm.s32 $0x300;
	s18 =	simm.s32 $0x7900;
	s8 =	simm.s32 $0xF100;
	v5 =	vld [tilespmem:s15+$0xFFFFFF60]  }
.LBB2_11:
0x24c: {  	v7 =	vld [tilespmem:s14+$0x80];
	v1 =	vadd.f32 v4, v1;
	[tilespmem:s16+$0xE0] =	vst v6  }
0x24d: {  	v4 =	vld [tilespmem:s10+$0xF0]  }
0x24e: {  	s18 =	sadd.s32 $0x200, s18;
	v0 =	vadd.f32 v3, v0;
	[tilespmem:s16+$0x50] =	vst v1;
	v1 =	vld [tilespmem:s15+$0xF0]  }
0x24f: {  	v3 =	vld [tilespmem:s18+$0x80]  }
0x250: {  	v6 =	vld [tilespmem:s18+$0xFFFFFF00];
	v2 =	vadd.f32 v5, v2;
	[tilespmem:s16+$0xFFFFFFE0] =	vst v0  }
0x251: {  	v0 =	vld [tilespmem:s14+$0xFFFFFF80]  }
0x252: {  	v5 =	vld [tilespmem:s18+$0xFFFFFF80];
	[tilespmem:s16+$0xFFFFFF60] =	vst v2  }
0x253: {  	v2 =	vld [tilespmem:s14+$0x0];
	v1 =	vadd.f32 v1, v4  }
0x254: {  	v4 =	vld [tilespmem:s18+$0x0];
	v3 =	vadd.f32 v3, v7  }
0x255: {  	s16 =	sadd.s32 $0x200, s16;
	v7 =	vld [tilespmem:s14+$0xFFFFFF00];
	[tilespmem:s8+$0xF0] =	vst v1  }
0x256: {  	s9 =	sadd.s32 $0x4, s9;
	[tilespmem:s16+$0x80] =	vst v3;
	v1 =	vld [tilespmem:s10+$0x60]  }
0x257: {  	p0 =	slt.u32 s9, $0x4C;
	v0 =	vadd.f32 v5, v0;
	v3 =	vld [tilespmem:s14+$0x90]  }
0x258: {  	v5 =	vld [tilespmem:s18+$0x90]  }
0x259: {  	[tilespmem:s16+$0xFFFFFF80] =	vst v0;
	v0 =	vadd.f32 v4, v2;
	v2 =	vld [tilespmem:s15+$0x60]  }
0x25a: {  	v4 =	vadd.f32 v6, v7;
	v6 =	vld [tilespmem:s14+$0xFFFFFF90]  }
0x25b: {  	v7 =	vld [tilespmem:s18+$0xFFFFFF90];
	[tilespmem:s16+$0x0] =	vst v0  }
0x25c: {  	[tilespmem:s16+$0xFFFFFF00] =	vst v4;
	v0 =	vld [tilespmem:s14+$0x10]  }
0x25d: {  	v4 =	vld [tilespmem:s14+$0xFFFFFF10];
	v3 =	vadd.f32 v5, v3  }
0x25e: {  	v5 =	vld [tilespmem:s18+$0xFFFFFF10];
	v1 =	vadd.f32 v2, v1  }
0x25f: {  	v2 =	vld [tilespmem:s18+$0x10];
	[tilespmem:s16+$0x90] =	vst v3  }
0x260: {  	v3 =	vadd.f32 v7, v6;
	v6 =	vld [tilespmem:s14+$0xA0];
	[tilespmem:s8+$0x60] =	vst v1  }
0x261: {  	v1 =	vld [tilespmem:s18+$0xA0]  }
0x262: {  	[tilespmem:s16+$0xFFFFFF90] =	vst v3;
	v3 =	vld [tilespmem:s10+$0xFFFFFF70]  }
0x263: {  	v4 =	vadd.f32 v5, v4;
	v5 =	vld [tilespmem:s14+$0xFFFFFFA0]  }
0x264: {  	v7 =	vld [tilespmem:s18+$0xFFFFFFA0];
	v0 =	vadd.f32 v2, v0  }
0x265: {  	[tilespmem:s16+$0xFFFFFF10] =	vst v4;
	v2 =	vld [tilespmem:s15+$0xFFFFFF70]  }
0x266: {  	v4 =	vld [tilespmem:s14+$0xFFFFFF20];
	[tilespmem:s16+$0x10] =	vst v0;
	v0 =	vadd.f32 v1, v6  }
0x267: {  	v1 =	vld [tilespmem:s18+$0xFFFFFF20]  }
0x268: {  	v6 =	vld [tilespmem:s14+$0x20];
	[tilespmem:s16+$0xA0] =	vst v0  }
0x269: {  	v0 =	vadd.f32 v7, v5;
	v5 =	vld [tilespmem:s14+$0xB0]  }
0x26a: {  	v7 =	vld [tilespmem:s18+$0xB0];
	v2 =	vadd.f32 v2, v3  }
0x26b: {  	[tilespmem:s16+$0xFFFFFFA0] =	vst v0;
	v0 =	vld [tilespmem:s18+$0x20]  }
0x26c: {  	v1 =	vadd.f32 v1, v4;
	v3 =	vld [tilespmem:s14+$0xFFFFFFB0];
	[tilespmem:s8+$0xFFFFFF70] =	vst v2  }
0x26d: {  	v2 =	vld [tilespmem:s18+$0xFFFFFFB0]  }
0x26e: {  	[tilespmem:s16+$0xFFFFFF20] =	vst v1;
	v1 =	vld [tilespmem:s10+$0xFFFFFFF0]  }
0x26f: {  	v4 =	vld [tilespmem:s14+$0xFFFFFF30];
	v5 =	vadd.f32 v7, v5  }
0x270: {  	v7 =	vld [tilespmem:s18+$0xFFFFFF30];
	v0 =	vadd.f32 v0, v6  }
0x271: {  	[tilespmem:s16+$0xB0] =	vst v5;
	v5 =	vld [tilespmem:s15+$0xFFFFFFF0]  }
0x272: {  	v2 =	vadd.f32 v2, v3;
	[tilespmem:s16+$0x20] =	vst v0;
	v0 =	vld [tilespmem:s14+$0xC0]  }
0x273: {  	v3 =	vld [tilespmem:s18+$0xC0]  }
0x274: {  	[tilespmem:s16+$0xFFFFFFB0] =	vst v2;
	v2 =	vld [tilespmem:s14+$0x30]  }
0x275: {  	v4 =	vadd.f32 v7, v4;
	v6 =	vld [tilespmem:s18+$0x30]  }
0x276: {  	v7 =	vld [tilespmem:s14+$0xFFFFFFC0];
	v1 =	vadd.f32 v5, v1  }
0x277: {  	[tilespmem:s16+$0xFFFFFF30] =	vst v4;
	v4 =	vld [tilespmem:s18+$0xFFFFFFC0]  }
0x278: {  	v5 =	vld [tilespmem:s14+$0xFFFFFF40];
	v0 =	vadd.f32 v3, v0;
	[tilespmem:s8+$0xFFFFFFF0] =	vst v1  }
0x279: {  	v1 =	vld [tilespmem:s18+$0xFFFFFF40]  }
0x27a: {  	v2 =	vadd.f32 v6, v2;
	[tilespmem:s16+$0xC0] =	vst v0;
	v3 =	vld [tilespmem:s10+$0x70];
	s10 =	smov.u32 s14  }
0x27b: {  	v0 =	vld [tilespmem:s14+$0xD0]  }
0x27c: {  	v4 =	vadd.f32 v4, v7;
	[tilespmem:s16+$0x30] =	vst v2;
	v2 =	vld [tilespmem:s18+$0xD0]  }
0x27d: {  	v6 =	vld [tilespmem:s14+$0x40]  }
0x27e: {  	v1 =	vadd.f32 v1, v5;
	[tilespmem:s16+$0xFFFFFFC0] =	vst v4;
	v4 =	vld [tilespmem:s18+$0x40]  }
0x27f: {  	v5 =	vld [tilespmem:s14+$0xFFFFFFD0]  }
0x280: {  	[tilespmem:s16+$0xFFFFFF40] =	vst v1;
	v1 =	vld [tilespmem:s18+$0xFFFFFFD0]  }
0x281: {  	v7 =	vld [tilespmem:s14+$0xFFFFFF50];
	v0 =	vadd.f32 v2, v0  }
0x282: {  	v2 =	vld [tilespmem:s18+$0xFFFFFF50]  }
0x283: {  	v4 =	vadd.f32 v4, v6;
	[tilespmem:s16+$0xD0] =	vst v0;
	v6 =	vld [tilespmem:s15+$0x70];
	s15 =	smov.u32 s18  }
0x284: {  	v8 =	vld [tilespmem:s14+$0xE0]  }
0x285: {  	v0 =	vadd.f32 v1, v5;
	[tilespmem:s16+$0x40] =	vst v4;
	v5 =	vld [tilespmem:s18+$0xE0]  }
0x286: {  	v1 =	vld [tilespmem:s14+$0x50]  }
.Ltmp5:
0x287: {  	v2 =	vadd.f32 v2, v7;
	[tilespmem:s16+$0xFFFFFFD0] =	vst v0;
	v4 =	vld [tilespmem:s18+$0x50];
	(pc) =	sbr.rel @p0 .LBB2_11-.Ltmp5, $4  }
0x288: {  	v0 =	vld [tilespmem:s14+$0xFFFFFFE0];
	v7 =	vadd.f32 v6, v3  }
0x289: {  	[tilespmem:s16+$0xFFFFFF50] =	vst v2;
	v3 =	vld [tilespmem:s18+$0xFFFFFFE0]  }
0x28a: {  	v2 =	vld [tilespmem:s14+$0xFFFFFF60];
	v6 =	vadd.f32 v5, v8;
	[tilespmem:s8+$0x70] =	vst v7;
	s8 =	smov.u32 s16  }
0x28b: {  	s14 =	sadd.s32 $0x200, s14;
	v5 =	vld [tilespmem:s18+$0xFFFFFF60]  }
0x28c: {  	v1 =	vadd.f32 v4, v1;
	_ =	sdelay $0x1  }
0x28d: {  	[tilespmem:s16+$0x50] =	vst v1  }
0x28e: {  	v1 =	vld [tilespmem:s10+$0x60]  }
0x28f: {  	v4 =	vld [tilespmem:s15+$0x60]  }
0x290: {  	[tilespmem:s16+$0xE0] =	vst v6;
	v2 =	vadd.f32 v5, v2  }
0x291: {  	v0 =	vadd.f32 v3, v0;
	v3 =	vld [tilespmem:s15+$0xF0]  }
0x292: {  	v5 =	vld [tilespmem:s10+$0xF0];
	[tilespmem:s16+$0xFFFFFF60] =	vst v2  }
0x293: {  	v2 =	vld [tilespmem:s10+$0xFFFFFF70]  }
0x294: {  	[tilespmem:s16+$0xFFFFFFE0] =	vst v0;
	v0 =	vadd.f32 v4, v1;
	v1 =	vld [tilespmem:s15+$0xFFFFFF70]  }
0x295: {  	v4 =	vld [tilespmem:s10+$0xFFFFFFF0]  }
0x296: {  	[tilespmem:s8+$0x60] =	vst v0;
	v0 =	vld [tilespmem:s15+$0xFFFFFFF0]  }
0x297: {  	v6 =	vld [tilespmem:s10+$0x70]  }
0x298: {  	v7 =	vld [tilespmem:s15+$0x70];
	_ =	sdelay $0x1  }
0x299: {  	v3 =	vadd.f32 v3, v5  }
0x29a: {  	v1 =	vadd.f32 v1, v2  }
0x29b: {  	[tilespmem:s8+$0xF0] =	vst v3;
	v0 =	vadd.f32 v0, v4  }
0x29c: {  	[tilespmem:s8+$0xFFFFFF70] =	vst v1;
	v1 =	vadd.f32 v7, v6  }
0x29d: {  	[tilespmem:s8+$0xFFFFFFF0] =	vst v0  }
0x29e: {  	[tilespmem:s8+$0x70] =	vst v1  }
0x29f: {  	s8 =	rddreg [dreg:$0xb]  }
0x2a0: {  	[hbm4b:s8+s4] =	stream.linear.scatter [tilespmem:s0], [sflag:$0x7], $0x2800, $0x38;
	[tilespmem:$0x1B800] =	vst v63  }
0x2a1: {  	_ =	swait.ge [sflag:s1], $0x2800  }
0x2a2: {  	[sflag:s1] =	ssyncset.done $0x0  }
0x2a3: {  	[sflag:s1] =	ssyncadd.s32 $0xFFFFD800  }
0x2a4: {  	_ =	swait.ge [sflag:s25], $0x2800  }
0x2a5: {  	[sflag:s25] =	ssyncset.done $0x0  }
0x2a6: {  	s22 =	simm.s32 $0x8;
	[sflag:s25] =	ssyncadd.s32 $0xFFFFD800  }
0x2a7: {  	_ =	swait.ge [sflag:s22], $0x2800  }
0x2a8: {  	[sflag:s22] =	ssyncset.done $0x0  }
0x2a9: {  	s10 =	simm.s32 $0x2900;
	[sflag:s22] =	ssyncadd.s32 $0xFFFFD800  }
0x2aa: {  	s15 =	simm.s32 $0xA100;
	v0 =	vld [tilespmem:s10+$0x80]  }
0x2ab: {  	v1 =	vld [tilespmem:s15+$0x80];
	_ =	sdelay $0x2  }
0x2ac: {  	v2 =	vld [tilespmem:s10+$0xFFFFFF80]  }
0x2ad: {  	v3 =	vld [tilespmem:s15+$0xFFFFFF80]  }
0x2ae: {  	v4 =	vld [tilespmem:s15+$0xFFFFFF00];
	v0 =	vadd.f32 v1, v0  }
0x2af: {  	s16 =	simm.s32 $0x11900;
	v1 =	vld [tilespmem:s10+$0xFFFFFF00]  }
0x2b0: {  	[tilespmem:s16+$0x80] =	vst v0  }
0x2b1: {  	v0 =	vld [tilespmem:s10+$0x90]  }
0x2b2: {  	v2 =	vadd.f32 v3, v2;
	v3 =	vld [tilespmem:s15+$0x90]  }
0x2b3: {  	v5 =	vld [tilespmem:s10+$0x0]  }
0x2b4: {  	v6 =	vld [tilespmem:s15+$0x0];
	[tilespmem:s16+$0xFFFFFF80] =	vst v2;
	v1 =	vadd.f32 v4, v1  }
0x2b5: {  	v2 =	vld [tilespmem:s10+$0xFFFFFF90]  }
0x2b6: {  	v4 =	vld [tilespmem:s15+$0xFFFFFF90];
	[tilespmem:s16+$0xFFFFFF00] =	vst v1  }
0x2b7: {  	v1 =	vld [tilespmem:s10+$0xFFFFFF10];
	v0 =	vadd.f32 v3, v0  }
0x2b8: {  	v3 =	vld [tilespmem:s15+$0xFFFFFF10]  }
0x2b9: {  	v5 =	vadd.f32 v6, v5;
	[tilespmem:s16+$0x90] =	vst v0  }
0x2ba: {  	v0 =	vld [tilespmem:s10+$0xA0]  }
0x2bb: {  	[tilespmem:s16+$0x0] =	vst v5;
	v2 =	vadd.f32 v4, v2;
	v4 =	vld [tilespmem:s15+$0xA0]  }
0x2bc: {  	v5 =	vld [tilespmem:s10+$0x10]  }
0x2bd: {  	v6 =	vld [tilespmem:s15+$0x10];
	[tilespmem:s16+$0xFFFFFF90] =	vst v2;
	v1 =	vadd.f32 v3, v1  }
0x2be: {  	v2 =	vld [tilespmem:s10+$0xFFFFFFA0]  }
0x2bf: {  	v3 =	vld [tilespmem:s15+$0xFFFFFFA0];
	[tilespmem:s16+$0xFFFFFF10] =	vst v1  }
0x2c0: {  	v1 =	vld [tilespmem:s10+$0xFFFFFF20];
	v0 =	vadd.f32 v4, v0  }
0x2c1: {  	v4 =	vld [tilespmem:s15+$0xFFFFFF20]  }
0x2c2: {  	v5 =	vadd.f32 v6, v5;
	[tilespmem:s16+$0xA0] =	vst v0  }
0x2c3: {  	v0 =	vld [tilespmem:s10+$0xB0]  }
0x2c4: {  	[tilespmem:s16+$0x10] =	vst v5;
	v2 =	vadd.f32 v3, v2;
	v3 =	vld [tilespmem:s15+$0xB0]  }
0x2c5: {  	v5 =	vld [tilespmem:s10+$0x20]  }
0x2c6: {  	[tilespmem:s16+$0xFFFFFFA0] =	vst v2;
	v2 =	vld [tilespmem:s15+$0x20];
	v1 =	vadd.f32 v4, v1  }
0x2c7: {  	v4 =	vld [tilespmem:s10+$0xFFFFFFB0]  }
0x2c8: {  	v6 =	vld [tilespmem:s15+$0xFFFFFFB0];
	[tilespmem:s16+$0xFFFFFF20] =	vst v1  }
0x2c9: {  	v1 =	vld [tilespmem:s10+$0xFFFFFF30];
	v0 =	vadd.f32 v3, v0  }
0x2ca: {  	v3 =	vld [tilespmem:s15+$0xFFFFFF30]  }
0x2cb: {  	v2 =	vadd.f32 v2, v5;
	[tilespmem:s16+$0xB0] =	vst v0  }
0x2cc: {  	v0 =	vld [tilespmem:s10+$0xC0]  }
0x2cd: {  	v4 =	vadd.f32 v6, v4;
	[tilespmem:s16+$0x20] =	vst v2;
	v2 =	vld [tilespmem:s15+$0xC0]  }
0x2ce: {  	v5 =	vld [tilespmem:s10+$0x30]  }
0x2cf: {  	[tilespmem:s16+$0xFFFFFFB0] =	vst v4;
	v1 =	vadd.f32 v3, v1;
	v3 =	vld [tilespmem:s15+$0x30]  }
0x2d0: {  	v4 =	vld [tilespmem:s10+$0xFFFFFFC0]  }
0x2d1: {  	[tilespmem:s16+$0xFFFFFF30] =	vst v1;
	v1 =	vld [tilespmem:s15+$0xFFFFFFC0]  }
0x2d2: {  	v6 =	vld [tilespmem:s10+$0xFFFFFF40];
	v0 =	vadd.f32 v2, v0  }
0x2d3: {  	v2 =	vld [tilespmem:s15+$0xFFFFFF40]  }
0x2d4: {  	v3 =	vadd.f32 v3, v5;
	[tilespmem:s16+$0xC0] =	vst v0  }
0x2d5: {  	v0 =	vld [tilespmem:s10+$0xD0]  }
0x2d6: {  	v1 =	vadd.f32 v1, v4;
	[tilespmem:s16+$0x30] =	vst v3;
	v3 =	vld [tilespmem:s15+$0xD0]  }
0x2d7: {  	v4 =	vld [tilespmem:s10+$0x40]  }
0x2d8: {  	v2 =	vadd.f32 v2, v6;
	[tilespmem:s16+$0xFFFFFFC0] =	vst v1;
	v1 =	vld [tilespmem:s15+$0x40]  }
0x2d9: {  	v5 =	vld [tilespmem:s10+$0xFFFFFFD0]  }
0x2da: {  	[tilespmem:s16+$0xFFFFFF40] =	vst v2;
	v2 =	vld [tilespmem:s15+$0xFFFFFFD0]  }
0x2db: {  	v6 =	vld [tilespmem:s10+$0xFFFFFF50];
	v0 =	vadd.f32 v3, v0  }
0x2dc: {  	v3 =	vld [tilespmem:s15+$0xFFFFFF50]  }
0x2dd: {  	v1 =	vadd.f32 v1, v4;
	[tilespmem:s16+$0xD0] =	vst v0  }
0x2de: {  	v7 =	vld [tilespmem:s10+$0xE0]  }
0x2df: {  	v0 =	vadd.f32 v2, v5;
	v5 =	vld [tilespmem:s15+$0xE0];
	[tilespmem:s16+$0x40] =	vst v1  }
0x2e0: {  	v1 =	vld [tilespmem:s10+$0x50]  }
0x2e1: {  	v2 =	vadd.f32 v3, v6;
	[tilespmem:s16+$0xFFFFFFD0] =	vst v0;
	v4 =	vld [tilespmem:s15+$0x50]  }
0x2e2: {  	v0 =	vld [tilespmem:s10+$0xFFFFFFE0]  }
0x2e3: {  	v3 =	vld [tilespmem:s15+$0xFFFFFFE0];
	[tilespmem:s16+$0xFFFFFF50] =	vst v2  }
0x2e4: {  	s9 =	simm.s32 $0x0;
	v2 =	vld [tilespmem:s10+$0xFFFFFF60];
	v6 =	vadd.f32 v5, v7  }
0x2e5: {  	s14 =	simm.s32 $0x2B00;
	s18 =	simm.s32 $0xA100;
	s8 =	simm.s32 $0x11900;
	v5 =	vld [tilespmem:s15+$0xFFFFFF60]  }
.LBB2_13:
0x2e6: {  	v7 =	vld [tilespmem:s14+$0x80];
	v1 =	vadd.f32 v4, v1;
	[tilespmem:s16+$0xE0] =	vst v6  }
0x2e7: {  	v4 =	vld [tilespmem:s10+$0xF0]  }
0x2e8: {  	s18 =	sadd.s32 $0x200, s18;
	v0 =	vadd.f32 v3, v0;
	[tilespmem:s16+$0x50] =	vst v1;
	v1 =	vld [tilespmem:s15+$0xF0]  }
0x2e9: {  	v3 =	vld [tilespmem:s18+$0x80]  }
0x2ea: {  	v6 =	vld [tilespmem:s18+$0xFFFFFF00];
	v2 =	vadd.f32 v5, v2;
	[tilespmem:s16+$0xFFFFFFE0] =	vst v0  }
0x2eb: {  	v0 =	vld [tilespmem:s14+$0xFFFFFF80]  }
0x2ec: {  	v5 =	vld [tilespmem:s18+$0xFFFFFF80];
	[tilespmem:s16+$0xFFFFFF60] =	vst v2  }
0x2ed: {  	v2 =	vld [tilespmem:s14+$0x0];
	v1 =	vadd.f32 v1, v4  }
0x2ee: {  	v4 =	vld [tilespmem:s18+$0x0];
	v3 =	vadd.f32 v3, v7  }
0x2ef: {  	s16 =	sadd.s32 $0x200, s16;
	v7 =	vld [tilespmem:s14+$0xFFFFFF00];
	[tilespmem:s8+$0xF0] =	vst v1  }
0x2f0: {  	s9 =	sadd.s32 $0x4, s9;
	[tilespmem:s16+$0x80] =	vst v3;
	v1 =	vld [tilespmem:s10+$0x60]  }
0x2f1: {  	p0 =	slt.u32 s9, $0x4C;
	v0 =	vadd.f32 v5, v0;
	v3 =	vld [tilespmem:s14+$0x90]  }
0x2f2: {  	v5 =	vld [tilespmem:s18+$0x90]  }
0x2f3: {  	[tilespmem:s16+$0xFFFFFF80] =	vst v0;
	v0 =	vadd.f32 v4, v2;
	v2 =	vld [tilespmem:s15+$0x60]  }
0x2f4: {  	v4 =	vadd.f32 v6, v7;
	v6 =	vld [tilespmem:s14+$0xFFFFFF90]  }
0x2f5: {  	v7 =	vld [tilespmem:s18+$0xFFFFFF90];
	[tilespmem:s16+$0x0] =	vst v0  }
0x2f6: {  	[tilespmem:s16+$0xFFFFFF00] =	vst v4;
	v0 =	vld [tilespmem:s14+$0x10]  }
0x2f7: {  	v4 =	vld [tilespmem:s14+$0xFFFFFF10];
	v3 =	vadd.f32 v5, v3  }
0x2f8: {  	v5 =	vld [tilespmem:s18+$0xFFFFFF10];
	v1 =	vadd.f32 v2, v1  }
0x2f9: {  	v2 =	vld [tilespmem:s18+$0x10];
	[tilespmem:s16+$0x90] =	vst v3  }
0x2fa: {  	v3 =	vadd.f32 v7, v6;
	v6 =	vld [tilespmem:s14+$0xA0];
	[tilespmem:s8+$0x60] =	vst v1  }
0x2fb: {  	v1 =	vld [tilespmem:s18+$0xA0]  }
0x2fc: {  	[tilespmem:s16+$0xFFFFFF90] =	vst v3;
	v3 =	vld [tilespmem:s10+$0xFFFFFF70]  }
0x2fd: {  	v4 =	vadd.f32 v5, v4;
	v5 =	vld [tilespmem:s14+$0xFFFFFFA0]  }
0x2fe: {  	v7 =	vld [tilespmem:s18+$0xFFFFFFA0];
	v0 =	vadd.f32 v2, v0  }
0x2ff: {  	[tilespmem:s16+$0xFFFFFF10] =	vst v4;
	v2 =	vld [tilespmem:s15+$0xFFFFFF70]  }
0x300: {  	v4 =	vld [tilespmem:s14+$0xFFFFFF20];
	[tilespmem:s16+$0x10] =	vst v0;
	v0 =	vadd.f32 v1, v6  }
0x301: {  	v1 =	vld [tilespmem:s18+$0xFFFFFF20]  }
0x302: {  	v6 =	vld [tilespmem:s14+$0x20];
	[tilespmem:s16+$0xA0] =	vst v0  }
0x303: {  	v0 =	vadd.f32 v7, v5;
	v5 =	vld [tilespmem:s14+$0xB0]  }
0x304: {  	v7 =	vld [tilespmem:s18+$0xB0];
	v2 =	vadd.f32 v2, v3  }
0x305: {  	[tilespmem:s16+$0xFFFFFFA0] =	vst v0;
	v0 =	vld [tilespmem:s18+$0x20]  }
0x306: {  	v1 =	vadd.f32 v1, v4;
	v3 =	vld [tilespmem:s14+$0xFFFFFFB0];
	[tilespmem:s8+$0xFFFFFF70] =	vst v2  }
0x307: {  	v2 =	vld [tilespmem:s18+$0xFFFFFFB0]  }
0x308: {  	[tilespmem:s16+$0xFFFFFF20] =	vst v1;
	v1 =	vld [tilespmem:s10+$0xFFFFFFF0]  }
0x309: {  	v4 =	vld [tilespmem:s14+$0xFFFFFF30];
	v5 =	vadd.f32 v7, v5  }
0x30a: {  	v7 =	vld [tilespmem:s18+$0xFFFFFF30];
	v0 =	vadd.f32 v0, v6  }
0x30b: {  	[tilespmem:s16+$0xB0] =	vst v5;
	v5 =	vld [tilespmem:s15+$0xFFFFFFF0]  }
0x30c: {  	v2 =	vadd.f32 v2, v3;
	[tilespmem:s16+$0x20] =	vst v0;
	v0 =	vld [tilespmem:s14+$0xC0]  }
0x30d: {  	v3 =	vld [tilespmem:s18+$0xC0]  }
0x30e: {  	[tilespmem:s16+$0xFFFFFFB0] =	vst v2;
	v2 =	vld [tilespmem:s14+$0x30]  }
0x30f: {  	v4 =	vadd.f32 v7, v4;
	v6 =	vld [tilespmem:s18+$0x30]  }
0x310: {  	v7 =	vld [tilespmem:s14+$0xFFFFFFC0];
	v1 =	vadd.f32 v5, v1  }
0x311: {  	[tilespmem:s16+$0xFFFFFF30] =	vst v4;
	v4 =	vld [tilespmem:s18+$0xFFFFFFC0]  }
0x312: {  	v5 =	vld [tilespmem:s14+$0xFFFFFF40];
	v0 =	vadd.f32 v3, v0;
	[tilespmem:s8+$0xFFFFFFF0] =	vst v1  }
0x313: {  	v1 =	vld [tilespmem:s18+$0xFFFFFF40]  }
0x314: {  	v2 =	vadd.f32 v6, v2;
	[tilespmem:s16+$0xC0] =	vst v0;
	v3 =	vld [tilespmem:s10+$0x70];
	s10 =	smov.u32 s14  }
0x315: {  	v0 =	vld [tilespmem:s14+$0xD0]  }
0x316: {  	v4 =	vadd.f32 v4, v7;
	[tilespmem:s16+$0x30] =	vst v2;
	v2 =	vld [tilespmem:s18+$0xD0]  }
0x317: {  	v6 =	vld [tilespmem:s14+$0x40]  }
0x318: {  	v1 =	vadd.f32 v1, v5;
	[tilespmem:s16+$0xFFFFFFC0] =	vst v4;
	v4 =	vld [tilespmem:s18+$0x40]  }
0x319: {  	v5 =	vld [tilespmem:s14+$0xFFFFFFD0]  }
0x31a: {  	[tilespmem:s16+$0xFFFFFF40] =	vst v1;
	v1 =	vld [tilespmem:s18+$0xFFFFFFD0]  }
0x31b: {  	v7 =	vld [tilespmem:s14+$0xFFFFFF50];
	v0 =	vadd.f32 v2, v0  }
0x31c: {  	v2 =	vld [tilespmem:s18+$0xFFFFFF50]  }
0x31d: {  	v4 =	vadd.f32 v4, v6;
	[tilespmem:s16+$0xD0] =	vst v0;
	v6 =	vld [tilespmem:s15+$0x70];
	s15 =	smov.u32 s18  }
0x31e: {  	v8 =	vld [tilespmem:s14+$0xE0]  }
0x31f: {  	v0 =	vadd.f32 v1, v5;
	[tilespmem:s16+$0x40] =	vst v4;
	v5 =	vld [tilespmem:s18+$0xE0]  }
0x320: {  	v1 =	vld [tilespmem:s14+$0x50]  }
.Ltmp6:
0x321: {  	v2 =	vadd.f32 v2, v7;
	[tilespmem:s16+$0xFFFFFFD0] =	vst v0;
	v4 =	vld [tilespmem:s18+$0x50];
	(pc) =	sbr.rel @p0 .LBB2_13-.Ltmp6, $4  }
0x322: {  	v0 =	vld [tilespmem:s14+$0xFFFFFFE0];
	v7 =	vadd.f32 v6, v3  }
0x323: {  	[tilespmem:s16+$0xFFFFFF50] =	vst v2;
	v3 =	vld [tilespmem:s18+$0xFFFFFFE0]  }
0x324: {  	v2 =	vld [tilespmem:s14+$0xFFFFFF60];
	v6 =	vadd.f32 v5, v8;
	[tilespmem:s8+$0x70] =	vst v7;
	s8 =	smov.u32 s16  }
0x325: {  	s14 =	sadd.s32 $0x200, s14;
	v5 =	vld [tilespmem:s18+$0xFFFFFF60]  }
0x326: {  	v1 =	vadd.f32 v4, v1;
	_ =	sdelay $0x1  }
0x327: {  	[tilespmem:s16+$0x50] =	vst v1  }
0x328: {  	v1 =	vld [tilespmem:s10+$0x60]  }
0x329: {  	v55 =	vld [tilespmem:s15+$0x60]  }
0x32a: {  	[tilespmem:s16+$0xE0] =	vst v6;
	v0 =	vadd.f32 v3, v0  }
0x32b: {  	v56 =	vld [tilespmem:s10+$0xF0]  }
0x32c: {  	v57 =	vld [tilespmem:s15+$0xF0];
	v2 =	vadd.f32 v5, v2;
	[tilespmem:s16+$0xFFFFFFE0] =	vst v0  }
0x32d: {  	v60 =	vld [tilespmem:s10+$0xFFFFFFF0]  }
0x32e: {  	v61 =	vld [tilespmem:s15+$0xFFFFFFF0];
	[tilespmem:s16+$0xFFFFFF60] =	vst v2;
	v58 =	vadd.f32 v55, v1  }
0x32f: {  	v2 =	vld [tilespmem:s10+$0xFFFFFF70]  }
0x330: {  	v59 =	vld [tilespmem:s15+$0xFFFFFF70];
	[tilespmem:s8+$0x60] =	vst v58  }
0x331: {  	v62 =	vld [tilespmem:s10+$0x70]  }
0x332: {  	v7 =	vld [tilespmem:s15+$0x70];
	_ =	sdelay $0x1  }
0x333: {  	v3 =	vadd.f32 v57, v56  }
0x334: {  	v0 =	vadd.f32 v61, v60  }
0x335: {  	[tilespmem:s8+$0xF0] =	vst v3;
	v1 =	vadd.f32 v59, v2  }
0x336: {  	[tilespmem:s8+$0xFFFFFFF0] =	vst v0;
	v63 =	vadd.f32 v7, v62  }
0x337: {  	[tilespmem:s8+$0xFFFFFF70] =	vst v1  }
0x338: {  	[tilespmem:s8+$0x70] =	vst v63  }
0x339: {  	s8 =	rddreg [dreg:$0xc]  }
0x33a: {  	[hbm4b:s8+s4] =	stream.linear.scatter [tilespmem:s28], [sflag:$0x8], $0x2800, $0x38;
	[tilespmem:$0x1B800] =	vst v63  }
0x33b: {  	_ =	swait.ge [sflag:s19], $0x2800  }
0x33c: {  	[sflag:s19] =	ssyncset.done $0x0  }
0x33d: {  	[sflag:s19] =	ssyncadd.s32 $0xFFFFD800;
	s19 =	simm.s32 $0x8  }
0x33e: {  	_ =	swait.ge [sflag:s19], $0x2800  }
0x33f: {  	[sflag:s19] =	ssyncset.done $0x0  }
0x340: {  	s9 =	simm.s32 $0x9;
	[sflag:s19] =	ssyncadd.s32 $0xFFFFD800  }
0x341: {  	_ =	swait.ge [sflag:s9], $0x2800  }
0x342: {  	s20 =	rddreg [dreg:$0x10]  }
0x343: {  	s22 =	rddreg [dreg:$0xd];
	s10 =	sadd.s32 $0x1, s20  }
0x344: {  	p0 =	sne.s32 s10, s22  }
.Ltmp7:
0x345: {  	_ = 	snop;
	(pc) =	sbr.rel @p0 .LBB2_1-.Ltmp7, $3  }
0x346: {  	_ =	sdelay $0x1  }
0x347: {  	[sflag:s9] =	ssyncset.done $0x0  }
0x348: {  	[sflag:s9] =	ssyncadd.s32 $0xFFFFD800  }
0x349: {  	_ =	sfence.sel $0x180000  }
0x34a: {  	[bflag:$0x0] =	sbarrier.arrive $0xFFFF  }
0x34b: {  	_ =	strace $0x9000004A  }
0x34c: {  	s0 =	stileid.u32;
	[bflag:$0x2] =	sbarrier.arrive $0xFFFF  }
0x34d: {  	p0 =	sne.s32 s0, $0x0;
	s0 =	rddreg [dreg:$0x5]  }
0x34e: {  	s0 =	sadd.s32 @!p0 $0x100000, s0  }
0x34f: {  	[sflag:s0] =	ssyncadd.tile.s32 @!p0 $0x1;
	_ =	shalt  }
.Lfunc_end2:
_tile_overlayer_lowered:
.L_overlay_start_2:
0x350: {  	(tag) =	ssettag $0x2  }
0x351: {  	s0 =	rddreg [dreg:$0x0];
	s2 =	stileid.u32  }
0x352: {  	s1 =	rddreg [dreg:$0x1];
	p0 =	sne.s32 s2, $0x0  }
0x353: {  	s3 =	rddreg [dreg:$0x2];
	[bflag:$0x3] =	sbarrier.arrive $0xFFFF;
	s2 =	simm.s32 @!p0 $0x1C0A  }
0x354: {  	[timem:s3], [sflag:s2] =	dma.local @!p0 [hbm:s0], s1  }
0x355: {  	s0 =	simm.s32 @!p0 $0xA  }
0x356: {  	_ =	swait.ge @!p0 [sflag:s0], s1  }
0x357: {  	s1 =	ssub.s32 @!p0 $0x0, s1;
	[sflag:s0] =	ssyncset.done @!p0 $0x0  }
0x358: {  	[sflag:s0] =	ssyncadd.s32 @!p0 s1  }
0x359: {  	[bflag:$0x3] =	sbarrier.arrive $0xFFFF  }
0x35a: {  	_ =	shalt  }

// kernel: seg_sum_sc.3.cloned.1.call-start
scs
__scs_entry_jumppad:
0x0: {  	(pc) =	sbr.rel $0x88, $3  }
0x1: {  	(tag) =	ssettag $0x0;
	lr =	simm.s32 $0x1  }
0x2: {  	[smem:$0x3F98] =	sst lr;
	_ =	strace $0xD0000000  }
0x3: {  	_ = 	snop  }
0x4: {  	_ = 	snop  }
0x5: {  	_ = 	snop  }
0x6: {  	_ = 	snop  }
0x7: {  	_ = 	snop  }
__scs_overlays_trampoline_lowered:
0x8: {  	[smem:$0x3FA7] =	sst s0  }
0x9: {  	[smem:$0x3FA8] =	sst s1  }
0xa: {  	[smem:$0x3FA9] =	sst s2  }
0xb: {  	[smem:$0x3FAA] =	sst s3  }
0xc: {  	[smem:$0x3FAB] =	sst s4  }
0xd: {  	[smem:$0x3FAC] =	sst s5  }
0xe: {  	[smem:$0x3FAD] =	sst s6  }
0xf: {  	[smem:$0x3FAE] =	sst s7  }
0x10: {  	[smem:$0x3FAF] =	sst s8  }
0x11: {  	[smem:$0x3FB0] =	sst s9;
	s0 =	simm.s32 @!p0 $0x0  }
0x12: {  	s1 =	sld [smem:$0x3F96];
	s0 =	simm.s32 @p0 $0x1  }
0x13: {  	[smem:$0x3FB1] =	sst s0;
	s0 =	simm.s32 @!p1 $0x0  }
0x14: {  	s2 =	sld [smem:$0x3F95];
	s0 =	simm.s32 @p1 $0x1  }
0x15: {  	[smem:$0x3FB2] =	sst s0;
	s0 =	simm.s32 @!p2 $0x0  }
0x16: {  	s3 =	sld [smem:$0x3FDB];
	s0 =	simm.s32 @p2 $0x1  }
0x17: {  	s4 =	simm.s32 $0x1BF5;
	[smem:$0x3FB4] =	sst s0  }
0x18: {  	s0 =	sld [smem:$0x3F97];
	_ =	swait.ge [sflag:s4], $0x0  }
0x19: {  	s7 =	sld [smem:$0x3F98]  }
0x1a: {  	s8 =	sadd.s32 $0xFFFFE003, lr  }
0x1b: {  	s9 =	sadd.s32 $0xFFFFFEF7, lr;
	s5 =	simm.s32 $0xFFFFFFFF;
	p2 =	slt.u32 s8, $0xFFFFF086  }
0x1c: {  	p1 =	slt.u32 s9, $0xF7A;
	s5 =	simm.s32 @!p2 $0x0  }
0x1d: {  	s5 =	simm.s32 @p1 $0x1;
	p0 =	seq.s32 s7, s2  }
0x1e: {  	s7 =	smul.u32 @!p0 $0xF7A, s2;
	p2 =	seq.s32 @!p0 s5, $0x0  }
0x1f: {  	s9 =	smul.u32 $0xF7A, s1;
	s8 =	simm.s32 @!p0 $0x1BF5;
	p2 =	por !p2, p0  }
0x20: {  	[sflag:s8] =	ssyncset.s32 @!p0 $0xFFFFF086;
	s6 =	sadd.s32 @!p0 s3, s7;
	s7 =	simm.s32 @!p0 $0x108  }
0x21: {  	s3 =	sadd.s32 s3, s9;
	s6 =	sadd.s32 @!p0 $0x88, s6;
	s7 =	simm.s32 @p2 $0x1082  }
0x22: {  	[simem:s7], [sflag:s8] =	dma.local @!p0 [hbm:s6], $0xF7A  }
0x23: {  	s9 =	sor.u32 $0xD0000000, s2;
	s6 =	simm.s32 $0x108;
	_ =	swait.ge @!p0 [sflag:s8], $0x0  }
0x24: {  	s3 =	sadd.s32 $0x88, s3;
	s6 =	simm.s32 @!p1 $0x1082;
	[sflag:s4] =	ssyncset.s32 $0xFFFFF086  }
0x25: {  	[simem:s6], [sflag:s4] =	dma.local [hbm:s3], $0xF7A  }
0x26: {  	[smem:$0x3F98] =	sst s1;
	(tag) =	ssettag s2;
	_ =	strace s9  }
0x27: {  	s1 =	sld [smem:$0x3FA8]  }
0x28: {  	s2 =	sld [smem:$0x3FA9]  }
0x29: {  	s4 =	sld [smem:$0x3FAB]  }
0x2a: {  	p0 =	seq.s32 s5, $0x0;
	s5 =	sld [smem:$0x3FAC]  }
0x2b: {  	s6 =	sld [smem:$0x3FAD]  }
0x2c: {  	s7 =	sld [smem:$0x3FAE]  }
0x2d: {  	s3 =	simm.s32 $0x108;
	s8 =	sld [smem:$0x3FAF]  }
0x2e: {  	s3 =	simm.s32 @!p0 $0x1082;
	s9 =	sld [smem:$0x3FB0]  }
0x2f: {  	lr =	sadd.s32 s0, s3;
	s0 =	sld [smem:$0x3FA7]  }
0x30: {  	s3 =	sld [smem:$0x3FAA]  }
0x31: {  	[smem:$0x3FB3] =	sst s10  }
0x32: {  	s10 =	sld [smem:$0x3FB1];
	_ =	sdelay $0x3  }
0x33: {  	p0 =	seq.s32 s10, $0x1;
	s10 =	sld [smem:$0x3FB3];
	_ =	sdelay $0x3  }
0x34: {  	[smem:$0x3FB3] =	sst s10  }
0x35: {  	s10 =	sld [smem:$0x3FB2];
	_ =	sdelay $0x3  }
0x36: {  	p1 =	seq.s32 s10, $0x1;
	s10 =	sld [smem:$0x3FB3];
	_ =	sdelay $0x3  }
0x37: {  	[smem:$0x3FB3] =	sst s10  }
0x38: {  	s10 =	sld [smem:$0x3FB4]  }
0x39: {  	_ = 	snop;
	(pc) =	sbr.ind lr, $3  }
0x3a: {  	_ = 	snop  }
0x3b: {  	_ = 	snop  }
0x3c: {  	p2 =	seq.s32 s10, $0x1;
	s10 =	sld [smem:$0x3FB3]  }
0x3d: {  	_ =	shalt  }
0x3e: {  	_ =	shalt  }
0x3f: {  	_ =	shalt  }
0x40: {  	_ =	shalt  }
0x41: {  	_ =	shalt  }
0x42: {  	_ =	shalt  }
0x43: {  	_ =	shalt  }
0x44: {  	_ =	shalt  }
0x45: {  	_ =	shalt  }
0x46: {  	_ =	shalt  }
0x47: {  	_ =	shalt  }
0x48: {  	_ =	shalt  }
0x49: {  	_ =	shalt  }
0x4a: {  	_ =	shalt  }
0x4b: {  	_ =	shalt  }
0x4c: {  	_ =	shalt  }
0x4d: {  	_ =	shalt  }
0x4e: {  	_ =	shalt  }
0x4f: {  	_ =	shalt  }
0x50: {  	_ =	shalt  }
0x51: {  	_ =	shalt  }
0x52: {  	_ =	shalt  }
0x53: {  	_ =	shalt  }
0x54: {  	_ =	shalt  }
0x55: {  	_ =	shalt  }
0x56: {  	_ =	shalt  }
0x57: {  	_ =	shalt  }
0x58: {  	_ =	shalt  }
0x59: {  	_ =	shalt  }
0x5a: {  	_ =	shalt  }
0x5b: {  	_ =	shalt  }
0x5c: {  	_ =	shalt  }
0x5d: {  	_ =	shalt  }
0x5e: {  	_ =	shalt  }
0x5f: {  	_ =	shalt  }
0x60: {  	_ =	shalt  }
0x61: {  	_ =	shalt  }
0x62: {  	_ =	shalt  }
0x63: {  	_ =	shalt  }
0x64: {  	_ =	shalt  }
0x65: {  	_ =	shalt  }
0x66: {  	_ =	shalt  }
0x67: {  	_ =	shalt  }
0x68: {  	_ =	shalt  }
0x69: {  	_ =	shalt  }
0x6a: {  	_ =	shalt  }
0x6b: {  	_ =	shalt  }
0x6c: {  	_ =	shalt  }
0x6d: {  	_ =	shalt  }
0x6e: {  	_ =	shalt  }
0x6f: {  	_ =	shalt  }
0x70: {  	_ =	shalt  }
0x71: {  	_ =	shalt  }
0x72: {  	_ =	shalt  }
0x73: {  	_ =	shalt  }
0x74: {  	_ =	shalt  }
0x75: {  	_ =	shalt  }
0x76: {  	_ =	shalt  }
0x77: {  	_ =	shalt  }
0x78: {  	_ =	shalt  }
0x79: {  	_ =	shalt  }
0x7a: {  	_ =	shalt  }
0x7b: {  	_ =	shalt  }
0x7c: {  	_ =	shalt  }
0x7d: {  	_ =	shalt  }
0x7e: {  	_ =	shalt  }
0x7f: {  	_ =	shalt  }
0x80: {  	_ =	shalt  }
0x81: {  	_ =	shalt  }
0x82: {  	_ =	shalt  }
0x83: {  	_ =	shalt  }
0x84: {  	_ =	shalt  }
0x85: {  	_ =	shalt  }
0x86: {  	_ =	shalt  }
0x87: {  	_ =	shalt  }
.Lfunc_end0:
.L_simem_size_0:
called_computation_lowered:
.L_overlay_start_0:
0x88: {  	s2 =	sld [smem:$0x3FD9]  }
0x89: {  	s3 =	sld [smem:$0x3FFE];
	_ =	sdelay $0x1  }
0x8a: {  	s1 =	srdreg.scid  }
0x8b: {  	s0 =	sand.u32 $0x1, s1  }
0x8c: {  	s14 =	sshll.u32 s0, $0xA;
	s2 =	sadd.s32 s3, s2  }
0x8d: {  	s2 =	sadd.s32 s2, s14  }
0x8e: {  	[smem:$0x3FBF] =	sst s2  }
0x8f: {  	_ = 	snop  }
0x90: {  	s2 =	sld [smem:$0x3FD0];
	_ =	sdelay $0x2  }
0x91: {  	s4 =	simm.s32 $0xA;
	s5 =	simm.s32 $0x10;
	s15 =	sld [smem:$0x3FC9]  }
0x92: {  	[smem:s5], [sflag:s4] =	dma.local [hbm:s2], $0x1  }
0x93: {  	_ =	swait.eq [sflag:s4], $0x1  }
0x94: {  	[sflag:s4] =	ssyncset.done $0x0  }
0x95: {  	s16 =	sld [smem:$0x10];
	[sflag:s4] =	ssyncadd.s32 $0xFFFFFFFF  }
0x96: {  	s17 =	sld [smem:$0x11];
	(tm) =	ssettm $0x1  }
0x97: {  	s18 =	sld [smem:$0x3FFB];
	_ =	sdelay $0x3  }
0x98: {  	_ =	strace s18  }
0x99: {  	s5 =	sld [smem:$0x3FFC];
	_ =	sdelay $0x3  }
0x9a: {  	_ =	strace s5  }
0x9b: {  	s5 =	sld [smem:$0x3FFD];
	_ =	sdelay $0x3  }
0x9c: {  	_ =	strace s5  }
0x9d: {  	_ =	strace $0x8FFFFFFF  }
0x9e: {  	s19 =	sld [smem:$0x3FDB];
	_ =	sdelay $0x1  }
0x9f: {  	s6 =	simm.s32 $_scs_section_size  }
0xa0: {  	s7 =	simm.s32 $_size__tile_overlayer_lowered;
	s8 =	simm.s32 $_tile_overlayer_lowered  }
0xa1: {  	s22 =	simm.s32 $0x1BFF;
	s21 =	sshll.u32 s8, $0x1;
	s5 =	sadd.s32 s6, s19  }
0xa2: {  	s9 =	simm.s32 $0x0;
	s20 =	sshll.u32 s7, $0x1;
	s7 =	sadd.s32 s21, s5  }
0xa3: {  	[timem:s9], [sflag:s22] =	dma.local [hbm:s7], s20  }
0xa4: {  	_ =	swait.ge [sflag:s22], s20  }
0xa5: {  	s6 =	ssub.s32 $0x0, s20;
	[sflag:s22] =	ssyncset.done $0x0  }
0xa6: {  	[sflag:s22] =	ssyncadd.s32 s6;
	_ =	sdelay $0x1  }
0xa7: {  	s23 =	simm.s32 $0x1B8B  }
0xa8: {  	_ =	swait.ge [sflag:s23], $0x1  }
0xa9: {  	[sflag:s23] =	ssyncset.done $0x0  }
0xaa: {  	s25 =	simm.s32 $0x1B8E;
	s24 =	sld [smem:$0x3FFE];
	[sflag:s23] =	ssyncadd.s32 $0xFFFFFFFF  }
0xab: {  	s26 =	simm.s32 $execute0_lowered;
	[smem:$0x3FD2] =	sst s25  }
0xac: {  	s7 =	sshll.u32 s26, $0x1;
	_ =	strace $0x80000046;
	[dreg:$0x1] =	wrdreg $0xFFFFFFFF  }
0xad: {  	s28 =	simm.s32 $_size_execute0_lowered;
	s5 =	sadd.s32 s5, s7;
	[dreg:$0x0] =	wrdreg $0x0  }
0xae: {  	s7 =	sshll.u32 s28, $0x1;
	[dreg:$0x2] =	wrdreg s5  }
0xaf: {  	[dreg:$0x3] =	wrdreg s7  }
0xb0: {  	[dreg:$0x4] =	wrdreg $0xC0  }
0xb1: {  	_ =	task [dreg:s9], $0x5FFFF  }
0xb2: {  	[dreg:$0x1] =	wrdreg $0xFFFFFFFF  }
0xb3: {  	[dreg:$0x0] =	wrdreg $0x60  }
0xb4: {  	[dreg:$0x2] =	wrdreg s15  }
0xb5: {  	[dreg:$0x3] =	wrdreg s24  }
0xb6: {  	[dreg:$0x4] =	wrdreg s16  }
0xb7: {  	[dreg:$0x5] =	wrdreg s17  }
0xb8: {  	[dreg:$0x6] =	wrdreg $0x182000  }
0xb9: {  	[dreg:$0x7] =	wrdreg $0x9  }
0xba: {  	_ =	task.clear_ibuf [dreg:s9], $0x8FFFF;
	_ =	strace $0x90000046  }
0xbb: {  	s29 =	simm.s32 $0x9;
	_ =	strace $0x80000048  }
0xbc: {  	_ =	swait.ge [sflag:s29], $0x1  }
0xbd: {  	[sflag:s29] =	ssyncadd.s32 $0xFFFFFFFF  }
0xbe: {  	_ =	strace $0x90000048  }
0xbf: {  	_ =	sfence  }
0xc0: {  	s30 =	sld [smem:$0x0];
	_ =	sdelay $0x2  }
0xc1: {  	s31 =	sshll.u32 s1, $0xD;
	s1 =	sshrl.u32 s1, $0x2  }
0xc2: {  	s3 =	sand.u32 $0x4000, s31;
	s1 =	sadd.s32 s1, s30  }
0xc3: {  	s0 =	sor.u32 s3, s0;
	s1 =	sshll.u32 s1, $0x11  }
0xc4: {  	s0 =	sor.u32 s1, s0  }
0xc5: {  	s0 =	sadd.s32 $0x8F2B, s0  }
0xc6: {  	[sflag:s0] =	ssyncadd.remote.s32 $0x1  }
0xc7: {  	_ =	sfence.sel $0xFFFF  }
0xc8: {  	[dreg:$0x0] =	wrdreg $0xFFFFFFFF;
	(pc) =	sbr.abs _section_cstart, $3  }
0xc9: {  	[dreg:$0x1] =	wrdreg $0xFFFFFFFF  }
0xca: {  	_ =	task.clear_ibuf [dreg:s9], $0x2FFFF;
	_ =	strace $0x9FFFFFFF  }
0xcb: {  	(tm) =	ssettm $0x7FFFFFFF  }
tec
execute0_lowered:
.L_overlay_start_1:
0x0: {  	(tag) =	ssettag $0x1  }
0x1: {  	s0 =	rddreg [dreg:$0x0]  }
0x2: {  	s2 =	rddreg [dreg:$0x1]  }
0x3: {  	s5 =	rddreg [dreg:$0x2]  }
0x4: {  	s6 =	rddreg [dreg:$0x3]  }
0x5: {  	s1 =	rddreg [dreg:$0x4];
	s3 =	srdreg.scid  }
0x6: {  	s13 =	stileid.u32;
	s28 =	simm.s32 $0x4;
	s29 =	simm.s32 $0xF000  }
0x7: {  	s30 =	simm.s32 $0x5;
	s31 =	simm.s32 $0x11800;
	s7 =	sand.u32 $0x1, s3  }
0x8: {  	s3 =	simm.s32 $0x0;
	s11 =	sshll.u32 s13, $0xC;
	s21 =	sshll.u32 s13, $0x4  }
0x9: {  	s24 =	sshll.u32 s13, $0x9;
	s25 =	smul.u32 $0x27100, s13;
	s4 =	sshll.u32 s7, $0x4  }
0xa: {  	[smem:$0x7FF] =	sst s3;
	s9 =	ssub.s32 $0x2, s7;
	s16 =	sadd.s32 s11, s1  }
0xb: {  	s23 =	smul.u32 $0x271000, s7;
	s7 =	sshll.u32 s7, $0xD;
	s8 =	sor.u32 s13, s4  }
0xc: {  	_ =	strace $0x80000047;
	s15 =	sshrl.u32 s9, $0x1;
	[dreg:$0x6] =	wrdreg s16  }
0xd: {  	s16 =	simm.s32 $0x9;
	s13 =	simm.s32 $0x0;
	s10 =	smul.u32 $0x138800, s8  }
0xe: {  	s4 =	sshll.u32 s8, $0xB;
	s12 =	smul.u32 $0x27100, s8;
	s9 =	ssub.s32 s9, s15  }
0xf: {  	s8 =	sshll.u32 s8, $0x6;
	s15 =	simm.s32 $0x11;
	s2 =	sadd.s32 s4, s2  }
0x10: {  	s8 =	sand.u32 $0x600, s8;
	s26 =	smax.u32 s9, $0x1;
	s9 =	simm.s32 $0xD  }
0x11: {  	s10 =	sshrl.u32 s10, $0x3;
	s2 =	sadd.s32 $0x1E00, s2;
	[dreg:$0xf] =	wrdreg s26  }
0x12: {  	s17 =	sadd.s32 s0, s12;
	s26 =	simm.s32 $0xC800;
	[dreg:$0x7] =	wrdreg s2  }
0x13: {  	s10 =	sadd.s32 s0, s10;
	[dreg:$0x8] =	wrdreg s17;
	s2 =	sand.u32 $0x70, s21  }
0x14: {  	s0 =	sadd.s32 s23, s0;
	s17 =	simm.s32 $0x2800;
	s21 =	simm.s32 $0x50  }
0x15: {  	s23 =	simm.s32 $0x2;
	s18 =	sadd.s32 $0x500, s10;
	s19 =	sadd.s32 $0xA00, s10  }
0x16: {  	s20 =	sadd.s32 $0x26700, s10;
	s22 =	sadd.s32 $0x26C00, s10;
	[dreg:$0x9] =	wrdreg s18  }
0x17: {  	s2 =	sadd.s32 s6, s2;
	s0 =	sadd.s32 s25, s0;
	[dreg:$0xa] =	wrdreg s19  }
0x18: {  	s25 =	simm.s32 $0x3;
	s6 =	simm.s32 $0x8;
	[dreg:$0xb] =	wrdreg s20  }
0x19: {  	[dreg:$0xc] =	wrdreg s22;
	s2 =	sadd.s32 s8, s2;
	s0 =	sadd.s32 $0x3200, s0  }
0x1a: {  	s18 =	simm.s32 $0x5000;
	s19 =	simm.s32 $0x1;
	s20 =	simm.s32 $0x18000  }
0x1b: {  	s22 =	simm.s32 $0x7800;
	s8 =	simm.s32 $0xC;
	[dreg:$0xd] =	wrdreg s2  }
0x1c: {  	s2 =	sadd.s32 s5, s24;
	[dreg:$0x10] =	wrdreg s0;
	s24 =	simm.s32 $0xA000  }
0x1d: {  	s0 =	simm.s32 $0x6;
	s5 =	simm.s32 $0xA;
	s2 =	sadd.s32 s7, s2  }
0x1e: {  	v0 =	vimm.f32 $0.0e+00;
	v1 =	vimm.f32 $1.000000000e+00;
	s7 =	simm.s32 $0xB;
	[dreg:$0xe] =	wrdreg s2;
	s2 =	simm.s32 $0x7  }
.LBB2_1:
0x1f: {  	s10 =	simm.s32 $0x0;
	s11 =	simm.s32 $0x200  }
.LBB2_2:
0x20: {  	p0 =	sne.s32 s11, $0x3E00;
	[tilespmem:s10+$0x70] =	vst v0  }
0x21: {  	[tilespmem:s10+$0x0] =	vst v0  }
0x22: {  	[tilespmem:s10+$0x10] =	vst v0  }
.Ltmp0:
0x23: {  	[tilespmem:s10+$0x20] =	vst v0;
	(pc) =	sbr.rel @p0 .LBB2_2-.Ltmp0, $4  }
0x24: {  	[tilespmem:s10+$0x30] =	vst v0  }
0x25: {  	[tilespmem:s10+$0x40] =	vst v0  }
0x26: {  	[tilespmem:s10+$0x50] =	vst v0  }
0x27: {  	[tilespmem:s10+$0x60] =	vst v0;
	s10 =	sshra.s32 s11, $0x2;
	s11 =	sadd.s32 $0x200, s11  }
0x28: {  	[tilespmem:s10+$0x70] =	vst v0  }
0x29: {  	[tilespmem:s10+$0x0] =	vst v0  }
0x2a: {  	[tilespmem:s10+$0x10] =	vst v0  }
0x2b: {  	[tilespmem:s10+$0x20] =	vst v0  }
0x2c: {  	[tilespmem:s10+$0x30] =	vst v0  }
0x2d: {  	[tilespmem:s10+$0x40] =	vst v0  }
0x2e: {  	[tilespmem:s10+$0x50] =	vst v0  }
0x2f: {  	[tilespmem:s10+$0x60] =	vst v0  }
0x30: {  	[tilespmem:$0x18000] =	vst v0  }
0x31: {  	[tilespmem:$0x18010] =	vst v0  }
0x32: {  	[tilespmem:$0x18020] =	vst v0  }
0x33: {  	[tilespmem:$0x18030] =	vst v0  }
0x34: {  	[tilespmem:$0x18040] =	vst v0  }
0x35: {  	[tilespmem:$0x18050] =	vst v0  }
0x36: {  	[tilespmem:$0x18060] =	vst v0  }
0x37: {  	[tilespmem:$0x18070] =	vst v0  }
0x38: {  	[tilespmem:$0x18080] =	vst v0  }
0x39: {  	[tilespmem:$0x18090] =	vst v0  }
0x3a: {  	[tilespmem:$0x180A0] =	vst v0  }
0x3b: {  	[tilespmem:$0x180B0] =	vst v0  }
0x3c: {  	[tilespmem:$0x180C0] =	vst v0  }
0x3d: {  	[tilespmem:$0x180D0] =	vst v0  }
0x3e: {  	[tilespmem:$0x180E0] =	vst v0  }
0x3f: {  	[tilespmem:$0x180F0] =	vst v0  }
0x40: {  	[tilespmem:$0x18100] =	vst v0  }
0x41: {  	[tilespmem:$0x18110] =	vst v0  }
0x42: {  	[tilespmem:$0x18120] =	vst v0  }
0x43: {  	[tilespmem:$0x18130] =	vst v0  }
0x44: {  	[tilespmem:$0x18140] =	vst v0  }
0x45: {  	[tilespmem:$0x18150] =	vst v0  }
0x46: {  	[tilespmem:$0x18160] =	vst v0  }
0x47: {  	[tilespmem:$0x18170] =	vst v0  }
0x48: {  	[tilespmem:$0x18180] =	vst v0  }
0x49: {  	[tilespmem:$0x18190] =	vst v0  }
0x4a: {  	[tilespmem:$0x181A0] =	vst v0  }
0x4b: {  	[tilespmem:$0x181B0] =	vst v0  }
0x4c: {  	[tilespmem:$0x181C0] =	vst v0  }
0x4d: {  	[tilespmem:$0x181D0] =	vst v0  }
0x4e: {  	[tilespmem:$0x181E0] =	vst v0  }
0x4f: {  	s14 =	simm.s32 $0x0;
	s4 =	rddreg [dreg:$0x6];
	[tilespmem:$0x181F0] =	vst v0  }
0x50: {  	[spmem:s4] =	stream.linear.scatter [tilespmem:s14], [sflag:$0x11], $0x1000, $0x38;
	[tilespmem:$0x19200] =	vst v63  }
0x51: {  	_ =	swait.ge [sflag:s15], $0x1000  }
0x52: {  	[sflag:s15] =	ssyncset.done $0x0  }
0x53: {  	s12 =	simm.s32 $0x14000;
	s11 =	rddreg [dreg:$0x7];
	[sflag:s15] =	ssyncadd.s32 $0xFFFFF000  }
0x54: {  	[tilespmem:s12], [sflag:$0x11] =	stream.linear.gather [hbm4b:s11+s14], $0x3E80, $0x38;
	[tilespmem:$0x19200] =	vst v63  }
0x55: {  	_ =	swait.ge [sflag:s15], $0x3E80  }
0x56: {  	[sflag:s15] =	ssyncset.done $0x0  }
0x57: {  	s10 =	rddreg [dreg:$0x8];
	[sflag:s15] =	ssyncadd.s32 $0xFFFFC180  }
0x58: {  	[tilespmem:s14], [sflag:$0x1] =	stream.linear.gather [hbm4b:s10+s14], $0x2800, $0x38;
	[tilespmem:$0x19200] =	vst v63  }
0x59: {  	s11 =	rddreg [dreg:$0x9]  }
0x5a: {  	[tilespmem:s17], [sflag:$0x2] =	stream.linear.gather [hbm4b:s11+s14], $0x2800, $0x38;
	[tilespmem:$0x19200] =	vst v63  }
0x5b: {  	s12 =	rddreg [dreg:$0xa]  }
0x5c: {  	[tilespmem:s18], [sflag:$0x3] =	stream.linear.gather [hbm4b:s12+s14], $0x2800, $0x38;
	[tilespmem:$0x19200] =	vst v63  }
0x5d: {  	[bflag:$0x0] =	sbarrier.arrive $0xFFFF  }
0x5e: {  	s10 =	simm.s32 $0x3;
	s11 =	rddreg [dreg:$0x10]  }
.LBB2_4:
0x5f: {  	_ =	swait.ge [sflag:s19], $0x2800  }
0x60: {  	[sflag:s19] =	ssyncset.done $0x0  }
0x61: {  	s12 =	sshra.s32 s14, $0x2;
	[sflag:s19] =	ssyncadd.s32 $0xFFFFD800  }
0x62: {  	v2 =	vld [tilespmem:s12+$0x14000];
	_ =	sdelay $0x7  }
0x63: {  	[tilespmem:v2+s20+$0x0] =	vst.idx.add.f32.msk $0xffff, v1  }
0x64: {  	v2 =	vld [tilespmem:s12+$0x14010];
	_ =	sdelay $0x7  }
0x65: {  	[tilespmem:v2+s20+$0x0] =	vst.idx.add.f32.msk $0xffff, v1  }
0x66: {  	v2 =	vld [tilespmem:s12+$0x14020];
	_ =	sdelay $0x7  }
0x67: {  	[tilespmem:v2+s20+$0x0] =	vst.idx.add.f32.msk $0xffff, v1  }
0x68: {  	v2 =	vld [tilespmem:s12+$0x14030];
	_ =	sdelay $0x7  }
0x69: {  	[tilespmem:v2+s20+$0x0] =	vst.idx.add.f32.msk $0xffff, v1  }
0x6a: {  	v2 =	vld [tilespmem:s12+$0x14040];
	_ =	sdelay $0x7  }
0x6b: {  	p0 =	seq.s32 s14, $0x0;
	s4 =	sadd.s32 $0x14000, s12;
	[tilespmem:v2+s20+$0x0] =	vst.idx.add.f32.msk $0xffff, v1  }
0x6c: {  	[spmem:s1] =	stream.indirect.scatter.add.f32 [tilespmem:s3], [sflag:$0x9], $0x80, s4, s21, $0xb8;
	[tilespmem:$0x19200] =	vst v63  }
0x6d: {  	s4 =	simm.s32 @!p0 $0xC  }
0x6e: {  	_ =	swait.ge @!p0 [sflag:s4], $0x2800  }
0x6f: {  	[sflag:s4] =	ssyncset.done @!p0 $0x0  }
0x70: {  	[sflag:s4] =	ssyncadd.s32 @!p0 $0xFFFFD800;
	s4 =	sadd.s32 $0xFFFFDD00, s11  }
0x71: {  	[tilespmem:s22], [sflag:$0x4] =	stream.linear.gather [hbm4b:s4+s3], $0x2800, $0x38;
	[tilespmem:$0x19200] =	vst v63  }
0x72: {  	_ =	swait.ge [sflag:s23], $0x2800  }
0x73: {  	[sflag:s23] =	ssyncset.done $0x0  }
0x74: {  	[sflag:s23] =	ssyncadd.s32 $0xFFFFD800  }
0x75: {  	v2 =	vld [tilespmem:s12+$0x14080];
	_ =	sdelay $0x7  }
0x76: {  	[tilespmem:v2+s20+$0x0] =	vst.idx.add.f32.msk $0xffff, v1  }
0x77: {  	v2 =	vld [tilespmem:s12+$0x14090];
	_ =	sdelay $0x7  }
0x78: {  	[tilespmem:v2+s20+$0x0] =	vst.idx.add.f32.msk $0xffff, v1  }
0x79: {  	v2 =	vld [tilespmem:s12+$0x140A0];
	_ =	sdelay $0x7  }
0x7a: {  	[tilespmem:v2+s20+$0x0] =	vst.idx.add.f32.msk $0xffff, v1  }
0x7b: {  	v2 =	vld [tilespmem:s12+$0x140B0];
	_ =	sdelay $0x7  }
0x7c: {  	[tilespmem:v2+s20+$0x0] =	vst.idx.add.f32.msk $0xffff, v1  }
0x7d: {  	v2 =	vld [tilespmem:s12+$0x140C0];
	_ =	sdelay $0x7  }
0x7e: {  	s4 =	sadd.s32 $0x14080, s12;
	[tilespmem:v2+s20+$0x0] =	vst.idx.add.f32.msk $0xffff, v1  }
0x7f: {  	[spmem:s1] =	stream.indirect.scatter.add.f32 [tilespmem:s17], [sflag:$0xA], $0x80, s4, s21, $0xb8;
	[tilespmem:$0x19200] =	vst v63  }
0x80: {  	s4 =	simm.s32 @!p0 $0xD  }
0x81: {  	_ =	swait.ge @!p0 [sflag:s4], $0x2800  }
0x82: {  	[sflag:s4] =	ssyncset.done @!p0 $0x0  }
0x83: {  	[sflag:s4] =	ssyncadd.s32 @!p0 $0xFFFFD800;
	s4 =	sadd.s32 $0xFFFFE200, s11  }
0x84: {  	[tilespmem:s24], [sflag:$0x5] =	stream.linear.gather [hbm4b:s4+s3], $0x2800, $0x38;
	[tilespmem:$0x19200] =	vst v63  }
0x85: {  	_ =	swait.ge [sflag:s25], $0x2800  }
0x86: {  	[sflag:s25] =	ssyncset.done $0x0  }
0x87: {  	[sflag:s25] =	ssyncadd.s32 $0xFFFFD800  }
0x88: {  	v2 =	vld [tilespmem:s12+$0x14100];
	_ =	sdelay $0x7  }
0x89: {  	[tilespmem:v2+s20+$0x0] =	vst.idx.add.f32.msk $0xffff, v1  }
0x8a: {  	v2 =	vld [tilespmem:s12+$0x14110];
	_ =	sdelay $0x7  }
0x8b: {  	[tilespmem:v2+s20+$0x0] =	vst.idx.add.f32.msk $0xffff, v1  }
0x8c: {  	v2 =	vld [tilespmem:s12+$0x14120];
	_ =	sdelay $0x7  }
0x8d: {  	[tilespmem:v2+s20+$0x0] =	vst.idx.add.f32.msk $0xffff, v1  }
0x8e: {  	v2 =	vld [tilespmem:s12+$0x14130];
	_ =	sdelay $0x7  }
0x8f: {  	[tilespmem:v2+s20+$0x0] =	vst.idx.add.f32.msk $0xffff, v1  }
0x90: {  	v2 =	vld [tilespmem:s12+$0x14140];
	_ =	sdelay $0x7  }
0x91: {  	s4 =	sadd.s32 $0x14100, s12;
	[tilespmem:v2+s20+$0x0] =	vst.idx.add.f32.msk $0xffff, v1  }
0x92: {  	[spmem:s1] =	stream.indirect.scatter.add.f32 [tilespmem:s18], [sflag:$0xB], $0x80, s4, s21, $0xb8;
	[tilespmem:$0x19200] =	vst v63  }
0x93: {  	s4 =	simm.s32 @!p0 $0xE  }
0x94: {  	_ =	swait.ge @!p0 [sflag:s4], $0x2800  }
0x95: {  	[sflag:s4] =	ssyncset.done @!p0 $0x0  }
0x96: {  	[sflag:s4] =	ssyncadd.s32 @!p0 $0xFFFFD800;
	s4 =	sadd.s32 $0xFFFFE700, s11  }
0x97: {  	[tilespmem:s26], [sflag:$0x6] =	stream.linear.gather [hbm4b:s4+s3], $0x2800, $0x38;
	[tilespmem:$0x19200] =	vst v63  }
0x98: {  	_ =	swait.ge [sflag:s28], $0x2800  }
0x99: {  	[sflag:s28] =	ssyncset.done $0x0  }
0x9a: {  	[sflag:s28] =	ssyncadd.s32 $0xFFFFD800  }
0x9b: {  	v2 =	vld [tilespmem:s12+$0x14180];
	_ =	sdelay $0x7  }
0x9c: {  	[tilespmem:v2+s20+$0x0] =	vst.idx.add.f32.msk $0xffff, v1  }
0x9d: {  	v2 =	vld [tilespmem:s12+$0x14190];
	_ =	sdelay $0x7  }
0x9e: {  	[tilespmem:v2+s20+$0x0] =	vst.idx.add.f32.msk $0xffff, v1  }
0x9f: {  	v2 =	vld [tilespmem:s12+$0x141A0];
	_ =	sdelay $0x7  }
0xa0: {  	[tilespmem:v2+s20+$0x0] =	vst.idx.add.f32.msk $0xffff, v1  }
0xa1: {  	v2 =	vld [tilespmem:s12+$0x141B0];
	_ =	sdelay $0x7  }
0xa2: {  	[tilespmem:v2+s20+$0x0] =	vst.idx.add.f32.msk $0xffff, v1  }
0xa3: {  	v2 =	vld [tilespmem:s12+$0x141C0];
	_ =	sdelay $0x7  }
0xa4: {  	p1 =	slt.u32 s10, $0x5;
	s4 =	sadd.s32 $0x14180, s12;
	[tilespmem:v2+s20+$0x0] =	vst.idx.add.f32.msk $0xffff, v1  }
0xa5: {  	[spmem:s1] =	stream.indirect.scatter.add.f32 [tilespmem:s22], [sflag:$0xC], $0x80, s4, s21, $0xb8;
	[tilespmem:$0x19200] =	vst v63  }
0xa6: {  	s4 =	simm.s32 @!p1 $0xF  }
0xa7: {  	_ =	swait.ge @!p1 [sflag:s4], $0x2800  }
0xa8: {  	[sflag:s4] =	ssyncset.done @!p1 $0x0  }
0xa9: {  	[sflag:s4] =	ssyncadd.s32 @!p1 $0xFFFFD800;
	s4 =	sadd.s32 $0xFFFFEC00, s11  }
0xaa: {  	[tilespmem:s29], [sflag:$0x7] =	stream.linear.gather [hbm4b:s4+s3], $0x2800, $0x38;
	[tilespmem:$0x19200] =	vst v63  }
0xab: {  	_ =	swait.ge [sflag:s30], $0x2800  }
0xac: {  	[sflag:s30] =	ssyncset.done $0x0  }
0xad: {  	[sflag:s30] =	ssyncadd.s32 $0xFFFFD800  }
0xae: {  	v2 =	vld [tilespmem:s12+$0x14200];
	_ =	sdelay $0x7  }
0xaf: {  	[tilespmem:v2+s20+$0x0] =	vst.idx.add.f32.msk $0xffff, v1  }
0xb0: {  	v2 =	vld [tilespmem:s12+$0x14210];
	_ =	sdelay $0x7  }
0xb1: {  	[tilespmem:v2+s20+$0x0] =	vst.idx.add.f32.msk $0xffff, v1  }
0xb2: {  	v2 =	vld [tilespmem:s12+$0x14220];
	_ =	sdelay $0x7  }
0xb3: {  	[tilespmem:v2+s20+$0x0] =	vst.idx.add.f32.msk $0xffff, v1  }
0xb4: {  	v2 =	vld [tilespmem:s12+$0x14230];
	_ =	sdelay $0x7  }
0xb5: {  	[tilespmem:v2+s20+$0x0] =	vst.idx.add.f32.msk $0xffff, v1  }
0xb6: {  	v2 =	vld [tilespmem:s12+$0x14240];
	_ =	sdelay $0x7  }
0xb7: {  	s4 =	sadd.s32 $0x14200, s12;
	[tilespmem:v2+s20+$0x0] =	vst.idx.add.f32.msk $0xffff, v1  }
0xb8: {  	[spmem:s1] =	stream.indirect.scatter.add.f32 [tilespmem:s24], [sflag:$0xD], $0x80, s4, s21, $0xb8;
	[tilespmem:$0x19200] =	vst v63  }
0xb9: {  	s4 =	simm.s32 @!p0 $0x10  }
0xba: {  	_ =	swait.ge @!p0 [sflag:s4], $0x2800  }
0xbb: {  	[sflag:s4] =	ssyncset.done @!p0 $0x0  }
0xbc: {  	[sflag:s4] =	ssyncadd.s32 @!p0 $0xFFFFD800;
	s4 =	sadd.s32 $0xFFFFF100, s11  }
0xbd: {  	[tilespmem:s31], [sflag:$0x8] =	stream.linear.gather [hbm4b:s4+s3], $0x2800, $0x38;
	[tilespmem:$0x19200] =	vst v63  }
0xbe: {  	_ =	swait.ge [sflag:s0], $0x2800  }
0xbf: {  	[sflag:s0] =	ssyncset.done $0x0  }
0xc0: {  	[sflag:s0] =	ssyncadd.s32 $0xFFFFD800  }
0xc1: {  	v2 =	vld [tilespmem:s12+$0x14280];
	_ =	sdelay $0x7  }
0xc2: {  	[tilespmem:v2+s20+$0x0] =	vst.idx.add.f32.msk $0xffff, v1  }
0xc3: {  	v2 =	vld [tilespmem:s12+$0x14290];
	_ =	sdelay $0x7  }
0xc4: {  	[tilespmem:v2+s20+$0x0] =	vst.idx.add.f32.msk $0xffff, v1  }
0xc5: {  	v2 =	vld [tilespmem:s12+$0x142A0];
	_ =	sdelay $0x7  }
0xc6: {  	[tilespmem:v2+s20+$0x0] =	vst.idx.add.f32.msk $0xffff, v1  }
0xc7: {  	v2 =	vld [tilespmem:s12+$0x142B0];
	_ =	sdelay $0x7  }
0xc8: {  	[tilespmem:v2+s20+$0x0] =	vst.idx.add.f32.msk $0xffff, v1  }
0xc9: {  	v2 =	vld [tilespmem:s12+$0x142C0];
	_ =	sdelay $0x7  }
0xca: {  	s4 =	sadd.s32 $0x14280, s12;
	[tilespmem:v2+s20+$0x0] =	vst.idx.add.f32.msk $0xffff, v1  }
0xcb: {  	[spmem:s1] =	stream.indirect.scatter.add.f32 [tilespmem:s26], [sflag:$0xE], $0x80, s4, s21, $0xb8;
	[tilespmem:$0x19200] =	vst v63  }
0xcc: {  	_ =	swait.ge [sflag:s16], $0x2800  }
0xcd: {  	[sflag:s16] =	ssyncset.done $0x0  }
0xce: {  	s4 =	sadd.s32 $0xFFFFF600, s11;
	[sflag:s16] =	ssyncadd.s32 $0xFFFFD800  }
0xcf: {  	[tilespmem:s3], [sflag:$0x1] =	stream.linear.gather [hbm4b:s4+s3], $0x2800, $0x38;
	[tilespmem:$0x19200] =	vst v63  }
0xd0: {  	_ =	swait.ge [sflag:s2], $0x2800  }
0xd1: {  	[sflag:s2] =	ssyncset.done $0x0  }
0xd2: {  	[sflag:s2] =	ssyncadd.s32 $0xFFFFD800  }
0xd3: {  	v2 =	vld [tilespmem:s12+$0x14300];
	_ =	sdelay $0x7  }
0xd4: {  	[tilespmem:v2+s20+$0x0] =	vst.idx.add.f32.msk $0xffff, v1  }
0xd5: {  	v2 =	vld [tilespmem:s12+$0x14310];
	_ =	sdelay $0x7  }
0xd6: {  	[tilespmem:v2+s20+$0x0] =	vst.idx.add.f32.msk $0xffff, v1  }
0xd7: {  	v2 =	vld [tilespmem:s12+$0x14320];
	_ =	sdelay $0x7  }
0xd8: {  	[tilespmem:v2+s20+$0x0] =	vst.idx.add.f32.msk $0xffff, v1  }
0xd9: {  	v2 =	vld [tilespmem:s12+$0x14330];
	_ =	sdelay $0x7  }
0xda: {  	[tilespmem:v2+s20+$0x0] =	vst.idx.add.f32.msk $0xffff, v1  }
0xdb: {  	v2 =	vld [tilespmem:s12+$0x14340];
	_ =	sdelay $0x7  }
0xdc: {  	s4 =	sadd.s32 $0x14300, s12;
	[tilespmem:v2+s20+$0x0] =	vst.idx.add.f32.msk $0xffff, v1  }
0xdd: {  	[spmem:s1] =	stream.indirect.scatter.add.f32 [tilespmem:s29], [sflag:$0xF], $0x80, s4, s21, $0xb8;
	[tilespmem:$0x19200] =	vst v63  }
0xde: {  	_ =	swait.ge [sflag:s5], $0x2800  }
0xdf: {  	[sflag:s5] =	ssyncset.done $0x0  }
0xe0: {  	s4 =	sadd.s32 $0xFFFFFB00, s11;
	[sflag:s5] =	ssyncadd.s32 $0xFFFFD800  }
0xe1: {  	[tilespmem:s17], [sflag:$0x2] =	stream.linear.gather [hbm4b:s4+s3], $0x2800, $0x38;
	[tilespmem:$0x19200] =	vst v63  }
0xe2: {  	_ =	swait.ge [sflag:s6], $0x2800  }
0xe3: {  	[sflag:s6] =	ssyncset.done $0x0  }
0xe4: {  	[sflag:s6] =	ssyncadd.s32 $0xFFFFD800  }
0xe5: {  	v2 =	vld [tilespmem:s12+$0x14380];
	_ =	sdelay $0x7  }
0xe6: {  	[tilespmem:v2+s20+$0x0] =	vst.idx.add.f32.msk $0xffff, v1  }
0xe7: {  	v2 =	vld [tilespmem:s12+$0x14390];
	_ =	sdelay $0x7  }
0xe8: {  	[tilespmem:v2+s20+$0x0] =	vst.idx.add.f32.msk $0xffff, v1  }
0xe9: {  	v2 =	vld [tilespmem:s12+$0x143A0];
	_ =	sdelay $0x7  }
0xea: {  	[tilespmem:v2+s20+$0x0] =	vst.idx.add.f32.msk $0xffff, v1  }
0xeb: {  	v2 =	vld [tilespmem:s12+$0x143B0];
	_ =	sdelay $0x7  }
0xec: {  	[tilespmem:v2+s20+$0x0] =	vst.idx.add.f32.msk $0xffff, v1  }
0xed: {  	v2 =	vld [tilespmem:s12+$0x143C0];
	_ =	sdelay $0x6  }
0xee: {  	s14 =	sadd.s32 $0x1000, s14  }
0xef: {  	p0 =	sne.s32 s14, $0xF000;
	s12 =	sadd.s32 $0x14380, s12;
	[tilespmem:v2+s20+$0x0] =	vst.idx.add.f32.msk $0xffff, v1  }
0xf0: {  	[spmem:s1] =	stream.indirect.scatter.add.f32 [tilespmem:s31], [sflag:$0x10], $0x80, s12, s21, $0xb8;
	[tilespmem:$0x19200] =	vst v63  }
.Ltmp1:
0xf1: {  	_ =	swait.ge [sflag:s7], $0x2800;
	(pc) =	sbr.rel @p0 .LBB2_4-.Ltmp1, $4  }
0xf2: {  	[sflag:s7] =	ssyncset.done $0x0  }
0xf3: {  	[sflag:s7] =	ssyncadd.s32 $0xFFFFD800  }
0xf4: {  	[tilespmem:s18], [sflag:$0x3] =	stream.linear.gather [hbm4b:s11+s3], $0x2800, $0x38;
	[tilespmem:$0x19200] =	vst v63  }
0xf5: {  	s10 =	sadd.s32 $0x8, s10;
	s11 =	sadd.s32 $0x2800, s11  }
0xf6: {  	_ =	swait.ge [sflag:s19], $0x2800  }
0xf7: {  	[sflag:s19] =	ssyncset.done $0x0  }
0xf8: {  	[sflag:s19] =	ssyncadd.s32 $0xFFFFD800  }
0xf9: {  	v2 =	vld [tilespmem:$0x17C00];
	_ =	sdelay $0x7  }
0xfa: {  	[tilespmem:v2+s20+$0x0] =	vst.idx.add.f32.msk $0xffff, v1  }
0xfb: {  	v2 =	vld [tilespmem:$0x17C10];
	_ =	sdelay $0x7  }
0xfc: {  	[tilespmem:v2+s20+$0x0] =	vst.idx.add.f32.msk $0xffff, v1  }
0xfd: {  	v2 =	vld [tilespmem:$0x17C20];
	_ =	sdelay $0x7  }
0xfe: {  	[tilespmem:v2+s20+$0x0] =	vst.idx.add.f32.msk $0xffff, v1  }
0xff: {  	v2 =	vld [tilespmem:$0x17C30];
	_ =	sdelay $0x7  }
0x100: {  	[tilespmem:v2+s20+$0x0] =	vst.idx.add.f32.msk $0xffff, v1  }
0x101: {  	v2 =	vld [tilespmem:$0x17C40];
	_ =	sdelay $0x7  }
0x102: {  	s4 =	simm.s32 $0x17C00;
	[tilespmem:v2+s20+$0x0] =	vst.idx.add.f32.msk $0xffff, v1  }
0x103: {  	[spmem:s1] =	stream.indirect.scatter.add.f32 [tilespmem:s3], [sflag:$0x9], $0x80, s4, s21, $0xb8;
	[tilespmem:$0x19200] =	vst v63  }
0x104: {  	_ =	swait.ge [sflag:s8], $0x2800  }
0x105: {  	[sflag:s8] =	ssyncset.done $0x0  }
0x106: {  	s12 =	rddreg [dreg:$0xb];
	[sflag:s8] =	ssyncadd.s32 $0xFFFFD800  }
0x107: {  	[tilespmem:s22], [sflag:$0x4] =	stream.linear.gather [hbm4b:s12+s3], $0x2800, $0x38;
	[tilespmem:$0x19200] =	vst v63  }
0x108: {  	_ =	swait.ge [sflag:s23], $0x2800  }
0x109: {  	[sflag:s23] =	ssyncset.done $0x0  }
0x10a: {  	[sflag:s23] =	ssyncadd.s32 $0xFFFFD800  }
0x10b: {  	v2 =	vld [tilespmem:$0x17C80];
	_ =	sdelay $0x7  }
0x10c: {  	[tilespmem:v2+s20+$0x0] =	vst.idx.add.f32.msk $0xffff, v1  }
0x10d: {  	v2 =	vld [tilespmem:$0x17C90];
	_ =	sdelay $0x7  }
0x10e: {  	[tilespmem:v2+s20+$0x0] =	vst.idx.add.f32.msk $0xffff, v1  }
0x10f: {  	v2 =	vld [tilespmem:$0x17CA0];
	_ =	sdelay $0x7  }
0x110: {  	[tilespmem:v2+s20+$0x0] =	vst.idx.add.f32.msk $0xffff, v1  }
0x111: {  	v2 =	vld [tilespmem:$0x17CB0];
	_ =	sdelay $0x7  }
0x112: {  	[tilespmem:v2+s20+$0x0] =	vst.idx.add.f32.msk $0xffff, v1  }
0x113: {  	v2 =	vld [tilespmem:$0x17CC0];
	_ =	sdelay $0x7  }
0x114: {  	s14 =	simm.s32 $0x17C80;
	[tilespmem:v2+s20+$0x0] =	vst.idx.add.f32.msk $0xffff, v1  }
0x115: {  	[spmem:s1] =	stream.indirect.scatter.add.f32 [tilespmem:s17], [sflag:$0xA], $0x80, s14, s21, $0xb8;
	[tilespmem:$0x19200] =	vst v63  }
0x116: {  	_ =	swait.ge [sflag:s9], $0x2800  }
0x117: {  	[sflag:s9] =	ssyncset.done $0x0  }
0x118: {  	s10 =	rddreg [dreg:$0xc];
	[sflag:s9] =	ssyncadd.s32 $0xFFFFD800  }
0x119: {  	[tilespmem:s24], [sflag:$0x5] =	stream.linear.gather [hbm4b:s10+s3], $0x2800, $0x38;
	[tilespmem:$0x19200] =	vst v63  }
0x11a: {  	_ =	swait.ge [sflag:s25], $0x2800  }
0x11b: {  	[sflag:s25] =	ssyncset.done $0x0  }
0x11c: {  	[sflag:s25] =	ssyncadd.s32 $0xFFFFD800  }
0x11d: {  	v2 =	vld [tilespmem:$0x17D00];
	_ =	sdelay $0x7  }
0x11e: {  	[tilespmem:v2+s20+$0x0] =	vst.idx.add.f32.msk $0xffff, v1  }
0x11f: {  	v2 =	vld [tilespmem:$0x17D10];
	_ =	sdelay $0x7  }
0x120: {  	[tilespmem:v2+s20+$0x0] =	vst.idx.add.f32.msk $0xffff, v1  }
0x121: {  	v2 =	vld [tilespmem:$0x17D20];
	_ =	sdelay $0x7  }
0x122: {  	[tilespmem:v2+s20+$0x0] =	vst.idx.add.f32.msk $0xffff, v1  }
0x123: {  	v2 =	vld [tilespmem:$0x17D30];
	_ =	sdelay $0x7  }
0x124: {  	[tilespmem:v2+s20+$0x0] =	vst.idx.add.f32.msk $0xffff, v1  }
0x125: {  	v2 =	vld [tilespmem:$0x17D40];
	_ =	sdelay $0x7  }
0x126: {  	s11 =	simm.s32 $0x17D00;
	[tilespmem:v2+s20+$0x0] =	vst.idx.add.f32.msk $0xffff, v1  }
0x127: {  	[spmem:s1] =	stream.indirect.scatter.add.f32 [tilespmem:s18], [sflag:$0xB], $0x80, s11, s21, $0xb8;
	[tilespmem:$0x19200] =	vst v63  }
0x128: {  	_ =	swait.ge [sflag:s28], $0x2800  }
0x129: {  	[sflag:s28] =	ssyncset.done $0x0  }
0x12a: {  	[sflag:s28] =	ssyncadd.s32 $0xFFFFD800  }
0x12b: {  	v2 =	vld [tilespmem:$0x17D80];
	_ =	sdelay $0x7  }
0x12c: {  	[tilespmem:v2+s20+$0x0] =	vst.idx.add.f32.msk $0xffff, v1  }
0x12d: {  	v2 =	vld [tilespmem:$0x17D90];
	_ =	sdelay $0x7  }
0x12e: {  	[tilespmem:v2+s20+$0x0] =	vst.idx.add.f32.msk $0xffff, v1  }
0x12f: {  	v2 =	vld [tilespmem:$0x17DA0];
	_ =	sdelay $0x7  }
0x130: {  	[tilespmem:v2+s20+$0x0] =	vst.idx.add.f32.msk $0xffff, v1  }
0x131: {  	v2 =	vld [tilespmem:$0x17DB0];
	_ =	sdelay $0x7  }
0x132: {  	[tilespmem:v2+s20+$0x0] =	vst.idx.add.f32.msk $0xffff, v1  }
0x133: {  	v2 =	vld [tilespmem:$0x17DC0];
	_ =	sdelay $0x7  }
0x134: {  	s12 =	simm.s32 $0x17D80;
	[tilespmem:v2+s20+$0x0] =	vst.idx.add.f32.msk $0xffff, v1  }
0x135: {  	[spmem:s1] =	stream.indirect.scatter.add.f32 [tilespmem:s22], [sflag:$0xC], $0x80, s12, s21, $0xb8;
	[tilespmem:$0x19200] =	vst v63  }
0x136: {  	_ =	swait.ge [sflag:s30], $0x2800  }
0x137: {  	[sflag:s30] =	ssyncset.done $0x0  }
0x138: {  	[sflag:s30] =	ssyncadd.s32 $0xFFFFD800  }
0x139: {  	v2 =	vld [tilespmem:$0x17E00];
	_ =	sdelay $0x7  }
0x13a: {  	[tilespmem:v2+s20+$0x0] =	vst.idx.add.f32.msk $0xffff, v1  }
0x13b: {  	v2 =	vld [tilespmem:$0x17E10];
	_ =	sdelay $0x7  }
0x13c: {  	[tilespmem:v2+s20+$0x0] =	vst.idx.add.f32.msk $0xffff, v1  }
0x13d: {  	v2 =	vld [tilespmem:$0x17E20];
	_ =	sdelay $0x7  }
0x13e: {  	[tilespmem:v2+s20+$0x0] =	vst.idx.add.f32.msk $0xffff, v1  }
0x13f: {  	v2 =	vld [tilespmem:$0x17E30];
	_ =	sdelay $0x7  }
0x140: {  	[tilespmem:v2+s20+$0x0] =	vst.idx.add.f32.msk $0xffff, v1  }
0x141: {  	v2 =	vld [tilespmem:$0x17E40];
	_ =	sdelay $0x7  }
0x142: {  	s14 =	simm.s32 $0x17E00;
	[tilespmem:v2+s20+$0x0] =	vst.idx.add.f32.msk $0xffff, v1  }
0x143: {  	[spmem:s1] =	stream.indirect.scatter.add.f32 [tilespmem:s24], [sflag:$0xD], $0x80, s14, s21, $0xb8;
	[tilespmem:$0x19200] =	vst v63  }
0x144: {  	_ =	swait.ge [sflag:s16], $0x2800  }
0x145: {  	[sflag:s16] =	ssyncset.done $0x0  }
0x146: {  	[sflag:s16] =	ssyncadd.s32 $0xFFFFD800  }
0x147: {  	_ =	swait.ge [sflag:s5], $0x2800  }
0x148: {  	[sflag:s5] =	ssyncset.done $0x0  }
0x149: {  	[sflag:s5] =	ssyncadd.s32 $0xFFFFD800  }
0x14a: {  	_ =	swait.ge [sflag:s7], $0x2800  }
0x14b: {  	[sflag:s7] =	ssyncset.done $0x0  }
0x14c: {  	[sflag:s7] =	ssyncadd.s32 $0xFFFFD800  }
0x14d: {  	_ =	swait.ge [sflag:s8], $0x2800  }
0x14e: {  	[sflag:s8] =	ssyncset.done $0x0  }
0x14f: {  	[sflag:s8] =	ssyncadd.s32 $0xFFFFD800  }
0x150: {  	_ =	swait.ge [sflag:s9], $0x2800  }
0x151: {  	[sflag:s9] =	ssyncset.done $0x0  }
0x152: {  	s10 =	simm.s32 $0xE;
	[sflag:s9] =	ssyncadd.s32 $0xFFFFD800  }
0x153: {  	_ =	swait.ge [sflag:s10], $0x2800  }
0x154: {  	[sflag:s10] =	ssyncset.done $0x0  }
0x155: {  	s11 =	simm.s32 $0xF;
	[sflag:s10] =	ssyncadd.s32 $0xFFFFD800  }
0x156: {  	_ =	swait.ge [sflag:s11], $0x2800  }
0x157: {  	[sflag:s11] =	ssyncset.done $0x0  }
0x158: {  	s12 =	simm.s32 $0x10;
	[sflag:s11] =	ssyncadd.s32 $0xFFFFD800  }
0x159: {  	_ =	swait.ge [sflag:s12], $0x2800  }
0x15a: {  	s10 =	simm.s32 $0x80;
	[sflag:s12] =	ssyncset.done $0x0  }
0x15b: {  	s11 =	simm.s32 $0x400;
	s14 =	rddreg [dreg:$0xd];
	[sflag:s12] =	ssyncadd.s32 $0xFFFFD800  }
0x15c: {  	[hbm4b:s14+s10] =	stream.strided.scatter [tilespmem:s20], [sflag:$0x11], $0x200, s11, s10, $0x38;
	[tilespmem:$0x19200] =	vst v63  }
0x15d: {  	_ =	swait.ge [sflag:s15], $0x200  }
0x15e: {  	[sflag:s15] =	ssyncset.done $0x0  }
0x15f: {  	[sflag:s15] =	ssyncadd.s32 $0xFFFFFE00  }
0x160: {  	s10 =	stileid.u32;
	[bflag:$0x0] =	sbarrier.arrive $0xFFFF  }
0x161: {  	s4 =	sshll.u32 s10, $0x6;
	s11 =	rddreg [dreg:$0x6]  }
0x162: {  	s4 =	sor.u32 $0x1C11, s4;
	s12 =	rddreg [dreg:$0xe];
	s10 =	sshrl.u32 s11, $0x3  }
0x163: {  	[hbm:s12], [sflag:s4] =	dma.local [spmem:s10], $0x200  }
0x164: {  	_ =	swait.ge [sflag:s15], $0x200  }
0x165: {  	s13 =	sadd.s32 $0x1, s13;
	s14 =	rddreg [dreg:$0xf]  }
0x166: {  	p0 =	sne.s32 s13, s14  }
.Ltmp2:
0x167: {  	_ = 	snop;
	(pc) =	sbr.rel @p0 .LBB2_1-.Ltmp2, $3  }
0x168: {  	_ =	sdelay $0x1  }
0x169: {  	[sflag:s15] =	ssyncset.done $0x0  }
0x16a: {  	[sflag:s15] =	ssyncadd.s32 $0xFFFFFE00  }
0x16b: {  	_ =	sfence.sel $0x180000  }
0x16c: {  	[bflag:$0x0] =	sbarrier.arrive $0xFFFF  }
0x16d: {  	_ =	strace $0x90000047  }
0x16e: {  	s0 =	stileid.u32;
	[bflag:$0x2] =	sbarrier.arrive $0xFFFF  }
0x16f: {  	p0 =	sne.s32 s0, $0x0;
	s0 =	rddreg [dreg:$0x5]  }
0x170: {  	s0 =	sadd.s32 @!p0 $0x100000, s0  }
0x171: {  	[sflag:s0] =	ssyncadd.tile.s32 @!p0 $0x1;
	_ =	shalt  }
.Lfunc_end2:
_tile_overlayer_lowered:
.L_overlay_start_2:
0x172: {  	(tag) =	ssettag $0x2  }
0x173: {  	s0 =	rddreg [dreg:$0x0];
	s2 =	stileid.u32  }
0x174: {  	s1 =	rddreg [dreg:$0x1];
	p0 =	sne.s32 s2, $0x0  }
0x175: {  	s3 =	rddreg [dreg:$0x2];
	[bflag:$0x3] =	sbarrier.arrive $0xFFFF;
	s2 =	simm.s32 @!p0 $0x1C11  }
0x176: {  	[timem:s3], [sflag:s2] =	dma.local @!p0 [hbm:s0], s1  }
0x177: {  	s0 =	simm.s32 @!p0 $0x11  }
0x178: {  	_ =	swait.ge @!p0 [sflag:s0], s1  }
0x179: {  	s1 =	ssub.s32 @!p0 $0x0, s1;
	[sflag:s0] =	ssyncset.done @!p0 $0x0  }
0x17a: {  	[sflag:s0] =	ssyncadd.s32 @!p0 s1  }
0x17b: {  	[bflag:$0x3] =	sbarrier.arrive $0xFFFF  }
0x17c: {  	_ =	shalt  }

</sc_bundles>
